<compile_context>
chip_gen: v7x
topology: tpu7x:2x2x1
jax: 0.10.2.dev20260603
libtpu: 0.0.44.dev20260713+nightly
codegen_flags: <defaults>
</compile_context>

<pallas_src>
import jax
import jax.numpy as jnp
import numpy as np
from jax import lax
from jax.experimental import pallas as pl
from jax.experimental.pallas import tpu as pltpu
from jax.experimental.pallas import tpu_sc as plsc

TOPK = 64
VOCAB = 1_000_000
CHUNK = 16_384
NCHUNK = 61
BLK = 2_048
BPC = CHUNK // BLK
NBLK_FULL = 488
TAIL_OFF = NBLK_FULL * BLK
TAIL_VREGS = 36
TAIL_W = 640
NBLK = NBLK_FULL + 1
NBLK_PAD = 512
NLM = NBLK * 16
NLM_PAD = 8_192
VPB = BLK // 16
CAP = 2_048
NROW = 32
OUTW = 128

NEG_INF = np.float32(-np.inf)
IMAX = np.int32(2**31 - 1)


def _fold_key(m):
  return lax.bitwise_xor(
      m, lax.bitwise_and(lax.shift_right_arithmetic(m, 31),
                         np.int32(0x7FFFFFFF)))


def _row_body(lp_hbm, tail_hbm, g_hbm, outs_hbm, outi_hbm,
              buf0, buf1, bbuf, bbuf2, tbuf, bmax, bblk, bkey, qlist,
              cand_v, cand_i,
              topv, topi, gbuf, ovec, oivec, cc_ref, sem0, sem1):
  r = lax.axis_index("c") * 16 + lax.axis_index("s")
  iota = lax.broadcasted_iota(jnp.int32, (16,), 0)
  ninf_v = jnp.full((16,), NEG_INF, jnp.float32)
  lane0 = iota == 0

  bufs = (buf0, buf1)
  sems = (sem0, sem1)

  def chunk_copy(c, b):
    return pltpu.make_async_copy(
        lp_hbm.at[pl.ds(2 * r, 2), pl.ds(c * CHUNK, CHUNK)],
        bufs[b], sems[b])

  chunk_copy(0, 0).start()
  chunk_copy(1, 1).start()

  def fill_body(i, _):
    cand_v[pl.ds(i * 16, 16)] = ninf_v
    cand_i[pl.ds(i * 16, 16)] = jnp.full((16,), IMAX, jnp.int32)
    return 0
  lax.fori_loop(0, CAP // 16, fill_body, 0)
  for j in range(NLM // 16, NLM_PAD // 16):
    bmax[pl.ds(j * 16, 16)] = ninf_v
  for j in range(NBLK // 16, NBLK_PAD // 16):
    bblk[pl.ds(j * 16, 16)] = ninf_v

  def do_chunk(c, buf):
    def blk_body(j, _):
      base = j * BLK
      accs = [ninf_v] * 4
      for i in range(VPB):
        q = i % 4
        accs[q] = jnp.maximum(accs[q], buf[0, pl.ds(base + i * 16, 16)])
      acc = jnp.maximum(jnp.maximum(accs[0], accs[1]),
                        jnp.maximum(accs[2], accs[3]))
      blkid = c * BPC + j
      bmax[pl.ds(blkid * 16, 16)] = acc
      bpos = jnp.broadcast_to(blkid, (16,)).astype(jnp.int32)
      plsc.store_scatter(bblk, [bpos],
                         jnp.broadcast_to(jnp.max(acc), (16,)), mask=lane0)
      return 0
    lax.fori_loop(0, BPC, blk_body, 0)

  def pair_body(k, _):
    for b in range(2):
      c = 2 * k + b
      chunk_copy(c, b).wait()
      do_chunk(c, bufs[b])

      @pl.when(c + 2 < NCHUNK)
      def _start_next():
        chunk_copy(c + 2, b).start()
    return 0
  lax.fori_loop(0, (NCHUNK - 1) // 2, pair_body, 0)

  chunk_copy(NCHUNK - 1, 0).wait()
  tail_cp = pltpu.make_async_copy(
      tail_hbm.at[pl.ds(r * TAIL_W, TAIL_W)], tbuf, sem1)
  tail_cp.start()
  do_chunk(NCHUNK - 1, buf0)
  tail_cp.wait()
  tacc = ninf_v
  for i in range(TAIL_VREGS):
    tacc = jnp.maximum(tacc, tbuf[pl.ds(i * 16, 16)])
  bmax[pl.ds(NBLK_FULL * 16, 16)] = tacc
  tpos = jnp.full((16,), NBLK_FULL, jnp.int32)
  plsc.store_scatter(bblk, [tpos],
                     jnp.broadcast_to(jnp.max(tacc), (16,)), mask=lane0)

  def key_body(i, _):
    m = lax.bitcast_convert_type(bblk[pl.ds(i * 16, 16)], jnp.int32)
    bkey[pl.ds(i * 16, 16)] = _fold_key(m)
    return 0
  lax.fori_loop(0, NBLK_PAD // 16, key_body, 0)

  def bit_body(b, prefix_u):
    cand_u = lax.bitwise_or(prefix_u, lax.shift_left(np.int32(1), 31 - b))
    cand_s = lax.bitwise_xor(cand_u, np.int32(-2**31))
    def cnt_body(i, acc):
      kv = bkey[pl.ds(i * 16, 16)]
      return acc + jnp.where(kv >= cand_s, np.int32(1), np.int32(0))
    acc = lax.fori_loop(0, NBLK_PAD // 16, cnt_body,
                        jnp.zeros((16,), jnp.int32))
    return jnp.where(jnp.sum(acc) >= TOPK, cand_u, prefix_u)
  v64u = lax.fori_loop(0, 32, bit_body, np.int32(0))
  v64k = lax.bitwise_xor(v64u, np.int32(-2**31))
  t = lax.bitcast_convert_type(_fold_key(v64k), jnp.float32)

  cc_ref[0] = np.int32(0)
  cc_ref[1] = np.int32(0)

  def append_vreg(x, gbase):
    msk = x >= t
    @pl.when(jnp.any(msk))
    def _append():
      mi = jnp.where(msk, np.int32(1), np.int32(0))
      cc = cc_ref[0]
      @pl.when(cc < CAP - 16)
      def _store():
        pos = plsc.cumsum(mi) + (cc - 1)
        plsc.store_scatter(cand_v, [pos], x, mask=msk)
        plsc.store_scatter(cand_i, [pos], gbase + iota, mask=msk)
      cc_ref[0] = cc + jnp.sum(mi)

  def qscan(i, _):
    ids = i * 16 + iota
    msk = (bblk[pl.ds(i * 16, 16)] >= t) & (ids < NBLK_FULL)
    @pl.when(jnp.any(msk))
    def _append_ids():
      mi = jnp.where(msk, np.int32(1), np.int32(0))
      qc = cc_ref[1]
      pos = plsc.cumsum(mi) + (qc - 1)
      plsc.store_scatter(qlist, [pos], ids, mask=msk)
      cc_ref[1] = qc + jnp.sum(mi)
    return 0
  lax.fori_loop(0, NBLK_PAD // 16, qscan, 0)
  qn = cc_ref[1]

  def qid_at(f):
    return plsc.load_gather(qlist, [jnp.broadcast_to(f, (16,))])[0]

  qbufs = (bbuf, bbuf2)
  def qcopy(f, b):
    return pltpu.make_async_copy(
        lp_hbm.at[pl.ds(2 * r, 2), pl.ds(qid_at(f) * BLK, BLK)],
        qbufs[b], sems[b])

  for b in range(2):
    @pl.when(b < qn)
    def _prime_q():
      qcopy(b, b).start()

  def qpair(k, _):
    for b in range(2):
      f = 2 * k + b
      @pl.when(f < qn)
      def _scan_q():
        qcopy(f, b).wait()
        bid = qid_at(f)
        def v_body(i, _):
          append_vreg(qbufs[b][0, pl.ds(i * 16, 16)], bid * BLK + i * 16)
          return 0
        lax.fori_loop(0, VPB, v_body, 0)
        @pl.when(f + 2 < qn)
        def _next_q():
          qcopy(f + 2, b).start()
    return 0
  lax.fori_loop(0, (qn + 1) // 2, qpair, 0)

  @pl.when(jnp.any(bmax[pl.ds(NBLK_FULL * 16, 16)] >= t))
  def _scan_tail():
    pltpu.sync_copy(tail_hbm.at[pl.ds(r * TAIL_W, TAIL_W)], tbuf)
    def v_body(i, _):
      append_vreg(tbuf[pl.ds(i * 16, 16)], TAIL_OFF + i * 16)
      return 0
    lax.fori_loop(0, TAIL_VREGS, v_body, 0)

  nv = (jnp.minimum(cc_ref[0], CAP) + 15) // 16

  def round_body(k, _):
    def mx(i, acc):
      return jnp.maximum(acc, cand_v[pl.ds(i * 16, 16)])
    m = jnp.max(lax.fori_loop(0, nv, mx, ninf_v))
    def mi(i, acc):
      hit = cand_v[pl.ds(i * 16, 16)] == m
      return jnp.minimum(acc, jnp.where(hit, cand_i[pl.ds(i * 16, 16)], IMAX))
    j = jnp.min(lax.fori_loop(0, nv, mi, jnp.full((16,), IMAX, jnp.int32)))
    def cl(i, _):
      hit = (cand_v[pl.ds(i * 16, 16)] == m) & (cand_i[pl.ds(i * 16, 16)] == j)
      cand_v[pl.ds(i * 16, 16)] = jnp.where(hit, NEG_INF,
                                            cand_v[pl.ds(i * 16, 16)])
      return 0
    lax.fori_loop(0, nv, cl, 0)
    kpos = jnp.broadcast_to(k, (16,)).astype(jnp.int32)
    plsc.store_scatter(topv, [kpos], jnp.broadcast_to(m, (16,)), mask=lane0)
    plsc.store_scatter(topi, [kpos], jnp.broadcast_to(j, (16,)), mask=lane0)
    return 0
  lax.fori_loop(0, TOPK, round_body, 0)

  pltpu.sync_copy(g_hbm.at[pl.ds(r * OUTW, OUTW)], gbuf)
  for i in range(OUTW // 16):
    ovec[pl.ds(i * 16, 16)] = jnp.zeros((16,), jnp.float32)
    oivec[pl.ds(i * 16, 16)] = jnp.zeros((16,), jnp.int32)
  for d in range(2):
    svecs = [topv[pl.ds(q * 16, 16)] + gbuf[pl.ds(d * TOPK + q * 16, 16)]
             for q in range(TOPK // 16)]
    m = jnp.max(jnp.maximum(jnp.maximum(svecs[0], svecs[1]),
                            jnp.maximum(svecs[2], svecs[3])))
    kacc = jnp.full((16,), IMAX, jnp.int32)
    for q in range(TOPK // 16):
      kacc = jnp.minimum(kacc, jnp.where(svecs[q] == m, iota + q * 16, IMAX))
    p = jnp.min(kacc)
    sel = jnp.broadcast_to(p, (16,))
    dpos = jnp.full((16,), d, jnp.int32)
    plsc.store_scatter(ovec, [dpos], plsc.load_gather(topv, [sel]),
                       mask=lane0)
    plsc.store_scatter(oivec, [dpos], plsc.load_gather(topi, [sel]),
                       mask=lane0)

  pltpu.sync_copy(ovec, outs_hbm.at[pl.ds(r * OUTW, OUTW)])
  pltpu.sync_copy(oivec, outi_hbm.at[pl.ds(r * OUTW, OUTW)])


@jax.jit
def _sc_topk_sample(lp2, tail_flat, g_flat):
  mesh = plsc.VectorSubcoreMesh(core_axis_name="c", subcore_axis_name="s")
  fn = pl.kernel(
      _row_body,
      out_type=[
          jax.ShapeDtypeStruct((NROW * OUTW,), jnp.float32),
          jax.ShapeDtypeStruct((NROW * OUTW,), jnp.int32),
      ],
      mesh=mesh,
      compiler_params=pltpu.CompilerParams(needs_layout_passes=False),
      scratch_types=[
          pltpu.VMEM((2, CHUNK), jnp.float32),
          pltpu.VMEM((2, CHUNK), jnp.float32),
          pltpu.VMEM((2, BLK), jnp.float32),
          pltpu.VMEM((2, BLK), jnp.float32),
          pltpu.VMEM((TAIL_W,), jnp.float32),
          pltpu.VMEM((NLM_PAD,), jnp.float32),
          pltpu.VMEM((NBLK_PAD,), jnp.float32),
          pltpu.VMEM((NBLK_PAD,), jnp.int32),
          pltpu.VMEM((NBLK_PAD,), jnp.int32),
          pltpu.VMEM((CAP,), jnp.float32),
          pltpu.VMEM((CAP,), jnp.int32),
          pltpu.VMEM((TOPK,), jnp.float32),
          pltpu.VMEM((TOPK,), jnp.int32),
          pltpu.VMEM((2 * TOPK,), jnp.float32),
          pltpu.VMEM((OUTW,), jnp.float32),
          pltpu.VMEM((OUTW,), jnp.int32),
          pltpu.SMEM((2,), jnp.int32),
          pltpu.SemaphoreType.DMA,
          pltpu.SemaphoreType.DMA,
      ],
  )
  return fn(lp2, tail_flat, g_flat)


def kernel(step, lprobs, scores):
  bsz, beam_size, _ = lprobs.shape
  g = jax.random.gumbel(jax.random.key(42), (beam_size, bsz, TOPK),
                        jnp.float32)
  gmat = jnp.zeros((bsz, OUTW), jnp.float32)
  gmat = gmat.at[:, :beam_size * TOPK].set(
      jnp.transpose(g, (1, 0, 2)).reshape(bsz, beam_size * TOPK))
  lp2 = lprobs.reshape(bsz * beam_size, VOCAB)
  tail_p = jnp.full((bsz, TAIL_W), NEG_INF, jnp.float32)
  tail_p = tail_p.at[:, :VOCAB - TAIL_OFF].set(lprobs[:, 0, TAIL_OFF:])
  outs, outi = _sc_topk_sample(lp2, tail_p.reshape(-1), gmat.reshape(-1))
  outs = outs.reshape(NROW, OUTW)
  outi = outi.reshape(NROW, OUTW)
  scores_buf = outs[:, :beam_size] + scores[:, :, 0] * step
  indices_buf = outi[:, :beam_size]
  beams_buf = jnp.full((bsz, beam_size), step, dtype=indices_buf.dtype)
  return scores_buf, indices_buf, beams_buf

# --- scband reference (transcript-rebuilt; emitter-appended) ---
"""Pipeline reference for scband-sampling-1202590843067 (READ-ONLY COPY).

The authoritative reference and input builder live on the scoring server;
editing this copy changes nothing except your own understanding.
"""

import jax, jax.numpy as jnp
import numpy as np

SAMPLING_TOPK = 64


def setup_inputs(seed: int = 0) -> dict:
    key = jax.random.key(seed)
    kl, = jax.random.split(key, 1)
    lprobs = jax.random.normal(kl, (32, 2, 1000000), dtype=jnp.float32)
    scores = jnp.zeros((32, 2, 1), dtype=jnp.float32)
    return {"step": 0, "lprobs": lprobs, "scores": scores}


def reference(step, lprobs, scores):
    bsz, beam_size, vocab_size = lprobs.shape
    # at the first step only the first beam entry of each batch is informative
    lprobs = lprobs[:, ::beam_size, :]
    # top-k sampling branch (sampling_topk > 0)
    top_lprobs, top_indices = jax.lax.top_k(lprobs, SAMPLING_TOPK)
    probs = jnp.exp(top_lprobs)
    skey = jax.random.key(42)
    logits = jnp.log(probs.reshape(bsz, -1))
    # multinomial with replacement: beam_size independent draws per batch row
    indices_buf = jax.random.categorical(skey, logits, axis=-1, shape=(beam_size, bsz)).T
    probs = jnp.broadcast_to(probs, (bsz, beam_size, probs.shape[-1]))
    scores_buf = jnp.take_along_axis(probs, indices_buf[:, :, None], axis=2)
    scores_buf = jnp.log(scores_buf).reshape(bsz, -1)
    scores_buf = scores_buf + scores[:, :, 0] * step
    top_exp = jnp.broadcast_to(top_indices, (bsz, beam_size, top_indices.shape[-1]))
    indices_buf = jnp.take_along_axis(top_exp, indices_buf[:, :, None], axis=2)[:, :, 0]
    beams_buf = jnp.zeros((bsz, beam_size), dtype=indices_buf.dtype) + step
    return (scores_buf, indices_buf, beams_buf)

if __name__ == "__main__":
    import jax
    _d = setup_inputs()
    print(jax.jit(kernel)(*tuple(_d.values())))

</pallas_src>

<mosaic_0001>
#map = affine_map<(d0, d1) -> (0, 0)>
#map1 = affine_map<(d0, d1) -> (0)>
module attributes {stable_mosaic.version = 14 : i64} {
  func.func @_row_body(%arg0: i32, %arg1: i32, %arg2: memref<64x1000000xf32, #tpu.memory_space<hbm>>, %arg3: memref<20480xf32, #tpu.memory_space<hbm>>, %arg4: memref<4096xf32, #tpu.memory_space<hbm>>, %arg5: memref<4096xf32, #tpu.memory_space<hbm>>, %arg6: memref<4096xi32, #tpu.memory_space<hbm>>, %arg7: memref<2x16384xf32, #tpu.memory_space<vmem>>, %arg8: memref<2x16384xf32, #tpu.memory_space<vmem>>, %arg9: memref<2x2048xf32, #tpu.memory_space<vmem>>, %arg10: memref<2x2048xf32, #tpu.memory_space<vmem>>, %arg11: memref<640xf32, #tpu.memory_space<vmem>>, %arg12: memref<8192xf32, #tpu.memory_space<vmem>>, %arg13: memref<512xf32, #tpu.memory_space<vmem>>, %arg14: memref<512xi32, #tpu.memory_space<vmem>>, %arg15: memref<512xi32, #tpu.memory_space<vmem>>, %arg16: memref<2048xf32, #tpu.memory_space<vmem>>, %arg17: memref<2048xi32, #tpu.memory_space<vmem>>, %arg18: memref<64xf32, #tpu.memory_space<vmem>>, %arg19: memref<64xi32, #tpu.memory_space<vmem>>, %arg20: memref<128xf32, #tpu.memory_space<vmem>>, %arg21: memref<128xf32, #tpu.memory_space<vmem>>, %arg22: memref<128xi32, #tpu.memory_space<vmem>>, %arg23: memref<2xi32, #tpu.memory_space<smem>>, %arg24: memref<!tpu.dma_semaphore, #tpu.memory_space<semaphore_mem>>, %arg25: memref<!tpu.dma_semaphore, #tpu.memory_space<semaphore_mem>>) attributes {dimension_semantics = [#tpu.dimension_semantics<core_parallel>, #tpu.dimension_semantics<subcore_parallel>], iteration_bounds = array<i64: 2, 16>, scalar_prefetch = 0 : i64, scratch_operands = 19 : i64, tpu.core_type = #tpu.core_type<sc_vector_subcore>, window_params = [{transform_indices = #map}, {transform_indices = #map1}, {transform_indices = #map1}, {transform_indices = #map1}, {transform_indices = #map1}]} {
    %mul3A = arith.constant 16 : i32
    %mul3A_0 = arith.muli %arg0, %mul3A : i32
    %add3A = arith.addi %mul3A_0, %arg1 : i32
    %iota3A = tpu.iota {dimensions = array<i32: 0>} : vector<16xi32>
    %broadcast_in_dim3A = arith.constant 0xFF800000 : f32
    %broadcast_in_dim3A_1 = vector.broadcast %broadcast_in_dim3A : f32 to vector<16xf32>
    %eq3A = arith.constant 0 : i32
    %eq3A_2 = vector.broadcast %eq3A : i32 to vector<16xi32>
    %eq3A_3 = arith.cmpi eq, %iota3A, %eq3A_2 : vector<16xi32>
    %mul3A_4 = arith.constant 2 : i32
    %mul3A_5 = arith.muli %mul3A_4, %add3A : i32
    %dma_start3A = arith.constant 0 : i32
    %dma_start3A_6 = tpu.memref_slice %arg2[%mul3A_5, %dma_start3A] : memref<64x1000000xf32, #tpu.memory_space<hbm>> -> memref<2x16384xf32, #tpu.memory_space<hbm>>
    %dma_start3A_7 = arith.constant 0 : i32
    %dma_start3A_8 = tpu.memref_slice %arg2[%mul3A_5, %dma_start3A_7] : memref<64x1000000xf32, #tpu.memory_space<hbm>> -> memref<2x16384xf32, #tpu.memory_space<hbm>>
    tpu.enqueue_dma source(%dma_start3A_8 : memref<2x16384xf32, #tpu.memory_space<hbm>>) target(%arg7 : memref<2x16384xf32, #tpu.memory_space<vmem>>) target_semaphore(%arg24 : memref<!tpu.dma_semaphore, #tpu.memory_space<semaphore_mem>>)
    %mul3A_9 = arith.constant 2 : i32
    %mul3A_10 = arith.muli %mul3A_9, %add3A : i32
    %dma_start3A_11 = arith.constant 16384 : i32
    %dma_start3A_12 = tpu.memref_slice %arg2[%mul3A_10, %dma_start3A_11] : memref<64x1000000xf32, #tpu.memory_space<hbm>> -> memref<2x16384xf32, #tpu.memory_space<hbm>>
    %dma_start3A_13 = arith.constant 16384 : i32
    %dma_start3A_14 = tpu.memref_slice %arg2[%mul3A_10, %dma_start3A_13] : memref<64x1000000xf32, #tpu.memory_space<hbm>> -> memref<2x16384xf32, #tpu.memory_space<hbm>>
    tpu.enqueue_dma source(%dma_start3A_14 : memref<2x16384xf32, #tpu.memory_space<hbm>>) target(%arg8 : memref<2x16384xf32, #tpu.memory_space<vmem>>) target_semaphore(%arg25 : memref<!tpu.dma_semaphore, #tpu.memory_space<semaphore_mem>>)
    %scan3A = arith.constant 0 : i32
    %scan3A_15 = arith.constant 0 : i32
    %scan3A_16 = arith.constant 128 : i32
    %scan3A_17 = arith.addi %scan3A_15, %scan3A_16 : i32
    %scan3A_18 = arith.constant 1 : i32
    %scan3A_19 = scf.for %scan3A_559 = %scan3A_15 to %scan3A_17 step %scan3A_18 iter_args(%scan3A_560 = %scan3A) -> (i32)  : i32 {
      %mul3A_561 = arith.constant 16 : i32
      %mul3A_562 = arith.muli %scan3A_559, %mul3A_561 : i32
      %swap3A_563 = arith.index_cast %mul3A_562 : i32 to index
      %swap3A_564 = tpu.vector_load %arg16[%swap3A_563] {strides = array<i32>} : memref<2048xf32, #tpu.memory_space<vmem>>, vector<16xf32>,
      tpu.vector_store %arg16[%swap3A_563], %broadcast_in_dim3A_1 {strides = array<i32>} : memref<2048xf32, #tpu.memory_space<vmem>>, vector<16xf32>,
      %broadcast_in_dim3A_565 = arith.constant 2147483647 : i32
      %broadcast_in_dim3A_566 = vector.broadcast %broadcast_in_dim3A_565 : i32 to vector<16xi32>
      %mul3A_567 = arith.constant 16 : i32
      %mul3A_568 = arith.muli %scan3A_559, %mul3A_567 : i32
      %swap3A_569 = arith.index_cast %mul3A_568 : i32 to index
      %swap3A_570 = tpu.vector_load %arg17[%swap3A_569] {strides = array<i32>} : memref<2048xi32, #tpu.memory_space<vmem>>, vector<16xi32>,
      tpu.vector_store %arg17[%swap3A_569], %broadcast_in_dim3A_566 {strides = array<i32>} : memref<2048xi32, #tpu.memory_space<vmem>>, vector<16xi32>,
      %scan3A_571 = arith.constant 0 : i32
      scf.yield %scan3A_571 : i32
    }
    %scan3A_20 = arith.constant 128 : i32
    %swap3A = arith.constant 7824 : index
    %swap3A_21 = tpu.vector_load %arg12[%swap3A] {strides = array<i32>} : memref<8192xf32, #tpu.memory_space<vmem>>, vector<16xf32>,
    tpu.vector_store %arg12[%swap3A], %broadcast_in_dim3A_1 {strides = array<i32>} : memref<8192xf32, #tpu.memory_space<vmem>>, vector<16xf32>,
    %swap3A_22 = arith.constant 7840 : index
    %swap3A_23 = tpu.vector_load %arg12[%swap3A_22] {strides = array<i32>} : memref<8192xf32, #tpu.memory_space<vmem>>, vector<16xf32>,
    tpu.vector_store %arg12[%swap3A_22], %broadcast_in_dim3A_1 {strides = array<i32>} : memref<8192xf32, #tpu.memory_space<vmem>>, vector<16xf32>,
    %swap3A_24 = arith.constant 7856 : index
    %swap3A_25 = tpu.vector_load %arg12[%swap3A_24] {strides = array<i32>} : memref<8192xf32, #tpu.memory_space<vmem>>, vector<16xf32>,
    tpu.vector_store %arg12[%swap3A_24], %broadcast_in_dim3A_1 {strides = array<i32>} : memref<8192xf32, #tpu.memory_space<vmem>>, vector<16xf32>,
    %swap3A_26 = arith.constant 7872 : index
    %swap3A_27 = tpu.vector_load %arg12[%swap3A_26] {strides = array<i32>} : memref<8192xf32, #tpu.memory_space<vmem>>, vector<16xf32>,
    tpu.vector_store %arg12[%swap3A_26], %broadcast_in_dim3A_1 {strides = array<i32>} : memref<8192xf32, #tpu.memory_space<vmem>>, vector<16xf32>,
    %swap3A_28 = arith.constant 7888 : index
    %swap3A_29 = tpu.vector_load %arg12[%swap3A_28] {strides = array<i32>} : memref<8192xf32, #tpu.memory_space<vmem>>, vector<16xf32>,
    tpu.vector_store %arg12[%swap3A_28], %broadcast_in_dim3A_1 {strides = array<i32>} : memref<8192xf32, #tpu.memory_space<vmem>>, vector<16xf32>,
    %swap3A_30 = arith.constant 7904 : index
    %swap3A_31 = tpu.vector_load %arg12[%swap3A_30] {strides = array<i32>} : memref<8192xf32, #tpu.memory_space<vmem>>, vector<16xf32>,
    tpu.vector_store %arg12[%swap3A_30], %broadcast_in_dim3A_1 {strides = array<i32>} : memref<8192xf32, #tpu.memory_space<vmem>>, vector<16xf32>,
    %swap3A_32 = arith.constant 7920 : index
    %swap3A_33 = tpu.vector_load %arg12[%swap3A_32] {strides = array<i32>} : memref<8192xf32, #tpu.memory_space<vmem>>, vector<16xf32>,
    tpu.vector_store %arg12[%swap3A_32], %broadcast_in_dim3A_1 {strides = array<i32>} : memref<8192xf32, #tpu.memory_space<vmem>>, vector<16xf32>,
    %swap3A_34 = arith.constant 7936 : index
    %swap3A_35 = tpu.vector_load %arg12[%swap3A_34] {strides = array<i32>} : memref<8192xf32, #tpu.memory_space<vmem>>, vector<16xf32>,
    tpu.vector_store %arg12[%swap3A_34], %broadcast_in_dim3A_1 {strides = array<i32>} : memref<8192xf32, #tpu.memory_space<vmem>>, vector<16xf32>,
    %swap3A_36 = arith.constant 7952 : index
    %swap3A_37 = tpu.vector_load %arg12[%swap3A_36] {strides = array<i32>} : memref<8192xf32, #tpu.memory_space<vmem>>, vector<16xf32>,
    tpu.vector_store %arg12[%swap3A_36], %broadcast_in_dim3A_1 {strides = array<i32>} : memref<8192xf32, #tpu.memory_space<vmem>>, vector<16xf32>,
    %swap3A_38 = arith.constant 7968 : index
    %swap3A_39 = tpu.vector_load %arg12[%swap3A_38] {strides = array<i32>} : memref<8192xf32, #tpu.memory_space<vmem>>, vector<16xf32>,
    tpu.vector_store %arg12[%swap3A_38], %broadcast_in_dim3A_1 {strides = array<i32>} : memref<8192xf32, #tpu.memory_space<vmem>>, vector<16xf32>,
    %swap3A_40 = arith.constant 7984 : index
    %swap3A_41 = tpu.vector_load %arg12[%swap3A_40] {strides = array<i32>} : memref<8192xf32, #tpu.memory_space<vmem>>, vector<16xf32>,
    tpu.vector_store %arg12[%swap3A_40], %broadcast_in_dim3A_1 {strides = array<i32>} : memref<8192xf32, #tpu.memory_space<vmem>>, vector<16xf32>,
    %swap3A_42 = arith.constant 8000 : index
    %swap3A_43 = tpu.vector_load %arg12[%swap3A_42] {strides = array<i32>} : memref<8192xf32, #tpu.memory_space<vmem>>, vector<16xf32>,
    tpu.vector_store %arg12[%swap3A_42], %broadcast_in_dim3A_1 {strides = array<i32>} : memref<8192xf32, #tpu.memory_space<vmem>>, vector<16xf32>,
    %swap3A_44 = arith.constant 8016 : index
    %swap3A_45 = tpu.vector_load %arg12[%swap3A_44] {strides = array<i32>} : memref<8192xf32, #tpu.memory_space<vmem>>, vector<16xf32>,
    tpu.vector_store %arg12[%swap3A_44], %broadcast_in_dim3A_1 {strides = array<i32>} : memref<8192xf32, #tpu.memory_space<vmem>>, vector<16xf32>,
    %swap3A_46 = arith.constant 8032 : index
    %swap3A_47 = tpu.vector_load %arg12[%swap3A_46] {strides = array<i32>} : memref<8192xf32, #tpu.memory_space<vmem>>, vector<16xf32>,
    tpu.vector_store %arg12[%swap3A_46], %broadcast_in_dim3A_1 {strides = array<i32>} : memref<8192xf32, #tpu.memory_space<vmem>>, vector<16xf32>,
    %swap3A_48 = arith.constant 8048 : index
    %swap3A_49 = tpu.vector_load %arg12[%swap3A_48] {strides = array<i32>} : memref<8192xf32, #tpu.memory_space<vmem>>, vector<16xf32>,
    tpu.vector_store %arg12[%swap3A_48], %broadcast_in_dim3A_1 {strides = array<i32>} : memref<8192xf32, #tpu.memory_space<vmem>>, vector<16xf32>,
    %swap3A_50 = arith.constant 8064 : index
    %swap3A_51 = tpu.vector_load %arg12[%swap3A_50] {strides = array<i32>} : memref<8192xf32, #tpu.memory_space<vmem>>, vector<16xf32>,
    tpu.vector_store %arg12[%swap3A_50], %broadcast_in_dim3A_1 {strides = array<i32>} : memref<8192xf32, #tpu.memory_space<vmem>>, vector<16xf32>,
    %swap3A_52 = arith.constant 8080 : index
    %swap3A_53 = tpu.vector_load %arg12[%swap3A_52] {strides = array<i32>} : memref<8192xf32, #tpu.memory_space<vmem>>, vector<16xf32>,
    tpu.vector_store %arg12[%swap3A_52], %broadcast_in_dim3A_1 {strides = array<i32>} : memref<8192xf32, #tpu.memory_space<vmem>>, vector<16xf32>,
    %swap3A_54 = arith.constant 8096 : index
    %swap3A_55 = tpu.vector_load %arg12[%swap3A_54] {strides = array<i32>} : memref<8192xf32, #tpu.memory_space<vmem>>, vector<16xf32>,
    tpu.vector_store %arg12[%swap3A_54], %broadcast_in_dim3A_1 {strides = array<i32>} : memref<8192xf32, #tpu.memory_space<vmem>>, vector<16xf32>,
    %swap3A_56 = arith.constant 8112 : index
    %swap3A_57 = tpu.vector_load %arg12[%swap3A_56] {strides = array<i32>} : memref<8192xf32, #tpu.memory_space<vmem>>, vector<16xf32>,
    tpu.vector_store %arg12[%swap3A_56], %broadcast_in_dim3A_1 {strides = array<i32>} : memref<8192xf32, #tpu.memory_space<vmem>>, vector<16xf32>,
    %swap3A_58 = arith.constant 8128 : index
    %swap3A_59 = tpu.vector_load %arg12[%swap3A_58] {strides = array<i32>} : memref<8192xf32, #tpu.memory_space<vmem>>, vector<16xf32>,
    tpu.vector_store %arg12[%swap3A_58], %broadcast_in_dim3A_1 {strides = array<i32>} : memref<8192xf32, #tpu.memory_space<vmem>>, vector<16xf32>,
    %swap3A_60 = arith.constant 8144 : index
    %swap3A_61 = tpu.vector_load %arg12[%swap3A_60] {strides = array<i32>} : memref<8192xf32, #tpu.memory_space<vmem>>, vector<16xf32>,
    tpu.vector_store %arg12[%swap3A_60], %broadcast_in_dim3A_1 {strides = array<i32>} : memref<8192xf32, #tpu.memory_space<vmem>>, vector<16xf32>,
    %swap3A_62 = arith.constant 8160 : index
    %swap3A_63 = tpu.vector_load %arg12[%swap3A_62] {strides = array<i32>} : memref<8192xf32, #tpu.memory_space<vmem>>, vector<16xf32>,
    tpu.vector_store %arg12[%swap3A_62], %broadcast_in_dim3A_1 {strides = array<i32>} : memref<8192xf32, #tpu.memory_space<vmem>>, vector<16xf32>,
    %swap3A_64 = arith.constant 8176 : index
    %swap3A_65 = tpu.vector_load %arg12[%swap3A_64] {strides = array<i32>} : memref<8192xf32, #tpu.memory_space<vmem>>, vector<16xf32>,
    tpu.vector_store %arg12[%swap3A_64], %broadcast_in_dim3A_1 {strides = array<i32>} : memref<8192xf32, #tpu.memory_space<vmem>>, vector<16xf32>,
    %swap3A_66 = arith.constant 480 : index
    %swap3A_67 = tpu.vector_load %arg13[%swap3A_66] {strides = array<i32>} : memref<512xf32, #tpu.memory_space<vmem>>, vector<16xf32>,
    tpu.vector_store %arg13[%swap3A_66], %broadcast_in_dim3A_1 {strides = array<i32>} : memref<512xf32, #tpu.memory_space<vmem>>, vector<16xf32>,
    %swap3A_68 = arith.constant 496 : index
    %swap3A_69 = tpu.vector_load %arg13[%swap3A_68] {strides = array<i32>} : memref<512xf32, #tpu.memory_space<vmem>>, vector<16xf32>,
    tpu.vector_store %arg13[%swap3A_68], %broadcast_in_dim3A_1 {strides = array<i32>} : memref<512xf32, #tpu.memory_space<vmem>>, vector<16xf32>,
    %scan3A_70 = arith.constant 0 : i32
    %scan3A_71 = arith.constant 0 : i32
    %scan3A_72 = arith.constant 30 : i32
    %scan3A_73 = arith.addi %scan3A_71, %scan3A_72 : i32
    %scan3A_74 = arith.constant 1 : i32
    %scan3A_75 = scf.for %scan3A_559 = %scan3A_71 to %scan3A_73 step %scan3A_74 iter_args(%scan3A_560 = %scan3A_70) -> (i32)  : i32 {
      %mul3A_561 = arith.constant 2 : i32
      %mul3A_562 = arith.muli %mul3A_561, %scan3A_559 : i32
      %add3A_563 = arith.constant 0 : i32
      %add3A_564 = arith.addi %mul3A_562, %add3A_563 : i32
      %mul3A_565 = arith.constant 2 : i32
      %mul3A_566 = arith.muli %mul3A_565, %add3A : i32
      %mul3A_567 = arith.constant 16384 : i32
      %mul3A_568 = arith.muli %add3A_564, %mul3A_567 : i32
      %dma_wait3A_569 = tpu.memref_slice %arg2[%mul3A_566, %mul3A_568] : memref<64x1000000xf32, #tpu.memory_space<hbm>> -> memref<2x16384xf32, #tpu.memory_space<hbm>>
      %dma_wait3A_570 = tpu.memref_slice %arg2[%mul3A_566, %mul3A_568] : memref<64x1000000xf32, #tpu.memory_space<hbm>> -> memref<2x16384xf32, #tpu.memory_space<hbm>>
      tpu.wait_dma2 semaphore(%arg24 : memref<!tpu.dma_semaphore, #tpu.memory_space<semaphore_mem>>) src(%dma_wait3A_570 : memref<2x16384xf32, #tpu.memory_space<hbm>>) dst(%arg7 : memref<2x16384xf32, #tpu.memory_space<vmem>>)
      %scan3A_571 = arith.constant 0 : i32
      %scan3A_572 = arith.constant 0 : i32
      %scan3A_573 = arith.constant 8 : i32
      %scan3A_574 = arith.addi %scan3A_572, %scan3A_573 : i32
      %scan3A_575 = arith.constant 1 : i32
      %scan3A_576 = scf.for %scan3A_609 = %scan3A_572 to %scan3A_574 step %scan3A_575 iter_args(%scan3A_610 = %scan3A_571) -> (i32)  : i32 {
        %mul3A_611 = arith.constant 2048 : i32
        %mul3A_612 = arith.muli %scan3A_609, %mul3A_611 : i32
        %add3A_613 = arith.constant 0 : i32
        %add3A_614 = arith.addi %mul3A_612, %add3A_613 : i32
        %get3A_615 = arith.constant 0 : i32
        %get3A_616 = arith.index_cast %get3A_615 : i32 to index
        %get3A_617 = arith.index_cast %add3A_614 : i32 to index
        %get3A_618 = tpu.vector_load %arg7[%get3A_616, %get3A_617] {strides = array<i32>} : memref<2x16384xf32, #tpu.memory_space<vmem>>, vector<16xf32>,
        %max3A_619 = arith.maximumf %broadcast_in_dim3A_1, %get3A_618 : vector<16xf32>
        %add3A_620 = arith.constant 16 : i32
        %add3A_621 = arith.addi %mul3A_612, %add3A_620 : i32
        %get3A_622 = arith.constant 0 : i32
        %get3A_623 = arith.index_cast %get3A_622 : i32 to index
        %get3A_624 = arith.index_cast %add3A_621 : i32 to index
        %get3A_625 = tpu.vector_load %arg7[%get3A_623, %get3A_624] {strides = array<i32>} : memref<2x16384xf32, #tpu.memory_space<vmem>>, vector<16xf32>,
        %max3A_626 = arith.maximumf %broadcast_in_dim3A_1, %get3A_625 : vector<16xf32>
        %add3A_627 = arith.constant 32 : i32
        %add3A_628 = arith.addi %mul3A_612, %add3A_627 : i32
        %get3A_629 = arith.constant 0 : i32
        %get3A_630 = arith.index_cast %get3A_629 : i32 to index
        %get3A_631 = arith.index_cast %add3A_628 : i32 to index
        %get3A_632 = tpu.vector_load %arg7[%get3A_630, %get3A_631] {strides = array<i32>} : memref<2x16384xf32, #tpu.memory_space<vmem>>, vector<16xf32>,
        %max3A_633 = arith.maximumf %broadcast_in_dim3A_1, %get3A_632 : vector<16xf32>
        %add3A_634 = arith.constant 48 : i32
        %add3A_635 = arith.addi %mul3A_612, %add3A_634 : i32
        %get3A_636 = arith.constant 0 : i32
        %get3A_637 = arith.index_cast %get3A_636 : i32 to index
        %get3A_638 = arith.index_cast %add3A_635 : i32 to index
        %get3A_639 = tpu.vector_load %arg7[%get3A_637, %get3A_638] {strides = array<i32>} : memref<2x16384xf32, #tpu.memory_space<vmem>>, vector<16xf32>,
        %max3A_640 = arith.maximumf %broadcast_in_dim3A_1, %get3A_639 : vector<16xf32>
        %add3A_641 = arith.constant 64 : i32
        %add3A_642 = arith.addi %mul3A_612, %add3A_641 : i32
        %get3A_643 = arith.constant 0 : i32
        %get3A_644 = arith.index_cast %get3A_643 : i32 to index
        %get3A_645 = arith.index_cast %add3A_642 : i32 to index
        %get3A_646 = tpu.vector_load %arg7[%get3A_644, %get3A_645] {strides = array<i32>} : memref<2x16384xf32, #tpu.memory_space<vmem>>, vector<16xf32>,
        %max3A_647 = arith.maximumf %max3A_619, %get3A_646 : vector<16xf32>
        %add3A_648 = arith.constant 80 : i32
        %add3A_649 = arith.addi %mul3A_612, %add3A_648 : i32
        %get3A_650 = arith.constant 0 : i32
        %get3A_651 = arith.index_cast %get3A_650 : i32 to index
        %get3A_652 = arith.index_cast %add3A_649 : i32 to index
        %get3A_653 = tpu.vector_load %arg7[%get3A_651, %get3A_652] {strides = array<i32>} : memref<2x16384xf32, #tpu.memory_space<vmem>>, vector<16xf32>,
        %max3A_654 = arith.maximumf %max3A_626, %get3A_653 : vector<16xf32>
        %add3A_655 = arith.constant 96 : i32
        %add3A_656 = arith.addi %mul3A_612, %add3A_655 : i32
        %get3A_657 = arith.constant 0 : i32
        %get3A_658 = arith.index_cast %get3A_657 : i32 to index
        %get3A_659 = arith.index_cast %add3A_656 : i32 to index
        %get3A_660 = tpu.vector_load %arg7[%get3A_658, %get3A_659] {strides = array<i32>} : memref<2x16384xf32, #tpu.memory_space<vmem>>, vector<16xf32>,
        %max3A_661 = arith.maximumf %max3A_633, %get3A_660 : vector<16xf32>
        %add3A_662 = arith.constant 112 : i32
        %add3A_663 = arith.addi %mul3A_612, %add3A_662 : i32
        %get3A_664 = arith.constant 0 : i32
        %get3A_665 = arith.index_cast %get3A_664 : i32 to index
        %get3A_666 = arith.index_cast %add3A_663 : i32 to index
        %get3A_667 = tpu.vector_load %arg7[%get3A_665, %get3A_666] {strides = array<i32>} : memref<2x16384xf32, #tpu.memory_space<vmem>>, vector<16xf32>,
        %max3A_668 = arith.maximumf %max3A_640, %get3A_667 : vector<16xf32>
        %add3A_669 = arith.constant 128 : i32
        %add3A_670 = arith.addi %mul3A_612, %add3A_669 : i32
        %get3A_671 = arith.constant 0 : i32
        %get3A_672 = arith.index_cast %get3A_671 : i32 to index
        %get3A_673 = arith.index_cast %add3A_670 : i32 to index
        %get3A_674 = tpu.vector_load %arg7[%get3A_672, %get3A_673] {strides = array<i32>} : memref<2x16384xf32, #tpu.memory_space<vmem>>, vector<16xf32>,
        %max3A_675 = arith.maximumf %max3A_647, %get3A_674 : vector<16xf32>
        %add3A_676 = arith.constant 144 : i32
        %add3A_677 = arith.addi %mul3A_612, %add3A_676 : i32
        %get3A_678 = arith.constant 0 : i32
        %get3A_679 = arith.index_cast %get3A_678 : i32 to index
        %get3A_680 = arith.index_cast %add3A_677 : i32 to index
        %get3A_681 = tpu.vector_load %arg7[%get3A_679, %get3A_680] {strides = array<i32>} : memref<2x16384xf32, #tpu.memory_space<vmem>>, vector<16xf32>,
        %max3A_682 = arith.maximumf %max3A_654, %get3A_681 : vector<16xf32>
        %add3A_683 = arith.constant 160 : i32
        %add3A_684 = arith.addi %mul3A_612, %add3A_683 : i32
        %get3A_685 = arith.constant 0 : i32
        %get3A_686 = arith.index_cast %get3A_685 : i32 to index
        %get3A_687 = arith.index_cast %add3A_684 : i32 to index
        %get3A_688 = tpu.vector_load %arg7[%get3A_686, %get3A_687] {strides = array<i32>} : memref<2x16384xf32, #tpu.memory_space<vmem>>, vector<16xf32>,
        %max3A_689 = arith.maximumf %max3A_661, %get3A_688 : vector<16xf32>
        %add3A_690 = arith.constant 176 : i32
        %add3A_691 = arith.addi %mul3A_612, %add3A_690 : i32
        %get3A_692 = arith.constant 0 : i32
        %get3A_693 = arith.index_cast %get3A_692 : i32 to index
        %get3A_694 = arith.index_cast %add3A_691 : i32 to index
        %get3A_695 = tpu.vector_load %arg7[%get3A_693, %get3A_694] {strides = array<i32>} : memref<2x16384xf32, #tpu.memory_space<vmem>>, vector<16xf32>,
        %max3A_696 = arith.maximumf %max3A_668, %get3A_695 : vector<16xf32>
        %add3A_697 = arith.constant 192 : i32
        %add3A_698 = arith.addi %mul3A_612, %add3A_697 : i32
        %get3A_699 = arith.constant 0 : i32
        %get3A_700 = arith.index_cast %get3A_699 : i32 to index
        %get3A_701 = arith.index_cast %add3A_698 : i32 to index
        %get3A_702 = tpu.vector_load %arg7[%get3A_700, %get3A_701] {strides = array<i32>} : memref<2x16384xf32, #tpu.memory_space<vmem>>, vector<16xf32>,
        %max3A_703 = arith.maximumf %max3A_675, %get3A_702 : vector<16xf32>
        %add3A_704 = arith.constant 208 : i32
        %add3A_705 = arith.addi %mul3A_612, %add3A_704 : i32
        %get3A_706 = arith.constant 0 : i32
        %get3A_707 = arith.index_cast %get3A_706 : i32 to index
        %get3A_708 = arith.index_cast %add3A_705 : i32 to index
        %get3A_709 = tpu.vector_load %arg7[%get3A_707, %get3A_708] {strides = array<i32>} : memref<2x16384xf32, #tpu.memory_space<vmem>>, vector<16xf32>,
        %max3A_710 = arith.maximumf %max3A_682, %get3A_709 : vector<16xf32>
        %add3A_711 = arith.constant 224 : i32
        %add3A_712 = arith.addi %mul3A_612, %add3A_711 : i32
        %get3A_713 = arith.constant 0 : i32
        %get3A_714 = arith.index_cast %get3A_713 : i32 to index
        %get3A_715 = arith.index_cast %add3A_712 : i32 to index
        %get3A_716 = tpu.vector_load %arg7[%get3A_714, %get3A_715] {strides = array<i32>} : memref<2x16384xf32, #tpu.memory_space<vmem>>, vector<16xf32>,
        %max3A_717 = arith.maximumf %max3A_689, %get3A_716 : vector<16xf32>
        %add3A_718 = arith.constant 240 : i32
        %add3A_719 = arith.addi %mul3A_612, %add3A_718 : i32
        %get3A_720 = arith.constant 0 : i32
        %get3A_721 = arith.index_cast %get3A_720 : i32 to index
        %get3A_722 = arith.index_cast %add3A_719 : i32 to index
        %get3A_723 = tpu.vector_load %arg7[%get3A_721, %get3A_722] {strides = array<i32>} : memref<2x16384xf32, #tpu.memory_space<vmem>>, vector<16xf32>,
        %max3A_724 = arith.maximumf %max3A_696, %get3A_723 : vector<16xf32>
        %add3A_725 = arith.constant 256 : i32
        %add3A_726 = arith.addi %mul3A_612, %add3A_725 : i32
        %get3A_727 = arith.constant 0 : i32
        %get3A_728 = arith.index_cast %get3A_727 : i32 to index
        %get3A_729 = arith.index_cast %add3A_726 : i32 to index
        %get3A_730 = tpu.vector_load %arg7[%get3A_728, %get3A_729] {strides = array<i32>} : memref<2x16384xf32, #tpu.memory_space<vmem>>, vector<16xf32>,
        %max3A_731 = arith.maximumf %max3A_703, %get3A_730 : vector<16xf32>
        %add3A_732 = arith.constant 272 : i32
        %add3A_733 = arith.addi %mul3A_612, %add3A_732 : i32
        %get3A_734 = arith.constant 0 : i32
        %get3A_735 = arith.index_cast %get3A_734 : i32 to index
        %get3A_736 = arith.index_cast %add3A_733 : i32 to index
        %get3A_737 = tpu.vector_load %arg7[%get3A_735, %get3A_736] {strides = array<i32>} : memref<2x16384xf32, #tpu.memory_space<vmem>>, vector<16xf32>,
        %max3A_738 = arith.maximumf %max3A_710, %get3A_737 : vector<16xf32>
        %add3A_739 = arith.constant 288 : i32
        %add3A_740 = arith.addi %mul3A_612, %add3A_739 : i32
        %get3A_741 = arith.constant 0 : i32
        %get3A_742 = arith.index_cast %get3A_741 : i32 to index
        %get3A_743 = arith.index_cast %add3A_740 : i32 to index
        %get3A_744 = tpu.vector_load %arg7[%get3A_742, %get3A_743] {strides = array<i32>} : memref<2x16384xf32, #tpu.memory_space<vmem>>, vector<16xf32>,
        %max3A_745 = arith.maximumf %max3A_717, %get3A_744 : vector<16xf32>
        %add3A_746 = arith.constant 304 : i32
        %add3A_747 = arith.addi %mul3A_612, %add3A_746 : i32
        %get3A_748 = arith.constant 0 : i32
        %get3A_749 = arith.index_cast %get3A_748 : i32 to index
        %get3A_750 = arith.index_cast %add3A_747 : i32 to index
        %get3A_751 = tpu.vector_load %arg7[%get3A_749, %get3A_750] {strides = array<i32>} : memref<2x16384xf32, #tpu.memory_space<vmem>>, vector<16xf32>,
        %max3A_752 = arith.maximumf %max3A_724, %get3A_751 : vector<16xf32>
        %add3A_753 = arith.constant 320 : i32
        %add3A_754 = arith.addi %mul3A_612, %add3A_753 : i32
        %get3A_755 = arith.constant 0 : i32
        %get3A_756 = arith.index_cast %get3A_755 : i32 to index
        %get3A_757 = arith.index_cast %add3A_754 : i32 to index
        %get3A_758 = tpu.vector_load %arg7[%get3A_756, %get3A_757] {strides = array<i32>} : memref<2x16384xf32, #tpu.memory_space<vmem>>, vector<16xf32>,
        %max3A_759 = arith.maximumf %max3A_731, %get3A_758 : vector<16xf32>
        %add3A_760 = arith.constant 336 : i32
        %add3A_761 = arith.addi %mul3A_612, %add3A_760 : i32
        %get3A_762 = arith.constant 0 : i32
        %get3A_763 = arith.index_cast %get3A_762 : i32 to index
        %get3A_764 = arith.index_cast %add3A_761 : i32 to index
        %get3A_765 = tpu.vector_load %arg7[%get3A_763, %get3A_764] {strides = array<i32>} : memref<2x16384xf32, #tpu.memory_space<vmem>>, vector<16xf32>,
        %max3A_766 = arith.maximumf %max3A_738, %get3A_765 : vector<16xf32>
        %add3A_767 = arith.constant 352 : i32
        %add3A_768 = arith.addi %mul3A_612, %add3A_767 : i32
        %get3A_769 = arith.constant 0 : i32
        %get3A_770 = arith.index_cast %get3A_769 : i32 to index
        %get3A_771 = arith.index_cast %add3A_768 : i32 to index
        %get3A_772 = tpu.vector_load %arg7[%get3A_770, %get3A_771] {strides = array<i32>} : memref<2x16384xf32, #tpu.memory_space<vmem>>, vector<16xf32>,
        %max3A_773 = arith.maximumf %max3A_745, %get3A_772 : vector<16xf32>
        %add3A_774 = arith.constant 368 : i32
        %add3A_775 = arith.addi %mul3A_612, %add3A_774 : i32
        %get3A_776 = arith.constant 0 : i32
        %get3A_777 = arith.index_cast %get3A_776 : i32 to index
        %get3A_778 = arith.index_cast %add3A_775 : i32 to index
        %get3A_779 = tpu.vector_load %arg7[%get3A_777, %get3A_778] {strides = array<i32>} : memref<2x16384xf32, #tpu.memory_space<vmem>>, vector<16xf32>,
        %max3A_780 = arith.maximumf %max3A_752, %get3A_779 : vector<16xf32>
        %add3A_781 = arith.constant 384 : i32
        %add3A_782 = arith.addi %mul3A_612, %add3A_781 : i32
        %get3A_783 = arith.constant 0 : i32
        %get3A_784 = arith.index_cast %get3A_783 : i32 to index
        %get3A_785 = arith.index_cast %add3A_782 : i32 to index
        %get3A_786 = tpu.vector_load %arg7[%get3A_784, %get3A_785] {strides = array<i32>} : memref<2x16384xf32, #tpu.memory_space<vmem>>, vector<16xf32>,
        %max3A_787 = arith.maximumf %max3A_759, %get3A_786 : vector<16xf32>
        %add3A_788 = arith.constant 400 : i32
        %add3A_789 = arith.addi %mul3A_612, %add3A_788 : i32
        %get3A_790 = arith.constant 0 : i32
        %get3A_791 = arith.index_cast %get3A_790 : i32 to index
        %get3A_792 = arith.index_cast %add3A_789 : i32 to index
        %get3A_793 = tpu.vector_load %arg7[%get3A_791, %get3A_792] {strides = array<i32>} : memref<2x16384xf32, #tpu.memory_space<vmem>>, vector<16xf32>,
        %max3A_794 = arith.maximumf %max3A_766, %get3A_793 : vector<16xf32>
        %add3A_795 = arith.constant 416 : i32
        %add3A_796 = arith.addi %mul3A_612, %add3A_795 : i32
        %get3A_797 = arith.constant 0 : i32
        %get3A_798 = arith.index_cast %get3A_797 : i32 to index
        %get3A_799 = arith.index_cast %add3A_796 : i32 to index
        %get3A_800 = tpu.vector_load %arg7[%get3A_798, %get3A_799] {strides = array<i32>} : memref<2x16384xf32, #tpu.memory_space<vmem>>, vector<16xf32>,
        %max3A_801 = arith.maximumf %max3A_773, %get3A_800 : vector<16xf32>
        %add3A_802 = arith.constant 432 : i32
        %add3A_803 = arith.addi %mul3A_612, %add3A_802 : i32
        %get3A_804 = arith.constant 0 : i32
        %get3A_805 = arith.index_cast %get3A_804 : i32 to index
        %get3A_806 = arith.index_cast %add3A_803 : i32 to index
        %get3A_807 = tpu.vector_load %arg7[%get3A_805, %get3A_806] {strides = array<i32>} : memref<2x16384xf32, #tpu.memory_space<vmem>>, vector<16xf32>,
        %max3A_808 = arith.maximumf %max3A_780, %get3A_807 : vector<16xf32>
        %add3A_809 = arith.constant 448 : i32
        %add3A_810 = arith.addi %mul3A_612, %add3A_809 : i32
        %get3A_811 = arith.constant 0 : i32
        %get3A_812 = arith.index_cast %get3A_811 : i32 to index
        %get3A_813 = arith.index_cast %add3A_810 : i32 to index
        %get3A_814 = tpu.vector_load %arg7[%get3A_812, %get3A_813] {strides = array<i32>} : memref<2x16384xf32, #tpu.memory_space<vmem>>, vector<16xf32>,
        %max3A_815 = arith.maximumf %max3A_787, %get3A_814 : vector<16xf32>
        %add3A_816 = arith.constant 464 : i32
        %add3A_817 = arith.addi %mul3A_612, %add3A_816 : i32
        %get3A_818 = arith.constant 0 : i32
        %get3A_819 = arith.index_cast %get3A_818 : i32 to index
        %get3A_820 = arith.index_cast %add3A_817 : i32 to index
        %get3A_821 = tpu.vector_load %arg7[%get3A_819, %get3A_820] {strides = array<i32>} : memref<2x16384xf32, #tpu.memory_space<vmem>>, vector<16xf32>,
        %max3A_822 = arith.maximumf %max3A_794, %get3A_821 : vector<16xf32>
        %add3A_823 = arith.constant 480 : i32
        %add3A_824 = arith.addi %mul3A_612, %add3A_823 : i32
        %get3A_825 = arith.constant 0 : i32
        %get3A_826 = arith.index_cast %get3A_825 : i32 to index
        %get3A_827 = arith.index_cast %add3A_824 : i32 to index
        %get3A_828 = tpu.vector_load %arg7[%get3A_826, %get3A_827] {strides = array<i32>} : memref<2x16384xf32, #tpu.memory_space<vmem>>, vector<16xf32>,
        %max3A_829 = arith.maximumf %max3A_801, %get3A_828 : vector<16xf32>
        %add3A_830 = arith.constant 496 : i32
        %add3A_831 = arith.addi %mul3A_612, %add3A_830 : i32
        %get3A_832 = arith.constant 0 : i32
        %get3A_833 = arith.index_cast %get3A_832 : i32 to index
        %get3A_834 = arith.index_cast %add3A_831 : i32 to index
        %get3A_835 = tpu.vector_load %arg7[%get3A_833, %get3A_834] {strides = array<i32>} : memref<2x16384xf32, #tpu.memory_space<vmem>>, vector<16xf32>,
        %max3A_836 = arith.maximumf %max3A_808, %get3A_835 : vector<16xf32>
        %add3A_837 = arith.constant 512 : i32
        %add3A_838 = arith.addi %mul3A_612, %add3A_837 : i32
        %get3A_839 = arith.constant 0 : i32
        %get3A_840 = arith.index_cast %get3A_839 : i32 to index
        %get3A_841 = arith.index_cast %add3A_838 : i32 to index
        %get3A_842 = tpu.vector_load %arg7[%get3A_840, %get3A_841] {strides = array<i32>} : memref<2x16384xf32, #tpu.memory_space<vmem>>, vector<16xf32>,
        %max3A_843 = arith.maximumf %max3A_815, %get3A_842 : vector<16xf32>
        %add3A_844 = arith.constant 528 : i32
        %add3A_845 = arith.addi %mul3A_612, %add3A_844 : i32
        %get3A_846 = arith.constant 0 : i32
        %get3A_847 = arith.index_cast %get3A_846 : i32 to index
        %get3A_848 = arith.index_cast %add3A_845 : i32 to index
        %get3A_849 = tpu.vector_load %arg7[%get3A_847, %get3A_848] {strides = array<i32>} : memref<2x16384xf32, #tpu.memory_space<vmem>>, vector<16xf32>,
        %max3A_850 = arith.maximumf %max3A_822, %get3A_849 : vector<16xf32>
        %add3A_851 = arith.constant 544 : i32
        %add3A_852 = arith.addi %mul3A_612, %add3A_851 : i32
        %get3A_853 = arith.constant 0 : i32
        %get3A_854 = arith.index_cast %get3A_853 : i32 to index
        %get3A_855 = arith.index_cast %add3A_852 : i32 to index
        %get3A_856 = tpu.vector_load %arg7[%get3A_854, %get3A_855] {strides = array<i32>} : memref<2x16384xf32, #tpu.memory_space<vmem>>, vector<16xf32>,
        %max3A_857 = arith.maximumf %max3A_829, %get3A_856 : vector<16xf32>
        %add3A_858 = arith.constant 560 : i32
        %add3A_859 = arith.addi %mul3A_612, %add3A_858 : i32
        %get3A_860 = arith.constant 0 : i32
        %get3A_861 = arith.index_cast %get3A_860 : i32 to index
        %get3A_862 = arith.index_cast %add3A_859 : i32 to index
        %get3A_863 = tpu.vector_load %arg7[%get3A_861, %get3A_862] {strides = array<i32>} : memref<2x16384xf32, #tpu.memory_space<vmem>>, vector<16xf32>,
        %max3A_864 = arith.maximumf %max3A_836, %get3A_863 : vector<16xf32>
        %add3A_865 = arith.constant 576 : i32
        %add3A_866 = arith.addi %mul3A_612, %add3A_865 : i32
        %get3A_867 = arith.constant 0 : i32
        %get3A_868 = arith.index_cast %get3A_867 : i32 to index
        %get3A_869 = arith.index_cast %add3A_866 : i32 to index
        %get3A_870 = tpu.vector_load %arg7[%get3A_868, %get3A_869] {strides = array<i32>} : memref<2x16384xf32, #tpu.memory_space<vmem>>, vector<16xf32>,
        %max3A_871 = arith.maximumf %max3A_843, %get3A_870 : vector<16xf32>
        %add3A_872 = arith.constant 592 : i32
        %add3A_873 = arith.addi %mul3A_612, %add3A_872 : i32
        %get3A_874 = arith.constant 0 : i32
        %get3A_875 = arith.index_cast %get3A_874 : i32 to index
        %get3A_876 = arith.index_cast %add3A_873 : i32 to index
        %get3A_877 = tpu.vector_load %arg7[%get3A_875, %get3A_876] {strides = array<i32>} : memref<2x16384xf32, #tpu.memory_space<vmem>>, vector<16xf32>,
        %max3A_878 = arith.maximumf %max3A_850, %get3A_877 : vector<16xf32>
        %add3A_879 = arith.constant 608 : i32
        %add3A_880 = arith.addi %mul3A_612, %add3A_879 : i32
        %get3A_881 = arith.constant 0 : i32
        %get3A_882 = arith.index_cast %get3A_881 : i32 to index
        %get3A_883 = arith.index_cast %add3A_880 : i32 to index
        %get3A_884 = tpu.vector_load %arg7[%get3A_882, %get3A_883] {strides = array<i32>} : memref<2x16384xf32, #tpu.memory_space<vmem>>, vector<16xf32>,
        %max3A_885 = arith.maximumf %max3A_857, %get3A_884 : vector<16xf32>
        %add3A_886 = arith.constant 624 : i32
        %add3A_887 = arith.addi %mul3A_612, %add3A_886 : i32
        %get3A_888 = arith.constant 0 : i32
        %get3A_889 = arith.index_cast %get3A_888 : i32 to index
        %get3A_890 = arith.index_cast %add3A_887 : i32 to index
        %get3A_891 = tpu.vector_load %arg7[%get3A_889, %get3A_890] {strides = array<i32>} : memref<2x16384xf32, #tpu.memory_space<vmem>>, vector<16xf32>,
        %max3A_892 = arith.maximumf %max3A_864, %get3A_891 : vector<16xf32>
        %add3A_893 = arith.constant 640 : i32
        %add3A_894 = arith.addi %mul3A_612, %add3A_893 : i32
        %get3A_895 = arith.constant 0 : i32
        %get3A_896 = arith.index_cast %get3A_895 : i32 to index
        %get3A_897 = arith.index_cast %add3A_894 : i32 to index
        %get3A_898 = tpu.vector_load %arg7[%get3A_896, %get3A_897] {strides = array<i32>} : memref<2x16384xf32, #tpu.memory_space<vmem>>, vector<16xf32>,
        %max3A_899 = arith.maximumf %max3A_871, %get3A_898 : vector<16xf32>
        %add3A_900 = arith.constant 656 : i32
        %add3A_901 = arith.addi %mul3A_612, %add3A_900 : i32
        %get3A_902 = arith.constant 0 : i32
        %get3A_903 = arith.index_cast %get3A_902 : i32 to index
        %get3A_904 = arith.index_cast %add3A_901 : i32 to index
        %get3A_905 = tpu.vector_load %arg7[%get3A_903, %get3A_904] {strides = array<i32>} : memref<2x16384xf32, #tpu.memory_space<vmem>>, vector<16xf32>,
        %max3A_906 = arith.maximumf %max3A_878, %get3A_905 : vector<16xf32>
        %add3A_907 = arith.constant 672 : i32
        %add3A_908 = arith.addi %mul3A_612, %add3A_907 : i32
        %get3A_909 = arith.constant 0 : i32
        %get3A_910 = arith.index_cast %get3A_909 : i32 to index
        %get3A_911 = arith.index_cast %add3A_908 : i32 to index
        %get3A_912 = tpu.vector_load %arg7[%get3A_910, %get3A_911] {strides = array<i32>} : memref<2x16384xf32, #tpu.memory_space<vmem>>, vector<16xf32>,
        %max3A_913 = arith.maximumf %max3A_885, %get3A_912 : vector<16xf32>
        %add3A_914 = arith.constant 688 : i32
        %add3A_915 = arith.addi %mul3A_612, %add3A_914 : i32
        %get3A_916 = arith.constant 0 : i32
        %get3A_917 = arith.index_cast %get3A_916 : i32 to index
        %get3A_918 = arith.index_cast %add3A_915 : i32 to index
        %get3A_919 = tpu.vector_load %arg7[%get3A_917, %get3A_918] {strides = array<i32>} : memref<2x16384xf32, #tpu.memory_space<vmem>>, vector<16xf32>,
        %max3A_920 = arith.maximumf %max3A_892, %get3A_919 : vector<16xf32>
        %add3A_921 = arith.constant 704 : i32
        %add3A_922 = arith.addi %mul3A_612, %add3A_921 : i32
        %get3A_923 = arith.constant 0 : i32
        %get3A_924 = arith.index_cast %get3A_923 : i32 to index
        %get3A_925 = arith.index_cast %add3A_922 : i32 to index
        %get3A_926 = tpu.vector_load %arg7[%get3A_924, %get3A_925] {strides = array<i32>} : memref<2x16384xf32, #tpu.memory_space<vmem>>, vector<16xf32>,
        %max3A_927 = arith.maximumf %max3A_899, %get3A_926 : vector<16xf32>
        %add3A_928 = arith.constant 720 : i32
        %add3A_929 = arith.addi %mul3A_612, %add3A_928 : i32
        %get3A_930 = arith.constant 0 : i32
        %get3A_931 = arith.index_cast %get3A_930 : i32 to index
        %get3A_932 = arith.index_cast %add3A_929 : i32 to index
        %get3A_933 = tpu.vector_load %arg7[%get3A_931, %get3A_932] {strides = array<i32>} : memref<2x16384xf32, #tpu.memory_space<vmem>>, vector<16xf32>,
        %max3A_934 = arith.maximumf %max3A_906, %get3A_933 : vector<16xf32>
        %add3A_935 = arith.constant 736 : i32
        %add3A_936 = arith.addi %mul3A_612, %add3A_935 : i32
        %get3A_937 = arith.constant 0 : i32
        %get3A_938 = arith.index_cast %get3A_937 : i32 to index
        %get3A_939 = arith.index_cast %add3A_936 : i32 to index
        %get3A_940 = tpu.vector_load %arg7[%get3A_938, %get3A_939] {strides = array<i32>} : memref<2x16384xf32, #tpu.memory_space<vmem>>, vector<16xf32>,
        %max3A_941 = arith.maximumf %max3A_913, %get3A_940 : vector<16xf32>
        %add3A_942 = arith.constant 752 : i32
        %add3A_943 = arith.addi %mul3A_612, %add3A_942 : i32
        %get3A_944 = arith.constant 0 : i32
        %get3A_945 = arith.index_cast %get3A_944 : i32 to index
        %get3A_946 = arith.index_cast %add3A_943 : i32 to index
        %get3A_947 = tpu.vector_load %arg7[%get3A_945, %get3A_946] {strides = array<i32>} : memref<2x16384xf32, #tpu.memory_space<vmem>>, vector<16xf32>,
        %max3A_948 = arith.maximumf %max3A_920, %get3A_947 : vector<16xf32>
        %add3A_949 = arith.constant 768 : i32
        %add3A_950 = arith.addi %mul3A_612, %add3A_949 : i32
        %get3A_951 = arith.constant 0 : i32
        %get3A_952 = arith.index_cast %get3A_951 : i32 to index
        %get3A_953 = arith.index_cast %add3A_950 : i32 to index
        %get3A_954 = tpu.vector_load %arg7[%get3A_952, %get3A_953] {strides = array<i32>} : memref<2x16384xf32, #tpu.memory_space<vmem>>, vector<16xf32>,
        %max3A_955 = arith.maximumf %max3A_927, %get3A_954 : vector<16xf32>
        %add3A_956 = arith.constant 784 : i32
        %add3A_957 = arith.addi %mul3A_612, %add3A_956 : i32
        %get3A_958 = arith.constant 0 : i32
        %get3A_959 = arith.index_cast %get3A_958 : i32 to index
        %get3A_960 = arith.index_cast %add3A_957 : i32 to index
        %get3A_961 = tpu.vector_load %arg7[%get3A_959, %get3A_960] {strides = array<i32>} : memref<2x16384xf32, #tpu.memory_space<vmem>>, vector<16xf32>,
        %max3A_962 = arith.maximumf %max3A_934, %get3A_961 : vector<16xf32>
        %add3A_963 = arith.constant 800 : i32
        %add3A_964 = arith.addi %mul3A_612, %add3A_963 : i32
        %get3A_965 = arith.constant 0 : i32
        %get3A_966 = arith.index_cast %get3A_965 : i32 to index
        %get3A_967 = arith.index_cast %add3A_964 : i32 to index
        %get3A_968 = tpu.vector_load %arg7[%get3A_966, %get3A_967] {strides = array<i32>} : memref<2x16384xf32, #tpu.memory_space<vmem>>, vector<16xf32>,
        %max3A_969 = arith.maximumf %max3A_941, %get3A_968 : vector<16xf32>
        %add3A_970 = arith.constant 816 : i32
        %add3A_971 = arith.addi %mul3A_612, %add3A_970 : i32
        %get3A_972 = arith.constant 0 : i32
        %get3A_973 = arith.index_cast %get3A_972 : i32 to index
        %get3A_974 = arith.index_cast %add3A_971 : i32 to index
        %get3A_975 = tpu.vector_load %arg7[%get3A_973, %get3A_974] {strides = array<i32>} : memref<2x16384xf32, #tpu.memory_space<vmem>>, vector<16xf32>,
        %max3A_976 = arith.maximumf %max3A_948, %get3A_975 : vector<16xf32>
        %add3A_977 = arith.constant 832 : i32
        %add3A_978 = arith.addi %mul3A_612, %add3A_977 : i32
        %get3A_979 = arith.constant 0 : i32
        %get3A_980 = arith.index_cast %get3A_979 : i32 to index
        %get3A_981 = arith.index_cast %add3A_978 : i32 to index
        %get3A_982 = tpu.vector_load %arg7[%get3A_980, %get3A_981] {strides = array<i32>} : memref<2x16384xf32, #tpu.memory_space<vmem>>, vector<16xf32>,
        %max3A_983 = arith.maximumf %max3A_955, %get3A_982 : vector<16xf32>
        %add3A_984 = arith.constant 848 : i32
        %add3A_985 = arith.addi %mul3A_612, %add3A_984 : i32
        %get3A_986 = arith.constant 0 : i32
        %get3A_987 = arith.index_cast %get3A_986 : i32 to index
        %get3A_988 = arith.index_cast %add3A_985 : i32 to index
        %get3A_989 = tpu.vector_load %arg7[%get3A_987, %get3A_988] {strides = array<i32>} : memref<2x16384xf32, #tpu.memory_space<vmem>>, vector<16xf32>,
        %max3A_990 = arith.maximumf %max3A_962, %get3A_989 : vector<16xf32>
        %add3A_991 = arith.constant 864 : i32
        %add3A_992 = arith.addi %mul3A_612, %add3A_991 : i32
        %get3A_993 = arith.constant 0 : i32
        %get3A_994 = arith.index_cast %get3A_993 : i32 to index
        %get3A_995 = arith.index_cast %add3A_992 : i32 to index
        %get3A_996 = tpu.vector_load %arg7[%get3A_994, %get3A_995] {strides = array<i32>} : memref<2x16384xf32, #tpu.memory_space<vmem>>, vector<16xf32>,
        %max3A_997 = arith.maximumf %max3A_969, %get3A_996 : vector<16xf32>
        %add3A_998 = arith.constant 880 : i32
        %add3A_999 = arith.addi %mul3A_612, %add3A_998 : i32
        %get3A_1000 = arith.constant 0 : i32
        %get3A_1001 = arith.index_cast %get3A_1000 : i32 to index
        %get3A_1002 = arith.index_cast %add3A_999 : i32 to index
        %get3A_1003 = tpu.vector_load %arg7[%get3A_1001, %get3A_1002] {strides = array<i32>} : memref<2x16384xf32, #tpu.memory_space<vmem>>, vector<16xf32>,
        %max3A_1004 = arith.maximumf %max3A_976, %get3A_1003 : vector<16xf32>
        %add3A_1005 = arith.constant 896 : i32
        %add3A_1006 = arith.addi %mul3A_612, %add3A_1005 : i32
        %get3A_1007 = arith.constant 0 : i32
        %get3A_1008 = arith.index_cast %get3A_1007 : i32 to index
        %get3A_1009 = arith.index_cast %add3A_1006 : i32 to index
        %get3A_1010 = tpu.vector_load %arg7[%get3A_1008, %get3A_1009] {strides = array<i32>} : memref<2x16384xf32, #tpu.memory_space<vmem>>, vector<16xf32>,
        %max3A_1011 = arith.maximumf %max3A_983, %get3A_1010 : vector<16xf32>
        %add3A_1012 = arith.constant 912 : i32
        %add3A_1013 = arith.addi %mul3A_612, %add3A_1012 : i32
        %get3A_1014 = arith.constant 0 : i32
        %get3A_1015 = arith.index_cast %get3A_1014 : i32 to index
        %get3A_1016 = arith.index_cast %add3A_1013 : i32 to index
        %get3A_1017 = tpu.vector_load %arg7[%get3A_1015, %get3A_1016] {strides = array<i32>} : memref<2x16384xf32, #tpu.memory_space<vmem>>, vector<16xf32>,
        %max3A_1018 = arith.maximumf %max3A_990, %get3A_1017 : vector<16xf32>
        %add3A_1019 = arith.constant 928 : i32
        %add3A_1020 = arith.addi %mul3A_612, %add3A_1019 : i32
        %get3A_1021 = arith.constant 0 : i32
        %get3A_1022 = arith.index_cast %get3A_1021 : i32 to index
        %get3A_1023 = arith.index_cast %add3A_1020 : i32 to index
        %get3A_1024 = tpu.vector_load %arg7[%get3A_1022, %get3A_1023] {strides = array<i32>} : memref<2x16384xf32, #tpu.memory_space<vmem>>, vector<16xf32>,
        %max3A_1025 = arith.maximumf %max3A_997, %get3A_1024 : vector<16xf32>
        %add3A_1026 = arith.constant 944 : i32
        %add3A_1027 = arith.addi %mul3A_612, %add3A_1026 : i32
        %get3A_1028 = arith.constant 0 : i32
        %get3A_1029 = arith.index_cast %get3A_1028 : i32 to index
        %get3A_1030 = arith.index_cast %add3A_1027 : i32 to index
        %get3A_1031 = tpu.vector_load %arg7[%get3A_1029, %get3A_1030] {strides = array<i32>} : memref<2x16384xf32, #tpu.memory_space<vmem>>, vector<16xf32>,
        %max3A_1032 = arith.maximumf %max3A_1004, %get3A_1031 : vector<16xf32>
        %add3A_1033 = arith.constant 960 : i32
        %add3A_1034 = arith.addi %mul3A_612, %add3A_1033 : i32
        %get3A_1035 = arith.constant 0 : i32
        %get3A_1036 = arith.index_cast %get3A_1035 : i32 to index
        %get3A_1037 = arith.index_cast %add3A_1034 : i32 to index
        %get3A_1038 = tpu.vector_load %arg7[%get3A_1036, %get3A_1037] {strides = array<i32>} : memref<2x16384xf32, #tpu.memory_space<vmem>>, vector<16xf32>,
        %max3A_1039 = arith.maximumf %max3A_1011, %get3A_1038 : vector<16xf32>
        %add3A_1040 = arith.constant 976 : i32
        %add3A_1041 = arith.addi %mul3A_612, %add3A_1040 : i32
        %get3A_1042 = arith.constant 0 : i32
        %get3A_1043 = arith.index_cast %get3A_1042 : i32 to index
        %get3A_1044 = arith.index_cast %add3A_1041 : i32 to index
        %get3A_1045 = tpu.vector_load %arg7[%get3A_1043, %get3A_1044] {strides = array<i32>} : memref<2x16384xf32, #tpu.memory_space<vmem>>, vector<16xf32>,
        %max3A_1046 = arith.maximumf %max3A_1018, %get3A_1045 : vector<16xf32>
        %add3A_1047 = arith.constant 992 : i32
        %add3A_1048 = arith.addi %mul3A_612, %add3A_1047 : i32
        %get3A_1049 = arith.constant 0 : i32
        %get3A_1050 = arith.index_cast %get3A_1049 : i32 to index
        %get3A_1051 = arith.index_cast %add3A_1048 : i32 to index
        %get3A_1052 = tpu.vector_load %arg7[%get3A_1050, %get3A_1051] {strides = array<i32>} : memref<2x16384xf32, #tpu.memory_space<vmem>>, vector<16xf32>,
        %max3A_1053 = arith.maximumf %max3A_1025, %get3A_1052 : vector<16xf32>
        %add3A_1054 = arith.constant 1008 : i32
        %add3A_1055 = arith.addi %mul3A_612, %add3A_1054 : i32
        %get3A_1056 = arith.constant 0 : i32
        %get3A_1057 = arith.index_cast %get3A_1056 : i32 to index
        %get3A_1058 = arith.index_cast %add3A_1055 : i32 to index
        %get3A_1059 = tpu.vector_load %arg7[%get3A_1057, %get3A_1058] {strides = array<i32>} : memref<2x16384xf32, #tpu.memory_space<vmem>>, vector<16xf32>,
        %max3A_1060 = arith.maximumf %max3A_1032, %get3A_1059 : vector<16xf32>
        %add3A_1061 = arith.constant 1024 : i32
        %add3A_1062 = arith.addi %mul3A_612, %add3A_1061 : i32
        %get3A_1063 = arith.constant 0 : i32
        %get3A_1064 = arith.index_cast %get3A_1063 : i32 to index
        %get3A_1065 = arith.index_cast %add3A_1062 : i32 to index
        %get3A_1066 = tpu.vector_load %arg7[%get3A_1064, %get3A_1065] {strides = array<i32>} : memref<2x16384xf32, #tpu.memory_space<vmem>>, vector<16xf32>,
        %max3A_1067 = arith.maximumf %max3A_1039, %get3A_1066 : vector<16xf32>
        %add3A_1068 = arith.constant 1040 : i32
        %add3A_1069 = arith.addi %mul3A_612, %add3A_1068 : i32
        %get3A_1070 = arith.constant 0 : i32
        %get3A_1071 = arith.index_cast %get3A_1070 : i32 to index
        %get3A_1072 = arith.index_cast %add3A_1069 : i32 to index
        %get3A_1073 = tpu.vector_load %arg7[%get3A_1071, %get3A_1072] {strides = array<i32>} : memref<2x16384xf32, #tpu.memory_space<vmem>>, vector<16xf32>,
        %max3A_1074 = arith.maximumf %max3A_1046, %get3A_1073 : vector<16xf32>
        %add3A_1075 = arith.constant 1056 : i32
        %add3A_1076 = arith.addi %mul3A_612, %add3A_1075 : i32
        %get3A_1077 = arith.constant 0 : i32
        %get3A_1078 = arith.index_cast %get3A_1077 : i32 to index
        %get3A_1079 = arith.index_cast %add3A_1076 : i32 to index
        %get3A_1080 = tpu.vector_load %arg7[%get3A_1078, %get3A_1079] {strides = array<i32>} : memref<2x16384xf32, #tpu.memory_space<vmem>>, vector<16xf32>,
        %max3A_1081 = arith.maximumf %max3A_1053, %get3A_1080 : vector<16xf32>
        %add3A_1082 = arith.constant 1072 : i32
        %add3A_1083 = arith.addi %mul3A_612, %add3A_1082 : i32
        %get3A_1084 = arith.constant 0 : i32
        %get3A_1085 = arith.index_cast %get3A_1084 : i32 to index
        %get3A_1086 = arith.index_cast %add3A_1083 : i32 to index
        %get3A_1087 = tpu.vector_load %arg7[%get3A_1085, %get3A_1086] {strides = array<i32>} : memref<2x16384xf32, #tpu.memory_space<vmem>>, vector<16xf32>,
        %max3A_1088 = arith.maximumf %max3A_1060, %get3A_1087 : vector<16xf32>
        %add3A_1089 = arith.constant 1088 : i32
        %add3A_1090 = arith.addi %mul3A_612, %add3A_1089 : i32
        %get3A_1091 = arith.constant 0 : i32
        %get3A_1092 = arith.index_cast %get3A_1091 : i32 to index
        %get3A_1093 = arith.index_cast %add3A_1090 : i32 to index
        %get3A_1094 = tpu.vector_load %arg7[%get3A_1092, %get3A_1093] {strides = array<i32>} : memref<2x16384xf32, #tpu.memory_space<vmem>>, vector<16xf32>,
        %max3A_1095 = arith.maximumf %max3A_1067, %get3A_1094 : vector<16xf32>
        %add3A_1096 = arith.constant 1104 : i32
        %add3A_1097 = arith.addi %mul3A_612, %add3A_1096 : i32
        %get3A_1098 = arith.constant 0 : i32
        %get3A_1099 = arith.index_cast %get3A_1098 : i32 to index
        %get3A_1100 = arith.index_cast %add3A_1097 : i32 to index
        %get3A_1101 = tpu.vector_load %arg7[%get3A_1099, %get3A_1100] {strides = array<i32>} : memref<2x16384xf32, #tpu.memory_space<vmem>>, vector<16xf32>,
        %max3A_1102 = arith.maximumf %max3A_1074, %get3A_1101 : vector<16xf32>
        %add3A_1103 = arith.constant 1120 : i32
        %add3A_1104 = arith.addi %mul3A_612, %add3A_1103 : i32
        %get3A_1105 = arith.constant 0 : i32
        %get3A_1106 = arith.index_cast %get3A_1105 : i32 to index
        %get3A_1107 = arith.index_cast %add3A_1104 : i32 to index
        %get3A_1108 = tpu.vector_load %arg7[%get3A_1106, %get3A_1107] {strides = array<i32>} : memref<2x16384xf32, #tpu.memory_space<vmem>>, vector<16xf32>,
        %max3A_1109 = arith.maximumf %max3A_1081, %get3A_1108 : vector<16xf32>
        %add3A_1110 = arith.constant 1136 : i32
        %add3A_1111 = arith.addi %mul3A_612, %add3A_1110 : i32
        %get3A_1112 = arith.constant 0 : i32
        %get3A_1113 = arith.index_cast %get3A_1112 : i32 to index
        %get3A_1114 = arith.index_cast %add3A_1111 : i32 to index
        %get3A_1115 = tpu.vector_load %arg7[%get3A_1113, %get3A_1114] {strides = array<i32>} : memref<2x16384xf32, #tpu.memory_space<vmem>>, vector<16xf32>,
        %max3A_1116 = arith.maximumf %max3A_1088, %get3A_1115 : vector<16xf32>
        %add3A_1117 = arith.constant 1152 : i32
        %add3A_1118 = arith.addi %mul3A_612, %add3A_1117 : i32
        %get3A_1119 = arith.constant 0 : i32
        %get3A_1120 = arith.index_cast %get3A_1119 : i32 to index
        %get3A_1121 = arith.index_cast %add3A_1118 : i32 to index
        %get3A_1122 = tpu.vector_load %arg7[%get3A_1120, %get3A_1121] {strides = array<i32>} : memref<2x16384xf32, #tpu.memory_space<vmem>>, vector<16xf32>,
        %max3A_1123 = arith.maximumf %max3A_1095, %get3A_1122 : vector<16xf32>
        %add3A_1124 = arith.constant 1168 : i32
        %add3A_1125 = arith.addi %mul3A_612, %add3A_1124 : i32
        %get3A_1126 = arith.constant 0 : i32
        %get3A_1127 = arith.index_cast %get3A_1126 : i32 to index
        %get3A_1128 = arith.index_cast %add3A_1125 : i32 to index
        %get3A_1129 = tpu.vector_load %arg7[%get3A_1127, %get3A_1128] {strides = array<i32>} : memref<2x16384xf32, #tpu.memory_space<vmem>>, vector<16xf32>,
        %max3A_1130 = arith.maximumf %max3A_1102, %get3A_1129 : vector<16xf32>
        %add3A_1131 = arith.constant 1184 : i32
        %add3A_1132 = arith.addi %mul3A_612, %add3A_1131 : i32
        %get3A_1133 = arith.constant 0 : i32
        %get3A_1134 = arith.index_cast %get3A_1133 : i32 to index
        %get3A_1135 = arith.index_cast %add3A_1132 : i32 to index
        %get3A_1136 = tpu.vector_load %arg7[%get3A_1134, %get3A_1135] {strides = array<i32>} : memref<2x16384xf32, #tpu.memory_space<vmem>>, vector<16xf32>,
        %max3A_1137 = arith.maximumf %max3A_1109, %get3A_1136 : vector<16xf32>
        %add3A_1138 = arith.constant 1200 : i32
        %add3A_1139 = arith.addi %mul3A_612, %add3A_1138 : i32
        %get3A_1140 = arith.constant 0 : i32
        %get3A_1141 = arith.index_cast %get3A_1140 : i32 to index
        %get3A_1142 = arith.index_cast %add3A_1139 : i32 to index
        %get3A_1143 = tpu.vector_load %arg7[%get3A_1141, %get3A_1142] {strides = array<i32>} : memref<2x16384xf32, #tpu.memory_space<vmem>>, vector<16xf32>,
        %max3A_1144 = arith.maximumf %max3A_1116, %get3A_1143 : vector<16xf32>
        %add3A_1145 = arith.constant 1216 : i32
        %add3A_1146 = arith.addi %mul3A_612, %add3A_1145 : i32
        %get3A_1147 = arith.constant 0 : i32
        %get3A_1148 = arith.index_cast %get3A_1147 : i32 to index
        %get3A_1149 = arith.index_cast %add3A_1146 : i32 to index
        %get3A_1150 = tpu.vector_load %arg7[%get3A_1148, %get3A_1149] {strides = array<i32>} : memref<2x16384xf32, #tpu.memory_space<vmem>>, vector<16xf32>,
        %max3A_1151 = arith.maximumf %max3A_1123, %get3A_1150 : vector<16xf32>
        %add3A_1152 = arith.constant 1232 : i32
        %add3A_1153 = arith.addi %mul3A_612, %add3A_1152 : i32
        %get3A_1154 = arith.constant 0 : i32
        %get3A_1155 = arith.index_cast %get3A_1154 : i32 to index
        %get3A_1156 = arith.index_cast %add3A_1153 : i32 to index
        %get3A_1157 = tpu.vector_load %arg7[%get3A_1155, %get3A_1156] {strides = array<i32>} : memref<2x16384xf32, #tpu.memory_space<vmem>>, vector<16xf32>,
        %max3A_1158 = arith.maximumf %max3A_1130, %get3A_1157 : vector<16xf32>
        %add3A_1159 = arith.constant 1248 : i32
        %add3A_1160 = arith.addi %mul3A_612, %add3A_1159 : i32
        %get3A_1161 = arith.constant 0 : i32
        %get3A_1162 = arith.index_cast %get3A_1161 : i32 to index
        %get3A_1163 = arith.index_cast %add3A_1160 : i32 to index
        %get3A_1164 = tpu.vector_load %arg7[%get3A_1162, %get3A_1163] {strides = array<i32>} : memref<2x16384xf32, #tpu.memory_space<vmem>>, vector<16xf32>,
        %max3A_1165 = arith.maximumf %max3A_1137, %get3A_1164 : vector<16xf32>
        %add3A_1166 = arith.constant 1264 : i32
        %add3A_1167 = arith.addi %mul3A_612, %add3A_1166 : i32
        %get3A_1168 = arith.constant 0 : i32
        %get3A_1169 = arith.index_cast %get3A_1168 : i32 to index
        %get3A_1170 = arith.index_cast %add3A_1167 : i32 to index
        %get3A_1171 = tpu.vector_load %arg7[%get3A_1169, %get3A_1170] {strides = array<i32>} : memref<2x16384xf32, #tpu.memory_space<vmem>>, vector<16xf32>,
        %max3A_1172 = arith.maximumf %max3A_1144, %get3A_1171 : vector<16xf32>
        %add3A_1173 = arith.constant 1280 : i32
        %add3A_1174 = arith.addi %mul3A_612, %add3A_1173 : i32
        %get3A_1175 = arith.constant 0 : i32
        %get3A_1176 = arith.index_cast %get3A_1175 : i32 to index
        %get3A_1177 = arith.index_cast %add3A_1174 : i32 to index
        %get3A_1178 = tpu.vector_load %arg7[%get3A_1176, %get3A_1177] {strides = array<i32>} : memref<2x16384xf32, #tpu.memory_space<vmem>>, vector<16xf32>,
        %max3A_1179 = arith.maximumf %max3A_1151, %get3A_1178 : vector<16xf32>
        %add3A_1180 = arith.constant 1296 : i32
        %add3A_1181 = arith.addi %mul3A_612, %add3A_1180 : i32
        %get3A_1182 = arith.constant 0 : i32
        %get3A_1183 = arith.index_cast %get3A_1182 : i32 to index
        %get3A_1184 = arith.index_cast %add3A_1181 : i32 to index
        %get3A_1185 = tpu.vector_load %arg7[%get3A_1183, %get3A_1184] {strides = array<i32>} : memref<2x16384xf32, #tpu.memory_space<vmem>>, vector<16xf32>,
        %max3A_1186 = arith.maximumf %max3A_1158, %get3A_1185 : vector<16xf32>
        %add3A_1187 = arith.constant 1312 : i32
        %add3A_1188 = arith.addi %mul3A_612, %add3A_1187 : i32
        %get3A_1189 = arith.constant 0 : i32
        %get3A_1190 = arith.index_cast %get3A_1189 : i32 to index
        %get3A_1191 = arith.index_cast %add3A_1188 : i32 to index
        %get3A_1192 = tpu.vector_load %arg7[%get3A_1190, %get3A_1191] {strides = array<i32>} : memref<2x16384xf32, #tpu.memory_space<vmem>>, vector<16xf32>,
        %max3A_1193 = arith.maximumf %max3A_1165, %get3A_1192 : vector<16xf32>
        %add3A_1194 = arith.constant 1328 : i32
        %add3A_1195 = arith.addi %mul3A_612, %add3A_1194 : i32
        %get3A_1196 = arith.constant 0 : i32
        %get3A_1197 = arith.index_cast %get3A_1196 : i32 to index
        %get3A_1198 = arith.index_cast %add3A_1195 : i32 to index
        %get3A_1199 = tpu.vector_load %arg7[%get3A_1197, %get3A_1198] {strides = array<i32>} : memref<2x16384xf32, #tpu.memory_space<vmem>>, vector<16xf32>,
        %max3A_1200 = arith.maximumf %max3A_1172, %get3A_1199 : vector<16xf32>
        %add3A_1201 = arith.constant 1344 : i32
        %add3A_1202 = arith.addi %mul3A_612, %add3A_1201 : i32
        %get3A_1203 = arith.constant 0 : i32
        %get3A_1204 = arith.index_cast %get3A_1203 : i32 to index
        %get3A_1205 = arith.index_cast %add3A_1202 : i32 to index
        %get3A_1206 = tpu.vector_load %arg7[%get3A_1204, %get3A_1205] {strides = array<i32>} : memref<2x16384xf32, #tpu.memory_space<vmem>>, vector<16xf32>,
        %max3A_1207 = arith.maximumf %max3A_1179, %get3A_1206 : vector<16xf32>
        %add3A_1208 = arith.constant 1360 : i32
        %add3A_1209 = arith.addi %mul3A_612, %add3A_1208 : i32
        %get3A_1210 = arith.constant 0 : i32
        %get3A_1211 = arith.index_cast %get3A_1210 : i32 to index
        %get3A_1212 = arith.index_cast %add3A_1209 : i32 to index
        %get3A_1213 = tpu.vector_load %arg7[%get3A_1211, %get3A_1212] {strides = array<i32>} : memref<2x16384xf32, #tpu.memory_space<vmem>>, vector<16xf32>,
        %max3A_1214 = arith.maximumf %max3A_1186, %get3A_1213 : vector<16xf32>
        %add3A_1215 = arith.constant 1376 : i32
        %add3A_1216 = arith.addi %mul3A_612, %add3A_1215 : i32
        %get3A_1217 = arith.constant 0 : i32
        %get3A_1218 = arith.index_cast %get3A_1217 : i32 to index
        %get3A_1219 = arith.index_cast %add3A_1216 : i32 to index
        %get3A_1220 = tpu.vector_load %arg7[%get3A_1218, %get3A_1219] {strides = array<i32>} : memref<2x16384xf32, #tpu.memory_space<vmem>>, vector<16xf32>,
        %max3A_1221 = arith.maximumf %max3A_1193, %get3A_1220 : vector<16xf32>
        %add3A_1222 = arith.constant 1392 : i32
        %add3A_1223 = arith.addi %mul3A_612, %add3A_1222 : i32
        %get3A_1224 = arith.constant 0 : i32
        %get3A_1225 = arith.index_cast %get3A_1224 : i32 to index
        %get3A_1226 = arith.index_cast %add3A_1223 : i32 to index
        %get3A_1227 = tpu.vector_load %arg7[%get3A_1225, %get3A_1226] {strides = array<i32>} : memref<2x16384xf32, #tpu.memory_space<vmem>>, vector<16xf32>,
        %max3A_1228 = arith.maximumf %max3A_1200, %get3A_1227 : vector<16xf32>
        %add3A_1229 = arith.constant 1408 : i32
        %add3A_1230 = arith.addi %mul3A_612, %add3A_1229 : i32
        %get3A_1231 = arith.constant 0 : i32
        %get3A_1232 = arith.index_cast %get3A_1231 : i32 to index
        %get3A_1233 = arith.index_cast %add3A_1230 : i32 to index
        %get3A_1234 = tpu.vector_load %arg7[%get3A_1232, %get3A_1233] {strides = array<i32>} : memref<2x16384xf32, #tpu.memory_space<vmem>>, vector<16xf32>,
        %max3A_1235 = arith.maximumf %max3A_1207, %get3A_1234 : vector<16xf32>
        %add3A_1236 = arith.constant 1424 : i32
        %add3A_1237 = arith.addi %mul3A_612, %add3A_1236 : i32
        %get3A_1238 = arith.constant 0 : i32
        %get3A_1239 = arith.index_cast %get3A_1238 : i32 to index
        %get3A_1240 = arith.index_cast %add3A_1237 : i32 to index
        %get3A_1241 = tpu.vector_load %arg7[%get3A_1239, %get3A_1240] {strides = array<i32>} : memref<2x16384xf32, #tpu.memory_space<vmem>>, vector<16xf32>,
        %max3A_1242 = arith.maximumf %max3A_1214, %get3A_1241 : vector<16xf32>
        %add3A_1243 = arith.constant 1440 : i32
        %add3A_1244 = arith.addi %mul3A_612, %add3A_1243 : i32
        %get3A_1245 = arith.constant 0 : i32
        %get3A_1246 = arith.index_cast %get3A_1245 : i32 to index
        %get3A_1247 = arith.index_cast %add3A_1244 : i32 to index
        %get3A_1248 = tpu.vector_load %arg7[%get3A_1246, %get3A_1247] {strides = array<i32>} : memref<2x16384xf32, #tpu.memory_space<vmem>>, vector<16xf32>,
        %max3A_1249 = arith.maximumf %max3A_1221, %get3A_1248 : vector<16xf32>
        %add3A_1250 = arith.constant 1456 : i32
        %add3A_1251 = arith.addi %mul3A_612, %add3A_1250 : i32
        %get3A_1252 = arith.constant 0 : i32
        %get3A_1253 = arith.index_cast %get3A_1252 : i32 to index
        %get3A_1254 = arith.index_cast %add3A_1251 : i32 to index
        %get3A_1255 = tpu.vector_load %arg7[%get3A_1253, %get3A_1254] {strides = array<i32>} : memref<2x16384xf32, #tpu.memory_space<vmem>>, vector<16xf32>,
        %max3A_1256 = arith.maximumf %max3A_1228, %get3A_1255 : vector<16xf32>
        %add3A_1257 = arith.constant 1472 : i32
        %add3A_1258 = arith.addi %mul3A_612, %add3A_1257 : i32
        %get3A_1259 = arith.constant 0 : i32
        %get3A_1260 = arith.index_cast %get3A_1259 : i32 to index
        %get3A_1261 = arith.index_cast %add3A_1258 : i32 to index
        %get3A_1262 = tpu.vector_load %arg7[%get3A_1260, %get3A_1261] {strides = array<i32>} : memref<2x16384xf32, #tpu.memory_space<vmem>>, vector<16xf32>,
        %max3A_1263 = arith.maximumf %max3A_1235, %get3A_1262 : vector<16xf32>
        %add3A_1264 = arith.constant 1488 : i32
        %add3A_1265 = arith.addi %mul3A_612, %add3A_1264 : i32
        %get3A_1266 = arith.constant 0 : i32
        %get3A_1267 = arith.index_cast %get3A_1266 : i32 to index
        %get3A_1268 = arith.index_cast %add3A_1265 : i32 to index
        %get3A_1269 = tpu.vector_load %arg7[%get3A_1267, %get3A_1268] {strides = array<i32>} : memref<2x16384xf32, #tpu.memory_space<vmem>>, vector<16xf32>,
        %max3A_1270 = arith.maximumf %max3A_1242, %get3A_1269 : vector<16xf32>
        %add3A_1271 = arith.constant 1504 : i32
        %add3A_1272 = arith.addi %mul3A_612, %add3A_1271 : i32
        %get3A_1273 = arith.constant 0 : i32
        %get3A_1274 = arith.index_cast %get3A_1273 : i32 to index
        %get3A_1275 = arith.index_cast %add3A_1272 : i32 to index
        %get3A_1276 = tpu.vector_load %arg7[%get3A_1274, %get3A_1275] {strides = array<i32>} : memref<2x16384xf32, #tpu.memory_space<vmem>>, vector<16xf32>,
        %max3A_1277 = arith.maximumf %max3A_1249, %get3A_1276 : vector<16xf32>
        %add3A_1278 = arith.constant 1520 : i32
        %add3A_1279 = arith.addi %mul3A_612, %add3A_1278 : i32
        %get3A_1280 = arith.constant 0 : i32
        %get3A_1281 = arith.index_cast %get3A_1280 : i32 to index
        %get3A_1282 = arith.index_cast %add3A_1279 : i32 to index
        %get3A_1283 = tpu.vector_load %arg7[%get3A_1281, %get3A_1282] {strides = array<i32>} : memref<2x16384xf32, #tpu.memory_space<vmem>>, vector<16xf32>,
        %max3A_1284 = arith.maximumf %max3A_1256, %get3A_1283 : vector<16xf32>
        %add3A_1285 = arith.constant 1536 : i32
        %add3A_1286 = arith.addi %mul3A_612, %add3A_1285 : i32
        %get3A_1287 = arith.constant 0 : i32
        %get3A_1288 = arith.index_cast %get3A_1287 : i32 to index
        %get3A_1289 = arith.index_cast %add3A_1286 : i32 to index
        %get3A_1290 = tpu.vector_load %arg7[%get3A_1288, %get3A_1289] {strides = array<i32>} : memref<2x16384xf32, #tpu.memory_space<vmem>>, vector<16xf32>,
        %max3A_1291 = arith.maximumf %max3A_1263, %get3A_1290 : vector<16xf32>
        %add3A_1292 = arith.constant 1552 : i32
        %add3A_1293 = arith.addi %mul3A_612, %add3A_1292 : i32
        %get3A_1294 = arith.constant 0 : i32
        %get3A_1295 = arith.index_cast %get3A_1294 : i32 to index
        %get3A_1296 = arith.index_cast %add3A_1293 : i32 to index
        %get3A_1297 = tpu.vector_load %arg7[%get3A_1295, %get3A_1296] {strides = array<i32>} : memref<2x16384xf32, #tpu.memory_space<vmem>>, vector<16xf32>,
        %max3A_1298 = arith.maximumf %max3A_1270, %get3A_1297 : vector<16xf32>
        %add3A_1299 = arith.constant 1568 : i32
        %add3A_1300 = arith.addi %mul3A_612, %add3A_1299 : i32
        %get3A_1301 = arith.constant 0 : i32
        %get3A_1302 = arith.index_cast %get3A_1301 : i32 to index
        %get3A_1303 = arith.index_cast %add3A_1300 : i32 to index
        %get3A_1304 = tpu.vector_load %arg7[%get3A_1302, %get3A_1303] {strides = array<i32>} : memref<2x16384xf32, #tpu.memory_space<vmem>>, vector<16xf32>,
        %max3A_1305 = arith.maximumf %max3A_1277, %get3A_1304 : vector<16xf32>
        %add3A_1306 = arith.constant 1584 : i32
        %add3A_1307 = arith.addi %mul3A_612, %add3A_1306 : i32
        %get3A_1308 = arith.constant 0 : i32
        %get3A_1309 = arith.index_cast %get3A_1308 : i32 to index
        %get3A_1310 = arith.index_cast %add3A_1307 : i32 to index
        %get3A_1311 = tpu.vector_load %arg7[%get3A_1309, %get3A_1310] {strides = array<i32>} : memref<2x16384xf32, #tpu.memory_space<vmem>>, vector<16xf32>,
        %max3A_1312 = arith.maximumf %max3A_1284, %get3A_1311 : vector<16xf32>
        %add3A_1313 = arith.constant 1600 : i32
        %add3A_1314 = arith.addi %mul3A_612, %add3A_1313 : i32
        %get3A_1315 = arith.constant 0 : i32
        %get3A_1316 = arith.index_cast %get3A_1315 : i32 to index
        %get3A_1317 = arith.index_cast %add3A_1314 : i32 to index
        %get3A_1318 = tpu.vector_load %arg7[%get3A_1316, %get3A_1317] {strides = array<i32>} : memref<2x16384xf32, #tpu.memory_space<vmem>>, vector<16xf32>,
        %max3A_1319 = arith.maximumf %max3A_1291, %get3A_1318 : vector<16xf32>
        %add3A_1320 = arith.constant 1616 : i32
        %add3A_1321 = arith.addi %mul3A_612, %add3A_1320 : i32
        %get3A_1322 = arith.constant 0 : i32
        %get3A_1323 = arith.index_cast %get3A_1322 : i32 to index
        %get3A_1324 = arith.index_cast %add3A_1321 : i32 to index
        %get3A_1325 = tpu.vector_load %arg7[%get3A_1323, %get3A_1324] {strides = array<i32>} : memref<2x16384xf32, #tpu.memory_space<vmem>>, vector<16xf32>,
        %max3A_1326 = arith.maximumf %max3A_1298, %get3A_1325 : vector<16xf32>
        %add3A_1327 = arith.constant 1632 : i32
        %add3A_1328 = arith.addi %mul3A_612, %add3A_1327 : i32
        %get3A_1329 = arith.constant 0 : i32
        %get3A_1330 = arith.index_cast %get3A_1329 : i32 to index
        %get3A_1331 = arith.index_cast %add3A_1328 : i32 to index
        %get3A_1332 = tpu.vector_load %arg7[%get3A_1330, %get3A_1331] {strides = array<i32>} : memref<2x16384xf32, #tpu.memory_space<vmem>>, vector<16xf32>,
        %max3A_1333 = arith.maximumf %max3A_1305, %get3A_1332 : vector<16xf32>
        %add3A_1334 = arith.constant 1648 : i32
        %add3A_1335 = arith.addi %mul3A_612, %add3A_1334 : i32
        %get3A_1336 = arith.constant 0 : i32
        %get3A_1337 = arith.index_cast %get3A_1336 : i32 to index
        %get3A_1338 = arith.index_cast %add3A_1335 : i32 to index
        %get3A_1339 = tpu.vector_load %arg7[%get3A_1337, %get3A_1338] {strides = array<i32>} : memref<2x16384xf32, #tpu.memory_space<vmem>>, vector<16xf32>,
        %max3A_1340 = arith.maximumf %max3A_1312, %get3A_1339 : vector<16xf32>
        %add3A_1341 = arith.constant 1664 : i32
        %add3A_1342 = arith.addi %mul3A_612, %add3A_1341 : i32
        %get3A_1343 = arith.constant 0 : i32
        %get3A_1344 = arith.index_cast %get3A_1343 : i32 to index
        %get3A_1345 = arith.index_cast %add3A_1342 : i32 to index
        %get3A_1346 = tpu.vector_load %arg7[%get3A_1344, %get3A_1345] {strides = array<i32>} : memref<2x16384xf32, #tpu.memory_space<vmem>>, vector<16xf32>,
        %max3A_1347 = arith.maximumf %max3A_1319, %get3A_1346 : vector<16xf32>
        %add3A_1348 = arith.constant 1680 : i32
        %add3A_1349 = arith.addi %mul3A_612, %add3A_1348 : i32
        %get3A_1350 = arith.constant 0 : i32
        %get3A_1351 = arith.index_cast %get3A_1350 : i32 to index
        %get3A_1352 = arith.index_cast %add3A_1349 : i32 to index
        %get3A_1353 = tpu.vector_load %arg7[%get3A_1351, %get3A_1352] {strides = array<i32>} : memref<2x16384xf32, #tpu.memory_space<vmem>>, vector<16xf32>,
        %max3A_1354 = arith.maximumf %max3A_1326, %get3A_1353 : vector<16xf32>
        %add3A_1355 = arith.constant 1696 : i32
        %add3A_1356 = arith.addi %mul3A_612, %add3A_1355 : i32
        %get3A_1357 = arith.constant 0 : i32
        %get3A_1358 = arith.index_cast %get3A_1357 : i32 to index
        %get3A_1359 = arith.index_cast %add3A_1356 : i32 to index
        %get3A_1360 = tpu.vector_load %arg7[%get3A_1358, %get3A_1359] {strides = array<i32>} : memref<2x16384xf32, #tpu.memory_space<vmem>>, vector<16xf32>,
        %max3A_1361 = arith.maximumf %max3A_1333, %get3A_1360 : vector<16xf32>
        %add3A_1362 = arith.constant 1712 : i32
        %add3A_1363 = arith.addi %mul3A_612, %add3A_1362 : i32
        %get3A_1364 = arith.constant 0 : i32
        %get3A_1365 = arith.index_cast %get3A_1364 : i32 to index
        %get3A_1366 = arith.index_cast %add3A_1363 : i32 to index
        %get3A_1367 = tpu.vector_load %arg7[%get3A_1365, %get3A_1366] {strides = array<i32>} : memref<2x16384xf32, #tpu.memory_space<vmem>>, vector<16xf32>,
        %max3A_1368 = arith.maximumf %max3A_1340, %get3A_1367 : vector<16xf32>
        %add3A_1369 = arith.constant 1728 : i32
        %add3A_1370 = arith.addi %mul3A_612, %add3A_1369 : i32
        %get3A_1371 = arith.constant 0 : i32
        %get3A_1372 = arith.index_cast %get3A_1371 : i32 to index
        %get3A_1373 = arith.index_cast %add3A_1370 : i32 to index
        %get3A_1374 = tpu.vector_load %arg7[%get3A_1372, %get3A_1373] {strides = array<i32>} : memref<2x16384xf32, #tpu.memory_space<vmem>>, vector<16xf32>,
        %max3A_1375 = arith.maximumf %max3A_1347, %get3A_1374 : vector<16xf32>
        %add3A_1376 = arith.constant 1744 : i32
        %add3A_1377 = arith.addi %mul3A_612, %add3A_1376 : i32
        %get3A_1378 = arith.constant 0 : i32
        %get3A_1379 = arith.index_cast %get3A_1378 : i32 to index
        %get3A_1380 = arith.index_cast %add3A_1377 : i32 to index
        %get3A_1381 = tpu.vector_load %arg7[%get3A_1379, %get3A_1380] {strides = array<i32>} : memref<2x16384xf32, #tpu.memory_space<vmem>>, vector<16xf32>,
        %max3A_1382 = arith.maximumf %max3A_1354, %get3A_1381 : vector<16xf32>
        %add3A_1383 = arith.constant 1760 : i32
        %add3A_1384 = arith.addi %mul3A_612, %add3A_1383 : i32
        %get3A_1385 = arith.constant 0 : i32
        %get3A_1386 = arith.index_cast %get3A_1385 : i32 to index
        %get3A_1387 = arith.index_cast %add3A_1384 : i32 to index
        %get3A_1388 = tpu.vector_load %arg7[%get3A_1386, %get3A_1387] {strides = array<i32>} : memref<2x16384xf32, #tpu.memory_space<vmem>>, vector<16xf32>,
        %max3A_1389 = arith.maximumf %max3A_1361, %get3A_1388 : vector<16xf32>
        %add3A_1390 = arith.constant 1776 : i32
        %add3A_1391 = arith.addi %mul3A_612, %add3A_1390 : i32
        %get3A_1392 = arith.constant 0 : i32
        %get3A_1393 = arith.index_cast %get3A_1392 : i32 to index
        %get3A_1394 = arith.index_cast %add3A_1391 : i32 to index
        %get3A_1395 = tpu.vector_load %arg7[%get3A_1393, %get3A_1394] {strides = array<i32>} : memref<2x16384xf32, #tpu.memory_space<vmem>>, vector<16xf32>,
        %max3A_1396 = arith.maximumf %max3A_1368, %get3A_1395 : vector<16xf32>
        %add3A_1397 = arith.constant 1792 : i32
        %add3A_1398 = arith.addi %mul3A_612, %add3A_1397 : i32
        %get3A_1399 = arith.constant 0 : i32
        %get3A_1400 = arith.index_cast %get3A_1399 : i32 to index
        %get3A_1401 = arith.index_cast %add3A_1398 : i32 to index
        %get3A_1402 = tpu.vector_load %arg7[%get3A_1400, %get3A_1401] {strides = array<i32>} : memref<2x16384xf32, #tpu.memory_space<vmem>>, vector<16xf32>,
        %max3A_1403 = arith.maximumf %max3A_1375, %get3A_1402 : vector<16xf32>
        %add3A_1404 = arith.constant 1808 : i32
        %add3A_1405 = arith.addi %mul3A_612, %add3A_1404 : i32
        %get3A_1406 = arith.constant 0 : i32
        %get3A_1407 = arith.index_cast %get3A_1406 : i32 to index
        %get3A_1408 = arith.index_cast %add3A_1405 : i32 to index
        %get3A_1409 = tpu.vector_load %arg7[%get3A_1407, %get3A_1408] {strides = array<i32>} : memref<2x16384xf32, #tpu.memory_space<vmem>>, vector<16xf32>,
        %max3A_1410 = arith.maximumf %max3A_1382, %get3A_1409 : vector<16xf32>
        %add3A_1411 = arith.constant 1824 : i32
        %add3A_1412 = arith.addi %mul3A_612, %add3A_1411 : i32
        %get3A_1413 = arith.constant 0 : i32
        %get3A_1414 = arith.index_cast %get3A_1413 : i32 to index
        %get3A_1415 = arith.index_cast %add3A_1412 : i32 to index
        %get3A_1416 = tpu.vector_load %arg7[%get3A_1414, %get3A_1415] {strides = array<i32>} : memref<2x16384xf32, #tpu.memory_space<vmem>>, vector<16xf32>,
        %max3A_1417 = arith.maximumf %max3A_1389, %get3A_1416 : vector<16xf32>
        %add3A_1418 = arith.constant 1840 : i32
        %add3A_1419 = arith.addi %mul3A_612, %add3A_1418 : i32
        %get3A_1420 = arith.constant 0 : i32
        %get3A_1421 = arith.index_cast %get3A_1420 : i32 to index
        %get3A_1422 = arith.index_cast %add3A_1419 : i32 to index
        %get3A_1423 = tpu.vector_load %arg7[%get3A_1421, %get3A_1422] {strides = array<i32>} : memref<2x16384xf32, #tpu.memory_space<vmem>>, vector<16xf32>,
        %max3A_1424 = arith.maximumf %max3A_1396, %get3A_1423 : vector<16xf32>
        %add3A_1425 = arith.constant 1856 : i32
        %add3A_1426 = arith.addi %mul3A_612, %add3A_1425 : i32
        %get3A_1427 = arith.constant 0 : i32
        %get3A_1428 = arith.index_cast %get3A_1427 : i32 to index
        %get3A_1429 = arith.index_cast %add3A_1426 : i32 to index
        %get3A_1430 = tpu.vector_load %arg7[%get3A_1428, %get3A_1429] {strides = array<i32>} : memref<2x16384xf32, #tpu.memory_space<vmem>>, vector<16xf32>,
        %max3A_1431 = arith.maximumf %max3A_1403, %get3A_1430 : vector<16xf32>
        %add3A_1432 = arith.constant 1872 : i32
        %add3A_1433 = arith.addi %mul3A_612, %add3A_1432 : i32
        %get3A_1434 = arith.constant 0 : i32
        %get3A_1435 = arith.index_cast %get3A_1434 : i32 to index
        %get3A_1436 = arith.index_cast %add3A_1433 : i32 to index
        %get3A_1437 = tpu.vector_load %arg7[%get3A_1435, %get3A_1436] {strides = array<i32>} : memref<2x16384xf32, #tpu.memory_space<vmem>>, vector<16xf32>,
        %max3A_1438 = arith.maximumf %max3A_1410, %get3A_1437 : vector<16xf32>
        %add3A_1439 = arith.constant 1888 : i32
        %add3A_1440 = arith.addi %mul3A_612, %add3A_1439 : i32
        %get3A_1441 = arith.constant 0 : i32
        %get3A_1442 = arith.index_cast %get3A_1441 : i32 to index
        %get3A_1443 = arith.index_cast %add3A_1440 : i32 to index
        %get3A_1444 = tpu.vector_load %arg7[%get3A_1442, %get3A_1443] {strides = array<i32>} : memref<2x16384xf32, #tpu.memory_space<vmem>>, vector<16xf32>,
        %max3A_1445 = arith.maximumf %max3A_1417, %get3A_1444 : vector<16xf32>
        %add3A_1446 = arith.constant 1904 : i32
        %add3A_1447 = arith.addi %mul3A_612, %add3A_1446 : i32
        %get3A_1448 = arith.constant 0 : i32
        %get3A_1449 = arith.index_cast %get3A_1448 : i32 to index
        %get3A_1450 = arith.index_cast %add3A_1447 : i32 to index
        %get3A_1451 = tpu.vector_load %arg7[%get3A_1449, %get3A_1450] {strides = array<i32>} : memref<2x16384xf32, #tpu.memory_space<vmem>>, vector<16xf32>,
        %max3A_1452 = arith.maximumf %max3A_1424, %get3A_1451 : vector<16xf32>
        %add3A_1453 = arith.constant 1920 : i32
        %add3A_1454 = arith.addi %mul3A_612, %add3A_1453 : i32
        %get3A_1455 = arith.constant 0 : i32
        %get3A_1456 = arith.index_cast %get3A_1455 : i32 to index
        %get3A_1457 = arith.index_cast %add3A_1454 : i32 to index
        %get3A_1458 = tpu.vector_load %arg7[%get3A_1456, %get3A_1457] {strides = array<i32>} : memref<2x16384xf32, #tpu.memory_space<vmem>>, vector<16xf32>,
        %max3A_1459 = arith.maximumf %max3A_1431, %get3A_1458 : vector<16xf32>
        %add3A_1460 = arith.constant 1936 : i32
        %add3A_1461 = arith.addi %mul3A_612, %add3A_1460 : i32
        %get3A_1462 = arith.constant 0 : i32
        %get3A_1463 = arith.index_cast %get3A_1462 : i32 to index
        %get3A_1464 = arith.index_cast %add3A_1461 : i32 to index
        %get3A_1465 = tpu.vector_load %arg7[%get3A_1463, %get3A_1464] {strides = array<i32>} : memref<2x16384xf32, #tpu.memory_space<vmem>>, vector<16xf32>,
        %max3A_1466 = arith.maximumf %max3A_1438, %get3A_1465 : vector<16xf32>
        %add3A_1467 = arith.constant 1952 : i32
        %add3A_1468 = arith.addi %mul3A_612, %add3A_1467 : i32
        %get3A_1469 = arith.constant 0 : i32
        %get3A_1470 = arith.index_cast %get3A_1469 : i32 to index
        %get3A_1471 = arith.index_cast %add3A_1468 : i32 to index
        %get3A_1472 = tpu.vector_load %arg7[%get3A_1470, %get3A_1471] {strides = array<i32>} : memref<2x16384xf32, #tpu.memory_space<vmem>>, vector<16xf32>,
        %max3A_1473 = arith.maximumf %max3A_1445, %get3A_1472 : vector<16xf32>
        %add3A_1474 = arith.constant 1968 : i32
        %add3A_1475 = arith.addi %mul3A_612, %add3A_1474 : i32
        %get3A_1476 = arith.constant 0 : i32
        %get3A_1477 = arith.index_cast %get3A_1476 : i32 to index
        %get3A_1478 = arith.index_cast %add3A_1475 : i32 to index
        %get3A_1479 = tpu.vector_load %arg7[%get3A_1477, %get3A_1478] {strides = array<i32>} : memref<2x16384xf32, #tpu.memory_space<vmem>>, vector<16xf32>,
        %max3A_1480 = arith.maximumf %max3A_1452, %get3A_1479 : vector<16xf32>
        %add3A_1481 = arith.constant 1984 : i32
        %add3A_1482 = arith.addi %mul3A_612, %add3A_1481 : i32
        %get3A_1483 = arith.constant 0 : i32
        %get3A_1484 = arith.index_cast %get3A_1483 : i32 to index
        %get3A_1485 = arith.index_cast %add3A_1482 : i32 to index
        %get3A_1486 = tpu.vector_load %arg7[%get3A_1484, %get3A_1485] {strides = array<i32>} : memref<2x16384xf32, #tpu.memory_space<vmem>>, vector<16xf32>,
        %max3A_1487 = arith.maximumf %max3A_1459, %get3A_1486 : vector<16xf32>
        %add3A_1488 = arith.constant 2000 : i32
        %add3A_1489 = arith.addi %mul3A_612, %add3A_1488 : i32
        %get3A_1490 = arith.constant 0 : i32
        %get3A_1491 = arith.index_cast %get3A_1490 : i32 to index
        %get3A_1492 = arith.index_cast %add3A_1489 : i32 to index
        %get3A_1493 = tpu.vector_load %arg7[%get3A_1491, %get3A_1492] {strides = array<i32>} : memref<2x16384xf32, #tpu.memory_space<vmem>>, vector<16xf32>,
        %max3A_1494 = arith.maximumf %max3A_1466, %get3A_1493 : vector<16xf32>
        %add3A_1495 = arith.constant 2016 : i32
        %add3A_1496 = arith.addi %mul3A_612, %add3A_1495 : i32
        %get3A_1497 = arith.constant 0 : i32
        %get3A_1498 = arith.index_cast %get3A_1497 : i32 to index
        %get3A_1499 = arith.index_cast %add3A_1496 : i32 to index
        %get3A_1500 = tpu.vector_load %arg7[%get3A_1498, %get3A_1499] {strides = array<i32>} : memref<2x16384xf32, #tpu.memory_space<vmem>>, vector<16xf32>,
        %max3A_1501 = arith.maximumf %max3A_1473, %get3A_1500 : vector<16xf32>
        %add3A_1502 = arith.constant 2032 : i32
        %add3A_1503 = arith.addi %mul3A_612, %add3A_1502 : i32
        %get3A_1504 = arith.constant 0 : i32
        %get3A_1505 = arith.index_cast %get3A_1504 : i32 to index
        %get3A_1506 = arith.index_cast %add3A_1503 : i32 to index
        %get3A_1507 = tpu.vector_load %arg7[%get3A_1505, %get3A_1506] {strides = array<i32>} : memref<2x16384xf32, #tpu.memory_space<vmem>>, vector<16xf32>,
        %max3A_1508 = arith.maximumf %max3A_1480, %get3A_1507 : vector<16xf32>
        %max3A_1509 = arith.maximumf %max3A_1487, %max3A_1494 : vector<16xf32>
        %max3A_1510 = arith.maximumf %max3A_1501, %max3A_1508 : vector<16xf32>
        %max3A_1511 = arith.maximumf %max3A_1509, %max3A_1510 : vector<16xf32>
        %mul3A_1512 = arith.constant 8 : i32
        %mul3A_1513 = arith.muli %add3A_564, %mul3A_1512 : i32
        %add3A_1514 = arith.addi %mul3A_1513, %scan3A_609 : i32
        %mul3A_1515 = arith.constant 16 : i32
        %mul3A_1516 = arith.muli %add3A_1514, %mul3A_1515 : i32
        %swap3A_1517 = arith.index_cast %mul3A_1516 : i32 to index
        %swap3A_1518 = tpu.vector_load %arg12[%swap3A_1517] {strides = array<i32>} : memref<8192xf32, #tpu.memory_space<vmem>>, vector<16xf32>,
        tpu.vector_store %arg12[%swap3A_1517], %max3A_1511 {strides = array<i32>} : memref<8192xf32, #tpu.memory_space<vmem>>, vector<16xf32>,
        %broadcast_in_dim3A_1519 = vector.broadcast %add3A_1514 : i32 to vector<16xi32>
        %reduce_max3A_1520 = arith.constant true
        %reduce_max3A_1521 = vector.broadcast %reduce_max3A_1520 : i1 to vector<16xi1>
        %reduce_max3A_1522 = tpu.scan <max>, %max3A_1511 masked %reduce_max3A_1521 : vector<16xf32>, vector<16xi1> -> vector<16xf32>
        %reduce_max3A_1523 = vector.extract %reduce_max3A_1522[15] : f32 from vector<16xf32>
        %broadcast_in_dim3A_1524 = vector.broadcast %reduce_max3A_1523 : f32 to vector<16xf32>
        tpu.vector_store_idx %arg13[%broadcast_in_dim3A_1519], %broadcast_in_dim3A_1524 masked %eq3A_3 : memref<512xf32, #tpu.memory_space<vmem>>[vector<16xi32>], vector<16xf32>, vector<16xi1>
        %scan3A_1525 = arith.constant 0 : i32
        scf.yield %scan3A_1525 : i32
      }
      %scan3A_577 = arith.constant 8 : i32
      %add3A_578 = arith.constant 2 : i32
      %add3A_579 = arith.addi %add3A_564, %add3A_578 : i32
      %lt3A = arith.constant 61 : i32
      %lt3A_580 = arith.cmpi slt, %add3A_579, %lt3A : i32
      %convert_element_type3A_581 = arith.extui %lt3A_580 : i1 to i32
      %cond3A_582 = arith.constant 0 : i32
      %cond3A_583 = arith.cmpi ne, %convert_element_type3A_581, %cond3A_582 : i32
      scf.if %cond3A_583 {
        %add3A_609 = arith.constant 2 : i32
        %add3A_610 = arith.addi %add3A_564, %add3A_609 : i32
        %mul3A_611 = arith.constant 2 : i32
        %mul3A_612 = arith.muli %mul3A_611, %add3A : i32
        %mul3A_613 = arith.constant 16384 : i32
        %mul3A_614 = arith.muli %add3A_610, %mul3A_613 : i32
        %dma_start3A_615 = tpu.memref_slice %arg2[%mul3A_612, %mul3A_614] : memref<64x1000000xf32, #tpu.memory_space<hbm>> -> memref<2x16384xf32, #tpu.memory_space<hbm>>
        %dma_start3A_616 = tpu.memref_slice %arg2[%mul3A_612, %mul3A_614] : memref<64x1000000xf32, #tpu.memory_space<hbm>> -> memref<2x16384xf32, #tpu.memory_space<hbm>>
        tpu.enqueue_dma source(%dma_start3A_616 : memref<2x16384xf32, #tpu.memory_space<hbm>>) target(%arg7 : memref<2x16384xf32, #tpu.memory_space<vmem>>) target_semaphore(%arg24 : memref<!tpu.dma_semaphore, #tpu.memory_space<semaphore_mem>>)
      } else {
      }
      %mul3A_584 = arith.constant 2 : i32
      %mul3A_585 = arith.muli %mul3A_584, %scan3A_559 : i32
      %add3A_586 = arith.constant 1 : i32
      %add3A_587 = arith.addi %mul3A_585, %add3A_586 : i32
      %mul3A_588 = arith.constant 2 : i32
      %mul3A_589 = arith.muli %mul3A_588, %add3A : i32
      %mul3A_590 = arith.constant 16384 : i32
      %mul3A_591 = arith.muli %add3A_587, %mul3A_590 : i32
      %dma_wait3A_592 = tpu.memref_slice %arg2[%mul3A_589, %mul3A_591] : memref<64x1000000xf32, #tpu.memory_space<hbm>> -> memref<2x16384xf32, #tpu.memory_space<hbm>>
      %dma_wait3A_593 = tpu.memref_slice %arg2[%mul3A_589, %mul3A_591] : memref<64x1000000xf32, #tpu.memory_space<hbm>> -> memref<2x16384xf32, #tpu.memory_space<hbm>>
      tpu.wait_dma2 semaphore(%arg25 : memref<!tpu.dma_semaphore, #tpu.memory_space<semaphore_mem>>) src(%dma_wait3A_593 : memref<2x16384xf32, #tpu.memory_space<hbm>>) dst(%arg8 : memref<2x16384xf32, #tpu.memory_space<vmem>>)
      %scan3A_594 = arith.constant 0 : i32
      %scan3A_595 = arith.constant 0 : i32
      %scan3A_596 = arith.constant 8 : i32
      %scan3A_597 = arith.addi %scan3A_595, %scan3A_596 : i32
      %scan3A_598 = arith.constant 1 : i32
      %scan3A_599 = scf.for %scan3A_609 = %scan3A_595 to %scan3A_597 step %scan3A_598 iter_args(%scan3A_610 = %scan3A_594) -> (i32)  : i32 {
        %mul3A_611 = arith.constant 2048 : i32
        %mul3A_612 = arith.muli %scan3A_609, %mul3A_611 : i32
        %add3A_613 = arith.constant 0 : i32
        %add3A_614 = arith.addi %mul3A_612, %add3A_613 : i32
        %get3A_615 = arith.constant 0 : i32
        %get3A_616 = arith.index_cast %get3A_615 : i32 to index
        %get3A_617 = arith.index_cast %add3A_614 : i32 to index
        %get3A_618 = tpu.vector_load %arg8[%get3A_616, %get3A_617] {strides = array<i32>} : memref<2x16384xf32, #tpu.memory_space<vmem>>, vector<16xf32>,
        %max3A_619 = arith.maximumf %broadcast_in_dim3A_1, %get3A_618 : vector<16xf32>
        %add3A_620 = arith.constant 16 : i32
        %add3A_621 = arith.addi %mul3A_612, %add3A_620 : i32
        %get3A_622 = arith.constant 0 : i32
        %get3A_623 = arith.index_cast %get3A_622 : i32 to index
        %get3A_624 = arith.index_cast %add3A_621 : i32 to index
        %get3A_625 = tpu.vector_load %arg8[%get3A_623, %get3A_624] {strides = array<i32>} : memref<2x16384xf32, #tpu.memory_space<vmem>>, vector<16xf32>,
        %max3A_626 = arith.maximumf %broadcast_in_dim3A_1, %get3A_625 : vector<16xf32>
        %add3A_627 = arith.constant 32 : i32
        %add3A_628 = arith.addi %mul3A_612, %add3A_627 : i32
        %get3A_629 = arith.constant 0 : i32
        %get3A_630 = arith.index_cast %get3A_629 : i32 to index
        %get3A_631 = arith.index_cast %add3A_628 : i32 to index
        %get3A_632 = tpu.vector_load %arg8[%get3A_630, %get3A_631] {strides = array<i32>} : memref<2x16384xf32, #tpu.memory_space<vmem>>, vector<16xf32>,
        %max3A_633 = arith.maximumf %broadcast_in_dim3A_1, %get3A_632 : vector<16xf32>
        %add3A_634 = arith.constant 48 : i32
        %add3A_635 = arith.addi %mul3A_612, %add3A_634 : i32
        %get3A_636 = arith.constant 0 : i32
        %get3A_637 = arith.index_cast %get3A_636 : i32 to index
        %get3A_638 = arith.index_cast %add3A_635 : i32 to index
        %get3A_639 = tpu.vector_load %arg8[%get3A_637, %get3A_638] {strides = array<i32>} : memref<2x16384xf32, #tpu.memory_space<vmem>>, vector<16xf32>,
        %max3A_640 = arith.maximumf %broadcast_in_dim3A_1, %get3A_639 : vector<16xf32>
        %add3A_641 = arith.constant 64 : i32
        %add3A_642 = arith.addi %mul3A_612, %add3A_641 : i32
        %get3A_643 = arith.constant 0 : i32
        %get3A_644 = arith.index_cast %get3A_643 : i32 to index
        %get3A_645 = arith.index_cast %add3A_642 : i32 to index
        %get3A_646 = tpu.vector_load %arg8[%get3A_644, %get3A_645] {strides = array<i32>} : memref<2x16384xf32, #tpu.memory_space<vmem>>, vector<16xf32>,
        %max3A_647 = arith.maximumf %max3A_619, %get3A_646 : vector<16xf32>
        %add3A_648 = arith.constant 80 : i32
        %add3A_649 = arith.addi %mul3A_612, %add3A_648 : i32
        %get3A_650 = arith.constant 0 : i32
        %get3A_651 = arith.index_cast %get3A_650 : i32 to index
        %get3A_652 = arith.index_cast %add3A_649 : i32 to index
        %get3A_653 = tpu.vector_load %arg8[%get3A_651, %get3A_652] {strides = array<i32>} : memref<2x16384xf32, #tpu.memory_space<vmem>>, vector<16xf32>,
        %max3A_654 = arith.maximumf %max3A_626, %get3A_653 : vector<16xf32>
        %add3A_655 = arith.constant 96 : i32
        %add3A_656 = arith.addi %mul3A_612, %add3A_655 : i32
        %get3A_657 = arith.constant 0 : i32
        %get3A_658 = arith.index_cast %get3A_657 : i32 to index
        %get3A_659 = arith.index_cast %add3A_656 : i32 to index
        %get3A_660 = tpu.vector_load %arg8[%get3A_658, %get3A_659] {strides = array<i32>} : memref<2x16384xf32, #tpu.memory_space<vmem>>, vector<16xf32>,
        %max3A_661 = arith.maximumf %max3A_633, %get3A_660 : vector<16xf32>
        %add3A_662 = arith.constant 112 : i32
        %add3A_663 = arith.addi %mul3A_612, %add3A_662 : i32
        %get3A_664 = arith.constant 0 : i32
        %get3A_665 = arith.index_cast %get3A_664 : i32 to index
        %get3A_666 = arith.index_cast %add3A_663 : i32 to index
        %get3A_667 = tpu.vector_load %arg8[%get3A_665, %get3A_666] {strides = array<i32>} : memref<2x16384xf32, #tpu.memory_space<vmem>>, vector<16xf32>,
        %max3A_668 = arith.maximumf %max3A_640, %get3A_667 : vector<16xf32>
        %add3A_669 = arith.constant 128 : i32
        %add3A_670 = arith.addi %mul3A_612, %add3A_669 : i32
        %get3A_671 = arith.constant 0 : i32
        %get3A_672 = arith.index_cast %get3A_671 : i32 to index
        %get3A_673 = arith.index_cast %add3A_670 : i32 to index
        %get3A_674 = tpu.vector_load %arg8[%get3A_672, %get3A_673] {strides = array<i32>} : memref<2x16384xf32, #tpu.memory_space<vmem>>, vector<16xf32>,
        %max3A_675 = arith.maximumf %max3A_647, %get3A_674 : vector<16xf32>
        %add3A_676 = arith.constant 144 : i32
        %add3A_677 = arith.addi %mul3A_612, %add3A_676 : i32
        %get3A_678 = arith.constant 0 : i32
        %get3A_679 = arith.index_cast %get3A_678 : i32 to index
        %get3A_680 = arith.index_cast %add3A_677 : i32 to index
        %get3A_681 = tpu.vector_load %arg8[%get3A_679, %get3A_680] {strides = array<i32>} : memref<2x16384xf32, #tpu.memory_space<vmem>>, vector<16xf32>,
        %max3A_682 = arith.maximumf %max3A_654, %get3A_681 : vector<16xf32>
        %add3A_683 = arith.constant 160 : i32
        %add3A_684 = arith.addi %mul3A_612, %add3A_683 : i32
        %get3A_685 = arith.constant 0 : i32
        %get3A_686 = arith.index_cast %get3A_685 : i32 to index
        %get3A_687 = arith.index_cast %add3A_684 : i32 to index
        %get3A_688 = tpu.vector_load %arg8[%get3A_686, %get3A_687] {strides = array<i32>} : memref<2x16384xf32, #tpu.memory_space<vmem>>, vector<16xf32>,
        %max3A_689 = arith.maximumf %max3A_661, %get3A_688 : vector<16xf32>
        %add3A_690 = arith.constant 176 : i32
        %add3A_691 = arith.addi %mul3A_612, %add3A_690 : i32
        %get3A_692 = arith.constant 0 : i32
        %get3A_693 = arith.index_cast %get3A_692 : i32 to index
        %get3A_694 = arith.index_cast %add3A_691 : i32 to index
        %get3A_695 = tpu.vector_load %arg8[%get3A_693, %get3A_694] {strides = array<i32>} : memref<2x16384xf32, #tpu.memory_space<vmem>>, vector<16xf32>,
        %max3A_696 = arith.maximumf %max3A_668, %get3A_695 : vector<16xf32>
        %add3A_697 = arith.constant 192 : i32
        %add3A_698 = arith.addi %mul3A_612, %add3A_697 : i32
        %get3A_699 = arith.constant 0 : i32
        %get3A_700 = arith.index_cast %get3A_699 : i32 to index
        %get3A_701 = arith.index_cast %add3A_698 : i32 to index
        %get3A_702 = tpu.vector_load %arg8[%get3A_700, %get3A_701] {strides = array<i32>} : memref<2x16384xf32, #tpu.memory_space<vmem>>, vector<16xf32>,
        %max3A_703 = arith.maximumf %max3A_675, %get3A_702 : vector<16xf32>
        %add3A_704 = arith.constant 208 : i32
        %add3A_705 = arith.addi %mul3A_612, %add3A_704 : i32
        %get3A_706 = arith.constant 0 : i32
        %get3A_707 = arith.index_cast %get3A_706 : i32 to index
        %get3A_708 = arith.index_cast %add3A_705 : i32 to index
        %get3A_709 = tpu.vector_load %arg8[%get3A_707, %get3A_708] {strides = array<i32>} : memref<2x16384xf32, #tpu.memory_space<vmem>>, vector<16xf32>,
        %max3A_710 = arith.maximumf %max3A_682, %get3A_709 : vector<16xf32>
        %add3A_711 = arith.constant 224 : i32
        %add3A_712 = arith.addi %mul3A_612, %add3A_711 : i32
        %get3A_713 = arith.constant 0 : i32
        %get3A_714 = arith.index_cast %get3A_713 : i32 to index
        %get3A_715 = arith.index_cast %add3A_712 : i32 to index
        %get3A_716 = tpu.vector_load %arg8[%get3A_714, %get3A_715] {strides = array<i32>} : memref<2x16384xf32, #tpu.memory_space<vmem>>, vector<16xf32>,
        %max3A_717 = arith.maximumf %max3A_689, %get3A_716 : vector<16xf32>
        %add3A_718 = arith.constant 240 : i32
        %add3A_719 = arith.addi %mul3A_612, %add3A_718 : i32
        %get3A_720 = arith.constant 0 : i32
        %get3A_721 = arith.index_cast %get3A_720 : i32 to index
        %get3A_722 = arith.index_cast %add3A_719 : i32 to index
        %get3A_723 = tpu.vector_load %arg8[%get3A_721, %get3A_722] {strides = array<i32>} : memref<2x16384xf32, #tpu.memory_space<vmem>>, vector<16xf32>,
        %max3A_724 = arith.maximumf %max3A_696, %get3A_723 : vector<16xf32>
        %add3A_725 = arith.constant 256 : i32
        %add3A_726 = arith.addi %mul3A_612, %add3A_725 : i32
        %get3A_727 = arith.constant 0 : i32
        %get3A_728 = arith.index_cast %get3A_727 : i32 to index
        %get3A_729 = arith.index_cast %add3A_726 : i32 to index
        %get3A_730 = tpu.vector_load %arg8[%get3A_728, %get3A_729] {strides = array<i32>} : memref<2x16384xf32, #tpu.memory_space<vmem>>, vector<16xf32>,
        %max3A_731 = arith.maximumf %max3A_703, %get3A_730 : vector<16xf32>
        %add3A_732 = arith.constant 272 : i32
        %add3A_733 = arith.addi %mul3A_612, %add3A_732 : i32
        %get3A_734 = arith.constant 0 : i32
        %get3A_735 = arith.index_cast %get3A_734 : i32 to index
        %get3A_736 = arith.index_cast %add3A_733 : i32 to index
        %get3A_737 = tpu.vector_load %arg8[%get3A_735, %get3A_736] {strides = array<i32>} : memref<2x16384xf32, #tpu.memory_space<vmem>>, vector<16xf32>,
        %max3A_738 = arith.maximumf %max3A_710, %get3A_737 : vector<16xf32>
        %add3A_739 = arith.constant 288 : i32
        %add3A_740 = arith.addi %mul3A_612, %add3A_739 : i32
        %get3A_741 = arith.constant 0 : i32
        %get3A_742 = arith.index_cast %get3A_741 : i32 to index
        %get3A_743 = arith.index_cast %add3A_740 : i32 to index
        %get3A_744 = tpu.vector_load %arg8[%get3A_742, %get3A_743] {strides = array<i32>} : memref<2x16384xf32, #tpu.memory_space<vmem>>, vector<16xf32>,
        %max3A_745 = arith.maximumf %max3A_717, %get3A_744 : vector<16xf32>
        %add3A_746 = arith.constant 304 : i32
        %add3A_747 = arith.addi %mul3A_612, %add3A_746 : i32
        %get3A_748 = arith.constant 0 : i32
        %get3A_749 = arith.index_cast %get3A_748 : i32 to index
        %get3A_750 = arith.index_cast %add3A_747 : i32 to index
        %get3A_751 = tpu.vector_load %arg8[%get3A_749, %get3A_750] {strides = array<i32>} : memref<2x16384xf32, #tpu.memory_space<vmem>>, vector<16xf32>,
        %max3A_752 = arith.maximumf %max3A_724, %get3A_751 : vector<16xf32>
        %add3A_753 = arith.constant 320 : i32
        %add3A_754 = arith.addi %mul3A_612, %add3A_753 : i32
        %get3A_755 = arith.constant 0 : i32
        %get3A_756 = arith.index_cast %get3A_755 : i32 to index
        %get3A_757 = arith.index_cast %add3A_754 : i32 to index
        %get3A_758 = tpu.vector_load %arg8[%get3A_756, %get3A_757] {strides = array<i32>} : memref<2x16384xf32, #tpu.memory_space<vmem>>, vector<16xf32>,
        %max3A_759 = arith.maximumf %max3A_731, %get3A_758 : vector<16xf32>
        %add3A_760 = arith.constant 336 : i32
        %add3A_761 = arith.addi %mul3A_612, %add3A_760 : i32
        %get3A_762 = arith.constant 0 : i32
        %get3A_763 = arith.index_cast %get3A_762 : i32 to index
        %get3A_764 = arith.index_cast %add3A_761 : i32 to index
        %get3A_765 = tpu.vector_load %arg8[%get3A_763, %get3A_764] {strides = array<i32>} : memref<2x16384xf32, #tpu.memory_space<vmem>>, vector<16xf32>,
        %max3A_766 = arith.maximumf %max3A_738, %get3A_765 : vector<16xf32>
        %add3A_767 = arith.constant 352 : i32
        %add3A_768 = arith.addi %mul3A_612, %add3A_767 : i32
        %get3A_769 = arith.constant 0 : i32
        %get3A_770 = arith.index_cast %get3A_769 : i32 to index
        %get3A_771 = arith.index_cast %add3A_768 : i32 to index
        %get3A_772 = tpu.vector_load %arg8[%get3A_770, %get3A_771] {strides = array<i32>} : memref<2x16384xf32, #tpu.memory_space<vmem>>, vector<16xf32>,
        %max3A_773 = arith.maximumf %max3A_745, %get3A_772 : vector<16xf32>
        %add3A_774 = arith.constant 368 : i32
        %add3A_775 = arith.addi %mul3A_612, %add3A_774 : i32
        %get3A_776 = arith.constant 0 : i32
        %get3A_777 = arith.index_cast %get3A_776 : i32 to index
        %get3A_778 = arith.index_cast %add3A_775 : i32 to index
        %get3A_779 = tpu.vector_load %arg8[%get3A_777, %get3A_778] {strides = array<i32>} : memref<2x16384xf32, #tpu.memory_space<vmem>>, vector<16xf32>,
        %max3A_780 = arith.maximumf %max3A_752, %get3A_779 : vector<16xf32>
        %add3A_781 = arith.constant 384 : i32
        %add3A_782 = arith.addi %mul3A_612, %add3A_781 : i32
        %get3A_783 = arith.constant 0 : i32
        %get3A_784 = arith.index_cast %get3A_783 : i32 to index
        %get3A_785 = arith.index_cast %add3A_782 : i32 to index
        %get3A_786 = tpu.vector_load %arg8[%get3A_784, %get3A_785] {strides = array<i32>} : memref<2x16384xf32, #tpu.memory_space<vmem>>, vector<16xf32>,
        %max3A_787 = arith.maximumf %max3A_759, %get3A_786 : vector<16xf32>
        %add3A_788 = arith.constant 400 : i32
        %add3A_789 = arith.addi %mul3A_612, %add3A_788 : i32
        %get3A_790 = arith.constant 0 : i32
        %get3A_791 = arith.index_cast %get3A_790 : i32 to index
        %get3A_792 = arith.index_cast %add3A_789 : i32 to index
        %get3A_793 = tpu.vector_load %arg8[%get3A_791, %get3A_792] {strides = array<i32>} : memref<2x16384xf32, #tpu.memory_space<vmem>>, vector<16xf32>,
        %max3A_794 = arith.maximumf %max3A_766, %get3A_793 : vector<16xf32>
        %add3A_795 = arith.constant 416 : i32
        %add3A_796 = arith.addi %mul3A_612, %add3A_795 : i32
        %get3A_797 = arith.constant 0 : i32
        %get3A_798 = arith.index_cast %get3A_797 : i32 to index
        %get3A_799 = arith.index_cast %add3A_796 : i32 to index
        %get3A_800 = tpu.vector_load %arg8[%get3A_798, %get3A_799] {strides = array<i32>} : memref<2x16384xf32, #tpu.memory_space<vmem>>, vector<16xf32>,
        %max3A_801 = arith.maximumf %max3A_773, %get3A_800 : vector<16xf32>
        %add3A_802 = arith.constant 432 : i32
        %add3A_803 = arith.addi %mul3A_612, %add3A_802 : i32
        %get3A_804 = arith.constant 0 : i32
        %get3A_805 = arith.index_cast %get3A_804 : i32 to index
        %get3A_806 = arith.index_cast %add3A_803 : i32 to index
        %get3A_807 = tpu.vector_load %arg8[%get3A_805, %get3A_806] {strides = array<i32>} : memref<2x16384xf32, #tpu.memory_space<vmem>>, vector<16xf32>,
        %max3A_808 = arith.maximumf %max3A_780, %get3A_807 : vector<16xf32>
        %add3A_809 = arith.constant 448 : i32
        %add3A_810 = arith.addi %mul3A_612, %add3A_809 : i32
        %get3A_811 = arith.constant 0 : i32
        %get3A_812 = arith.index_cast %get3A_811 : i32 to index
        %get3A_813 = arith.index_cast %add3A_810 : i32 to index
        %get3A_814 = tpu.vector_load %arg8[%get3A_812, %get3A_813] {strides = array<i32>} : memref<2x16384xf32, #tpu.memory_space<vmem>>, vector<16xf32>,
        %max3A_815 = arith.maximumf %max3A_787, %get3A_814 : vector<16xf32>
        %add3A_816 = arith.constant 464 : i32
        %add3A_817 = arith.addi %mul3A_612, %add3A_816 : i32
        %get3A_818 = arith.constant 0 : i32
        %get3A_819 = arith.index_cast %get3A_818 : i32 to index
        %get3A_820 = arith.index_cast %add3A_817 : i32 to index
        %get3A_821 = tpu.vector_load %arg8[%get3A_819, %get3A_820] {strides = array<i32>} : memref<2x16384xf32, #tpu.memory_space<vmem>>, vector<16xf32>,
        %max3A_822 = arith.maximumf %max3A_794, %get3A_821 : vector<16xf32>
        %add3A_823 = arith.constant 480 : i32
        %add3A_824 = arith.addi %mul3A_612, %add3A_823 : i32
        %get3A_825 = arith.constant 0 : i32
        %get3A_826 = arith.index_cast %get3A_825 : i32 to index
        %get3A_827 = arith.index_cast %add3A_824 : i32 to index
        %get3A_828 = tpu.vector_load %arg8[%get3A_826, %get3A_827] {strides = array<i32>} : memref<2x16384xf32, #tpu.memory_space<vmem>>, vector<16xf32>,
        %max3A_829 = arith.maximumf %max3A_801, %get3A_828 : vector<16xf32>
        %add3A_830 = arith.constant 496 : i32
        %add3A_831 = arith.addi %mul3A_612, %add3A_830 : i32
        %get3A_832 = arith.constant 0 : i32
        %get3A_833 = arith.index_cast %get3A_832 : i32 to index
        %get3A_834 = arith.index_cast %add3A_831 : i32 to index
        %get3A_835 = tpu.vector_load %arg8[%get3A_833, %get3A_834] {strides = array<i32>} : memref<2x16384xf32, #tpu.memory_space<vmem>>, vector<16xf32>,
        %max3A_836 = arith.maximumf %max3A_808, %get3A_835 : vector<16xf32>
        %add3A_837 = arith.constant 512 : i32
        %add3A_838 = arith.addi %mul3A_612, %add3A_837 : i32
        %get3A_839 = arith.constant 0 : i32
        %get3A_840 = arith.index_cast %get3A_839 : i32 to index
        %get3A_841 = arith.index_cast %add3A_838 : i32 to index
        %get3A_842 = tpu.vector_load %arg8[%get3A_840, %get3A_841] {strides = array<i32>} : memref<2x16384xf32, #tpu.memory_space<vmem>>, vector<16xf32>,
        %max3A_843 = arith.maximumf %max3A_815, %get3A_842 : vector<16xf32>
        %add3A_844 = arith.constant 528 : i32
        %add3A_845 = arith.addi %mul3A_612, %add3A_844 : i32
        %get3A_846 = arith.constant 0 : i32
        %get3A_847 = arith.index_cast %get3A_846 : i32 to index
        %get3A_848 = arith.index_cast %add3A_845 : i32 to index
        %get3A_849 = tpu.vector_load %arg8[%get3A_847, %get3A_848] {strides = array<i32>} : memref<2x16384xf32, #tpu.memory_space<vmem>>, vector<16xf32>,
        %max3A_850 = arith.maximumf %max3A_822, %get3A_849 : vector<16xf32>
        %add3A_851 = arith.constant 544 : i32
        %add3A_852 = arith.addi %mul3A_612, %add3A_851 : i32
        %get3A_853 = arith.constant 0 : i32
        %get3A_854 = arith.index_cast %get3A_853 : i32 to index
        %get3A_855 = arith.index_cast %add3A_852 : i32 to index
        %get3A_856 = tpu.vector_load %arg8[%get3A_854, %get3A_855] {strides = array<i32>} : memref<2x16384xf32, #tpu.memory_space<vmem>>, vector<16xf32>,
        %max3A_857 = arith.maximumf %max3A_829, %get3A_856 : vector<16xf32>
        %add3A_858 = arith.constant 560 : i32
        %add3A_859 = arith.addi %mul3A_612, %add3A_858 : i32
        %get3A_860 = arith.constant 0 : i32
        %get3A_861 = arith.index_cast %get3A_860 : i32 to index
        %get3A_862 = arith.index_cast %add3A_859 : i32 to index
        %get3A_863 = tpu.vector_load %arg8[%get3A_861, %get3A_862] {strides = array<i32>} : memref<2x16384xf32, #tpu.memory_space<vmem>>, vector<16xf32>,
        %max3A_864 = arith.maximumf %max3A_836, %get3A_863 : vector<16xf32>
        %add3A_865 = arith.constant 576 : i32
        %add3A_866 = arith.addi %mul3A_612, %add3A_865 : i32
        %get3A_867 = arith.constant 0 : i32
        %get3A_868 = arith.index_cast %get3A_867 : i32 to index
        %get3A_869 = arith.index_cast %add3A_866 : i32 to index
        %get3A_870 = tpu.vector_load %arg8[%get3A_868, %get3A_869] {strides = array<i32>} : memref<2x16384xf32, #tpu.memory_space<vmem>>, vector<16xf32>,
        %max3A_871 = arith.maximumf %max3A_843, %get3A_870 : vector<16xf32>
        %add3A_872 = arith.constant 592 : i32
        %add3A_873 = arith.addi %mul3A_612, %add3A_872 : i32
        %get3A_874 = arith.constant 0 : i32
        %get3A_875 = arith.index_cast %get3A_874 : i32 to index
        %get3A_876 = arith.index_cast %add3A_873 : i32 to index
        %get3A_877 = tpu.vector_load %arg8[%get3A_875, %get3A_876] {strides = array<i32>} : memref<2x16384xf32, #tpu.memory_space<vmem>>, vector<16xf32>,
        %max3A_878 = arith.maximumf %max3A_850, %get3A_877 : vector<16xf32>
        %add3A_879 = arith.constant 608 : i32
        %add3A_880 = arith.addi %mul3A_612, %add3A_879 : i32
        %get3A_881 = arith.constant 0 : i32
        %get3A_882 = arith.index_cast %get3A_881 : i32 to index
        %get3A_883 = arith.index_cast %add3A_880 : i32 to index
        %get3A_884 = tpu.vector_load %arg8[%get3A_882, %get3A_883] {strides = array<i32>} : memref<2x16384xf32, #tpu.memory_space<vmem>>, vector<16xf32>,
        %max3A_885 = arith.maximumf %max3A_857, %get3A_884 : vector<16xf32>
        %add3A_886 = arith.constant 624 : i32
        %add3A_887 = arith.addi %mul3A_612, %add3A_886 : i32
        %get3A_888 = arith.constant 0 : i32
        %get3A_889 = arith.index_cast %get3A_888 : i32 to index
        %get3A_890 = arith.index_cast %add3A_887 : i32 to index
        %get3A_891 = tpu.vector_load %arg8[%get3A_889, %get3A_890] {strides = array<i32>} : memref<2x16384xf32, #tpu.memory_space<vmem>>, vector<16xf32>,
        %max3A_892 = arith.maximumf %max3A_864, %get3A_891 : vector<16xf32>
        %add3A_893 = arith.constant 640 : i32
        %add3A_894 = arith.addi %mul3A_612, %add3A_893 : i32
        %get3A_895 = arith.constant 0 : i32
        %get3A_896 = arith.index_cast %get3A_895 : i32 to index
        %get3A_897 = arith.index_cast %add3A_894 : i32 to index
        %get3A_898 = tpu.vector_load %arg8[%get3A_896, %get3A_897] {strides = array<i32>} : memref<2x16384xf32, #tpu.memory_space<vmem>>, vector<16xf32>,
        %max3A_899 = arith.maximumf %max3A_871, %get3A_898 : vector<16xf32>
        %add3A_900 = arith.constant 656 : i32
        %add3A_901 = arith.addi %mul3A_612, %add3A_900 : i32
        %get3A_902 = arith.constant 0 : i32
        %get3A_903 = arith.index_cast %get3A_902 : i32 to index
        %get3A_904 = arith.index_cast %add3A_901 : i32 to index
        %get3A_905 = tpu.vector_load %arg8[%get3A_903, %get3A_904] {strides = array<i32>} : memref<2x16384xf32, #tpu.memory_space<vmem>>, vector<16xf32>,
        %max3A_906 = arith.maximumf %max3A_878, %get3A_905 : vector<16xf32>
        %add3A_907 = arith.constant 672 : i32
        %add3A_908 = arith.addi %mul3A_612, %add3A_907 : i32
        %get3A_909 = arith.constant 0 : i32
        %get3A_910 = arith.index_cast %get3A_909 : i32 to index
        %get3A_911 = arith.index_cast %add3A_908 : i32 to index
        %get3A_912 = tpu.vector_load %arg8[%get3A_910, %get3A_911] {strides = array<i32>} : memref<2x16384xf32, #tpu.memory_space<vmem>>, vector<16xf32>,
        %max3A_913 = arith.maximumf %max3A_885, %get3A_912 : vector<16xf32>
        %add3A_914 = arith.constant 688 : i32
        %add3A_915 = arith.addi %mul3A_612, %add3A_914 : i32
        %get3A_916 = arith.constant 0 : i32
        %get3A_917 = arith.index_cast %get3A_916 : i32 to index
        %get3A_918 = arith.index_cast %add3A_915 : i32 to index
        %get3A_919 = tpu.vector_load %arg8[%get3A_917, %get3A_918] {strides = array<i32>} : memref<2x16384xf32, #tpu.memory_space<vmem>>, vector<16xf32>,
        %max3A_920 = arith.maximumf %max3A_892, %get3A_919 : vector<16xf32>
        %add3A_921 = arith.constant 704 : i32
        %add3A_922 = arith.addi %mul3A_612, %add3A_921 : i32
        %get3A_923 = arith.constant 0 : i32
        %get3A_924 = arith.index_cast %get3A_923 : i32 to index
        %get3A_925 = arith.index_cast %add3A_922 : i32 to index
        %get3A_926 = tpu.vector_load %arg8[%get3A_924, %get3A_925] {strides = array<i32>} : memref<2x16384xf32, #tpu.memory_space<vmem>>, vector<16xf32>,
        %max3A_927 = arith.maximumf %max3A_899, %get3A_926 : vector<16xf32>
        %add3A_928 = arith.constant 720 : i32
        %add3A_929 = arith.addi %mul3A_612, %add3A_928 : i32
        %get3A_930 = arith.constant 0 : i32
        %get3A_931 = arith.index_cast %get3A_930 : i32 to index
        %get3A_932 = arith.index_cast %add3A_929 : i32 to index
        %get3A_933 = tpu.vector_load %arg8[%get3A_931, %get3A_932] {strides = array<i32>} : memref<2x16384xf32, #tpu.memory_space<vmem>>, vector<16xf32>,
        %max3A_934 = arith.maximumf %max3A_906, %get3A_933 : vector<16xf32>
        %add3A_935 = arith.constant 736 : i32
        %add3A_936 = arith.addi %mul3A_612, %add3A_935 : i32
        %get3A_937 = arith.constant 0 : i32
        %get3A_938 = arith.index_cast %get3A_937 : i32 to index
        %get3A_939 = arith.index_cast %add3A_936 : i32 to index
        %get3A_940 = tpu.vector_load %arg8[%get3A_938, %get3A_939] {strides = array<i32>} : memref<2x16384xf32, #tpu.memory_space<vmem>>, vector<16xf32>,
        %max3A_941 = arith.maximumf %max3A_913, %get3A_940 : vector<16xf32>
        %add3A_942 = arith.constant 752 : i32
        %add3A_943 = arith.addi %mul3A_612, %add3A_942 : i32
        %get3A_944 = arith.constant 0 : i32
        %get3A_945 = arith.index_cast %get3A_944 : i32 to index
        %get3A_946 = arith.index_cast %add3A_943 : i32 to index
        %get3A_947 = tpu.vector_load %arg8[%get3A_945, %get3A_946] {strides = array<i32>} : memref<2x16384xf32, #tpu.memory_space<vmem>>, vector<16xf32>,
        %max3A_948 = arith.maximumf %max3A_920, %get3A_947 : vector<16xf32>
        %add3A_949 = arith.constant 768 : i32
        %add3A_950 = arith.addi %mul3A_612, %add3A_949 : i32
        %get3A_951 = arith.constant 0 : i32
        %get3A_952 = arith.index_cast %get3A_951 : i32 to index
        %get3A_953 = arith.index_cast %add3A_950 : i32 to index
        %get3A_954 = tpu.vector_load %arg8[%get3A_952, %get3A_953] {strides = array<i32>} : memref<2x16384xf32, #tpu.memory_space<vmem>>, vector<16xf32>,
        %max3A_955 = arith.maximumf %max3A_927, %get3A_954 : vector<16xf32>
        %add3A_956 = arith.constant 784 : i32
        %add3A_957 = arith.addi %mul3A_612, %add3A_956 : i32
        %get3A_958 = arith.constant 0 : i32
        %get3A_959 = arith.index_cast %get3A_958 : i32 to index
        %get3A_960 = arith.index_cast %add3A_957 : i32 to index
        %get3A_961 = tpu.vector_load %arg8[%get3A_959, %get3A_960] {strides = array<i32>} : memref<2x16384xf32, #tpu.memory_space<vmem>>, vector<16xf32>,
        %max3A_962 = arith.maximumf %max3A_934, %get3A_961 : vector<16xf32>
        %add3A_963 = arith.constant 800 : i32
        %add3A_964 = arith.addi %mul3A_612, %add3A_963 : i32
        %get3A_965 = arith.constant 0 : i32
        %get3A_966 = arith.index_cast %get3A_965 : i32 to index
        %get3A_967 = arith.index_cast %add3A_964 : i32 to index
        %get3A_968 = tpu.vector_load %arg8[%get3A_966, %get3A_967] {strides = array<i32>} : memref<2x16384xf32, #tpu.memory_space<vmem>>, vector<16xf32>,
        %max3A_969 = arith.maximumf %max3A_941, %get3A_968 : vector<16xf32>
        %add3A_970 = arith.constant 816 : i32
        %add3A_971 = arith.addi %mul3A_612, %add3A_970 : i32
        %get3A_972 = arith.constant 0 : i32
        %get3A_973 = arith.index_cast %get3A_972 : i32 to index
        %get3A_974 = arith.index_cast %add3A_971 : i32 to index
        %get3A_975 = tpu.vector_load %arg8[%get3A_973, %get3A_974] {strides = array<i32>} : memref<2x16384xf32, #tpu.memory_space<vmem>>, vector<16xf32>,
        %max3A_976 = arith.maximumf %max3A_948, %get3A_975 : vector<16xf32>
        %add3A_977 = arith.constant 832 : i32
        %add3A_978 = arith.addi %mul3A_612, %add3A_977 : i32
        %get3A_979 = arith.constant 0 : i32
        %get3A_980 = arith.index_cast %get3A_979 : i32 to index
        %get3A_981 = arith.index_cast %add3A_978 : i32 to index
        %get3A_982 = tpu.vector_load %arg8[%get3A_980, %get3A_981] {strides = array<i32>} : memref<2x16384xf32, #tpu.memory_space<vmem>>, vector<16xf32>,
        %max3A_983 = arith.maximumf %max3A_955, %get3A_982 : vector<16xf32>
        %add3A_984 = arith.constant 848 : i32
        %add3A_985 = arith.addi %mul3A_612, %add3A_984 : i32
        %get3A_986 = arith.constant 0 : i32
        %get3A_987 = arith.index_cast %get3A_986 : i32 to index
        %get3A_988 = arith.index_cast %add3A_985 : i32 to index
        %get3A_989 = tpu.vector_load %arg8[%get3A_987, %get3A_988] {strides = array<i32>} : memref<2x16384xf32, #tpu.memory_space<vmem>>, vector<16xf32>,
        %max3A_990 = arith.maximumf %max3A_962, %get3A_989 : vector<16xf32>
        %add3A_991 = arith.constant 864 : i32
        %add3A_992 = arith.addi %mul3A_612, %add3A_991 : i32
        %get3A_993 = arith.constant 0 : i32
        %get3A_994 = arith.index_cast %get3A_993 : i32 to index
        %get3A_995 = arith.index_cast %add3A_992 : i32 to index
        %get3A_996 = tpu.vector_load %arg8[%get3A_994, %get3A_995] {strides = array<i32>} : memref<2x16384xf32, #tpu.memory_space<vmem>>, vector<16xf32>,
        %max3A_997 = arith.maximumf %max3A_969, %get3A_996 : vector<16xf32>
        %add3A_998 = arith.constant 880 : i32
        %add3A_999 = arith.addi %mul3A_612, %add3A_998 : i32
        %get3A_1000 = arith.constant 0 : i32
        %get3A_1001 = arith.index_cast %get3A_1000 : i32 to index
        %get3A_1002 = arith.index_cast %add3A_999 : i32 to index
        %get3A_1003 = tpu.vector_load %arg8[%get3A_1001, %get3A_1002] {strides = array<i32>} : memref<2x16384xf32, #tpu.memory_space<vmem>>, vector<16xf32>,
        %max3A_1004 = arith.maximumf %max3A_976, %get3A_1003 : vector<16xf32>
        %add3A_1005 = arith.constant 896 : i32
        %add3A_1006 = arith.addi %mul3A_612, %add3A_1005 : i32
        %get3A_1007 = arith.constant 0 : i32
        %get3A_1008 = arith.index_cast %get3A_1007 : i32 to index
        %get3A_1009 = arith.index_cast %add3A_1006 : i32 to index
        %get3A_1010 = tpu.vector_load %arg8[%get3A_1008, %get3A_1009] {strides = array<i32>} : memref<2x16384xf32, #tpu.memory_space<vmem>>, vector<16xf32>,
        %max3A_1011 = arith.maximumf %max3A_983, %get3A_1010 : vector<16xf32>
        %add3A_1012 = arith.constant 912 : i32
        %add3A_1013 = arith.addi %mul3A_612, %add3A_1012 : i32
        %get3A_1014 = arith.constant 0 : i32
        %get3A_1015 = arith.index_cast %get3A_1014 : i32 to index
        %get3A_1016 = arith.index_cast %add3A_1013 : i32 to index
        %get3A_1017 = tpu.vector_load %arg8[%get3A_1015, %get3A_1016] {strides = array<i32>} : memref<2x16384xf32, #tpu.memory_space<vmem>>, vector<16xf32>,
        %max3A_1018 = arith.maximumf %max3A_990, %get3A_1017 : vector<16xf32>
        %add3A_1019 = arith.constant 928 : i32
        %add3A_1020 = arith.addi %mul3A_612, %add3A_1019 : i32
        %get3A_1021 = arith.constant 0 : i32
        %get3A_1022 = arith.index_cast %get3A_1021 : i32 to index
        %get3A_1023 = arith.index_cast %add3A_1020 : i32 to index
        %get3A_1024 = tpu.vector_load %arg8[%get3A_1022, %get3A_1023] {strides = array<i32>} : memref<2x16384xf32, #tpu.memory_space<vmem>>, vector<16xf32>,
        %max3A_1025 = arith.maximumf %max3A_997, %get3A_1024 : vector<16xf32>
        %add3A_1026 = arith.constant 944 : i32
        %add3A_1027 = arith.addi %mul3A_612, %add3A_1026 : i32
        %get3A_1028 = arith.constant 0 : i32
        %get3A_1029 = arith.index_cast %get3A_1028 : i32 to index
        %get3A_1030 = arith.index_cast %add3A_1027 : i32 to index
        %get3A_1031 = tpu.vector_load %arg8[%get3A_1029, %get3A_1030] {strides = array<i32>} : memref<2x16384xf32, #tpu.memory_space<vmem>>, vector<16xf32>,
        %max3A_1032 = arith.maximumf %max3A_1004, %get3A_1031 : vector<16xf32>
        %add3A_1033 = arith.constant 960 : i32
        %add3A_1034 = arith.addi %mul3A_612, %add3A_1033 : i32
        %get3A_1035 = arith.constant 0 : i32
        %get3A_1036 = arith.index_cast %get3A_1035 : i32 to index
        %get3A_1037 = arith.index_cast %add3A_1034 : i32 to index
        %get3A_1038 = tpu.vector_load %arg8[%get3A_1036, %get3A_1037] {strides = array<i32>} : memref<2x16384xf32, #tpu.memory_space<vmem>>, vector<16xf32>,
        %max3A_1039 = arith.maximumf %max3A_1011, %get3A_1038 : vector<16xf32>
        %add3A_1040 = arith.constant 976 : i32
        %add3A_1041 = arith.addi %mul3A_612, %add3A_1040 : i32
        %get3A_1042 = arith.constant 0 : i32
        %get3A_1043 = arith.index_cast %get3A_1042 : i32 to index
        %get3A_1044 = arith.index_cast %add3A_1041 : i32 to index
        %get3A_1045 = tpu.vector_load %arg8[%get3A_1043, %get3A_1044] {strides = array<i32>} : memref<2x16384xf32, #tpu.memory_space<vmem>>, vector<16xf32>,
        %max3A_1046 = arith.maximumf %max3A_1018, %get3A_1045 : vector<16xf32>
        %add3A_1047 = arith.constant 992 : i32
        %add3A_1048 = arith.addi %mul3A_612, %add3A_1047 : i32
        %get3A_1049 = arith.constant 0 : i32
        %get3A_1050 = arith.index_cast %get3A_1049 : i32 to index
        %get3A_1051 = arith.index_cast %add3A_1048 : i32 to index
        %get3A_1052 = tpu.vector_load %arg8[%get3A_1050, %get3A_1051] {strides = array<i32>} : memref<2x16384xf32, #tpu.memory_space<vmem>>, vector<16xf32>,
        %max3A_1053 = arith.maximumf %max3A_1025, %get3A_1052 : vector<16xf32>
        %add3A_1054 = arith.constant 1008 : i32
        %add3A_1055 = arith.addi %mul3A_612, %add3A_1054 : i32
        %get3A_1056 = arith.constant 0 : i32
        %get3A_1057 = arith.index_cast %get3A_1056 : i32 to index
        %get3A_1058 = arith.index_cast %add3A_1055 : i32 to index
        %get3A_1059 = tpu.vector_load %arg8[%get3A_1057, %get3A_1058] {strides = array<i32>} : memref<2x16384xf32, #tpu.memory_space<vmem>>, vector<16xf32>,
        %max3A_1060 = arith.maximumf %max3A_1032, %get3A_1059 : vector<16xf32>
        %add3A_1061 = arith.constant 1024 : i32
        %add3A_1062 = arith.addi %mul3A_612, %add3A_1061 : i32
        %get3A_1063 = arith.constant 0 : i32
        %get3A_1064 = arith.index_cast %get3A_1063 : i32 to index
        %get3A_1065 = arith.index_cast %add3A_1062 : i32 to index
        %get3A_1066 = tpu.vector_load %arg8[%get3A_1064, %get3A_1065] {strides = array<i32>} : memref<2x16384xf32, #tpu.memory_space<vmem>>, vector<16xf32>,
        %max3A_1067 = arith.maximumf %max3A_1039, %get3A_1066 : vector<16xf32>
        %add3A_1068 = arith.constant 1040 : i32
        %add3A_1069 = arith.addi %mul3A_612, %add3A_1068 : i32
        %get3A_1070 = arith.constant 0 : i32
        %get3A_1071 = arith.index_cast %get3A_1070 : i32 to index
        %get3A_1072 = arith.index_cast %add3A_1069 : i32 to index
        %get3A_1073 = tpu.vector_load %arg8[%get3A_1071, %get3A_1072] {strides = array<i32>} : memref<2x16384xf32, #tpu.memory_space<vmem>>, vector<16xf32>,
        %max3A_1074 = arith.maximumf %max3A_1046, %get3A_1073 : vector<16xf32>
        %add3A_1075 = arith.constant 1056 : i32
        %add3A_1076 = arith.addi %mul3A_612, %add3A_1075 : i32
        %get3A_1077 = arith.constant 0 : i32
        %get3A_1078 = arith.index_cast %get3A_1077 : i32 to index
        %get3A_1079 = arith.index_cast %add3A_1076 : i32 to index
        %get3A_1080 = tpu.vector_load %arg8[%get3A_1078, %get3A_1079] {strides = array<i32>} : memref<2x16384xf32, #tpu.memory_space<vmem>>, vector<16xf32>,
        %max3A_1081 = arith.maximumf %max3A_1053, %get3A_1080 : vector<16xf32>
        %add3A_1082 = arith.constant 1072 : i32
        %add3A_1083 = arith.addi %mul3A_612, %add3A_1082 : i32
        %get3A_1084 = arith.constant 0 : i32
        %get3A_1085 = arith.index_cast %get3A_1084 : i32 to index
        %get3A_1086 = arith.index_cast %add3A_1083 : i32 to index
        %get3A_1087 = tpu.vector_load %arg8[%get3A_1085, %get3A_1086] {strides = array<i32>} : memref<2x16384xf32, #tpu.memory_space<vmem>>, vector<16xf32>,
        %max3A_1088 = arith.maximumf %max3A_1060, %get3A_1087 : vector<16xf32>
        %add3A_1089 = arith.constant 1088 : i32
        %add3A_1090 = arith.addi %mul3A_612, %add3A_1089 : i32
        %get3A_1091 = arith.constant 0 : i32
        %get3A_1092 = arith.index_cast %get3A_1091 : i32 to index
        %get3A_1093 = arith.index_cast %add3A_1090 : i32 to index
        %get3A_1094 = tpu.vector_load %arg8[%get3A_1092, %get3A_1093] {strides = array<i32>} : memref<2x16384xf32, #tpu.memory_space<vmem>>, vector<16xf32>,
        %max3A_1095 = arith.maximumf %max3A_1067, %get3A_1094 : vector<16xf32>
        %add3A_1096 = arith.constant 1104 : i32
        %add3A_1097 = arith.addi %mul3A_612, %add3A_1096 : i32
        %get3A_1098 = arith.constant 0 : i32
        %get3A_1099 = arith.index_cast %get3A_1098 : i32 to index
        %get3A_1100 = arith.index_cast %add3A_1097 : i32 to index
        %get3A_1101 = tpu.vector_load %arg8[%get3A_1099, %get3A_1100] {strides = array<i32>} : memref<2x16384xf32, #tpu.memory_space<vmem>>, vector<16xf32>,
        %max3A_1102 = arith.maximumf %max3A_1074, %get3A_1101 : vector<16xf32>
        %add3A_1103 = arith.constant 1120 : i32
        %add3A_1104 = arith.addi %mul3A_612, %add3A_1103 : i32
        %get3A_1105 = arith.constant 0 : i32
        %get3A_1106 = arith.index_cast %get3A_1105 : i32 to index
        %get3A_1107 = arith.index_cast %add3A_1104 : i32 to index
        %get3A_1108 = tpu.vector_load %arg8[%get3A_1106, %get3A_1107] {strides = array<i32>} : memref<2x16384xf32, #tpu.memory_space<vmem>>, vector<16xf32>,
        %max3A_1109 = arith.maximumf %max3A_1081, %get3A_1108 : vector<16xf32>
        %add3A_1110 = arith.constant 1136 : i32
        %add3A_1111 = arith.addi %mul3A_612, %add3A_1110 : i32
        %get3A_1112 = arith.constant 0 : i32
        %get3A_1113 = arith.index_cast %get3A_1112 : i32 to index
        %get3A_1114 = arith.index_cast %add3A_1111 : i32 to index
        %get3A_1115 = tpu.vector_load %arg8[%get3A_1113, %get3A_1114] {strides = array<i32>} : memref<2x16384xf32, #tpu.memory_space<vmem>>, vector<16xf32>,
        %max3A_1116 = arith.maximumf %max3A_1088, %get3A_1115 : vector<16xf32>
        %add3A_1117 = arith.constant 1152 : i32
        %add3A_1118 = arith.addi %mul3A_612, %add3A_1117 : i32
        %get3A_1119 = arith.constant 0 : i32
        %get3A_1120 = arith.index_cast %get3A_1119 : i32 to index
        %get3A_1121 = arith.index_cast %add3A_1118 : i32 to index
        %get3A_1122 = tpu.vector_load %arg8[%get3A_1120, %get3A_1121] {strides = array<i32>} : memref<2x16384xf32, #tpu.memory_space<vmem>>, vector<16xf32>,
        %max3A_1123 = arith.maximumf %max3A_1095, %get3A_1122 : vector<16xf32>
        %add3A_1124 = arith.constant 1168 : i32
        %add3A_1125 = arith.addi %mul3A_612, %add3A_1124 : i32
        %get3A_1126 = arith.constant 0 : i32
        %get3A_1127 = arith.index_cast %get3A_1126 : i32 to index
        %get3A_1128 = arith.index_cast %add3A_1125 : i32 to index
        %get3A_1129 = tpu.vector_load %arg8[%get3A_1127, %get3A_1128] {strides = array<i32>} : memref<2x16384xf32, #tpu.memory_space<vmem>>, vector<16xf32>,
        %max3A_1130 = arith.maximumf %max3A_1102, %get3A_1129 : vector<16xf32>
        %add3A_1131 = arith.constant 1184 : i32
        %add3A_1132 = arith.addi %mul3A_612, %add3A_1131 : i32
        %get3A_1133 = arith.constant 0 : i32
        %get3A_1134 = arith.index_cast %get3A_1133 : i32 to index
        %get3A_1135 = arith.index_cast %add3A_1132 : i32 to index
        %get3A_1136 = tpu.vector_load %arg8[%get3A_1134, %get3A_1135] {strides = array<i32>} : memref<2x16384xf32, #tpu.memory_space<vmem>>, vector<16xf32>,
        %max3A_1137 = arith.maximumf %max3A_1109, %get3A_1136 : vector<16xf32>
        %add3A_1138 = arith.constant 1200 : i32
        %add3A_1139 = arith.addi %mul3A_612, %add3A_1138 : i32
        %get3A_1140 = arith.constant 0 : i32
        %get3A_1141 = arith.index_cast %get3A_1140 : i32 to index
        %get3A_1142 = arith.index_cast %add3A_1139 : i32 to index
        %get3A_1143 = tpu.vector_load %arg8[%get3A_1141, %get3A_1142] {strides = array<i32>} : memref<2x16384xf32, #tpu.memory_space<vmem>>, vector<16xf32>,
        %max3A_1144 = arith.maximumf %max3A_1116, %get3A_1143 : vector<16xf32>
        %add3A_1145 = arith.constant 1216 : i32
        %add3A_1146 = arith.addi %mul3A_612, %add3A_1145 : i32
        %get3A_1147 = arith.constant 0 : i32
        %get3A_1148 = arith.index_cast %get3A_1147 : i32 to index
        %get3A_1149 = arith.index_cast %add3A_1146 : i32 to index
        %get3A_1150 = tpu.vector_load %arg8[%get3A_1148, %get3A_1149] {strides = array<i32>} : memref<2x16384xf32, #tpu.memory_space<vmem>>, vector<16xf32>,
        %max3A_1151 = arith.maximumf %max3A_1123, %get3A_1150 : vector<16xf32>
        %add3A_1152 = arith.constant 1232 : i32
        %add3A_1153 = arith.addi %mul3A_612, %add3A_1152 : i32
        %get3A_1154 = arith.constant 0 : i32
        %get3A_1155 = arith.index_cast %get3A_1154 : i32 to index
        %get3A_1156 = arith.index_cast %add3A_1153 : i32 to index
        %get3A_1157 = tpu.vector_load %arg8[%get3A_1155, %get3A_1156] {strides = array<i32>} : memref<2x16384xf32, #tpu.memory_space<vmem>>, vector<16xf32>,
        %max3A_1158 = arith.maximumf %max3A_1130, %get3A_1157 : vector<16xf32>
        %add3A_1159 = arith.constant 1248 : i32
        %add3A_1160 = arith.addi %mul3A_612, %add3A_1159 : i32
        %get3A_1161 = arith.constant 0 : i32
        %get3A_1162 = arith.index_cast %get3A_1161 : i32 to index
        %get3A_1163 = arith.index_cast %add3A_1160 : i32 to index
        %get3A_1164 = tpu.vector_load %arg8[%get3A_1162, %get3A_1163] {strides = array<i32>} : memref<2x16384xf32, #tpu.memory_space<vmem>>, vector<16xf32>,
        %max3A_1165 = arith.maximumf %max3A_1137, %get3A_1164 : vector<16xf32>
        %add3A_1166 = arith.constant 1264 : i32
        %add3A_1167 = arith.addi %mul3A_612, %add3A_1166 : i32
        %get3A_1168 = arith.constant 0 : i32
        %get3A_1169 = arith.index_cast %get3A_1168 : i32 to index
        %get3A_1170 = arith.index_cast %add3A_1167 : i32 to index
        %get3A_1171 = tpu.vector_load %arg8[%get3A_1169, %get3A_1170] {strides = array<i32>} : memref<2x16384xf32, #tpu.memory_space<vmem>>, vector<16xf32>,
        %max3A_1172 = arith.maximumf %max3A_1144, %get3A_1171 : vector<16xf32>
        %add3A_1173 = arith.constant 1280 : i32
        %add3A_1174 = arith.addi %mul3A_612, %add3A_1173 : i32
        %get3A_1175 = arith.constant 0 : i32
        %get3A_1176 = arith.index_cast %get3A_1175 : i32 to index
        %get3A_1177 = arith.index_cast %add3A_1174 : i32 to index
        %get3A_1178 = tpu.vector_load %arg8[%get3A_1176, %get3A_1177] {strides = array<i32>} : memref<2x16384xf32, #tpu.memory_space<vmem>>, vector<16xf32>,
        %max3A_1179 = arith.maximumf %max3A_1151, %get3A_1178 : vector<16xf32>
        %add3A_1180 = arith.constant 1296 : i32
        %add3A_1181 = arith.addi %mul3A_612, %add3A_1180 : i32
        %get3A_1182 = arith.constant 0 : i32
        %get3A_1183 = arith.index_cast %get3A_1182 : i32 to index
        %get3A_1184 = arith.index_cast %add3A_1181 : i32 to index
        %get3A_1185 = tpu.vector_load %arg8[%get3A_1183, %get3A_1184] {strides = array<i32>} : memref<2x16384xf32, #tpu.memory_space<vmem>>, vector<16xf32>,
        %max3A_1186 = arith.maximumf %max3A_1158, %get3A_1185 : vector<16xf32>
        %add3A_1187 = arith.constant 1312 : i32
        %add3A_1188 = arith.addi %mul3A_612, %add3A_1187 : i32
        %get3A_1189 = arith.constant 0 : i32
        %get3A_1190 = arith.index_cast %get3A_1189 : i32 to index
        %get3A_1191 = arith.index_cast %add3A_1188 : i32 to index
        %get3A_1192 = tpu.vector_load %arg8[%get3A_1190, %get3A_1191] {strides = array<i32>} : memref<2x16384xf32, #tpu.memory_space<vmem>>, vector<16xf32>,
        %max3A_1193 = arith.maximumf %max3A_1165, %get3A_1192 : vector<16xf32>
        %add3A_1194 = arith.constant 1328 : i32
        %add3A_1195 = arith.addi %mul3A_612, %add3A_1194 : i32
        %get3A_1196 = arith.constant 0 : i32
        %get3A_1197 = arith.index_cast %get3A_1196 : i32 to index
        %get3A_1198 = arith.index_cast %add3A_1195 : i32 to index
        %get3A_1199 = tpu.vector_load %arg8[%get3A_1197, %get3A_1198] {strides = array<i32>} : memref<2x16384xf32, #tpu.memory_space<vmem>>, vector<16xf32>,
        %max3A_1200 = arith.maximumf %max3A_1172, %get3A_1199 : vector<16xf32>
        %add3A_1201 = arith.constant 1344 : i32
        %add3A_1202 = arith.addi %mul3A_612, %add3A_1201 : i32
        %get3A_1203 = arith.constant 0 : i32
        %get3A_1204 = arith.index_cast %get3A_1203 : i32 to index
        %get3A_1205 = arith.index_cast %add3A_1202 : i32 to index
        %get3A_1206 = tpu.vector_load %arg8[%get3A_1204, %get3A_1205] {strides = array<i32>} : memref<2x16384xf32, #tpu.memory_space<vmem>>, vector<16xf32>,
        %max3A_1207 = arith.maximumf %max3A_1179, %get3A_1206 : vector<16xf32>
        %add3A_1208 = arith.constant 1360 : i32
        %add3A_1209 = arith.addi %mul3A_612, %add3A_1208 : i32
        %get3A_1210 = arith.constant 0 : i32
        %get3A_1211 = arith.index_cast %get3A_1210 : i32 to index
        %get3A_1212 = arith.index_cast %add3A_1209 : i32 to index
        %get3A_1213 = tpu.vector_load %arg8[%get3A_1211, %get3A_1212] {strides = array<i32>} : memref<2x16384xf32, #tpu.memory_space<vmem>>, vector<16xf32>,
        %max3A_1214 = arith.maximumf %max3A_1186, %get3A_1213 : vector<16xf32>
        %add3A_1215 = arith.constant 1376 : i32
        %add3A_1216 = arith.addi %mul3A_612, %add3A_1215 : i32
        %get3A_1217 = arith.constant 0 : i32
        %get3A_1218 = arith.index_cast %get3A_1217 : i32 to index
        %get3A_1219 = arith.index_cast %add3A_1216 : i32 to index
        %get3A_1220 = tpu.vector_load %arg8[%get3A_1218, %get3A_1219] {strides = array<i32>} : memref<2x16384xf32, #tpu.memory_space<vmem>>, vector<16xf32>,
        %max3A_1221 = arith.maximumf %max3A_1193, %get3A_1220 : vector<16xf32>
        %add3A_1222 = arith.constant 1392 : i32
        %add3A_1223 = arith.addi %mul3A_612, %add3A_1222 : i32
        %get3A_1224 = arith.constant 0 : i32
        %get3A_1225 = arith.index_cast %get3A_1224 : i32 to index
        %get3A_1226 = arith.index_cast %add3A_1223 : i32 to index
        %get3A_1227 = tpu.vector_load %arg8[%get3A_1225, %get3A_1226] {strides = array<i32>} : memref<2x16384xf32, #tpu.memory_space<vmem>>, vector<16xf32>,
        %max3A_1228 = arith.maximumf %max3A_1200, %get3A_1227 : vector<16xf32>
        %add3A_1229 = arith.constant 1408 : i32
        %add3A_1230 = arith.addi %mul3A_612, %add3A_1229 : i32
        %get3A_1231 = arith.constant 0 : i32
        %get3A_1232 = arith.index_cast %get3A_1231 : i32 to index
        %get3A_1233 = arith.index_cast %add3A_1230 : i32 to index
        %get3A_1234 = tpu.vector_load %arg8[%get3A_1232, %get3A_1233] {strides = array<i32>} : memref<2x16384xf32, #tpu.memory_space<vmem>>, vector<16xf32>,
        %max3A_1235 = arith.maximumf %max3A_1207, %get3A_1234 : vector<16xf32>
        %add3A_1236 = arith.constant 1424 : i32
        %add3A_1237 = arith.addi %mul3A_612, %add3A_1236 : i32
        %get3A_1238 = arith.constant 0 : i32
        %get3A_1239 = arith.index_cast %get3A_1238 : i32 to index
        %get3A_1240 = arith.index_cast %add3A_1237 : i32 to index
        %get3A_1241 = tpu.vector_load %arg8[%get3A_1239, %get3A_1240] {strides = array<i32>} : memref<2x16384xf32, #tpu.memory_space<vmem>>, vector<16xf32>,
        %max3A_1242 = arith.maximumf %max3A_1214, %get3A_1241 : vector<16xf32>
        %add3A_1243 = arith.constant 1440 : i32
        %add3A_1244 = arith.addi %mul3A_612, %add3A_1243 : i32
        %get3A_1245 = arith.constant 0 : i32
        %get3A_1246 = arith.index_cast %get3A_1245 : i32 to index
        %get3A_1247 = arith.index_cast %add3A_1244 : i32 to index
        %get3A_1248 = tpu.vector_load %arg8[%get3A_1246, %get3A_1247] {strides = array<i32>} : memref<2x16384xf32, #tpu.memory_space<vmem>>, vector<16xf32>,
        %max3A_1249 = arith.maximumf %max3A_1221, %get3A_1248 : vector<16xf32>
        %add3A_1250 = arith.constant 1456 : i32
        %add3A_1251 = arith.addi %mul3A_612, %add3A_1250 : i32
        %get3A_1252 = arith.constant 0 : i32
        %get3A_1253 = arith.index_cast %get3A_1252 : i32 to index
        %get3A_1254 = arith.index_cast %add3A_1251 : i32 to index
        %get3A_1255 = tpu.vector_load %arg8[%get3A_1253, %get3A_1254] {strides = array<i32>} : memref<2x16384xf32, #tpu.memory_space<vmem>>, vector<16xf32>,
        %max3A_1256 = arith.maximumf %max3A_1228, %get3A_1255 : vector<16xf32>
        %add3A_1257 = arith.constant 1472 : i32
        %add3A_1258 = arith.addi %mul3A_612, %add3A_1257 : i32
        %get3A_1259 = arith.constant 0 : i32
        %get3A_1260 = arith.index_cast %get3A_1259 : i32 to index
        %get3A_1261 = arith.index_cast %add3A_1258 : i32 to index
        %get3A_1262 = tpu.vector_load %arg8[%get3A_1260, %get3A_1261] {strides = array<i32>} : memref<2x16384xf32, #tpu.memory_space<vmem>>, vector<16xf32>,
        %max3A_1263 = arith.maximumf %max3A_1235, %get3A_1262 : vector<16xf32>
        %add3A_1264 = arith.constant 1488 : i32
        %add3A_1265 = arith.addi %mul3A_612, %add3A_1264 : i32
        %get3A_1266 = arith.constant 0 : i32
        %get3A_1267 = arith.index_cast %get3A_1266 : i32 to index
        %get3A_1268 = arith.index_cast %add3A_1265 : i32 to index
        %get3A_1269 = tpu.vector_load %arg8[%get3A_1267, %get3A_1268] {strides = array<i32>} : memref<2x16384xf32, #tpu.memory_space<vmem>>, vector<16xf32>,
        %max3A_1270 = arith.maximumf %max3A_1242, %get3A_1269 : vector<16xf32>
        %add3A_1271 = arith.constant 1504 : i32
        %add3A_1272 = arith.addi %mul3A_612, %add3A_1271 : i32
        %get3A_1273 = arith.constant 0 : i32
        %get3A_1274 = arith.index_cast %get3A_1273 : i32 to index
        %get3A_1275 = arith.index_cast %add3A_1272 : i32 to index
        %get3A_1276 = tpu.vector_load %arg8[%get3A_1274, %get3A_1275] {strides = array<i32>} : memref<2x16384xf32, #tpu.memory_space<vmem>>, vector<16xf32>,
        %max3A_1277 = arith.maximumf %max3A_1249, %get3A_1276 : vector<16xf32>
        %add3A_1278 = arith.constant 1520 : i32
        %add3A_1279 = arith.addi %mul3A_612, %add3A_1278 : i32
        %get3A_1280 = arith.constant 0 : i32
        %get3A_1281 = arith.index_cast %get3A_1280 : i32 to index
        %get3A_1282 = arith.index_cast %add3A_1279 : i32 to index
        %get3A_1283 = tpu.vector_load %arg8[%get3A_1281, %get3A_1282] {strides = array<i32>} : memref<2x16384xf32, #tpu.memory_space<vmem>>, vector<16xf32>,
        %max3A_1284 = arith.maximumf %max3A_1256, %get3A_1283 : vector<16xf32>
        %add3A_1285 = arith.constant 1536 : i32
        %add3A_1286 = arith.addi %mul3A_612, %add3A_1285 : i32
        %get3A_1287 = arith.constant 0 : i32
        %get3A_1288 = arith.index_cast %get3A_1287 : i32 to index
        %get3A_1289 = arith.index_cast %add3A_1286 : i32 to index
        %get3A_1290 = tpu.vector_load %arg8[%get3A_1288, %get3A_1289] {strides = array<i32>} : memref<2x16384xf32, #tpu.memory_space<vmem>>, vector<16xf32>,
        %max3A_1291 = arith.maximumf %max3A_1263, %get3A_1290 : vector<16xf32>
        %add3A_1292 = arith.constant 1552 : i32
        %add3A_1293 = arith.addi %mul3A_612, %add3A_1292 : i32
        %get3A_1294 = arith.constant 0 : i32
        %get3A_1295 = arith.index_cast %get3A_1294 : i32 to index
        %get3A_1296 = arith.index_cast %add3A_1293 : i32 to index
        %get3A_1297 = tpu.vector_load %arg8[%get3A_1295, %get3A_1296] {strides = array<i32>} : memref<2x16384xf32, #tpu.memory_space<vmem>>, vector<16xf32>,
        %max3A_1298 = arith.maximumf %max3A_1270, %get3A_1297 : vector<16xf32>
        %add3A_1299 = arith.constant 1568 : i32
        %add3A_1300 = arith.addi %mul3A_612, %add3A_1299 : i32
        %get3A_1301 = arith.constant 0 : i32
        %get3A_1302 = arith.index_cast %get3A_1301 : i32 to index
        %get3A_1303 = arith.index_cast %add3A_1300 : i32 to index
        %get3A_1304 = tpu.vector_load %arg8[%get3A_1302, %get3A_1303] {strides = array<i32>} : memref<2x16384xf32, #tpu.memory_space<vmem>>, vector<16xf32>,
        %max3A_1305 = arith.maximumf %max3A_1277, %get3A_1304 : vector<16xf32>
        %add3A_1306 = arith.constant 1584 : i32
        %add3A_1307 = arith.addi %mul3A_612, %add3A_1306 : i32
        %get3A_1308 = arith.constant 0 : i32
        %get3A_1309 = arith.index_cast %get3A_1308 : i32 to index
        %get3A_1310 = arith.index_cast %add3A_1307 : i32 to index
        %get3A_1311 = tpu.vector_load %arg8[%get3A_1309, %get3A_1310] {strides = array<i32>} : memref<2x16384xf32, #tpu.memory_space<vmem>>, vector<16xf32>,
        %max3A_1312 = arith.maximumf %max3A_1284, %get3A_1311 : vector<16xf32>
        %add3A_1313 = arith.constant 1600 : i32
        %add3A_1314 = arith.addi %mul3A_612, %add3A_1313 : i32
        %get3A_1315 = arith.constant 0 : i32
        %get3A_1316 = arith.index_cast %get3A_1315 : i32 to index
        %get3A_1317 = arith.index_cast %add3A_1314 : i32 to index
        %get3A_1318 = tpu.vector_load %arg8[%get3A_1316, %get3A_1317] {strides = array<i32>} : memref<2x16384xf32, #tpu.memory_space<vmem>>, vector<16xf32>,
        %max3A_1319 = arith.maximumf %max3A_1291, %get3A_1318 : vector<16xf32>
        %add3A_1320 = arith.constant 1616 : i32
        %add3A_1321 = arith.addi %mul3A_612, %add3A_1320 : i32
        %get3A_1322 = arith.constant 0 : i32
        %get3A_1323 = arith.index_cast %get3A_1322 : i32 to index
        %get3A_1324 = arith.index_cast %add3A_1321 : i32 to index
        %get3A_1325 = tpu.vector_load %arg8[%get3A_1323, %get3A_1324] {strides = array<i32>} : memref<2x16384xf32, #tpu.memory_space<vmem>>, vector<16xf32>,
        %max3A_1326 = arith.maximumf %max3A_1298, %get3A_1325 : vector<16xf32>
        %add3A_1327 = arith.constant 1632 : i32
        %add3A_1328 = arith.addi %mul3A_612, %add3A_1327 : i32
        %get3A_1329 = arith.constant 0 : i32
        %get3A_1330 = arith.index_cast %get3A_1329 : i32 to index
        %get3A_1331 = arith.index_cast %add3A_1328 : i32 to index
        %get3A_1332 = tpu.vector_load %arg8[%get3A_1330, %get3A_1331] {strides = array<i32>} : memref<2x16384xf32, #tpu.memory_space<vmem>>, vector<16xf32>,
        %max3A_1333 = arith.maximumf %max3A_1305, %get3A_1332 : vector<16xf32>
        %add3A_1334 = arith.constant 1648 : i32
        %add3A_1335 = arith.addi %mul3A_612, %add3A_1334 : i32
        %get3A_1336 = arith.constant 0 : i32
        %get3A_1337 = arith.index_cast %get3A_1336 : i32 to index
        %get3A_1338 = arith.index_cast %add3A_1335 : i32 to index
        %get3A_1339 = tpu.vector_load %arg8[%get3A_1337, %get3A_1338] {strides = array<i32>} : memref<2x16384xf32, #tpu.memory_space<vmem>>, vector<16xf32>,
        %max3A_1340 = arith.maximumf %max3A_1312, %get3A_1339 : vector<16xf32>
        %add3A_1341 = arith.constant 1664 : i32
        %add3A_1342 = arith.addi %mul3A_612, %add3A_1341 : i32
        %get3A_1343 = arith.constant 0 : i32
        %get3A_1344 = arith.index_cast %get3A_1343 : i32 to index
        %get3A_1345 = arith.index_cast %add3A_1342 : i32 to index
        %get3A_1346 = tpu.vector_load %arg8[%get3A_1344, %get3A_1345] {strides = array<i32>} : memref<2x16384xf32, #tpu.memory_space<vmem>>, vector<16xf32>,
        %max3A_1347 = arith.maximumf %max3A_1319, %get3A_1346 : vector<16xf32>
        %add3A_1348 = arith.constant 1680 : i32
        %add3A_1349 = arith.addi %mul3A_612, %add3A_1348 : i32
        %get3A_1350 = arith.constant 0 : i32
        %get3A_1351 = arith.index_cast %get3A_1350 : i32 to index
        %get3A_1352 = arith.index_cast %add3A_1349 : i32 to index
        %get3A_1353 = tpu.vector_load %arg8[%get3A_1351, %get3A_1352] {strides = array<i32>} : memref<2x16384xf32, #tpu.memory_space<vmem>>, vector<16xf32>,
        %max3A_1354 = arith.maximumf %max3A_1326, %get3A_1353 : vector<16xf32>
        %add3A_1355 = arith.constant 1696 : i32
        %add3A_1356 = arith.addi %mul3A_612, %add3A_1355 : i32
        %get3A_1357 = arith.constant 0 : i32
        %get3A_1358 = arith.index_cast %get3A_1357 : i32 to index
        %get3A_1359 = arith.index_cast %add3A_1356 : i32 to index
        %get3A_1360 = tpu.vector_load %arg8[%get3A_1358, %get3A_1359] {strides = array<i32>} : memref<2x16384xf32, #tpu.memory_space<vmem>>, vector<16xf32>,
        %max3A_1361 = arith.maximumf %max3A_1333, %get3A_1360 : vector<16xf32>
        %add3A_1362 = arith.constant 1712 : i32
        %add3A_1363 = arith.addi %mul3A_612, %add3A_1362 : i32
        %get3A_1364 = arith.constant 0 : i32
        %get3A_1365 = arith.index_cast %get3A_1364 : i32 to index
        %get3A_1366 = arith.index_cast %add3A_1363 : i32 to index
        %get3A_1367 = tpu.vector_load %arg8[%get3A_1365, %get3A_1366] {strides = array<i32>} : memref<2x16384xf32, #tpu.memory_space<vmem>>, vector<16xf32>,
        %max3A_1368 = arith.maximumf %max3A_1340, %get3A_1367 : vector<16xf32>
        %add3A_1369 = arith.constant 1728 : i32
        %add3A_1370 = arith.addi %mul3A_612, %add3A_1369 : i32
        %get3A_1371 = arith.constant 0 : i32
        %get3A_1372 = arith.index_cast %get3A_1371 : i32 to index
        %get3A_1373 = arith.index_cast %add3A_1370 : i32 to index
        %get3A_1374 = tpu.vector_load %arg8[%get3A_1372, %get3A_1373] {strides = array<i32>} : memref<2x16384xf32, #tpu.memory_space<vmem>>, vector<16xf32>,
        %max3A_1375 = arith.maximumf %max3A_1347, %get3A_1374 : vector<16xf32>
        %add3A_1376 = arith.constant 1744 : i32
        %add3A_1377 = arith.addi %mul3A_612, %add3A_1376 : i32
        %get3A_1378 = arith.constant 0 : i32
        %get3A_1379 = arith.index_cast %get3A_1378 : i32 to index
        %get3A_1380 = arith.index_cast %add3A_1377 : i32 to index
        %get3A_1381 = tpu.vector_load %arg8[%get3A_1379, %get3A_1380] {strides = array<i32>} : memref<2x16384xf32, #tpu.memory_space<vmem>>, vector<16xf32>,
        %max3A_1382 = arith.maximumf %max3A_1354, %get3A_1381 : vector<16xf32>
        %add3A_1383 = arith.constant 1760 : i32
        %add3A_1384 = arith.addi %mul3A_612, %add3A_1383 : i32
        %get3A_1385 = arith.constant 0 : i32
        %get3A_1386 = arith.index_cast %get3A_1385 : i32 to index
        %get3A_1387 = arith.index_cast %add3A_1384 : i32 to index
        %get3A_1388 = tpu.vector_load %arg8[%get3A_1386, %get3A_1387] {strides = array<i32>} : memref<2x16384xf32, #tpu.memory_space<vmem>>, vector<16xf32>,
        %max3A_1389 = arith.maximumf %max3A_1361, %get3A_1388 : vector<16xf32>
        %add3A_1390 = arith.constant 1776 : i32
        %add3A_1391 = arith.addi %mul3A_612, %add3A_1390 : i32
        %get3A_1392 = arith.constant 0 : i32
        %get3A_1393 = arith.index_cast %get3A_1392 : i32 to index
        %get3A_1394 = arith.index_cast %add3A_1391 : i32 to index
        %get3A_1395 = tpu.vector_load %arg8[%get3A_1393, %get3A_1394] {strides = array<i32>} : memref<2x16384xf32, #tpu.memory_space<vmem>>, vector<16xf32>,
        %max3A_1396 = arith.maximumf %max3A_1368, %get3A_1395 : vector<16xf32>
        %add3A_1397 = arith.constant 1792 : i32
        %add3A_1398 = arith.addi %mul3A_612, %add3A_1397 : i32
        %get3A_1399 = arith.constant 0 : i32
        %get3A_1400 = arith.index_cast %get3A_1399 : i32 to index
        %get3A_1401 = arith.index_cast %add3A_1398 : i32 to index
        %get3A_1402 = tpu.vector_load %arg8[%get3A_1400, %get3A_1401] {strides = array<i32>} : memref<2x16384xf32, #tpu.memory_space<vmem>>, vector<16xf32>,
        %max3A_1403 = arith.maximumf %max3A_1375, %get3A_1402 : vector<16xf32>
        %add3A_1404 = arith.constant 1808 : i32
        %add3A_1405 = arith.addi %mul3A_612, %add3A_1404 : i32
        %get3A_1406 = arith.constant 0 : i32
        %get3A_1407 = arith.index_cast %get3A_1406 : i32 to index
        %get3A_1408 = arith.index_cast %add3A_1405 : i32 to index
        %get3A_1409 = tpu.vector_load %arg8[%get3A_1407, %get3A_1408] {strides = array<i32>} : memref<2x16384xf32, #tpu.memory_space<vmem>>, vector<16xf32>,
        %max3A_1410 = arith.maximumf %max3A_1382, %get3A_1409 : vector<16xf32>
        %add3A_1411 = arith.constant 1824 : i32
        %add3A_1412 = arith.addi %mul3A_612, %add3A_1411 : i32
        %get3A_1413 = arith.constant 0 : i32
        %get3A_1414 = arith.index_cast %get3A_1413 : i32 to index
        %get3A_1415 = arith.index_cast %add3A_1412 : i32 to index
        %get3A_1416 = tpu.vector_load %arg8[%get3A_1414, %get3A_1415] {strides = array<i32>} : memref<2x16384xf32, #tpu.memory_space<vmem>>, vector<16xf32>,
        %max3A_1417 = arith.maximumf %max3A_1389, %get3A_1416 : vector<16xf32>
        %add3A_1418 = arith.constant 1840 : i32
        %add3A_1419 = arith.addi %mul3A_612, %add3A_1418 : i32
        %get3A_1420 = arith.constant 0 : i32
        %get3A_1421 = arith.index_cast %get3A_1420 : i32 to index
        %get3A_1422 = arith.index_cast %add3A_1419 : i32 to index
        %get3A_1423 = tpu.vector_load %arg8[%get3A_1421, %get3A_1422] {strides = array<i32>} : memref<2x16384xf32, #tpu.memory_space<vmem>>, vector<16xf32>,
        %max3A_1424 = arith.maximumf %max3A_1396, %get3A_1423 : vector<16xf32>
        %add3A_1425 = arith.constant 1856 : i32
        %add3A_1426 = arith.addi %mul3A_612, %add3A_1425 : i32
        %get3A_1427 = arith.constant 0 : i32
        %get3A_1428 = arith.index_cast %get3A_1427 : i32 to index
        %get3A_1429 = arith.index_cast %add3A_1426 : i32 to index
        %get3A_1430 = tpu.vector_load %arg8[%get3A_1428, %get3A_1429] {strides = array<i32>} : memref<2x16384xf32, #tpu.memory_space<vmem>>, vector<16xf32>,
        %max3A_1431 = arith.maximumf %max3A_1403, %get3A_1430 : vector<16xf32>
        %add3A_1432 = arith.constant 1872 : i32
        %add3A_1433 = arith.addi %mul3A_612, %add3A_1432 : i32
        %get3A_1434 = arith.constant 0 : i32
        %get3A_1435 = arith.index_cast %get3A_1434 : i32 to index
        %get3A_1436 = arith.index_cast %add3A_1433 : i32 to index
        %get3A_1437 = tpu.vector_load %arg8[%get3A_1435, %get3A_1436] {strides = array<i32>} : memref<2x16384xf32, #tpu.memory_space<vmem>>, vector<16xf32>,
        %max3A_1438 = arith.maximumf %max3A_1410, %get3A_1437 : vector<16xf32>
        %add3A_1439 = arith.constant 1888 : i32
        %add3A_1440 = arith.addi %mul3A_612, %add3A_1439 : i32
        %get3A_1441 = arith.constant 0 : i32
        %get3A_1442 = arith.index_cast %get3A_1441 : i32 to index
        %get3A_1443 = arith.index_cast %add3A_1440 : i32 to index
        %get3A_1444 = tpu.vector_load %arg8[%get3A_1442, %get3A_1443] {strides = array<i32>} : memref<2x16384xf32, #tpu.memory_space<vmem>>, vector<16xf32>,
        %max3A_1445 = arith.maximumf %max3A_1417, %get3A_1444 : vector<16xf32>
        %add3A_1446 = arith.constant 1904 : i32
        %add3A_1447 = arith.addi %mul3A_612, %add3A_1446 : i32
        %get3A_1448 = arith.constant 0 : i32
        %get3A_1449 = arith.index_cast %get3A_1448 : i32 to index
        %get3A_1450 = arith.index_cast %add3A_1447 : i32 to index
        %get3A_1451 = tpu.vector_load %arg8[%get3A_1449, %get3A_1450] {strides = array<i32>} : memref<2x16384xf32, #tpu.memory_space<vmem>>, vector<16xf32>,
        %max3A_1452 = arith.maximumf %max3A_1424, %get3A_1451 : vector<16xf32>
        %add3A_1453 = arith.constant 1920 : i32
        %add3A_1454 = arith.addi %mul3A_612, %add3A_1453 : i32
        %get3A_1455 = arith.constant 0 : i32
        %get3A_1456 = arith.index_cast %get3A_1455 : i32 to index
        %get3A_1457 = arith.index_cast %add3A_1454 : i32 to index
        %get3A_1458 = tpu.vector_load %arg8[%get3A_1456, %get3A_1457] {strides = array<i32>} : memref<2x16384xf32, #tpu.memory_space<vmem>>, vector<16xf32>,
        %max3A_1459 = arith.maximumf %max3A_1431, %get3A_1458 : vector<16xf32>
        %add3A_1460 = arith.constant 1936 : i32
        %add3A_1461 = arith.addi %mul3A_612, %add3A_1460 : i32
        %get3A_1462 = arith.constant 0 : i32
        %get3A_1463 = arith.index_cast %get3A_1462 : i32 to index
        %get3A_1464 = arith.index_cast %add3A_1461 : i32 to index
        %get3A_1465 = tpu.vector_load %arg8[%get3A_1463, %get3A_1464] {strides = array<i32>} : memref<2x16384xf32, #tpu.memory_space<vmem>>, vector<16xf32>,
        %max3A_1466 = arith.maximumf %max3A_1438, %get3A_1465 : vector<16xf32>
        %add3A_1467 = arith.constant 1952 : i32
        %add3A_1468 = arith.addi %mul3A_612, %add3A_1467 : i32
        %get3A_1469 = arith.constant 0 : i32
        %get3A_1470 = arith.index_cast %get3A_1469 : i32 to index
        %get3A_1471 = arith.index_cast %add3A_1468 : i32 to index
        %get3A_1472 = tpu.vector_load %arg8[%get3A_1470, %get3A_1471] {strides = array<i32>} : memref<2x16384xf32, #tpu.memory_space<vmem>>, vector<16xf32>,
        %max3A_1473 = arith.maximumf %max3A_1445, %get3A_1472 : vector<16xf32>
        %add3A_1474 = arith.constant 1968 : i32
        %add3A_1475 = arith.addi %mul3A_612, %add3A_1474 : i32
        %get3A_1476 = arith.constant 0 : i32
        %get3A_1477 = arith.index_cast %get3A_1476 : i32 to index
        %get3A_1478 = arith.index_cast %add3A_1475 : i32 to index
        %get3A_1479 = tpu.vector_load %arg8[%get3A_1477, %get3A_1478] {strides = array<i32>} : memref<2x16384xf32, #tpu.memory_space<vmem>>, vector<16xf32>,
        %max3A_1480 = arith.maximumf %max3A_1452, %get3A_1479 : vector<16xf32>
        %add3A_1481 = arith.constant 1984 : i32
        %add3A_1482 = arith.addi %mul3A_612, %add3A_1481 : i32
        %get3A_1483 = arith.constant 0 : i32
        %get3A_1484 = arith.index_cast %get3A_1483 : i32 to index
        %get3A_1485 = arith.index_cast %add3A_1482 : i32 to index
        %get3A_1486 = tpu.vector_load %arg8[%get3A_1484, %get3A_1485] {strides = array<i32>} : memref<2x16384xf32, #tpu.memory_space<vmem>>, vector<16xf32>,
        %max3A_1487 = arith.maximumf %max3A_1459, %get3A_1486 : vector<16xf32>
        %add3A_1488 = arith.constant 2000 : i32
        %add3A_1489 = arith.addi %mul3A_612, %add3A_1488 : i32
        %get3A_1490 = arith.constant 0 : i32
        %get3A_1491 = arith.index_cast %get3A_1490 : i32 to index
        %get3A_1492 = arith.index_cast %add3A_1489 : i32 to index
        %get3A_1493 = tpu.vector_load %arg8[%get3A_1491, %get3A_1492] {strides = array<i32>} : memref<2x16384xf32, #tpu.memory_space<vmem>>, vector<16xf32>,
        %max3A_1494 = arith.maximumf %max3A_1466, %get3A_1493 : vector<16xf32>
        %add3A_1495 = arith.constant 2016 : i32
        %add3A_1496 = arith.addi %mul3A_612, %add3A_1495 : i32
        %get3A_1497 = arith.constant 0 : i32
        %get3A_1498 = arith.index_cast %get3A_1497 : i32 to index
        %get3A_1499 = arith.index_cast %add3A_1496 : i32 to index
        %get3A_1500 = tpu.vector_load %arg8[%get3A_1498, %get3A_1499] {strides = array<i32>} : memref<2x16384xf32, #tpu.memory_space<vmem>>, vector<16xf32>,
        %max3A_1501 = arith.maximumf %max3A_1473, %get3A_1500 : vector<16xf32>
        %add3A_1502 = arith.constant 2032 : i32
        %add3A_1503 = arith.addi %mul3A_612, %add3A_1502 : i32
        %get3A_1504 = arith.constant 0 : i32
        %get3A_1505 = arith.index_cast %get3A_1504 : i32 to index
        %get3A_1506 = arith.index_cast %add3A_1503 : i32 to index
        %get3A_1507 = tpu.vector_load %arg8[%get3A_1505, %get3A_1506] {strides = array<i32>} : memref<2x16384xf32, #tpu.memory_space<vmem>>, vector<16xf32>,
        %max3A_1508 = arith.maximumf %max3A_1480, %get3A_1507 : vector<16xf32>
        %max3A_1509 = arith.maximumf %max3A_1487, %max3A_1494 : vector<16xf32>
        %max3A_1510 = arith.maximumf %max3A_1501, %max3A_1508 : vector<16xf32>
        %max3A_1511 = arith.maximumf %max3A_1509, %max3A_1510 : vector<16xf32>
        %mul3A_1512 = arith.constant 8 : i32
        %mul3A_1513 = arith.muli %add3A_587, %mul3A_1512 : i32
        %add3A_1514 = arith.addi %mul3A_1513, %scan3A_609 : i32
        %mul3A_1515 = arith.constant 16 : i32
        %mul3A_1516 = arith.muli %add3A_1514, %mul3A_1515 : i32
        %swap3A_1517 = arith.index_cast %mul3A_1516 : i32 to index
        %swap3A_1518 = tpu.vector_load %arg12[%swap3A_1517] {strides = array<i32>} : memref<8192xf32, #tpu.memory_space<vmem>>, vector<16xf32>,
        tpu.vector_store %arg12[%swap3A_1517], %max3A_1511 {strides = array<i32>} : memref<8192xf32, #tpu.memory_space<vmem>>, vector<16xf32>,
        %broadcast_in_dim3A_1519 = vector.broadcast %add3A_1514 : i32 to vector<16xi32>
        %reduce_max3A_1520 = arith.constant true
        %reduce_max3A_1521 = vector.broadcast %reduce_max3A_1520 : i1 to vector<16xi1>
        %reduce_max3A_1522 = tpu.scan <max>, %max3A_1511 masked %reduce_max3A_1521 : vector<16xf32>, vector<16xi1> -> vector<16xf32>
        %reduce_max3A_1523 = vector.extract %reduce_max3A_1522[15] : f32 from vector<16xf32>
        %broadcast_in_dim3A_1524 = vector.broadcast %reduce_max3A_1523 : f32 to vector<16xf32>
        tpu.vector_store_idx %arg13[%broadcast_in_dim3A_1519], %broadcast_in_dim3A_1524 masked %eq3A_3 : memref<512xf32, #tpu.memory_space<vmem>>[vector<16xi32>], vector<16xf32>, vector<16xi1>
        %scan3A_1525 = arith.constant 0 : i32
        scf.yield %scan3A_1525 : i32
      }
      %scan3A_600 = arith.constant 8 : i32
      %add3A_601 = arith.constant 2 : i32
      %add3A_602 = arith.addi %add3A_587, %add3A_601 : i32
      %lt3A_603 = arith.constant 61 : i32
      %lt3A_604 = arith.cmpi slt, %add3A_602, %lt3A_603 : i32
      %convert_element_type3A_605 = arith.extui %lt3A_604 : i1 to i32
      %cond3A_606 = arith.constant 0 : i32
      %cond3A_607 = arith.cmpi ne, %convert_element_type3A_605, %cond3A_606 : i32
      scf.if %cond3A_607 {
        %add3A_609 = arith.constant 2 : i32
        %add3A_610 = arith.addi %add3A_587, %add3A_609 : i32
        %mul3A_611 = arith.constant 2 : i32
        %mul3A_612 = arith.muli %mul3A_611, %add3A : i32
        %mul3A_613 = arith.constant 16384 : i32
        %mul3A_614 = arith.muli %add3A_610, %mul3A_613 : i32
        %dma_start3A_615 = tpu.memref_slice %arg2[%mul3A_612, %mul3A_614] : memref<64x1000000xf32, #tpu.memory_space<hbm>> -> memref<2x16384xf32, #tpu.memory_space<hbm>>
        %dma_start3A_616 = tpu.memref_slice %arg2[%mul3A_612, %mul3A_614] : memref<64x1000000xf32, #tpu.memory_space<hbm>> -> memref<2x16384xf32, #tpu.memory_space<hbm>>
        tpu.enqueue_dma source(%dma_start3A_616 : memref<2x16384xf32, #tpu.memory_space<hbm>>) target(%arg8 : memref<2x16384xf32, #tpu.memory_space<vmem>>) target_semaphore(%arg25 : memref<!tpu.dma_semaphore, #tpu.memory_space<semaphore_mem>>)
      } else {
      }
      %scan3A_608 = arith.constant 0 : i32
      scf.yield %scan3A_608 : i32
    }
    %scan3A_76 = arith.constant 30 : i32
    %mul3A_77 = arith.constant 2 : i32
    %mul3A_78 = arith.muli %mul3A_77, %add3A : i32
    %dma_wait3A = arith.constant 983040 : i32
    %dma_wait3A_79 = tpu.memref_slice %arg2[%mul3A_78, %dma_wait3A] : memref<64x1000000xf32, #tpu.memory_space<hbm>> -> memref<2x16384xf32, #tpu.memory_space<hbm>>
    %dma_wait3A_80 = arith.constant 983040 : i32
    %dma_wait3A_81 = tpu.memref_slice %arg2[%mul3A_78, %dma_wait3A_80] : memref<64x1000000xf32, #tpu.memory_space<hbm>> -> memref<2x16384xf32, #tpu.memory_space<hbm>>
    tpu.wait_dma2 semaphore(%arg24 : memref<!tpu.dma_semaphore, #tpu.memory_space<semaphore_mem>>) src(%dma_wait3A_81 : memref<2x16384xf32, #tpu.memory_space<hbm>>) dst(%arg7 : memref<2x16384xf32, #tpu.memory_space<vmem>>)
    %mul3A_82 = arith.constant 640 : i32
    %mul3A_83 = arith.muli %add3A, %mul3A_82 : i32
    %dma_start3A_84 = tpu.memref_slice %arg3[%mul3A_83] : memref<20480xf32, #tpu.memory_space<hbm>> -> memref<640xf32, #tpu.memory_space<hbm>>
    %dma_start3A_85 = tpu.memref_slice %arg3[%mul3A_83] : memref<20480xf32, #tpu.memory_space<hbm>> -> memref<640xf32, #tpu.memory_space<hbm>>
    tpu.enqueue_dma source(%dma_start3A_85 : memref<640xf32, #tpu.memory_space<hbm>>) target(%arg11 : memref<640xf32, #tpu.memory_space<vmem>>) target_semaphore(%arg25 : memref<!tpu.dma_semaphore, #tpu.memory_space<semaphore_mem>>)
    %scan3A_86 = arith.constant 0 : i32
    %scan3A_87 = arith.constant 0 : i32
    %scan3A_88 = arith.constant 8 : i32
    %scan3A_89 = arith.addi %scan3A_87, %scan3A_88 : i32
    %scan3A_90 = arith.constant 1 : i32
    %scan3A_91 = scf.for %scan3A_559 = %scan3A_87 to %scan3A_89 step %scan3A_90 iter_args(%scan3A_560 = %scan3A_86) -> (i32)  : i32 {
      %mul3A_561 = arith.constant 2048 : i32
      %mul3A_562 = arith.muli %scan3A_559, %mul3A_561 : i32
      %add3A_563 = arith.constant 0 : i32
      %add3A_564 = arith.addi %mul3A_562, %add3A_563 : i32
      %get3A_565 = arith.constant 0 : i32
      %get3A_566 = arith.index_cast %get3A_565 : i32 to index
      %get3A_567 = arith.index_cast %add3A_564 : i32 to index
      %get3A_568 = tpu.vector_load %arg7[%get3A_566, %get3A_567] {strides = array<i32>} : memref<2x16384xf32, #tpu.memory_space<vmem>>, vector<16xf32>,
      %max3A_569 = arith.maximumf %broadcast_in_dim3A_1, %get3A_568 : vector<16xf32>
      %add3A_570 = arith.constant 16 : i32
      %add3A_571 = arith.addi %mul3A_562, %add3A_570 : i32
      %get3A_572 = arith.constant 0 : i32
      %get3A_573 = arith.index_cast %get3A_572 : i32 to index
      %get3A_574 = arith.index_cast %add3A_571 : i32 to index
      %get3A_575 = tpu.vector_load %arg7[%get3A_573, %get3A_574] {strides = array<i32>} : memref<2x16384xf32, #tpu.memory_space<vmem>>, vector<16xf32>,
      %max3A_576 = arith.maximumf %broadcast_in_dim3A_1, %get3A_575 : vector<16xf32>
      %add3A_577 = arith.constant 32 : i32
      %add3A_578 = arith.addi %mul3A_562, %add3A_577 : i32
      %get3A_579 = arith.constant 0 : i32
      %get3A_580 = arith.index_cast %get3A_579 : i32 to index
      %get3A_581 = arith.index_cast %add3A_578 : i32 to index
      %get3A_582 = tpu.vector_load %arg7[%get3A_580, %get3A_581] {strides = array<i32>} : memref<2x16384xf32, #tpu.memory_space<vmem>>, vector<16xf32>,
      %max3A_583 = arith.maximumf %broadcast_in_dim3A_1, %get3A_582 : vector<16xf32>
      %add3A_584 = arith.constant 48 : i32
      %add3A_585 = arith.addi %mul3A_562, %add3A_584 : i32
      %get3A_586 = arith.constant 0 : i32
      %get3A_587 = arith.index_cast %get3A_586 : i32 to index
      %get3A_588 = arith.index_cast %add3A_585 : i32 to index
      %get3A_589 = tpu.vector_load %arg7[%get3A_587, %get3A_588] {strides = array<i32>} : memref<2x16384xf32, #tpu.memory_space<vmem>>, vector<16xf32>,
      %max3A_590 = arith.maximumf %broadcast_in_dim3A_1, %get3A_589 : vector<16xf32>
      %add3A_591 = arith.constant 64 : i32
      %add3A_592 = arith.addi %mul3A_562, %add3A_591 : i32
      %get3A_593 = arith.constant 0 : i32
      %get3A_594 = arith.index_cast %get3A_593 : i32 to index
      %get3A_595 = arith.index_cast %add3A_592 : i32 to index
      %get3A_596 = tpu.vector_load %arg7[%get3A_594, %get3A_595] {strides = array<i32>} : memref<2x16384xf32, #tpu.memory_space<vmem>>, vector<16xf32>,
      %max3A_597 = arith.maximumf %max3A_569, %get3A_596 : vector<16xf32>
      %add3A_598 = arith.constant 80 : i32
      %add3A_599 = arith.addi %mul3A_562, %add3A_598 : i32
      %get3A_600 = arith.constant 0 : i32
      %get3A_601 = arith.index_cast %get3A_600 : i32 to index
      %get3A_602 = arith.index_cast %add3A_599 : i32 to index
      %get3A_603 = tpu.vector_load %arg7[%get3A_601, %get3A_602] {strides = array<i32>} : memref<2x16384xf32, #tpu.memory_space<vmem>>, vector<16xf32>,
      %max3A_604 = arith.maximumf %max3A_576, %get3A_603 : vector<16xf32>
      %add3A_605 = arith.constant 96 : i32
      %add3A_606 = arith.addi %mul3A_562, %add3A_605 : i32
      %get3A_607 = arith.constant 0 : i32
      %get3A_608 = arith.index_cast %get3A_607 : i32 to index
      %get3A_609 = arith.index_cast %add3A_606 : i32 to index
      %get3A_610 = tpu.vector_load %arg7[%get3A_608, %get3A_609] {strides = array<i32>} : memref<2x16384xf32, #tpu.memory_space<vmem>>, vector<16xf32>,
      %max3A_611 = arith.maximumf %max3A_583, %get3A_610 : vector<16xf32>
      %add3A_612 = arith.constant 112 : i32
      %add3A_613 = arith.addi %mul3A_562, %add3A_612 : i32
      %get3A_614 = arith.constant 0 : i32
      %get3A_615 = arith.index_cast %get3A_614 : i32 to index
      %get3A_616 = arith.index_cast %add3A_613 : i32 to index
      %get3A_617 = tpu.vector_load %arg7[%get3A_615, %get3A_616] {strides = array<i32>} : memref<2x16384xf32, #tpu.memory_space<vmem>>, vector<16xf32>,
      %max3A_618 = arith.maximumf %max3A_590, %get3A_617 : vector<16xf32>
      %add3A_619 = arith.constant 128 : i32
      %add3A_620 = arith.addi %mul3A_562, %add3A_619 : i32
      %get3A_621 = arith.constant 0 : i32
      %get3A_622 = arith.index_cast %get3A_621 : i32 to index
      %get3A_623 = arith.index_cast %add3A_620 : i32 to index
      %get3A_624 = tpu.vector_load %arg7[%get3A_622, %get3A_623] {strides = array<i32>} : memref<2x16384xf32, #tpu.memory_space<vmem>>, vector<16xf32>,
      %max3A_625 = arith.maximumf %max3A_597, %get3A_624 : vector<16xf32>
      %add3A_626 = arith.constant 144 : i32
      %add3A_627 = arith.addi %mul3A_562, %add3A_626 : i32
      %get3A_628 = arith.constant 0 : i32
      %get3A_629 = arith.index_cast %get3A_628 : i32 to index
      %get3A_630 = arith.index_cast %add3A_627 : i32 to index
      %get3A_631 = tpu.vector_load %arg7[%get3A_629, %get3A_630] {strides = array<i32>} : memref<2x16384xf32, #tpu.memory_space<vmem>>, vector<16xf32>,
      %max3A_632 = arith.maximumf %max3A_604, %get3A_631 : vector<16xf32>
      %add3A_633 = arith.constant 160 : i32
      %add3A_634 = arith.addi %mul3A_562, %add3A_633 : i32
      %get3A_635 = arith.constant 0 : i32
      %get3A_636 = arith.index_cast %get3A_635 : i32 to index
      %get3A_637 = arith.index_cast %add3A_634 : i32 to index
      %get3A_638 = tpu.vector_load %arg7[%get3A_636, %get3A_637] {strides = array<i32>} : memref<2x16384xf32, #tpu.memory_space<vmem>>, vector<16xf32>,
      %max3A_639 = arith.maximumf %max3A_611, %get3A_638 : vector<16xf32>
      %add3A_640 = arith.constant 176 : i32
      %add3A_641 = arith.addi %mul3A_562, %add3A_640 : i32
      %get3A_642 = arith.constant 0 : i32
      %get3A_643 = arith.index_cast %get3A_642 : i32 to index
      %get3A_644 = arith.index_cast %add3A_641 : i32 to index
      %get3A_645 = tpu.vector_load %arg7[%get3A_643, %get3A_644] {strides = array<i32>} : memref<2x16384xf32, #tpu.memory_space<vmem>>, vector<16xf32>,
      %max3A_646 = arith.maximumf %max3A_618, %get3A_645 : vector<16xf32>
      %add3A_647 = arith.constant 192 : i32
      %add3A_648 = arith.addi %mul3A_562, %add3A_647 : i32
      %get3A_649 = arith.constant 0 : i32
      %get3A_650 = arith.index_cast %get3A_649 : i32 to index
      %get3A_651 = arith.index_cast %add3A_648 : i32 to index
      %get3A_652 = tpu.vector_load %arg7[%get3A_650, %get3A_651] {strides = array<i32>} : memref<2x16384xf32, #tpu.memory_space<vmem>>, vector<16xf32>,
      %max3A_653 = arith.maximumf %max3A_625, %get3A_652 : vector<16xf32>
      %add3A_654 = arith.constant 208 : i32
      %add3A_655 = arith.addi %mul3A_562, %add3A_654 : i32
      %get3A_656 = arith.constant 0 : i32
      %get3A_657 = arith.index_cast %get3A_656 : i32 to index
      %get3A_658 = arith.index_cast %add3A_655 : i32 to index
      %get3A_659 = tpu.vector_load %arg7[%get3A_657, %get3A_658] {strides = array<i32>} : memref<2x16384xf32, #tpu.memory_space<vmem>>, vector<16xf32>,
      %max3A_660 = arith.maximumf %max3A_632, %get3A_659 : vector<16xf32>
      %add3A_661 = arith.constant 224 : i32
      %add3A_662 = arith.addi %mul3A_562, %add3A_661 : i32
      %get3A_663 = arith.constant 0 : i32
      %get3A_664 = arith.index_cast %get3A_663 : i32 to index
      %get3A_665 = arith.index_cast %add3A_662 : i32 to index
      %get3A_666 = tpu.vector_load %arg7[%get3A_664, %get3A_665] {strides = array<i32>} : memref<2x16384xf32, #tpu.memory_space<vmem>>, vector<16xf32>,
      %max3A_667 = arith.maximumf %max3A_639, %get3A_666 : vector<16xf32>
      %add3A_668 = arith.constant 240 : i32
      %add3A_669 = arith.addi %mul3A_562, %add3A_668 : i32
      %get3A_670 = arith.constant 0 : i32
      %get3A_671 = arith.index_cast %get3A_670 : i32 to index
      %get3A_672 = arith.index_cast %add3A_669 : i32 to index
      %get3A_673 = tpu.vector_load %arg7[%get3A_671, %get3A_672] {strides = array<i32>} : memref<2x16384xf32, #tpu.memory_space<vmem>>, vector<16xf32>,
      %max3A_674 = arith.maximumf %max3A_646, %get3A_673 : vector<16xf32>
      %add3A_675 = arith.constant 256 : i32
      %add3A_676 = arith.addi %mul3A_562, %add3A_675 : i32
      %get3A_677 = arith.constant 0 : i32
      %get3A_678 = arith.index_cast %get3A_677 : i32 to index
      %get3A_679 = arith.index_cast %add3A_676 : i32 to index
      %get3A_680 = tpu.vector_load %arg7[%get3A_678, %get3A_679] {strides = array<i32>} : memref<2x16384xf32, #tpu.memory_space<vmem>>, vector<16xf32>,
      %max3A_681 = arith.maximumf %max3A_653, %get3A_680 : vector<16xf32>
      %add3A_682 = arith.constant 272 : i32
      %add3A_683 = arith.addi %mul3A_562, %add3A_682 : i32
      %get3A_684 = arith.constant 0 : i32
      %get3A_685 = arith.index_cast %get3A_684 : i32 to index
      %get3A_686 = arith.index_cast %add3A_683 : i32 to index
      %get3A_687 = tpu.vector_load %arg7[%get3A_685, %get3A_686] {strides = array<i32>} : memref<2x16384xf32, #tpu.memory_space<vmem>>, vector<16xf32>,
      %max3A_688 = arith.maximumf %max3A_660, %get3A_687 : vector<16xf32>
      %add3A_689 = arith.constant 288 : i32
      %add3A_690 = arith.addi %mul3A_562, %add3A_689 : i32
      %get3A_691 = arith.constant 0 : i32
      %get3A_692 = arith.index_cast %get3A_691 : i32 to index
      %get3A_693 = arith.index_cast %add3A_690 : i32 to index
      %get3A_694 = tpu.vector_load %arg7[%get3A_692, %get3A_693] {strides = array<i32>} : memref<2x16384xf32, #tpu.memory_space<vmem>>, vector<16xf32>,
      %max3A_695 = arith.maximumf %max3A_667, %get3A_694 : vector<16xf32>
      %add3A_696 = arith.constant 304 : i32
      %add3A_697 = arith.addi %mul3A_562, %add3A_696 : i32
      %get3A_698 = arith.constant 0 : i32
      %get3A_699 = arith.index_cast %get3A_698 : i32 to index
      %get3A_700 = arith.index_cast %add3A_697 : i32 to index
      %get3A_701 = tpu.vector_load %arg7[%get3A_699, %get3A_700] {strides = array<i32>} : memref<2x16384xf32, #tpu.memory_space<vmem>>, vector<16xf32>,
      %max3A_702 = arith.maximumf %max3A_674, %get3A_701 : vector<16xf32>
      %add3A_703 = arith.constant 320 : i32
      %add3A_704 = arith.addi %mul3A_562, %add3A_703 : i32
      %get3A_705 = arith.constant 0 : i32
      %get3A_706 = arith.index_cast %get3A_705 : i32 to index
      %get3A_707 = arith.index_cast %add3A_704 : i32 to index
      %get3A_708 = tpu.vector_load %arg7[%get3A_706, %get3A_707] {strides = array<i32>} : memref<2x16384xf32, #tpu.memory_space<vmem>>, vector<16xf32>,
      %max3A_709 = arith.maximumf %max3A_681, %get3A_708 : vector<16xf32>
      %add3A_710 = arith.constant 336 : i32
      %add3A_711 = arith.addi %mul3A_562, %add3A_710 : i32
      %get3A_712 = arith.constant 0 : i32
      %get3A_713 = arith.index_cast %get3A_712 : i32 to index
      %get3A_714 = arith.index_cast %add3A_711 : i32 to index
      %get3A_715 = tpu.vector_load %arg7[%get3A_713, %get3A_714] {strides = array<i32>} : memref<2x16384xf32, #tpu.memory_space<vmem>>, vector<16xf32>,
      %max3A_716 = arith.maximumf %max3A_688, %get3A_715 : vector<16xf32>
      %add3A_717 = arith.constant 352 : i32
      %add3A_718 = arith.addi %mul3A_562, %add3A_717 : i32
      %get3A_719 = arith.constant 0 : i32
      %get3A_720 = arith.index_cast %get3A_719 : i32 to index
      %get3A_721 = arith.index_cast %add3A_718 : i32 to index
      %get3A_722 = tpu.vector_load %arg7[%get3A_720, %get3A_721] {strides = array<i32>} : memref<2x16384xf32, #tpu.memory_space<vmem>>, vector<16xf32>,
      %max3A_723 = arith.maximumf %max3A_695, %get3A_722 : vector<16xf32>
      %add3A_724 = arith.constant 368 : i32
      %add3A_725 = arith.addi %mul3A_562, %add3A_724 : i32
      %get3A_726 = arith.constant 0 : i32
      %get3A_727 = arith.index_cast %get3A_726 : i32 to index
      %get3A_728 = arith.index_cast %add3A_725 : i32 to index
      %get3A_729 = tpu.vector_load %arg7[%get3A_727, %get3A_728] {strides = array<i32>} : memref<2x16384xf32, #tpu.memory_space<vmem>>, vector<16xf32>,
      %max3A_730 = arith.maximumf %max3A_702, %get3A_729 : vector<16xf32>
      %add3A_731 = arith.constant 384 : i32
      %add3A_732 = arith.addi %mul3A_562, %add3A_731 : i32
      %get3A_733 = arith.constant 0 : i32
      %get3A_734 = arith.index_cast %get3A_733 : i32 to index
      %get3A_735 = arith.index_cast %add3A_732 : i32 to index
      %get3A_736 = tpu.vector_load %arg7[%get3A_734, %get3A_735] {strides = array<i32>} : memref<2x16384xf32, #tpu.memory_space<vmem>>, vector<16xf32>,
      %max3A_737 = arith.maximumf %max3A_709, %get3A_736 : vector<16xf32>
      %add3A_738 = arith.constant 400 : i32
      %add3A_739 = arith.addi %mul3A_562, %add3A_738 : i32
      %get3A_740 = arith.constant 0 : i32
      %get3A_741 = arith.index_cast %get3A_740 : i32 to index
      %get3A_742 = arith.index_cast %add3A_739 : i32 to index
      %get3A_743 = tpu.vector_load %arg7[%get3A_741, %get3A_742] {strides = array<i32>} : memref<2x16384xf32, #tpu.memory_space<vmem>>, vector<16xf32>,
      %max3A_744 = arith.maximumf %max3A_716, %get3A_743 : vector<16xf32>
      %add3A_745 = arith.constant 416 : i32
      %add3A_746 = arith.addi %mul3A_562, %add3A_745 : i32
      %get3A_747 = arith.constant 0 : i32
      %get3A_748 = arith.index_cast %get3A_747 : i32 to index
      %get3A_749 = arith.index_cast %add3A_746 : i32 to index
      %get3A_750 = tpu.vector_load %arg7[%get3A_748, %get3A_749] {strides = array<i32>} : memref<2x16384xf32, #tpu.memory_space<vmem>>, vector<16xf32>,
      %max3A_751 = arith.maximumf %max3A_723, %get3A_750 : vector<16xf32>
      %add3A_752 = arith.constant 432 : i32
      %add3A_753 = arith.addi %mul3A_562, %add3A_752 : i32
      %get3A_754 = arith.constant 0 : i32
      %get3A_755 = arith.index_cast %get3A_754 : i32 to index
      %get3A_756 = arith.index_cast %add3A_753 : i32 to index
      %get3A_757 = tpu.vector_load %arg7[%get3A_755, %get3A_756] {strides = array<i32>} : memref<2x16384xf32, #tpu.memory_space<vmem>>, vector<16xf32>,
      %max3A_758 = arith.maximumf %max3A_730, %get3A_757 : vector<16xf32>
      %add3A_759 = arith.constant 448 : i32
      %add3A_760 = arith.addi %mul3A_562, %add3A_759 : i32
      %get3A_761 = arith.constant 0 : i32
      %get3A_762 = arith.index_cast %get3A_761 : i32 to index
      %get3A_763 = arith.index_cast %add3A_760 : i32 to index
      %get3A_764 = tpu.vector_load %arg7[%get3A_762, %get3A_763] {strides = array<i32>} : memref<2x16384xf32, #tpu.memory_space<vmem>>, vector<16xf32>,
      %max3A_765 = arith.maximumf %max3A_737, %get3A_764 : vector<16xf32>
      %add3A_766 = arith.constant 464 : i32
      %add3A_767 = arith.addi %mul3A_562, %add3A_766 : i32
      %get3A_768 = arith.constant 0 : i32
      %get3A_769 = arith.index_cast %get3A_768 : i32 to index
      %get3A_770 = arith.index_cast %add3A_767 : i32 to index
      %get3A_771 = tpu.vector_load %arg7[%get3A_769, %get3A_770] {strides = array<i32>} : memref<2x16384xf32, #tpu.memory_space<vmem>>, vector<16xf32>,
      %max3A_772 = arith.maximumf %max3A_744, %get3A_771 : vector<16xf32>
      %add3A_773 = arith.constant 480 : i32
      %add3A_774 = arith.addi %mul3A_562, %add3A_773 : i32
      %get3A_775 = arith.constant 0 : i32
      %get3A_776 = arith.index_cast %get3A_775 : i32 to index
      %get3A_777 = arith.index_cast %add3A_774 : i32 to index
      %get3A_778 = tpu.vector_load %arg7[%get3A_776, %get3A_777] {strides = array<i32>} : memref<2x16384xf32, #tpu.memory_space<vmem>>, vector<16xf32>,
      %max3A_779 = arith.maximumf %max3A_751, %get3A_778 : vector<16xf32>
      %add3A_780 = arith.constant 496 : i32
      %add3A_781 = arith.addi %mul3A_562, %add3A_780 : i32
      %get3A_782 = arith.constant 0 : i32
      %get3A_783 = arith.index_cast %get3A_782 : i32 to index
      %get3A_784 = arith.index_cast %add3A_781 : i32 to index
      %get3A_785 = tpu.vector_load %arg7[%get3A_783, %get3A_784] {strides = array<i32>} : memref<2x16384xf32, #tpu.memory_space<vmem>>, vector<16xf32>,
      %max3A_786 = arith.maximumf %max3A_758, %get3A_785 : vector<16xf32>
      %add3A_787 = arith.constant 512 : i32
      %add3A_788 = arith.addi %mul3A_562, %add3A_787 : i32
      %get3A_789 = arith.constant 0 : i32
      %get3A_790 = arith.index_cast %get3A_789 : i32 to index
      %get3A_791 = arith.index_cast %add3A_788 : i32 to index
      %get3A_792 = tpu.vector_load %arg7[%get3A_790, %get3A_791] {strides = array<i32>} : memref<2x16384xf32, #tpu.memory_space<vmem>>, vector<16xf32>,
      %max3A_793 = arith.maximumf %max3A_765, %get3A_792 : vector<16xf32>
      %add3A_794 = arith.constant 528 : i32
      %add3A_795 = arith.addi %mul3A_562, %add3A_794 : i32
      %get3A_796 = arith.constant 0 : i32
      %get3A_797 = arith.index_cast %get3A_796 : i32 to index
      %get3A_798 = arith.index_cast %add3A_795 : i32 to index
      %get3A_799 = tpu.vector_load %arg7[%get3A_797, %get3A_798] {strides = array<i32>} : memref<2x16384xf32, #tpu.memory_space<vmem>>, vector<16xf32>,
      %max3A_800 = arith.maximumf %max3A_772, %get3A_799 : vector<16xf32>
      %add3A_801 = arith.constant 544 : i32
      %add3A_802 = arith.addi %mul3A_562, %add3A_801 : i32
      %get3A_803 = arith.constant 0 : i32
      %get3A_804 = arith.index_cast %get3A_803 : i32 to index
      %get3A_805 = arith.index_cast %add3A_802 : i32 to index
      %get3A_806 = tpu.vector_load %arg7[%get3A_804, %get3A_805] {strides = array<i32>} : memref<2x16384xf32, #tpu.memory_space<vmem>>, vector<16xf32>,
      %max3A_807 = arith.maximumf %max3A_779, %get3A_806 : vector<16xf32>
      %add3A_808 = arith.constant 560 : i32
      %add3A_809 = arith.addi %mul3A_562, %add3A_808 : i32
      %get3A_810 = arith.constant 0 : i32
      %get3A_811 = arith.index_cast %get3A_810 : i32 to index
      %get3A_812 = arith.index_cast %add3A_809 : i32 to index
      %get3A_813 = tpu.vector_load %arg7[%get3A_811, %get3A_812] {strides = array<i32>} : memref<2x16384xf32, #tpu.memory_space<vmem>>, vector<16xf32>,
      %max3A_814 = arith.maximumf %max3A_786, %get3A_813 : vector<16xf32>
      %add3A_815 = arith.constant 576 : i32
      %add3A_816 = arith.addi %mul3A_562, %add3A_815 : i32
      %get3A_817 = arith.constant 0 : i32
      %get3A_818 = arith.index_cast %get3A_817 : i32 to index
      %get3A_819 = arith.index_cast %add3A_816 : i32 to index
      %get3A_820 = tpu.vector_load %arg7[%get3A_818, %get3A_819] {strides = array<i32>} : memref<2x16384xf32, #tpu.memory_space<vmem>>, vector<16xf32>,
      %max3A_821 = arith.maximumf %max3A_793, %get3A_820 : vector<16xf32>
      %add3A_822 = arith.constant 592 : i32
      %add3A_823 = arith.addi %mul3A_562, %add3A_822 : i32
      %get3A_824 = arith.constant 0 : i32
      %get3A_825 = arith.index_cast %get3A_824 : i32 to index
      %get3A_826 = arith.index_cast %add3A_823 : i32 to index
      %get3A_827 = tpu.vector_load %arg7[%get3A_825, %get3A_826] {strides = array<i32>} : memref<2x16384xf32, #tpu.memory_space<vmem>>, vector<16xf32>,
      %max3A_828 = arith.maximumf %max3A_800, %get3A_827 : vector<16xf32>
      %add3A_829 = arith.constant 608 : i32
      %add3A_830 = arith.addi %mul3A_562, %add3A_829 : i32
      %get3A_831 = arith.constant 0 : i32
      %get3A_832 = arith.index_cast %get3A_831 : i32 to index
      %get3A_833 = arith.index_cast %add3A_830 : i32 to index
      %get3A_834 = tpu.vector_load %arg7[%get3A_832, %get3A_833] {strides = array<i32>} : memref<2x16384xf32, #tpu.memory_space<vmem>>, vector<16xf32>,
      %max3A_835 = arith.maximumf %max3A_807, %get3A_834 : vector<16xf32>
      %add3A_836 = arith.constant 624 : i32
      %add3A_837 = arith.addi %mul3A_562, %add3A_836 : i32
      %get3A_838 = arith.constant 0 : i32
      %get3A_839 = arith.index_cast %get3A_838 : i32 to index
      %get3A_840 = arith.index_cast %add3A_837 : i32 to index
      %get3A_841 = tpu.vector_load %arg7[%get3A_839, %get3A_840] {strides = array<i32>} : memref<2x16384xf32, #tpu.memory_space<vmem>>, vector<16xf32>,
      %max3A_842 = arith.maximumf %max3A_814, %get3A_841 : vector<16xf32>
      %add3A_843 = arith.constant 640 : i32
      %add3A_844 = arith.addi %mul3A_562, %add3A_843 : i32
      %get3A_845 = arith.constant 0 : i32
      %get3A_846 = arith.index_cast %get3A_845 : i32 to index
      %get3A_847 = arith.index_cast %add3A_844 : i32 to index
      %get3A_848 = tpu.vector_load %arg7[%get3A_846, %get3A_847] {strides = array<i32>} : memref<2x16384xf32, #tpu.memory_space<vmem>>, vector<16xf32>,
      %max3A_849 = arith.maximumf %max3A_821, %get3A_848 : vector<16xf32>
      %add3A_850 = arith.constant 656 : i32
      %add3A_851 = arith.addi %mul3A_562, %add3A_850 : i32
      %get3A_852 = arith.constant 0 : i32
      %get3A_853 = arith.index_cast %get3A_852 : i32 to index
      %get3A_854 = arith.index_cast %add3A_851 : i32 to index
      %get3A_855 = tpu.vector_load %arg7[%get3A_853, %get3A_854] {strides = array<i32>} : memref<2x16384xf32, #tpu.memory_space<vmem>>, vector<16xf32>,
      %max3A_856 = arith.maximumf %max3A_828, %get3A_855 : vector<16xf32>
      %add3A_857 = arith.constant 672 : i32
      %add3A_858 = arith.addi %mul3A_562, %add3A_857 : i32
      %get3A_859 = arith.constant 0 : i32
      %get3A_860 = arith.index_cast %get3A_859 : i32 to index
      %get3A_861 = arith.index_cast %add3A_858 : i32 to index
      %get3A_862 = tpu.vector_load %arg7[%get3A_860, %get3A_861] {strides = array<i32>} : memref<2x16384xf32, #tpu.memory_space<vmem>>, vector<16xf32>,
      %max3A_863 = arith.maximumf %max3A_835, %get3A_862 : vector<16xf32>
      %add3A_864 = arith.constant 688 : i32
      %add3A_865 = arith.addi %mul3A_562, %add3A_864 : i32
      %get3A_866 = arith.constant 0 : i32
      %get3A_867 = arith.index_cast %get3A_866 : i32 to index
      %get3A_868 = arith.index_cast %add3A_865 : i32 to index
      %get3A_869 = tpu.vector_load %arg7[%get3A_867, %get3A_868] {strides = array<i32>} : memref<2x16384xf32, #tpu.memory_space<vmem>>, vector<16xf32>,
      %max3A_870 = arith.maximumf %max3A_842, %get3A_869 : vector<16xf32>
      %add3A_871 = arith.constant 704 : i32
      %add3A_872 = arith.addi %mul3A_562, %add3A_871 : i32
      %get3A_873 = arith.constant 0 : i32
      %get3A_874 = arith.index_cast %get3A_873 : i32 to index
      %get3A_875 = arith.index_cast %add3A_872 : i32 to index
      %get3A_876 = tpu.vector_load %arg7[%get3A_874, %get3A_875] {strides = array<i32>} : memref<2x16384xf32, #tpu.memory_space<vmem>>, vector<16xf32>,
      %max3A_877 = arith.maximumf %max3A_849, %get3A_876 : vector<16xf32>
      %add3A_878 = arith.constant 720 : i32
      %add3A_879 = arith.addi %mul3A_562, %add3A_878 : i32
      %get3A_880 = arith.constant 0 : i32
      %get3A_881 = arith.index_cast %get3A_880 : i32 to index
      %get3A_882 = arith.index_cast %add3A_879 : i32 to index
      %get3A_883 = tpu.vector_load %arg7[%get3A_881, %get3A_882] {strides = array<i32>} : memref<2x16384xf32, #tpu.memory_space<vmem>>, vector<16xf32>,
      %max3A_884 = arith.maximumf %max3A_856, %get3A_883 : vector<16xf32>
      %add3A_885 = arith.constant 736 : i32
      %add3A_886 = arith.addi %mul3A_562, %add3A_885 : i32
      %get3A_887 = arith.constant 0 : i32
      %get3A_888 = arith.index_cast %get3A_887 : i32 to index
      %get3A_889 = arith.index_cast %add3A_886 : i32 to index
      %get3A_890 = tpu.vector_load %arg7[%get3A_888, %get3A_889] {strides = array<i32>} : memref<2x16384xf32, #tpu.memory_space<vmem>>, vector<16xf32>,
      %max3A_891 = arith.maximumf %max3A_863, %get3A_890 : vector<16xf32>
      %add3A_892 = arith.constant 752 : i32
      %add3A_893 = arith.addi %mul3A_562, %add3A_892 : i32
      %get3A_894 = arith.constant 0 : i32
      %get3A_895 = arith.index_cast %get3A_894 : i32 to index
      %get3A_896 = arith.index_cast %add3A_893 : i32 to index
      %get3A_897 = tpu.vector_load %arg7[%get3A_895, %get3A_896] {strides = array<i32>} : memref<2x16384xf32, #tpu.memory_space<vmem>>, vector<16xf32>,
      %max3A_898 = arith.maximumf %max3A_870, %get3A_897 : vector<16xf32>
      %add3A_899 = arith.constant 768 : i32
      %add3A_900 = arith.addi %mul3A_562, %add3A_899 : i32
      %get3A_901 = arith.constant 0 : i32
      %get3A_902 = arith.index_cast %get3A_901 : i32 to index
      %get3A_903 = arith.index_cast %add3A_900 : i32 to index
      %get3A_904 = tpu.vector_load %arg7[%get3A_902, %get3A_903] {strides = array<i32>} : memref<2x16384xf32, #tpu.memory_space<vmem>>, vector<16xf32>,
      %max3A_905 = arith.maximumf %max3A_877, %get3A_904 : vector<16xf32>
      %add3A_906 = arith.constant 784 : i32
      %add3A_907 = arith.addi %mul3A_562, %add3A_906 : i32
      %get3A_908 = arith.constant 0 : i32
      %get3A_909 = arith.index_cast %get3A_908 : i32 to index
      %get3A_910 = arith.index_cast %add3A_907 : i32 to index
      %get3A_911 = tpu.vector_load %arg7[%get3A_909, %get3A_910] {strides = array<i32>} : memref<2x16384xf32, #tpu.memory_space<vmem>>, vector<16xf32>,
      %max3A_912 = arith.maximumf %max3A_884, %get3A_911 : vector<16xf32>
      %add3A_913 = arith.constant 800 : i32
      %add3A_914 = arith.addi %mul3A_562, %add3A_913 : i32
      %get3A_915 = arith.constant 0 : i32
      %get3A_916 = arith.index_cast %get3A_915 : i32 to index
      %get3A_917 = arith.index_cast %add3A_914 : i32 to index
      %get3A_918 = tpu.vector_load %arg7[%get3A_916, %get3A_917] {strides = array<i32>} : memref<2x16384xf32, #tpu.memory_space<vmem>>, vector<16xf32>,
      %max3A_919 = arith.maximumf %max3A_891, %get3A_918 : vector<16xf32>
      %add3A_920 = arith.constant 816 : i32
      %add3A_921 = arith.addi %mul3A_562, %add3A_920 : i32
      %get3A_922 = arith.constant 0 : i32
      %get3A_923 = arith.index_cast %get3A_922 : i32 to index
      %get3A_924 = arith.index_cast %add3A_921 : i32 to index
      %get3A_925 = tpu.vector_load %arg7[%get3A_923, %get3A_924] {strides = array<i32>} : memref<2x16384xf32, #tpu.memory_space<vmem>>, vector<16xf32>,
      %max3A_926 = arith.maximumf %max3A_898, %get3A_925 : vector<16xf32>
      %add3A_927 = arith.constant 832 : i32
      %add3A_928 = arith.addi %mul3A_562, %add3A_927 : i32
      %get3A_929 = arith.constant 0 : i32
      %get3A_930 = arith.index_cast %get3A_929 : i32 to index
      %get3A_931 = arith.index_cast %add3A_928 : i32 to index
      %get3A_932 = tpu.vector_load %arg7[%get3A_930, %get3A_931] {strides = array<i32>} : memref<2x16384xf32, #tpu.memory_space<vmem>>, vector<16xf32>,
      %max3A_933 = arith.maximumf %max3A_905, %get3A_932 : vector<16xf32>
      %add3A_934 = arith.constant 848 : i32
      %add3A_935 = arith.addi %mul3A_562, %add3A_934 : i32
      %get3A_936 = arith.constant 0 : i32
      %get3A_937 = arith.index_cast %get3A_936 : i32 to index
      %get3A_938 = arith.index_cast %add3A_935 : i32 to index
      %get3A_939 = tpu.vector_load %arg7[%get3A_937, %get3A_938] {strides = array<i32>} : memref<2x16384xf32, #tpu.memory_space<vmem>>, vector<16xf32>,
      %max3A_940 = arith.maximumf %max3A_912, %get3A_939 : vector<16xf32>
      %add3A_941 = arith.constant 864 : i32
      %add3A_942 = arith.addi %mul3A_562, %add3A_941 : i32
      %get3A_943 = arith.constant 0 : i32
      %get3A_944 = arith.index_cast %get3A_943 : i32 to index
      %get3A_945 = arith.index_cast %add3A_942 : i32 to index
      %get3A_946 = tpu.vector_load %arg7[%get3A_944, %get3A_945] {strides = array<i32>} : memref<2x16384xf32, #tpu.memory_space<vmem>>, vector<16xf32>,
      %max3A_947 = arith.maximumf %max3A_919, %get3A_946 : vector<16xf32>
      %add3A_948 = arith.constant 880 : i32
      %add3A_949 = arith.addi %mul3A_562, %add3A_948 : i32
      %get3A_950 = arith.constant 0 : i32
      %get3A_951 = arith.index_cast %get3A_950 : i32 to index
      %get3A_952 = arith.index_cast %add3A_949 : i32 to index
      %get3A_953 = tpu.vector_load %arg7[%get3A_951, %get3A_952] {strides = array<i32>} : memref<2x16384xf32, #tpu.memory_space<vmem>>, vector<16xf32>,
      %max3A_954 = arith.maximumf %max3A_926, %get3A_953 : vector<16xf32>
      %add3A_955 = arith.constant 896 : i32
      %add3A_956 = arith.addi %mul3A_562, %add3A_955 : i32
      %get3A_957 = arith.constant 0 : i32
      %get3A_958 = arith.index_cast %get3A_957 : i32 to index
      %get3A_959 = arith.index_cast %add3A_956 : i32 to index
      %get3A_960 = tpu.vector_load %arg7[%get3A_958, %get3A_959] {strides = array<i32>} : memref<2x16384xf32, #tpu.memory_space<vmem>>, vector<16xf32>,
      %max3A_961 = arith.maximumf %max3A_933, %get3A_960 : vector<16xf32>
      %add3A_962 = arith.constant 912 : i32
      %add3A_963 = arith.addi %mul3A_562, %add3A_962 : i32
      %get3A_964 = arith.constant 0 : i32
      %get3A_965 = arith.index_cast %get3A_964 : i32 to index
      %get3A_966 = arith.index_cast %add3A_963 : i32 to index
      %get3A_967 = tpu.vector_load %arg7[%get3A_965, %get3A_966] {strides = array<i32>} : memref<2x16384xf32, #tpu.memory_space<vmem>>, vector<16xf32>,
      %max3A_968 = arith.maximumf %max3A_940, %get3A_967 : vector<16xf32>
      %add3A_969 = arith.constant 928 : i32
      %add3A_970 = arith.addi %mul3A_562, %add3A_969 : i32
      %get3A_971 = arith.constant 0 : i32
      %get3A_972 = arith.index_cast %get3A_971 : i32 to index
      %get3A_973 = arith.index_cast %add3A_970 : i32 to index
      %get3A_974 = tpu.vector_load %arg7[%get3A_972, %get3A_973] {strides = array<i32>} : memref<2x16384xf32, #tpu.memory_space<vmem>>, vector<16xf32>,
      %max3A_975 = arith.maximumf %max3A_947, %get3A_974 : vector<16xf32>
      %add3A_976 = arith.constant 944 : i32
      %add3A_977 = arith.addi %mul3A_562, %add3A_976 : i32
      %get3A_978 = arith.constant 0 : i32
      %get3A_979 = arith.index_cast %get3A_978 : i32 to index
      %get3A_980 = arith.index_cast %add3A_977 : i32 to index
      %get3A_981 = tpu.vector_load %arg7[%get3A_979, %get3A_980] {strides = array<i32>} : memref<2x16384xf32, #tpu.memory_space<vmem>>, vector<16xf32>,
      %max3A_982 = arith.maximumf %max3A_954, %get3A_981 : vector<16xf32>
      %add3A_983 = arith.constant 960 : i32
      %add3A_984 = arith.addi %mul3A_562, %add3A_983 : i32
      %get3A_985 = arith.constant 0 : i32
      %get3A_986 = arith.index_cast %get3A_985 : i32 to index
      %get3A_987 = arith.index_cast %add3A_984 : i32 to index
      %get3A_988 = tpu.vector_load %arg7[%get3A_986, %get3A_987] {strides = array<i32>} : memref<2x16384xf32, #tpu.memory_space<vmem>>, vector<16xf32>,
      %max3A_989 = arith.maximumf %max3A_961, %get3A_988 : vector<16xf32>
      %add3A_990 = arith.constant 976 : i32
      %add3A_991 = arith.addi %mul3A_562, %add3A_990 : i32
      %get3A_992 = arith.constant 0 : i32
      %get3A_993 = arith.index_cast %get3A_992 : i32 to index
      %get3A_994 = arith.index_cast %add3A_991 : i32 to index
      %get3A_995 = tpu.vector_load %arg7[%get3A_993, %get3A_994] {strides = array<i32>} : memref<2x16384xf32, #tpu.memory_space<vmem>>, vector<16xf32>,
      %max3A_996 = arith.maximumf %max3A_968, %get3A_995 : vector<16xf32>
      %add3A_997 = arith.constant 992 : i32
      %add3A_998 = arith.addi %mul3A_562, %add3A_997 : i32
      %get3A_999 = arith.constant 0 : i32
      %get3A_1000 = arith.index_cast %get3A_999 : i32 to index
      %get3A_1001 = arith.index_cast %add3A_998 : i32 to index
      %get3A_1002 = tpu.vector_load %arg7[%get3A_1000, %get3A_1001] {strides = array<i32>} : memref<2x16384xf32, #tpu.memory_space<vmem>>, vector<16xf32>,
      %max3A_1003 = arith.maximumf %max3A_975, %get3A_1002 : vector<16xf32>
      %add3A_1004 = arith.constant 1008 : i32
      %add3A_1005 = arith.addi %mul3A_562, %add3A_1004 : i32
      %get3A_1006 = arith.constant 0 : i32
      %get3A_1007 = arith.index_cast %get3A_1006 : i32 to index
      %get3A_1008 = arith.index_cast %add3A_1005 : i32 to index
      %get3A_1009 = tpu.vector_load %arg7[%get3A_1007, %get3A_1008] {strides = array<i32>} : memref<2x16384xf32, #tpu.memory_space<vmem>>, vector<16xf32>,
      %max3A_1010 = arith.maximumf %max3A_982, %get3A_1009 : vector<16xf32>
      %add3A_1011 = arith.constant 1024 : i32
      %add3A_1012 = arith.addi %mul3A_562, %add3A_1011 : i32
      %get3A_1013 = arith.constant 0 : i32
      %get3A_1014 = arith.index_cast %get3A_1013 : i32 to index
      %get3A_1015 = arith.index_cast %add3A_1012 : i32 to index
      %get3A_1016 = tpu.vector_load %arg7[%get3A_1014, %get3A_1015] {strides = array<i32>} : memref<2x16384xf32, #tpu.memory_space<vmem>>, vector<16xf32>,
      %max3A_1017 = arith.maximumf %max3A_989, %get3A_1016 : vector<16xf32>
      %add3A_1018 = arith.constant 1040 : i32
      %add3A_1019 = arith.addi %mul3A_562, %add3A_1018 : i32
      %get3A_1020 = arith.constant 0 : i32
      %get3A_1021 = arith.index_cast %get3A_1020 : i32 to index
      %get3A_1022 = arith.index_cast %add3A_1019 : i32 to index
      %get3A_1023 = tpu.vector_load %arg7[%get3A_1021, %get3A_1022] {strides = array<i32>} : memref<2x16384xf32, #tpu.memory_space<vmem>>, vector<16xf32>,
      %max3A_1024 = arith.maximumf %max3A_996, %get3A_1023 : vector<16xf32>
      %add3A_1025 = arith.constant 1056 : i32
      %add3A_1026 = arith.addi %mul3A_562, %add3A_1025 : i32
      %get3A_1027 = arith.constant 0 : i32
      %get3A_1028 = arith.index_cast %get3A_1027 : i32 to index
      %get3A_1029 = arith.index_cast %add3A_1026 : i32 to index
      %get3A_1030 = tpu.vector_load %arg7[%get3A_1028, %get3A_1029] {strides = array<i32>} : memref<2x16384xf32, #tpu.memory_space<vmem>>, vector<16xf32>,
      %max3A_1031 = arith.maximumf %max3A_1003, %get3A_1030 : vector<16xf32>
      %add3A_1032 = arith.constant 1072 : i32
      %add3A_1033 = arith.addi %mul3A_562, %add3A_1032 : i32
      %get3A_1034 = arith.constant 0 : i32
      %get3A_1035 = arith.index_cast %get3A_1034 : i32 to index
      %get3A_1036 = arith.index_cast %add3A_1033 : i32 to index
      %get3A_1037 = tpu.vector_load %arg7[%get3A_1035, %get3A_1036] {strides = array<i32>} : memref<2x16384xf32, #tpu.memory_space<vmem>>, vector<16xf32>,
      %max3A_1038 = arith.maximumf %max3A_1010, %get3A_1037 : vector<16xf32>
      %add3A_1039 = arith.constant 1088 : i32
      %add3A_1040 = arith.addi %mul3A_562, %add3A_1039 : i32
      %get3A_1041 = arith.constant 0 : i32
      %get3A_1042 = arith.index_cast %get3A_1041 : i32 to index
      %get3A_1043 = arith.index_cast %add3A_1040 : i32 to index
      %get3A_1044 = tpu.vector_load %arg7[%get3A_1042, %get3A_1043] {strides = array<i32>} : memref<2x16384xf32, #tpu.memory_space<vmem>>, vector<16xf32>,
      %max3A_1045 = arith.maximumf %max3A_1017, %get3A_1044 : vector<16xf32>
      %add3A_1046 = arith.constant 1104 : i32
      %add3A_1047 = arith.addi %mul3A_562, %add3A_1046 : i32
      %get3A_1048 = arith.constant 0 : i32
      %get3A_1049 = arith.index_cast %get3A_1048 : i32 to index
      %get3A_1050 = arith.index_cast %add3A_1047 : i32 to index
      %get3A_1051 = tpu.vector_load %arg7[%get3A_1049, %get3A_1050] {strides = array<i32>} : memref<2x16384xf32, #tpu.memory_space<vmem>>, vector<16xf32>,
      %max3A_1052 = arith.maximumf %max3A_1024, %get3A_1051 : vector<16xf32>
      %add3A_1053 = arith.constant 1120 : i32
      %add3A_1054 = arith.addi %mul3A_562, %add3A_1053 : i32
      %get3A_1055 = arith.constant 0 : i32
      %get3A_1056 = arith.index_cast %get3A_1055 : i32 to index
      %get3A_1057 = arith.index_cast %add3A_1054 : i32 to index
      %get3A_1058 = tpu.vector_load %arg7[%get3A_1056, %get3A_1057] {strides = array<i32>} : memref<2x16384xf32, #tpu.memory_space<vmem>>, vector<16xf32>,
      %max3A_1059 = arith.maximumf %max3A_1031, %get3A_1058 : vector<16xf32>
      %add3A_1060 = arith.constant 1136 : i32
      %add3A_1061 = arith.addi %mul3A_562, %add3A_1060 : i32
      %get3A_1062 = arith.constant 0 : i32
      %get3A_1063 = arith.index_cast %get3A_1062 : i32 to index
      %get3A_1064 = arith.index_cast %add3A_1061 : i32 to index
      %get3A_1065 = tpu.vector_load %arg7[%get3A_1063, %get3A_1064] {strides = array<i32>} : memref<2x16384xf32, #tpu.memory_space<vmem>>, vector<16xf32>,
      %max3A_1066 = arith.maximumf %max3A_1038, %get3A_1065 : vector<16xf32>
      %add3A_1067 = arith.constant 1152 : i32
      %add3A_1068 = arith.addi %mul3A_562, %add3A_1067 : i32
      %get3A_1069 = arith.constant 0 : i32
      %get3A_1070 = arith.index_cast %get3A_1069 : i32 to index
      %get3A_1071 = arith.index_cast %add3A_1068 : i32 to index
      %get3A_1072 = tpu.vector_load %arg7[%get3A_1070, %get3A_1071] {strides = array<i32>} : memref<2x16384xf32, #tpu.memory_space<vmem>>, vector<16xf32>,
      %max3A_1073 = arith.maximumf %max3A_1045, %get3A_1072 : vector<16xf32>
      %add3A_1074 = arith.constant 1168 : i32
      %add3A_1075 = arith.addi %mul3A_562, %add3A_1074 : i32
      %get3A_1076 = arith.constant 0 : i32
      %get3A_1077 = arith.index_cast %get3A_1076 : i32 to index
      %get3A_1078 = arith.index_cast %add3A_1075 : i32 to index
      %get3A_1079 = tpu.vector_load %arg7[%get3A_1077, %get3A_1078] {strides = array<i32>} : memref<2x16384xf32, #tpu.memory_space<vmem>>, vector<16xf32>,
      %max3A_1080 = arith.maximumf %max3A_1052, %get3A_1079 : vector<16xf32>
      %add3A_1081 = arith.constant 1184 : i32
      %add3A_1082 = arith.addi %mul3A_562, %add3A_1081 : i32
      %get3A_1083 = arith.constant 0 : i32
      %get3A_1084 = arith.index_cast %get3A_1083 : i32 to index
      %get3A_1085 = arith.index_cast %add3A_1082 : i32 to index
      %get3A_1086 = tpu.vector_load %arg7[%get3A_1084, %get3A_1085] {strides = array<i32>} : memref<2x16384xf32, #tpu.memory_space<vmem>>, vector<16xf32>,
      %max3A_1087 = arith.maximumf %max3A_1059, %get3A_1086 : vector<16xf32>
      %add3A_1088 = arith.constant 1200 : i32
      %add3A_1089 = arith.addi %mul3A_562, %add3A_1088 : i32
      %get3A_1090 = arith.constant 0 : i32
      %get3A_1091 = arith.index_cast %get3A_1090 : i32 to index
      %get3A_1092 = arith.index_cast %add3A_1089 : i32 to index
      %get3A_1093 = tpu.vector_load %arg7[%get3A_1091, %get3A_1092] {strides = array<i32>} : memref<2x16384xf32, #tpu.memory_space<vmem>>, vector<16xf32>,
      %max3A_1094 = arith.maximumf %max3A_1066, %get3A_1093 : vector<16xf32>
      %add3A_1095 = arith.constant 1216 : i32
      %add3A_1096 = arith.addi %mul3A_562, %add3A_1095 : i32
      %get3A_1097 = arith.constant 0 : i32
      %get3A_1098 = arith.index_cast %get3A_1097 : i32 to index
      %get3A_1099 = arith.index_cast %add3A_1096 : i32 to index
      %get3A_1100 = tpu.vector_load %arg7[%get3A_1098, %get3A_1099] {strides = array<i32>} : memref<2x16384xf32, #tpu.memory_space<vmem>>, vector<16xf32>,
      %max3A_1101 = arith.maximumf %max3A_1073, %get3A_1100 : vector<16xf32>
      %add3A_1102 = arith.constant 1232 : i32
      %add3A_1103 = arith.addi %mul3A_562, %add3A_1102 : i32
      %get3A_1104 = arith.constant 0 : i32
      %get3A_1105 = arith.index_cast %get3A_1104 : i32 to index
      %get3A_1106 = arith.index_cast %add3A_1103 : i32 to index
      %get3A_1107 = tpu.vector_load %arg7[%get3A_1105, %get3A_1106] {strides = array<i32>} : memref<2x16384xf32, #tpu.memory_space<vmem>>, vector<16xf32>,
      %max3A_1108 = arith.maximumf %max3A_1080, %get3A_1107 : vector<16xf32>
      %add3A_1109 = arith.constant 1248 : i32
      %add3A_1110 = arith.addi %mul3A_562, %add3A_1109 : i32
      %get3A_1111 = arith.constant 0 : i32
      %get3A_1112 = arith.index_cast %get3A_1111 : i32 to index
      %get3A_1113 = arith.index_cast %add3A_1110 : i32 to index
      %get3A_1114 = tpu.vector_load %arg7[%get3A_1112, %get3A_1113] {strides = array<i32>} : memref<2x16384xf32, #tpu.memory_space<vmem>>, vector<16xf32>,
      %max3A_1115 = arith.maximumf %max3A_1087, %get3A_1114 : vector<16xf32>
      %add3A_1116 = arith.constant 1264 : i32
      %add3A_1117 = arith.addi %mul3A_562, %add3A_1116 : i32
      %get3A_1118 = arith.constant 0 : i32
      %get3A_1119 = arith.index_cast %get3A_1118 : i32 to index
      %get3A_1120 = arith.index_cast %add3A_1117 : i32 to index
      %get3A_1121 = tpu.vector_load %arg7[%get3A_1119, %get3A_1120] {strides = array<i32>} : memref<2x16384xf32, #tpu.memory_space<vmem>>, vector<16xf32>,
      %max3A_1122 = arith.maximumf %max3A_1094, %get3A_1121 : vector<16xf32>
      %add3A_1123 = arith.constant 1280 : i32
      %add3A_1124 = arith.addi %mul3A_562, %add3A_1123 : i32
      %get3A_1125 = arith.constant 0 : i32
      %get3A_1126 = arith.index_cast %get3A_1125 : i32 to index
      %get3A_1127 = arith.index_cast %add3A_1124 : i32 to index
      %get3A_1128 = tpu.vector_load %arg7[%get3A_1126, %get3A_1127] {strides = array<i32>} : memref<2x16384xf32, #tpu.memory_space<vmem>>, vector<16xf32>,
      %max3A_1129 = arith.maximumf %max3A_1101, %get3A_1128 : vector<16xf32>
      %add3A_1130 = arith.constant 1296 : i32
      %add3A_1131 = arith.addi %mul3A_562, %add3A_1130 : i32
      %get3A_1132 = arith.constant 0 : i32
      %get3A_1133 = arith.index_cast %get3A_1132 : i32 to index
      %get3A_1134 = arith.index_cast %add3A_1131 : i32 to index
      %get3A_1135 = tpu.vector_load %arg7[%get3A_1133, %get3A_1134] {strides = array<i32>} : memref<2x16384xf32, #tpu.memory_space<vmem>>, vector<16xf32>,
      %max3A_1136 = arith.maximumf %max3A_1108, %get3A_1135 : vector<16xf32>
      %add3A_1137 = arith.constant 1312 : i32
      %add3A_1138 = arith.addi %mul3A_562, %add3A_1137 : i32
      %get3A_1139 = arith.constant 0 : i32
      %get3A_1140 = arith.index_cast %get3A_1139 : i32 to index
      %get3A_1141 = arith.index_cast %add3A_1138 : i32 to index
      %get3A_1142 = tpu.vector_load %arg7[%get3A_1140, %get3A_1141] {strides = array<i32>} : memref<2x16384xf32, #tpu.memory_space<vmem>>, vector<16xf32>,
      %max3A_1143 = arith.maximumf %max3A_1115, %get3A_1142 : vector<16xf32>
      %add3A_1144 = arith.constant 1328 : i32
      %add3A_1145 = arith.addi %mul3A_562, %add3A_1144 : i32
      %get3A_1146 = arith.constant 0 : i32
      %get3A_1147 = arith.index_cast %get3A_1146 : i32 to index
      %get3A_1148 = arith.index_cast %add3A_1145 : i32 to index
      %get3A_1149 = tpu.vector_load %arg7[%get3A_1147, %get3A_1148] {strides = array<i32>} : memref<2x16384xf32, #tpu.memory_space<vmem>>, vector<16xf32>,
      %max3A_1150 = arith.maximumf %max3A_1122, %get3A_1149 : vector<16xf32>
      %add3A_1151 = arith.constant 1344 : i32
      %add3A_1152 = arith.addi %mul3A_562, %add3A_1151 : i32
      %get3A_1153 = arith.constant 0 : i32
      %get3A_1154 = arith.index_cast %get3A_1153 : i32 to index
      %get3A_1155 = arith.index_cast %add3A_1152 : i32 to index
      %get3A_1156 = tpu.vector_load %arg7[%get3A_1154, %get3A_1155] {strides = array<i32>} : memref<2x16384xf32, #tpu.memory_space<vmem>>, vector<16xf32>,
      %max3A_1157 = arith.maximumf %max3A_1129, %get3A_1156 : vector<16xf32>
      %add3A_1158 = arith.constant 1360 : i32
      %add3A_1159 = arith.addi %mul3A_562, %add3A_1158 : i32
      %get3A_1160 = arith.constant 0 : i32
      %get3A_1161 = arith.index_cast %get3A_1160 : i32 to index
      %get3A_1162 = arith.index_cast %add3A_1159 : i32 to index
      %get3A_1163 = tpu.vector_load %arg7[%get3A_1161, %get3A_1162] {strides = array<i32>} : memref<2x16384xf32, #tpu.memory_space<vmem>>, vector<16xf32>,
      %max3A_1164 = arith.maximumf %max3A_1136, %get3A_1163 : vector<16xf32>
      %add3A_1165 = arith.constant 1376 : i32
      %add3A_1166 = arith.addi %mul3A_562, %add3A_1165 : i32
      %get3A_1167 = arith.constant 0 : i32
      %get3A_1168 = arith.index_cast %get3A_1167 : i32 to index
      %get3A_1169 = arith.index_cast %add3A_1166 : i32 to index
      %get3A_1170 = tpu.vector_load %arg7[%get3A_1168, %get3A_1169] {strides = array<i32>} : memref<2x16384xf32, #tpu.memory_space<vmem>>, vector<16xf32>,
      %max3A_1171 = arith.maximumf %max3A_1143, %get3A_1170 : vector<16xf32>
      %add3A_1172 = arith.constant 1392 : i32
      %add3A_1173 = arith.addi %mul3A_562, %add3A_1172 : i32
      %get3A_1174 = arith.constant 0 : i32
      %get3A_1175 = arith.index_cast %get3A_1174 : i32 to index
      %get3A_1176 = arith.index_cast %add3A_1173 : i32 to index
      %get3A_1177 = tpu.vector_load %arg7[%get3A_1175, %get3A_1176] {strides = array<i32>} : memref<2x16384xf32, #tpu.memory_space<vmem>>, vector<16xf32>,
      %max3A_1178 = arith.maximumf %max3A_1150, %get3A_1177 : vector<16xf32>
      %add3A_1179 = arith.constant 1408 : i32
      %add3A_1180 = arith.addi %mul3A_562, %add3A_1179 : i32
      %get3A_1181 = arith.constant 0 : i32
      %get3A_1182 = arith.index_cast %get3A_1181 : i32 to index
      %get3A_1183 = arith.index_cast %add3A_1180 : i32 to index
      %get3A_1184 = tpu.vector_load %arg7[%get3A_1182, %get3A_1183] {strides = array<i32>} : memref<2x16384xf32, #tpu.memory_space<vmem>>, vector<16xf32>,
      %max3A_1185 = arith.maximumf %max3A_1157, %get3A_1184 : vector<16xf32>
      %add3A_1186 = arith.constant 1424 : i32
      %add3A_1187 = arith.addi %mul3A_562, %add3A_1186 : i32
      %get3A_1188 = arith.constant 0 : i32
      %get3A_1189 = arith.index_cast %get3A_1188 : i32 to index
      %get3A_1190 = arith.index_cast %add3A_1187 : i32 to index
      %get3A_1191 = tpu.vector_load %arg7[%get3A_1189, %get3A_1190] {strides = array<i32>} : memref<2x16384xf32, #tpu.memory_space<vmem>>, vector<16xf32>,
      %max3A_1192 = arith.maximumf %max3A_1164, %get3A_1191 : vector<16xf32>
      %add3A_1193 = arith.constant 1440 : i32
      %add3A_1194 = arith.addi %mul3A_562, %add3A_1193 : i32
      %get3A_1195 = arith.constant 0 : i32
      %get3A_1196 = arith.index_cast %get3A_1195 : i32 to index
      %get3A_1197 = arith.index_cast %add3A_1194 : i32 to index
      %get3A_1198 = tpu.vector_load %arg7[%get3A_1196, %get3A_1197] {strides = array<i32>} : memref<2x16384xf32, #tpu.memory_space<vmem>>, vector<16xf32>,
      %max3A_1199 = arith.maximumf %max3A_1171, %get3A_1198 : vector<16xf32>
      %add3A_1200 = arith.constant 1456 : i32
      %add3A_1201 = arith.addi %mul3A_562, %add3A_1200 : i32
      %get3A_1202 = arith.constant 0 : i32
      %get3A_1203 = arith.index_cast %get3A_1202 : i32 to index
      %get3A_1204 = arith.index_cast %add3A_1201 : i32 to index
      %get3A_1205 = tpu.vector_load %arg7[%get3A_1203, %get3A_1204] {strides = array<i32>} : memref<2x16384xf32, #tpu.memory_space<vmem>>, vector<16xf32>,
      %max3A_1206 = arith.maximumf %max3A_1178, %get3A_1205 : vector<16xf32>
      %add3A_1207 = arith.constant 1472 : i32
      %add3A_1208 = arith.addi %mul3A_562, %add3A_1207 : i32
      %get3A_1209 = arith.constant 0 : i32
      %get3A_1210 = arith.index_cast %get3A_1209 : i32 to index
      %get3A_1211 = arith.index_cast %add3A_1208 : i32 to index
      %get3A_1212 = tpu.vector_load %arg7[%get3A_1210, %get3A_1211] {strides = array<i32>} : memref<2x16384xf32, #tpu.memory_space<vmem>>, vector<16xf32>,
      %max3A_1213 = arith.maximumf %max3A_1185, %get3A_1212 : vector<16xf32>
      %add3A_1214 = arith.constant 1488 : i32
      %add3A_1215 = arith.addi %mul3A_562, %add3A_1214 : i32
      %get3A_1216 = arith.constant 0 : i32
      %get3A_1217 = arith.index_cast %get3A_1216 : i32 to index
      %get3A_1218 = arith.index_cast %add3A_1215 : i32 to index
      %get3A_1219 = tpu.vector_load %arg7[%get3A_1217, %get3A_1218] {strides = array<i32>} : memref<2x16384xf32, #tpu.memory_space<vmem>>, vector<16xf32>,
      %max3A_1220 = arith.maximumf %max3A_1192, %get3A_1219 : vector<16xf32>
      %add3A_1221 = arith.constant 1504 : i32
      %add3A_1222 = arith.addi %mul3A_562, %add3A_1221 : i32
      %get3A_1223 = arith.constant 0 : i32
      %get3A_1224 = arith.index_cast %get3A_1223 : i32 to index
      %get3A_1225 = arith.index_cast %add3A_1222 : i32 to index
      %get3A_1226 = tpu.vector_load %arg7[%get3A_1224, %get3A_1225] {strides = array<i32>} : memref<2x16384xf32, #tpu.memory_space<vmem>>, vector<16xf32>,
      %max3A_1227 = arith.maximumf %max3A_1199, %get3A_1226 : vector<16xf32>
      %add3A_1228 = arith.constant 1520 : i32
      %add3A_1229 = arith.addi %mul3A_562, %add3A_1228 : i32
      %get3A_1230 = arith.constant 0 : i32
      %get3A_1231 = arith.index_cast %get3A_1230 : i32 to index
      %get3A_1232 = arith.index_cast %add3A_1229 : i32 to index
      %get3A_1233 = tpu.vector_load %arg7[%get3A_1231, %get3A_1232] {strides = array<i32>} : memref<2x16384xf32, #tpu.memory_space<vmem>>, vector<16xf32>,
      %max3A_1234 = arith.maximumf %max3A_1206, %get3A_1233 : vector<16xf32>
      %add3A_1235 = arith.constant 1536 : i32
      %add3A_1236 = arith.addi %mul3A_562, %add3A_1235 : i32
      %get3A_1237 = arith.constant 0 : i32
      %get3A_1238 = arith.index_cast %get3A_1237 : i32 to index
      %get3A_1239 = arith.index_cast %add3A_1236 : i32 to index
      %get3A_1240 = tpu.vector_load %arg7[%get3A_1238, %get3A_1239] {strides = array<i32>} : memref<2x16384xf32, #tpu.memory_space<vmem>>, vector<16xf32>,
      %max3A_1241 = arith.maximumf %max3A_1213, %get3A_1240 : vector<16xf32>
      %add3A_1242 = arith.constant 1552 : i32
      %add3A_1243 = arith.addi %mul3A_562, %add3A_1242 : i32
      %get3A_1244 = arith.constant 0 : i32
      %get3A_1245 = arith.index_cast %get3A_1244 : i32 to index
      %get3A_1246 = arith.index_cast %add3A_1243 : i32 to index
      %get3A_1247 = tpu.vector_load %arg7[%get3A_1245, %get3A_1246] {strides = array<i32>} : memref<2x16384xf32, #tpu.memory_space<vmem>>, vector<16xf32>,
      %max3A_1248 = arith.maximumf %max3A_1220, %get3A_1247 : vector<16xf32>
      %add3A_1249 = arith.constant 1568 : i32
      %add3A_1250 = arith.addi %mul3A_562, %add3A_1249 : i32
      %get3A_1251 = arith.constant 0 : i32
      %get3A_1252 = arith.index_cast %get3A_1251 : i32 to index
      %get3A_1253 = arith.index_cast %add3A_1250 : i32 to index
      %get3A_1254 = tpu.vector_load %arg7[%get3A_1252, %get3A_1253] {strides = array<i32>} : memref<2x16384xf32, #tpu.memory_space<vmem>>, vector<16xf32>,
      %max3A_1255 = arith.maximumf %max3A_1227, %get3A_1254 : vector<16xf32>
      %add3A_1256 = arith.constant 1584 : i32
      %add3A_1257 = arith.addi %mul3A_562, %add3A_1256 : i32
      %get3A_1258 = arith.constant 0 : i32
      %get3A_1259 = arith.index_cast %get3A_1258 : i32 to index
      %get3A_1260 = arith.index_cast %add3A_1257 : i32 to index
      %get3A_1261 = tpu.vector_load %arg7[%get3A_1259, %get3A_1260] {strides = array<i32>} : memref<2x16384xf32, #tpu.memory_space<vmem>>, vector<16xf32>,
      %max3A_1262 = arith.maximumf %max3A_1234, %get3A_1261 : vector<16xf32>
      %add3A_1263 = arith.constant 1600 : i32
      %add3A_1264 = arith.addi %mul3A_562, %add3A_1263 : i32
      %get3A_1265 = arith.constant 0 : i32
      %get3A_1266 = arith.index_cast %get3A_1265 : i32 to index
      %get3A_1267 = arith.index_cast %add3A_1264 : i32 to index
      %get3A_1268 = tpu.vector_load %arg7[%get3A_1266, %get3A_1267] {strides = array<i32>} : memref<2x16384xf32, #tpu.memory_space<vmem>>, vector<16xf32>,
      %max3A_1269 = arith.maximumf %max3A_1241, %get3A_1268 : vector<16xf32>
      %add3A_1270 = arith.constant 1616 : i32
      %add3A_1271 = arith.addi %mul3A_562, %add3A_1270 : i32
      %get3A_1272 = arith.constant 0 : i32
      %get3A_1273 = arith.index_cast %get3A_1272 : i32 to index
      %get3A_1274 = arith.index_cast %add3A_1271 : i32 to index
      %get3A_1275 = tpu.vector_load %arg7[%get3A_1273, %get3A_1274] {strides = array<i32>} : memref<2x16384xf32, #tpu.memory_space<vmem>>, vector<16xf32>,
      %max3A_1276 = arith.maximumf %max3A_1248, %get3A_1275 : vector<16xf32>
      %add3A_1277 = arith.constant 1632 : i32
      %add3A_1278 = arith.addi %mul3A_562, %add3A_1277 : i32
      %get3A_1279 = arith.constant 0 : i32
      %get3A_1280 = arith.index_cast %get3A_1279 : i32 to index
      %get3A_1281 = arith.index_cast %add3A_1278 : i32 to index
      %get3A_1282 = tpu.vector_load %arg7[%get3A_1280, %get3A_1281] {strides = array<i32>} : memref<2x16384xf32, #tpu.memory_space<vmem>>, vector<16xf32>,
      %max3A_1283 = arith.maximumf %max3A_1255, %get3A_1282 : vector<16xf32>
      %add3A_1284 = arith.constant 1648 : i32
      %add3A_1285 = arith.addi %mul3A_562, %add3A_1284 : i32
      %get3A_1286 = arith.constant 0 : i32
      %get3A_1287 = arith.index_cast %get3A_1286 : i32 to index
      %get3A_1288 = arith.index_cast %add3A_1285 : i32 to index
      %get3A_1289 = tpu.vector_load %arg7[%get3A_1287, %get3A_1288] {strides = array<i32>} : memref<2x16384xf32, #tpu.memory_space<vmem>>, vector<16xf32>,
      %max3A_1290 = arith.maximumf %max3A_1262, %get3A_1289 : vector<16xf32>
      %add3A_1291 = arith.constant 1664 : i32
      %add3A_1292 = arith.addi %mul3A_562, %add3A_1291 : i32
      %get3A_1293 = arith.constant 0 : i32
      %get3A_1294 = arith.index_cast %get3A_1293 : i32 to index
      %get3A_1295 = arith.index_cast %add3A_1292 : i32 to index
      %get3A_1296 = tpu.vector_load %arg7[%get3A_1294, %get3A_1295] {strides = array<i32>} : memref<2x16384xf32, #tpu.memory_space<vmem>>, vector<16xf32>,
      %max3A_1297 = arith.maximumf %max3A_1269, %get3A_1296 : vector<16xf32>
      %add3A_1298 = arith.constant 1680 : i32
      %add3A_1299 = arith.addi %mul3A_562, %add3A_1298 : i32
      %get3A_1300 = arith.constant 0 : i32
      %get3A_1301 = arith.index_cast %get3A_1300 : i32 to index
      %get3A_1302 = arith.index_cast %add3A_1299 : i32 to index
      %get3A_1303 = tpu.vector_load %arg7[%get3A_1301, %get3A_1302] {strides = array<i32>} : memref<2x16384xf32, #tpu.memory_space<vmem>>, vector<16xf32>,
      %max3A_1304 = arith.maximumf %max3A_1276, %get3A_1303 : vector<16xf32>
      %add3A_1305 = arith.constant 1696 : i32
      %add3A_1306 = arith.addi %mul3A_562, %add3A_1305 : i32
      %get3A_1307 = arith.constant 0 : i32
      %get3A_1308 = arith.index_cast %get3A_1307 : i32 to index
      %get3A_1309 = arith.index_cast %add3A_1306 : i32 to index
      %get3A_1310 = tpu.vector_load %arg7[%get3A_1308, %get3A_1309] {strides = array<i32>} : memref<2x16384xf32, #tpu.memory_space<vmem>>, vector<16xf32>,
      %max3A_1311 = arith.maximumf %max3A_1283, %get3A_1310 : vector<16xf32>
      %add3A_1312 = arith.constant 1712 : i32
      %add3A_1313 = arith.addi %mul3A_562, %add3A_1312 : i32
      %get3A_1314 = arith.constant 0 : i32
      %get3A_1315 = arith.index_cast %get3A_1314 : i32 to index
      %get3A_1316 = arith.index_cast %add3A_1313 : i32 to index
      %get3A_1317 = tpu.vector_load %arg7[%get3A_1315, %get3A_1316] {strides = array<i32>} : memref<2x16384xf32, #tpu.memory_space<vmem>>, vector<16xf32>,
      %max3A_1318 = arith.maximumf %max3A_1290, %get3A_1317 : vector<16xf32>
      %add3A_1319 = arith.constant 1728 : i32
      %add3A_1320 = arith.addi %mul3A_562, %add3A_1319 : i32
      %get3A_1321 = arith.constant 0 : i32
      %get3A_1322 = arith.index_cast %get3A_1321 : i32 to index
      %get3A_1323 = arith.index_cast %add3A_1320 : i32 to index
      %get3A_1324 = tpu.vector_load %arg7[%get3A_1322, %get3A_1323] {strides = array<i32>} : memref<2x16384xf32, #tpu.memory_space<vmem>>, vector<16xf32>,
      %max3A_1325 = arith.maximumf %max3A_1297, %get3A_1324 : vector<16xf32>
      %add3A_1326 = arith.constant 1744 : i32
      %add3A_1327 = arith.addi %mul3A_562, %add3A_1326 : i32
      %get3A_1328 = arith.constant 0 : i32
      %get3A_1329 = arith.index_cast %get3A_1328 : i32 to index
      %get3A_1330 = arith.index_cast %add3A_1327 : i32 to index
      %get3A_1331 = tpu.vector_load %arg7[%get3A_1329, %get3A_1330] {strides = array<i32>} : memref<2x16384xf32, #tpu.memory_space<vmem>>, vector<16xf32>,
      %max3A_1332 = arith.maximumf %max3A_1304, %get3A_1331 : vector<16xf32>
      %add3A_1333 = arith.constant 1760 : i32
      %add3A_1334 = arith.addi %mul3A_562, %add3A_1333 : i32
      %get3A_1335 = arith.constant 0 : i32
      %get3A_1336 = arith.index_cast %get3A_1335 : i32 to index
      %get3A_1337 = arith.index_cast %add3A_1334 : i32 to index
      %get3A_1338 = tpu.vector_load %arg7[%get3A_1336, %get3A_1337] {strides = array<i32>} : memref<2x16384xf32, #tpu.memory_space<vmem>>, vector<16xf32>,
      %max3A_1339 = arith.maximumf %max3A_1311, %get3A_1338 : vector<16xf32>
      %add3A_1340 = arith.constant 1776 : i32
      %add3A_1341 = arith.addi %mul3A_562, %add3A_1340 : i32
      %get3A_1342 = arith.constant 0 : i32
      %get3A_1343 = arith.index_cast %get3A_1342 : i32 to index
      %get3A_1344 = arith.index_cast %add3A_1341 : i32 to index
      %get3A_1345 = tpu.vector_load %arg7[%get3A_1343, %get3A_1344] {strides = array<i32>} : memref<2x16384xf32, #tpu.memory_space<vmem>>, vector<16xf32>,
      %max3A_1346 = arith.maximumf %max3A_1318, %get3A_1345 : vector<16xf32>
      %add3A_1347 = arith.constant 1792 : i32
      %add3A_1348 = arith.addi %mul3A_562, %add3A_1347 : i32
      %get3A_1349 = arith.constant 0 : i32
      %get3A_1350 = arith.index_cast %get3A_1349 : i32 to index
      %get3A_1351 = arith.index_cast %add3A_1348 : i32 to index
      %get3A_1352 = tpu.vector_load %arg7[%get3A_1350, %get3A_1351] {strides = array<i32>} : memref<2x16384xf32, #tpu.memory_space<vmem>>, vector<16xf32>,
      %max3A_1353 = arith.maximumf %max3A_1325, %get3A_1352 : vector<16xf32>
      %add3A_1354 = arith.constant 1808 : i32
      %add3A_1355 = arith.addi %mul3A_562, %add3A_1354 : i32
      %get3A_1356 = arith.constant 0 : i32
      %get3A_1357 = arith.index_cast %get3A_1356 : i32 to index
      %get3A_1358 = arith.index_cast %add3A_1355 : i32 to index
      %get3A_1359 = tpu.vector_load %arg7[%get3A_1357, %get3A_1358] {strides = array<i32>} : memref<2x16384xf32, #tpu.memory_space<vmem>>, vector<16xf32>,
      %max3A_1360 = arith.maximumf %max3A_1332, %get3A_1359 : vector<16xf32>
      %add3A_1361 = arith.constant 1824 : i32
      %add3A_1362 = arith.addi %mul3A_562, %add3A_1361 : i32
      %get3A_1363 = arith.constant 0 : i32
      %get3A_1364 = arith.index_cast %get3A_1363 : i32 to index
      %get3A_1365 = arith.index_cast %add3A_1362 : i32 to index
      %get3A_1366 = tpu.vector_load %arg7[%get3A_1364, %get3A_1365] {strides = array<i32>} : memref<2x16384xf32, #tpu.memory_space<vmem>>, vector<16xf32>,
      %max3A_1367 = arith.maximumf %max3A_1339, %get3A_1366 : vector<16xf32>
      %add3A_1368 = arith.constant 1840 : i32
      %add3A_1369 = arith.addi %mul3A_562, %add3A_1368 : i32
      %get3A_1370 = arith.constant 0 : i32
      %get3A_1371 = arith.index_cast %get3A_1370 : i32 to index
      %get3A_1372 = arith.index_cast %add3A_1369 : i32 to index
      %get3A_1373 = tpu.vector_load %arg7[%get3A_1371, %get3A_1372] {strides = array<i32>} : memref<2x16384xf32, #tpu.memory_space<vmem>>, vector<16xf32>,
      %max3A_1374 = arith.maximumf %max3A_1346, %get3A_1373 : vector<16xf32>
      %add3A_1375 = arith.constant 1856 : i32
      %add3A_1376 = arith.addi %mul3A_562, %add3A_1375 : i32
      %get3A_1377 = arith.constant 0 : i32
      %get3A_1378 = arith.index_cast %get3A_1377 : i32 to index
      %get3A_1379 = arith.index_cast %add3A_1376 : i32 to index
      %get3A_1380 = tpu.vector_load %arg7[%get3A_1378, %get3A_1379] {strides = array<i32>} : memref<2x16384xf32, #tpu.memory_space<vmem>>, vector<16xf32>,
      %max3A_1381 = arith.maximumf %max3A_1353, %get3A_1380 : vector<16xf32>
      %add3A_1382 = arith.constant 1872 : i32
      %add3A_1383 = arith.addi %mul3A_562, %add3A_1382 : i32
      %get3A_1384 = arith.constant 0 : i32
      %get3A_1385 = arith.index_cast %get3A_1384 : i32 to index
      %get3A_1386 = arith.index_cast %add3A_1383 : i32 to index
      %get3A_1387 = tpu.vector_load %arg7[%get3A_1385, %get3A_1386] {strides = array<i32>} : memref<2x16384xf32, #tpu.memory_space<vmem>>, vector<16xf32>,
      %max3A_1388 = arith.maximumf %max3A_1360, %get3A_1387 : vector<16xf32>
      %add3A_1389 = arith.constant 1888 : i32
      %add3A_1390 = arith.addi %mul3A_562, %add3A_1389 : i32
      %get3A_1391 = arith.constant 0 : i32
      %get3A_1392 = arith.index_cast %get3A_1391 : i32 to index
      %get3A_1393 = arith.index_cast %add3A_1390 : i32 to index
      %get3A_1394 = tpu.vector_load %arg7[%get3A_1392, %get3A_1393] {strides = array<i32>} : memref<2x16384xf32, #tpu.memory_space<vmem>>, vector<16xf32>,
      %max3A_1395 = arith.maximumf %max3A_1367, %get3A_1394 : vector<16xf32>
      %add3A_1396 = arith.constant 1904 : i32
      %add3A_1397 = arith.addi %mul3A_562, %add3A_1396 : i32
      %get3A_1398 = arith.constant 0 : i32
      %get3A_1399 = arith.index_cast %get3A_1398 : i32 to index
      %get3A_1400 = arith.index_cast %add3A_1397 : i32 to index
      %get3A_1401 = tpu.vector_load %arg7[%get3A_1399, %get3A_1400] {strides = array<i32>} : memref<2x16384xf32, #tpu.memory_space<vmem>>, vector<16xf32>,
      %max3A_1402 = arith.maximumf %max3A_1374, %get3A_1401 : vector<16xf32>
      %add3A_1403 = arith.constant 1920 : i32
      %add3A_1404 = arith.addi %mul3A_562, %add3A_1403 : i32
      %get3A_1405 = arith.constant 0 : i32
      %get3A_1406 = arith.index_cast %get3A_1405 : i32 to index
      %get3A_1407 = arith.index_cast %add3A_1404 : i32 to index
      %get3A_1408 = tpu.vector_load %arg7[%get3A_1406, %get3A_1407] {strides = array<i32>} : memref<2x16384xf32, #tpu.memory_space<vmem>>, vector<16xf32>,
      %max3A_1409 = arith.maximumf %max3A_1381, %get3A_1408 : vector<16xf32>
      %add3A_1410 = arith.constant 1936 : i32
      %add3A_1411 = arith.addi %mul3A_562, %add3A_1410 : i32
      %get3A_1412 = arith.constant 0 : i32
      %get3A_1413 = arith.index_cast %get3A_1412 : i32 to index
      %get3A_1414 = arith.index_cast %add3A_1411 : i32 to index
      %get3A_1415 = tpu.vector_load %arg7[%get3A_1413, %get3A_1414] {strides = array<i32>} : memref<2x16384xf32, #tpu.memory_space<vmem>>, vector<16xf32>,
      %max3A_1416 = arith.maximumf %max3A_1388, %get3A_1415 : vector<16xf32>
      %add3A_1417 = arith.constant 1952 : i32
      %add3A_1418 = arith.addi %mul3A_562, %add3A_1417 : i32
      %get3A_1419 = arith.constant 0 : i32
      %get3A_1420 = arith.index_cast %get3A_1419 : i32 to index
      %get3A_1421 = arith.index_cast %add3A_1418 : i32 to index
      %get3A_1422 = tpu.vector_load %arg7[%get3A_1420, %get3A_1421] {strides = array<i32>} : memref<2x16384xf32, #tpu.memory_space<vmem>>, vector<16xf32>,
      %max3A_1423 = arith.maximumf %max3A_1395, %get3A_1422 : vector<16xf32>
      %add3A_1424 = arith.constant 1968 : i32
      %add3A_1425 = arith.addi %mul3A_562, %add3A_1424 : i32
      %get3A_1426 = arith.constant 0 : i32
      %get3A_1427 = arith.index_cast %get3A_1426 : i32 to index
      %get3A_1428 = arith.index_cast %add3A_1425 : i32 to index
      %get3A_1429 = tpu.vector_load %arg7[%get3A_1427, %get3A_1428] {strides = array<i32>} : memref<2x16384xf32, #tpu.memory_space<vmem>>, vector<16xf32>,
      %max3A_1430 = arith.maximumf %max3A_1402, %get3A_1429 : vector<16xf32>
      %add3A_1431 = arith.constant 1984 : i32
      %add3A_1432 = arith.addi %mul3A_562, %add3A_1431 : i32
      %get3A_1433 = arith.constant 0 : i32
      %get3A_1434 = arith.index_cast %get3A_1433 : i32 to index
      %get3A_1435 = arith.index_cast %add3A_1432 : i32 to index
      %get3A_1436 = tpu.vector_load %arg7[%get3A_1434, %get3A_1435] {strides = array<i32>} : memref<2x16384xf32, #tpu.memory_space<vmem>>, vector<16xf32>,
      %max3A_1437 = arith.maximumf %max3A_1409, %get3A_1436 : vector<16xf32>
      %add3A_1438 = arith.constant 2000 : i32
      %add3A_1439 = arith.addi %mul3A_562, %add3A_1438 : i32
      %get3A_1440 = arith.constant 0 : i32
      %get3A_1441 = arith.index_cast %get3A_1440 : i32 to index
      %get3A_1442 = arith.index_cast %add3A_1439 : i32 to index
      %get3A_1443 = tpu.vector_load %arg7[%get3A_1441, %get3A_1442] {strides = array<i32>} : memref<2x16384xf32, #tpu.memory_space<vmem>>, vector<16xf32>,
      %max3A_1444 = arith.maximumf %max3A_1416, %get3A_1443 : vector<16xf32>
      %add3A_1445 = arith.constant 2016 : i32
      %add3A_1446 = arith.addi %mul3A_562, %add3A_1445 : i32
      %get3A_1447 = arith.constant 0 : i32
      %get3A_1448 = arith.index_cast %get3A_1447 : i32 to index
      %get3A_1449 = arith.index_cast %add3A_1446 : i32 to index
      %get3A_1450 = tpu.vector_load %arg7[%get3A_1448, %get3A_1449] {strides = array<i32>} : memref<2x16384xf32, #tpu.memory_space<vmem>>, vector<16xf32>,
      %max3A_1451 = arith.maximumf %max3A_1423, %get3A_1450 : vector<16xf32>
      %add3A_1452 = arith.constant 2032 : i32
      %add3A_1453 = arith.addi %mul3A_562, %add3A_1452 : i32
      %get3A_1454 = arith.constant 0 : i32
      %get3A_1455 = arith.index_cast %get3A_1454 : i32 to index
      %get3A_1456 = arith.index_cast %add3A_1453 : i32 to index
      %get3A_1457 = tpu.vector_load %arg7[%get3A_1455, %get3A_1456] {strides = array<i32>} : memref<2x16384xf32, #tpu.memory_space<vmem>>, vector<16xf32>,
      %max3A_1458 = arith.maximumf %max3A_1430, %get3A_1457 : vector<16xf32>
      %max3A_1459 = arith.maximumf %max3A_1437, %max3A_1444 : vector<16xf32>
      %max3A_1460 = arith.maximumf %max3A_1451, %max3A_1458 : vector<16xf32>
      %max3A_1461 = arith.maximumf %max3A_1459, %max3A_1460 : vector<16xf32>
      %add3A_1462 = arith.constant 480 : i32
      %add3A_1463 = arith.addi %add3A_1462, %scan3A_559 : i32
      %mul3A_1464 = arith.constant 16 : i32
      %mul3A_1465 = arith.muli %add3A_1463, %mul3A_1464 : i32
      %swap3A_1466 = arith.index_cast %mul3A_1465 : i32 to index
      %swap3A_1467 = tpu.vector_load %arg12[%swap3A_1466] {strides = array<i32>} : memref<8192xf32, #tpu.memory_space<vmem>>, vector<16xf32>,
      tpu.vector_store %arg12[%swap3A_1466], %max3A_1461 {strides = array<i32>} : memref<8192xf32, #tpu.memory_space<vmem>>, vector<16xf32>,
      %broadcast_in_dim3A_1468 = vector.broadcast %add3A_1463 : i32 to vector<16xi32>
      %reduce_max3A_1469 = arith.constant true
      %reduce_max3A_1470 = vector.broadcast %reduce_max3A_1469 : i1 to vector<16xi1>
      %reduce_max3A_1471 = tpu.scan <max>, %max3A_1461 masked %reduce_max3A_1470 : vector<16xf32>, vector<16xi1> -> vector<16xf32>
      %reduce_max3A_1472 = vector.extract %reduce_max3A_1471[15] : f32 from vector<16xf32>
      %broadcast_in_dim3A_1473 = vector.broadcast %reduce_max3A_1472 : f32 to vector<16xf32>
      tpu.vector_store_idx %arg13[%broadcast_in_dim3A_1468], %broadcast_in_dim3A_1473 masked %eq3A_3 : memref<512xf32, #tpu.memory_space<vmem>>[vector<16xi32>], vector<16xf32>, vector<16xi1>
      %scan3A_1474 = arith.constant 0 : i32
      scf.yield %scan3A_1474 : i32
    }
    %scan3A_92 = arith.constant 8 : i32
    %dma_wait3A_93 = tpu.memref_slice %arg3[%mul3A_83] : memref<20480xf32, #tpu.memory_space<hbm>> -> memref<640xf32, #tpu.memory_space<hbm>>
    %dma_wait3A_94 = tpu.memref_slice %arg3[%mul3A_83] : memref<20480xf32, #tpu.memory_space<hbm>> -> memref<640xf32, #tpu.memory_space<hbm>>
    tpu.wait_dma2 semaphore(%arg25 : memref<!tpu.dma_semaphore, #tpu.memory_space<semaphore_mem>>) src(%dma_wait3A_94 : memref<640xf32, #tpu.memory_space<hbm>>) dst(%arg11 : memref<640xf32, #tpu.memory_space<vmem>>)
    %get3A = arith.constant 0 : index
    %get3A_95 = tpu.vector_load %arg11[%get3A] {strides = array<i32>} : memref<640xf32, #tpu.memory_space<vmem>>, vector<16xf32>,
    %max3A = arith.maximumf %broadcast_in_dim3A_1, %get3A_95 : vector<16xf32>
    %get3A_96 = arith.constant 16 : index
    %get3A_97 = tpu.vector_load %arg11[%get3A_96] {strides = array<i32>} : memref<640xf32, #tpu.memory_space<vmem>>, vector<16xf32>,
    %max3A_98 = arith.maximumf %max3A, %get3A_97 : vector<16xf32>
    %get3A_99 = arith.constant 32 : index
    %get3A_100 = tpu.vector_load %arg11[%get3A_99] {strides = array<i32>} : memref<640xf32, #tpu.memory_space<vmem>>, vector<16xf32>,
    %max3A_101 = arith.maximumf %max3A_98, %get3A_100 : vector<16xf32>
    %get3A_102 = arith.constant 48 : index
    %get3A_103 = tpu.vector_load %arg11[%get3A_102] {strides = array<i32>} : memref<640xf32, #tpu.memory_space<vmem>>, vector<16xf32>,
    %max3A_104 = arith.maximumf %max3A_101, %get3A_103 : vector<16xf32>
    %get3A_105 = arith.constant 64 : index
    %get3A_106 = tpu.vector_load %arg11[%get3A_105] {strides = array<i32>} : memref<640xf32, #tpu.memory_space<vmem>>, vector<16xf32>,
    %max3A_107 = arith.maximumf %max3A_104, %get3A_106 : vector<16xf32>
    %get3A_108 = arith.constant 80 : index
    %get3A_109 = tpu.vector_load %arg11[%get3A_108] {strides = array<i32>} : memref<640xf32, #tpu.memory_space<vmem>>, vector<16xf32>,
    %max3A_110 = arith.maximumf %max3A_107, %get3A_109 : vector<16xf32>
    %get3A_111 = arith.constant 96 : index
    %get3A_112 = tpu.vector_load %arg11[%get3A_111] {strides = array<i32>} : memref<640xf32, #tpu.memory_space<vmem>>, vector<16xf32>,
    %max3A_113 = arith.maximumf %max3A_110, %get3A_112 : vector<16xf32>
    %get3A_114 = arith.constant 112 : index
    %get3A_115 = tpu.vector_load %arg11[%get3A_114] {strides = array<i32>} : memref<640xf32, #tpu.memory_space<vmem>>, vector<16xf32>,
    %max3A_116 = arith.maximumf %max3A_113, %get3A_115 : vector<16xf32>
    %get3A_117 = arith.constant 128 : index
    %get3A_118 = tpu.vector_load %arg11[%get3A_117] {strides = array<i32>} : memref<640xf32, #tpu.memory_space<vmem>>, vector<16xf32>,
    %max3A_119 = arith.maximumf %max3A_116, %get3A_118 : vector<16xf32>
    %get3A_120 = arith.constant 144 : index
    %get3A_121 = tpu.vector_load %arg11[%get3A_120] {strides = array<i32>} : memref<640xf32, #tpu.memory_space<vmem>>, vector<16xf32>,
    %max3A_122 = arith.maximumf %max3A_119, %get3A_121 : vector<16xf32>
    %get3A_123 = arith.constant 160 : index
    %get3A_124 = tpu.vector_load %arg11[%get3A_123] {strides = array<i32>} : memref<640xf32, #tpu.memory_space<vmem>>, vector<16xf32>,
    %max3A_125 = arith.maximumf %max3A_122, %get3A_124 : vector<16xf32>
    %get3A_126 = arith.constant 176 : index
    %get3A_127 = tpu.vector_load %arg11[%get3A_126] {strides = array<i32>} : memref<640xf32, #tpu.memory_space<vmem>>, vector<16xf32>,
    %max3A_128 = arith.maximumf %max3A_125, %get3A_127 : vector<16xf32>
    %get3A_129 = arith.constant 192 : index
    %get3A_130 = tpu.vector_load %arg11[%get3A_129] {strides = array<i32>} : memref<640xf32, #tpu.memory_space<vmem>>, vector<16xf32>,
    %max3A_131 = arith.maximumf %max3A_128, %get3A_130 : vector<16xf32>
    %get3A_132 = arith.constant 208 : index
    %get3A_133 = tpu.vector_load %arg11[%get3A_132] {strides = array<i32>} : memref<640xf32, #tpu.memory_space<vmem>>, vector<16xf32>,
    %max3A_134 = arith.maximumf %max3A_131, %get3A_133 : vector<16xf32>
    %get3A_135 = arith.constant 224 : index
    %get3A_136 = tpu.vector_load %arg11[%get3A_135] {strides = array<i32>} : memref<640xf32, #tpu.memory_space<vmem>>, vector<16xf32>,
    %max3A_137 = arith.maximumf %max3A_134, %get3A_136 : vector<16xf32>
    %get3A_138 = arith.constant 240 : index
    %get3A_139 = tpu.vector_load %arg11[%get3A_138] {strides = array<i32>} : memref<640xf32, #tpu.memory_space<vmem>>, vector<16xf32>,
    %max3A_140 = arith.maximumf %max3A_137, %get3A_139 : vector<16xf32>
    %get3A_141 = arith.constant 256 : index
    %get3A_142 = tpu.vector_load %arg11[%get3A_141] {strides = array<i32>} : memref<640xf32, #tpu.memory_space<vmem>>, vector<16xf32>,
    %max3A_143 = arith.maximumf %max3A_140, %get3A_142 : vector<16xf32>
    %get3A_144 = arith.constant 272 : index
    %get3A_145 = tpu.vector_load %arg11[%get3A_144] {strides = array<i32>} : memref<640xf32, #tpu.memory_space<vmem>>, vector<16xf32>,
    %max3A_146 = arith.maximumf %max3A_143, %get3A_145 : vector<16xf32>
    %get3A_147 = arith.constant 288 : index
    %get3A_148 = tpu.vector_load %arg11[%get3A_147] {strides = array<i32>} : memref<640xf32, #tpu.memory_space<vmem>>, vector<16xf32>,
    %max3A_149 = arith.maximumf %max3A_146, %get3A_148 : vector<16xf32>
    %get3A_150 = arith.constant 304 : index
    %get3A_151 = tpu.vector_load %arg11[%get3A_150] {strides = array<i32>} : memref<640xf32, #tpu.memory_space<vmem>>, vector<16xf32>,
    %max3A_152 = arith.maximumf %max3A_149, %get3A_151 : vector<16xf32>
    %get3A_153 = arith.constant 320 : index
    %get3A_154 = tpu.vector_load %arg11[%get3A_153] {strides = array<i32>} : memref<640xf32, #tpu.memory_space<vmem>>, vector<16xf32>,
    %max3A_155 = arith.maximumf %max3A_152, %get3A_154 : vector<16xf32>
    %get3A_156 = arith.constant 336 : index
    %get3A_157 = tpu.vector_load %arg11[%get3A_156] {strides = array<i32>} : memref<640xf32, #tpu.memory_space<vmem>>, vector<16xf32>,
    %max3A_158 = arith.maximumf %max3A_155, %get3A_157 : vector<16xf32>
    %get3A_159 = arith.constant 352 : index
    %get3A_160 = tpu.vector_load %arg11[%get3A_159] {strides = array<i32>} : memref<640xf32, #tpu.memory_space<vmem>>, vector<16xf32>,
    %max3A_161 = arith.maximumf %max3A_158, %get3A_160 : vector<16xf32>
    %get3A_162 = arith.constant 368 : index
    %get3A_163 = tpu.vector_load %arg11[%get3A_162] {strides = array<i32>} : memref<640xf32, #tpu.memory_space<vmem>>, vector<16xf32>,
    %max3A_164 = arith.maximumf %max3A_161, %get3A_163 : vector<16xf32>
    %get3A_165 = arith.constant 384 : index
    %get3A_166 = tpu.vector_load %arg11[%get3A_165] {strides = array<i32>} : memref<640xf32, #tpu.memory_space<vmem>>, vector<16xf32>,
    %max3A_167 = arith.maximumf %max3A_164, %get3A_166 : vector<16xf32>
    %get3A_168 = arith.constant 400 : index
    %get3A_169 = tpu.vector_load %arg11[%get3A_168] {strides = array<i32>} : memref<640xf32, #tpu.memory_space<vmem>>, vector<16xf32>,
    %max3A_170 = arith.maximumf %max3A_167, %get3A_169 : vector<16xf32>
    %get3A_171 = arith.constant 416 : index
    %get3A_172 = tpu.vector_load %arg11[%get3A_171] {strides = array<i32>} : memref<640xf32, #tpu.memory_space<vmem>>, vector<16xf32>,
    %max3A_173 = arith.maximumf %max3A_170, %get3A_172 : vector<16xf32>
    %get3A_174 = arith.constant 432 : index
    %get3A_175 = tpu.vector_load %arg11[%get3A_174] {strides = array<i32>} : memref<640xf32, #tpu.memory_space<vmem>>, vector<16xf32>,
    %max3A_176 = arith.maximumf %max3A_173, %get3A_175 : vector<16xf32>
    %get3A_177 = arith.constant 448 : index
    %get3A_178 = tpu.vector_load %arg11[%get3A_177] {strides = array<i32>} : memref<640xf32, #tpu.memory_space<vmem>>, vector<16xf32>,
    %max3A_179 = arith.maximumf %max3A_176, %get3A_178 : vector<16xf32>
    %get3A_180 = arith.constant 464 : index
    %get3A_181 = tpu.vector_load %arg11[%get3A_180] {strides = array<i32>} : memref<640xf32, #tpu.memory_space<vmem>>, vector<16xf32>,
    %max3A_182 = arith.maximumf %max3A_179, %get3A_181 : vector<16xf32>
    %get3A_183 = arith.constant 480 : index
    %get3A_184 = tpu.vector_load %arg11[%get3A_183] {strides = array<i32>} : memref<640xf32, #tpu.memory_space<vmem>>, vector<16xf32>,
    %max3A_185 = arith.maximumf %max3A_182, %get3A_184 : vector<16xf32>
    %get3A_186 = arith.constant 496 : index
    %get3A_187 = tpu.vector_load %arg11[%get3A_186] {strides = array<i32>} : memref<640xf32, #tpu.memory_space<vmem>>, vector<16xf32>,
    %max3A_188 = arith.maximumf %max3A_185, %get3A_187 : vector<16xf32>
    %get3A_189 = arith.constant 512 : index
    %get3A_190 = tpu.vector_load %arg11[%get3A_189] {strides = array<i32>} : memref<640xf32, #tpu.memory_space<vmem>>, vector<16xf32>,
    %max3A_191 = arith.maximumf %max3A_188, %get3A_190 : vector<16xf32>
    %get3A_192 = arith.constant 528 : index
    %get3A_193 = tpu.vector_load %arg11[%get3A_192] {strides = array<i32>} : memref<640xf32, #tpu.memory_space<vmem>>, vector<16xf32>,
    %max3A_194 = arith.maximumf %max3A_191, %get3A_193 : vector<16xf32>
    %get3A_195 = arith.constant 544 : index
    %get3A_196 = tpu.vector_load %arg11[%get3A_195] {strides = array<i32>} : memref<640xf32, #tpu.memory_space<vmem>>, vector<16xf32>,
    %max3A_197 = arith.maximumf %max3A_194, %get3A_196 : vector<16xf32>
    %get3A_198 = arith.constant 560 : index
    %get3A_199 = tpu.vector_load %arg11[%get3A_198] {strides = array<i32>} : memref<640xf32, #tpu.memory_space<vmem>>, vector<16xf32>,
    %max3A_200 = arith.maximumf %max3A_197, %get3A_199 : vector<16xf32>
    %swap3A_201 = arith.constant 7808 : index
    %swap3A_202 = tpu.vector_load %arg12[%swap3A_201] {strides = array<i32>} : memref<8192xf32, #tpu.memory_space<vmem>>, vector<16xf32>,
    tpu.vector_store %arg12[%swap3A_201], %max3A_200 {strides = array<i32>} : memref<8192xf32, #tpu.memory_space<vmem>>, vector<16xf32>,
    %broadcast_in_dim3A_203 = arith.constant 488 : i32
    %broadcast_in_dim3A_204 = vector.broadcast %broadcast_in_dim3A_203 : i32 to vector<16xi32>
    %reduce_max3A = arith.constant true
    %reduce_max3A_205 = vector.broadcast %reduce_max3A : i1 to vector<16xi1>
    %reduce_max3A_206 = tpu.scan <max>, %max3A_200 masked %reduce_max3A_205 : vector<16xf32>, vector<16xi1> -> vector<16xf32>
    %reduce_max3A_207 = vector.extract %reduce_max3A_206[15] : f32 from vector<16xf32>
    %broadcast_in_dim3A_208 = vector.broadcast %reduce_max3A_207 : f32 to vector<16xf32>
    tpu.vector_store_idx %arg13[%broadcast_in_dim3A_204], %broadcast_in_dim3A_208 masked %eq3A_3 : memref<512xf32, #tpu.memory_space<vmem>>[vector<16xi32>], vector<16xf32>, vector<16xi1>
    %scan3A_209 = arith.constant 0 : i32
    %scan3A_210 = arith.constant 0 : i32
    %scan3A_211 = arith.constant 32 : i32
    %scan3A_212 = arith.addi %scan3A_210, %scan3A_211 : i32
    %scan3A_213 = arith.constant 1 : i32
    %scan3A_214 = scf.for %scan3A_559 = %scan3A_210 to %scan3A_212 step %scan3A_213 iter_args(%scan3A_560 = %scan3A_209) -> (i32)  : i32 {
      %mul3A_561 = arith.constant 16 : i32
      %mul3A_562 = arith.muli %scan3A_559, %mul3A_561 : i32
      %get3A_563 = arith.index_cast %mul3A_562 : i32 to index
      %get3A_564 = tpu.vector_load %arg13[%get3A_563] {strides = array<i32>} : memref<512xf32, #tpu.memory_space<vmem>>, vector<16xf32>,
      %bitcast_convert_type3A_565 = tpu.bitcast %get3A_564 : vector<16xf32> -> vector<16xi32>
      %shift_right_arithmetic3A_566 = arith.constant 31 : i32
      %shift_right_arithmetic3A_567 = vector.broadcast %shift_right_arithmetic3A_566 : i32 to vector<16xi32>
      %shift_right_arithmetic3A_568 = arith.shrsi %bitcast_convert_type3A_565, %shift_right_arithmetic3A_567 : vector<16xi32>
      %and3A_569 = arith.constant 2147483647 : i32
      %and3A_570 = vector.broadcast %and3A_569 : i32 to vector<16xi32>
      %and3A_571 = arith.andi %shift_right_arithmetic3A_568, %and3A_570 : vector<16xi32>
      %xor3A_572 = arith.xori %bitcast_convert_type3A_565, %and3A_571 : vector<16xi32>
      %mul3A_573 = arith.constant 16 : i32
      %mul3A_574 = arith.muli %scan3A_559, %mul3A_573 : i32
      %swap3A_575 = arith.index_cast %mul3A_574 : i32 to index
      %swap3A_576 = tpu.vector_load %arg14[%swap3A_575] {strides = array<i32>} : memref<512xi32, #tpu.memory_space<vmem>>, vector<16xi32>,
      tpu.vector_store %arg14[%swap3A_575], %xor3A_572 {strides = array<i32>} : memref<512xi32, #tpu.memory_space<vmem>>, vector<16xi32>,
      %scan3A_577 = arith.constant 0 : i32
      scf.yield %scan3A_577 : i32
    }
    %scan3A_215 = arith.constant 32 : i32
    %scan3A_216 = arith.constant 0 : i32
    %scan3A_217 = arith.constant 0 : i32
    %scan3A_218 = arith.constant 32 : i32
    %scan3A_219 = arith.addi %scan3A_217, %scan3A_218 : i32
    %scan3A_220 = arith.constant 1 : i32
    %scan3A_221 = scf.for %scan3A_559 = %scan3A_217 to %scan3A_219 step %scan3A_220 iter_args(%scan3A_560 = %scan3A_216) -> (i32)  : i32 {
      %sub3A_561 = arith.constant 31 : i32
      %sub3A_562 = arith.subi %sub3A_561, %scan3A_559 : i32
      %shift_left3A = arith.constant 1 : i32
      %shift_left3A_563 = arith.shli %shift_left3A, %sub3A_562 : i32
      %or3A = arith.ori %scan3A_560, %shift_left3A_563 : i32
      %xor3A_564 = arith.constant -2147483648 : i32
      %xor3A_565 = arith.xori %or3A, %xor3A_564 : i32
      %broadcast_in_dim3A_566 = arith.constant 0 : i32
      %broadcast_in_dim3A_567 = vector.broadcast %broadcast_in_dim3A_566 : i32 to vector<16xi32>
      %scan3A_568 = arith.constant 0 : i32
      %scan3A_569 = arith.constant 32 : i32
      %scan3A_570 = arith.addi %scan3A_568, %scan3A_569 : i32
      %scan3A_571 = arith.constant 1 : i32
      %scan3A_572 = scf.for %scan3A_580 = %scan3A_568 to %scan3A_570 step %scan3A_571 iter_args(%scan3A_581 = %broadcast_in_dim3A_567) -> (vector<16xi32>)  : i32 {
        %mul3A_582 = arith.constant 16 : i32
        %mul3A_583 = arith.muli %scan3A_580, %mul3A_582 : i32
        %get3A_584 = arith.index_cast %mul3A_583 : i32 to index
        %get3A_585 = tpu.vector_load %arg14[%get3A_584] {strides = array<i32>} : memref<512xi32, #tpu.memory_space<vmem>>, vector<16xi32>,
        %ge3A_586 = vector.broadcast %xor3A_565 : i32 to vector<16xi32>
        %ge3A_587 = arith.cmpi sge, %get3A_585, %ge3A_586 : vector<16xi32>
        %jit3A_588 = arith.constant 1 : i32
        %jit3A_589 = arith.constant 0 : i32
        %broadcast_in_dim3A_590 = vector.broadcast %jit3A_588 : i32 to vector<16xi32>
        %broadcast_in_dim3A_591 = vector.broadcast %jit3A_589 : i32 to vector<16xi32>
        %select_n3A_592 = arith.select %ge3A_587, %broadcast_in_dim3A_590, %broadcast_in_dim3A_591 : vector<16xi1>, vector<16xi32>
        %add3A_593 = arith.addi %scan3A_581, %select_n3A_592 : vector<16xi32>
        scf.yield %add3A_593 : vector<16xi32>
      }
      %scan3A_573 = arith.constant 32 : i32
      %reduce_sum3A = arith.constant true
      %reduce_sum3A_574 = vector.broadcast %reduce_sum3A : i1 to vector<16xi1>
      %reduce_sum3A_575 = tpu.scan <sum>, %scan3A_572 masked %reduce_sum3A_574 : vector<16xi32>, vector<16xi1> -> vector<16xi32>
      %reduce_sum3A_576 = vector.extract %reduce_sum3A_575[15] : i32 from vector<16xi32>
      %ge3A_577 = arith.constant 64 : i32
      %ge3A_578 = arith.cmpi sge, %reduce_sum3A_576, %ge3A_577 : i32
      %select_n3A_579 = arith.select %ge3A_578, %or3A, %scan3A_560 : i32
      scf.yield %select_n3A_579 : i32
    }
    %scan3A_222 = arith.constant 32 : i32
    %xor3A = arith.constant -2147483648 : i32
    %xor3A_223 = arith.xori %scan3A_221, %xor3A : i32
    %shift_right_arithmetic3A = arith.constant 31 : i32
    %shift_right_arithmetic3A_224 = arith.shrsi %xor3A_223, %shift_right_arithmetic3A : i32
    %and3A = arith.constant 2147483647 : i32
    %and3A_225 = arith.andi %shift_right_arithmetic3A_224, %and3A : i32
    %xor3A_226 = arith.xori %xor3A_223, %and3A_225 : i32
    %bitcast_convert_type3A = arith.bitcast %xor3A_226 : i32 to f32
    %swap3A_227 = arith.constant 0 : i32
    %swap3A_228 = arith.constant 0 : i32
    %swap3A_229 = arith.index_cast %swap3A_228 : i32 to index
    %swap3A_230 = memref.load %arg23[%swap3A_229] : memref<2xi32, #tpu.memory_space<smem>>
    memref.store %swap3A_227, %arg23[%swap3A_229] : memref<2xi32, #tpu.memory_space<smem>>
    %swap3A_231 = arith.constant 0 : i32
    %swap3A_232 = arith.constant 1 : i32
    %swap3A_233 = arith.index_cast %swap3A_232 : i32 to index
    %swap3A_234 = memref.load %arg23[%swap3A_233] : memref<2xi32, #tpu.memory_space<smem>>
    memref.store %swap3A_231, %arg23[%swap3A_233] : memref<2xi32, #tpu.memory_space<smem>>
    %scan3A_235 = arith.constant 0 : i32
    %scan3A_236 = arith.constant 0 : i32
    %scan3A_237 = arith.constant 32 : i32
    %scan3A_238 = arith.addi %scan3A_236, %scan3A_237 : i32
    %scan3A_239 = arith.constant 1 : i32
    %scan3A_240 = scf.for %scan3A_559 = %scan3A_236 to %scan3A_238 step %scan3A_239 iter_args(%scan3A_560 = %scan3A_235) -> (i32)  : i32 {
      %mul3A_561 = arith.constant 16 : i32
      %mul3A_562 = arith.muli %scan3A_559, %mul3A_561 : i32
      %add3A_563 = vector.broadcast %mul3A_562 : i32 to vector<16xi32>
      %add3A_564 = arith.addi %add3A_563, %iota3A : vector<16xi32>
      %mul3A_565 = arith.constant 16 : i32
      %mul3A_566 = arith.muli %scan3A_559, %mul3A_565 : i32
      %get3A_567 = arith.index_cast %mul3A_566 : i32 to index
      %get3A_568 = tpu.vector_load %arg13[%get3A_567] {strides = array<i32>} : memref<512xf32, #tpu.memory_space<vmem>>, vector<16xf32>,
      %ge3A_569 = vector.broadcast %bitcast_convert_type3A : f32 to vector<16xf32>
      %ge3A_570 = arith.cmpf oge, %get3A_568, %ge3A_569 : vector<16xf32>
      %lt3A = arith.constant 488 : i32
      %lt3A_571 = vector.broadcast %lt3A : i32 to vector<16xi32>
      %lt3A_572 = arith.cmpi slt, %add3A_564, %lt3A_571 : vector<16xi32>
      %and3A_573 = arith.andi %ge3A_570, %lt3A_572 : vector<16xi1>
      %reduce_or3A_574 = arith.constant 1.000000e+00 : f32
      %reduce_or3A_575 = arith.constant 0.000000e+00 : f32
      %reduce_or3A_576 = vector.broadcast %reduce_or3A_574 : f32 to vector<16xf32>
      %reduce_or3A_577 = vector.broadcast %reduce_or3A_575 : f32 to vector<16xf32>
      %reduce_or3A_578 = arith.select %and3A_573, %reduce_or3A_576, %reduce_or3A_577 : vector<16xi1>, vector<16xf32>
      %reduce_or3A_579 = arith.constant true
      %reduce_or3A_580 = vector.broadcast %reduce_or3A_579 : i1 to vector<16xi1>
      %reduce_or3A_581 = tpu.scan <max>, %reduce_or3A_578 masked %reduce_or3A_580 : vector<16xf32>, vector<16xi1> -> vector<16xf32>
      %reduce_or3A_582 = vector.extract %reduce_or3A_581[15] : f32 from vector<16xf32>
      %reduce_or3A_583 = arith.constant 0.000000e+00 : f32
      %reduce_or3A_584 = arith.cmpf ogt, %reduce_or3A_582, %reduce_or3A_583 : f32
      %convert_element_type3A_585 = arith.extui %reduce_or3A_584 : i1 to i32
      %cond3A_586 = arith.constant 0 : i32
      %cond3A_587 = arith.cmpi ne, %convert_element_type3A_585, %cond3A_586 : i32
      scf.if %cond3A_587 {
        %jit3A_589 = arith.constant 1 : i32
        %jit3A_590 = arith.constant 0 : i32
        %broadcast_in_dim3A_591 = vector.broadcast %jit3A_589 : i32 to vector<16xi32>
        %broadcast_in_dim3A_592 = vector.broadcast %jit3A_590 : i32 to vector<16xi32>
        %select_n3A_593 = arith.select %and3A_573, %broadcast_in_dim3A_591, %broadcast_in_dim3A_592 : vector<16xi1>, vector<16xi32>
        %get3A_594 = arith.constant 1 : i32
        %get3A_595 = arith.index_cast %get3A_594 : i32 to index
        %get3A_596 = memref.load %arg23[%get3A_595] : memref<2xi32, #tpu.memory_space<smem>>
        %broadcast_in_dim3A_597 = arith.constant true
        %broadcast_in_dim3A_598 = vector.broadcast %broadcast_in_dim3A_597 : i1 to vector<16xi1>
        %masked_cumsum3A = tpu.scan <sum>, %select_n3A_593 masked %broadcast_in_dim3A_598 : vector<16xi32>, vector<16xi1> -> vector<16xi32>
        %sub3A_599 = arith.constant 1 : i32
        %sub3A_600 = arith.subi %get3A_596, %sub3A_599 : i32
        %add3A_601 = vector.broadcast %sub3A_600 : i32 to vector<16xi32>
        %add3A_602 = arith.addi %masked_cumsum3A, %add3A_601 : vector<16xi32>
        tpu.vector_store_idx %arg15[%add3A_602], %add3A_564 masked %and3A_573 : memref<512xi32, #tpu.memory_space<vmem>>[vector<16xi32>], vector<16xi32>, vector<16xi1>
        %reduce_sum3A = arith.constant true
        %reduce_sum3A_603 = vector.broadcast %reduce_sum3A : i1 to vector<16xi1>
        %reduce_sum3A_604 = tpu.scan <sum>, %select_n3A_593 masked %reduce_sum3A_603 : vector<16xi32>, vector<16xi1> -> vector<16xi32>
        %reduce_sum3A_605 = vector.extract %reduce_sum3A_604[15] : i32 from vector<16xi32>
        %add3A_606 = arith.addi %get3A_596, %reduce_sum3A_605 : i32
        %swap3A_607 = arith.constant 1 : i32
        %swap3A_608 = arith.index_cast %swap3A_607 : i32 to index
        %swap3A_609 = memref.load %arg23[%swap3A_608] : memref<2xi32, #tpu.memory_space<smem>>
        memref.store %add3A_606, %arg23[%swap3A_608] : memref<2xi32, #tpu.memory_space<smem>>
      } else {
      }
      %scan3A_588 = arith.constant 0 : i32
      scf.yield %scan3A_588 : i32
    }
    %scan3A_241 = arith.constant 32 : i32
    %get3A_242 = arith.constant 1 : i32
    %get3A_243 = arith.index_cast %get3A_242 : i32 to index
    %get3A_244 = memref.load %arg23[%get3A_243] : memref<2xi32, #tpu.memory_space<smem>>
    %gt3A = arith.constant 0 : i32
    %gt3A_245 = arith.cmpi sgt, %get3A_244, %gt3A : i32
    %convert_element_type3A = arith.extui %gt3A_245 : i1 to i32
    %cond3A = arith.constant 0 : i32
    %cond3A_246 = arith.cmpi ne, %convert_element_type3A, %cond3A : i32
    scf.if %cond3A_246 {
      %mul3A_559 = arith.constant 2 : i32
      %mul3A_560 = arith.muli %mul3A_559, %add3A : i32
      %broadcast_in_dim3A_561 = arith.constant 0 : i32
      %broadcast_in_dim3A_562 = vector.broadcast %broadcast_in_dim3A_561 : i32 to vector<16xi32>
      %gather3A_563 = tpu.vector_load_idx %arg15[%broadcast_in_dim3A_562] : memref<512xi32, #tpu.memory_space<vmem>>[vector<16xi32>], vector<16xi32>,
      %slice3A = vector.extract_strided_slice %gather3A_563 {offsets = [0], sizes = [1], strides = [1]} : vector<16xi32> to vector<1xi32>
      %squeeze3A = vector.extract %slice3A[0] : i32 from vector<1xi32>
      %mul3A_564 = arith.constant 2048 : i32
      %mul3A_565 = arith.muli %squeeze3A, %mul3A_564 : i32
      %dma_start3A_566 = tpu.memref_slice %arg2[%mul3A_560, %mul3A_565] : memref<64x1000000xf32, #tpu.memory_space<hbm>> -> memref<2x2048xf32, #tpu.memory_space<hbm>>
      %dma_start3A_567 = tpu.memref_slice %arg2[%mul3A_560, %mul3A_565] : memref<64x1000000xf32, #tpu.memory_space<hbm>> -> memref<2x2048xf32, #tpu.memory_space<hbm>>
      tpu.enqueue_dma source(%dma_start3A_567 : memref<2x2048xf32, #tpu.memory_space<hbm>>) target(%arg9 : memref<2x2048xf32, #tpu.memory_space<vmem>>) target_semaphore(%arg24 : memref<!tpu.dma_semaphore, #tpu.memory_space<semaphore_mem>>)
    } else {
    }
    %gt3A_247 = arith.constant 1 : i32
    %gt3A_248 = arith.cmpi sgt, %get3A_244, %gt3A_247 : i32
    %convert_element_type3A_249 = arith.extui %gt3A_248 : i1 to i32
    %cond3A_250 = arith.constant 0 : i32
    %cond3A_251 = arith.cmpi ne, %convert_element_type3A_249, %cond3A_250 : i32
    scf.if %cond3A_251 {
      %mul3A_559 = arith.constant 2 : i32
      %mul3A_560 = arith.muli %mul3A_559, %add3A : i32
      %broadcast_in_dim3A_561 = arith.constant 1 : i32
      %broadcast_in_dim3A_562 = vector.broadcast %broadcast_in_dim3A_561 : i32 to vector<16xi32>
      %gather3A_563 = tpu.vector_load_idx %arg15[%broadcast_in_dim3A_562] : memref<512xi32, #tpu.memory_space<vmem>>[vector<16xi32>], vector<16xi32>,
      %slice3A = vector.extract_strided_slice %gather3A_563 {offsets = [0], sizes = [1], strides = [1]} : vector<16xi32> to vector<1xi32>
      %squeeze3A = vector.extract %slice3A[0] : i32 from vector<1xi32>
      %mul3A_564 = arith.constant 2048 : i32
      %mul3A_565 = arith.muli %squeeze3A, %mul3A_564 : i32
      %dma_start3A_566 = tpu.memref_slice %arg2[%mul3A_560, %mul3A_565] : memref<64x1000000xf32, #tpu.memory_space<hbm>> -> memref<2x2048xf32, #tpu.memory_space<hbm>>
      %dma_start3A_567 = tpu.memref_slice %arg2[%mul3A_560, %mul3A_565] : memref<64x1000000xf32, #tpu.memory_space<hbm>> -> memref<2x2048xf32, #tpu.memory_space<hbm>>
      tpu.enqueue_dma source(%dma_start3A_567 : memref<2x2048xf32, #tpu.memory_space<hbm>>) target(%arg10 : memref<2x2048xf32, #tpu.memory_space<vmem>>) target_semaphore(%arg25 : memref<!tpu.dma_semaphore, #tpu.memory_space<semaphore_mem>>)
    } else {
    }
    %add3A_252 = arith.constant 1 : i32
    %add3A_253 = arith.addi %get3A_244, %add3A_252 : i32
    %jit3A = arith.constant 2 : i32
    %div3A = arith.divsi %add3A_253, %jit3A : i32
    %sign3A = arith.constant 0 : i32
    %sign3A_254 = arith.cmpi sgt, %add3A_253, %sign3A : i32
    %sign3A_255 = arith.extui %sign3A_254 : i1 to i32
    %sign3A_256 = arith.constant 0 : i32
    %sign3A_257 = arith.cmpi slt, %add3A_253, %sign3A_256 : i32
    %sign3A_258 = arith.extui %sign3A_257 : i1 to i32
    %sign3A_259 = arith.subi %sign3A_255, %sign3A_258 : i32
    %sign3A_260 = arith.constant 0 : i32
    %sign3A_261 = arith.cmpi sgt, %jit3A, %sign3A_260 : i32
    %sign3A_262 = arith.extui %sign3A_261 : i1 to i32
    %sign3A_263 = arith.constant 0 : i32
    %sign3A_264 = arith.cmpi slt, %jit3A, %sign3A_263 : i32
    %sign3A_265 = arith.extui %sign3A_264 : i1 to i32
    %sign3A_266 = arith.subi %sign3A_262, %sign3A_265 : i32
    %ne3A = arith.cmpi ne, %sign3A_259, %sign3A_266 : i32
    %rem3A = arith.remsi %add3A_253, %jit3A : i32
    %ne3A_267 = arith.constant 0 : i32
    %ne3A_268 = arith.cmpi ne, %rem3A, %ne3A_267 : i32
    %and3A_269 = arith.andi %ne3A, %ne3A_268 : i1
    %sub3A = arith.constant 1 : i32
    %sub3A_270 = arith.subi %div3A, %sub3A : i32
    %select_n3A = arith.select %and3A_269, %sub3A_270, %div3A : i32
    %while3A = arith.constant 0 : i32
    %while3A_271 = arith.constant 0 : i32
    %while3A_272 = arith.subi %select_n3A, %while3A : i32
    %while3A_273 = arith.addi %while3A, %while3A_272 : i32
    %while3A_274 = arith.constant 1 : i32
    %while3A_275 = arith.divsi %while3A_272, %while3A_274 : i32
    %while3A_276 = arith.muli %while3A_275, %while3A_274 : i32
    %while3A_277 = arith.addi %while3A, %while3A_276 : i32
    %while3A_278 = arith.constant 1 : i32
    %while3A_279 = scf.for %while3A_559 = %while3A to %while3A_277 step %while3A_278 iter_args(%while3A_560 = %while3A_271) -> (i32)  : i32 {
      %mul3A_561 = arith.constant 2 : i32
      %mul3A_562 = arith.muli %mul3A_561, %while3A_559 : i32
      %add3A_563 = arith.constant 0 : i32
      %add3A_564 = arith.addi %mul3A_562, %add3A_563 : i32
      %lt3A = arith.cmpi slt, %add3A_564, %get3A_244 : i32
      %convert_element_type3A_565 = arith.extui %lt3A : i1 to i32
      %cond3A_566 = arith.constant 0 : i32
      %cond3A_567 = arith.cmpi ne, %convert_element_type3A_565, %cond3A_566 : i32
      scf.if %cond3A_567 {
        %mul3A_577 = arith.constant 2 : i32
        %mul3A_578 = arith.muli %mul3A_577, %add3A : i32
        %broadcast_in_dim3A_579 = vector.broadcast %add3A_564 : i32 to vector<16xi32>
        %gather3A_580 = tpu.vector_load_idx %arg15[%broadcast_in_dim3A_579] : memref<512xi32, #tpu.memory_space<vmem>>[vector<16xi32>], vector<16xi32>,
        %slice3A = vector.extract_strided_slice %gather3A_580 {offsets = [0], sizes = [1], strides = [1]} : vector<16xi32> to vector<1xi32>
        %squeeze3A = vector.extract %slice3A[0] : i32 from vector<1xi32>
        %mul3A_581 = arith.constant 2048 : i32
        %mul3A_582 = arith.muli %squeeze3A, %mul3A_581 : i32
        %dma_wait3A_583 = tpu.memref_slice %arg2[%mul3A_578, %mul3A_582] : memref<64x1000000xf32, #tpu.memory_space<hbm>> -> memref<2x2048xf32, #tpu.memory_space<hbm>>
        %dma_wait3A_584 = tpu.memref_slice %arg2[%mul3A_578, %mul3A_582] : memref<64x1000000xf32, #tpu.memory_space<hbm>> -> memref<2x2048xf32, #tpu.memory_space<hbm>>
        tpu.wait_dma2 semaphore(%arg24 : memref<!tpu.dma_semaphore, #tpu.memory_space<semaphore_mem>>) src(%dma_wait3A_584 : memref<2x2048xf32, #tpu.memory_space<hbm>>) dst(%arg9 : memref<2x2048xf32, #tpu.memory_space<vmem>>)
        %broadcast_in_dim3A_585 = vector.broadcast %add3A_564 : i32 to vector<16xi32>
        %gather3A_586 = tpu.vector_load_idx %arg15[%broadcast_in_dim3A_585] : memref<512xi32, #tpu.memory_space<vmem>>[vector<16xi32>], vector<16xi32>,
        %slice3A_587 = vector.extract_strided_slice %gather3A_586 {offsets = [0], sizes = [1], strides = [1]} : vector<16xi32> to vector<1xi32>
        %squeeze3A_588 = vector.extract %slice3A_587[0] : i32 from vector<1xi32>
        %scan3A_589 = arith.constant 0 : i32
        %scan3A_590 = arith.constant 0 : i32
        %scan3A_591 = arith.constant 128 : i32
        %scan3A_592 = arith.addi %scan3A_590, %scan3A_591 : i32
        %scan3A_593 = arith.constant 1 : i32
        %scan3A_594 = scf.for %scan3A_602 = %scan3A_590 to %scan3A_592 step %scan3A_593 iter_args(%scan3A_603 = %scan3A_589) -> (i32)  : i32 {
          %mul3A_604 = arith.constant 16 : i32
          %mul3A_605 = arith.muli %scan3A_602, %mul3A_604 : i32
          %get3A_606 = arith.constant 0 : i32
          %get3A_607 = arith.index_cast %get3A_606 : i32 to index
          %get3A_608 = arith.index_cast %mul3A_605 : i32 to index
          %get3A_609 = tpu.vector_load %arg9[%get3A_607, %get3A_608] {strides = array<i32>} : memref<2x2048xf32, #tpu.memory_space<vmem>>, vector<16xf32>,
          %mul3A_610 = arith.constant 2048 : i32
          %mul3A_611 = arith.muli %squeeze3A_588, %mul3A_610 : i32
          %mul3A_612 = arith.constant 16 : i32
          %mul3A_613 = arith.muli %scan3A_602, %mul3A_612 : i32
          %add3A_614 = arith.addi %mul3A_611, %mul3A_613 : i32
          %ge3A_615 = vector.broadcast %bitcast_convert_type3A : f32 to vector<16xf32>
          %ge3A_616 = arith.cmpf oge, %get3A_609, %ge3A_615 : vector<16xf32>
          %reduce_or3A_617 = arith.constant 1.000000e+00 : f32
          %reduce_or3A_618 = arith.constant 0.000000e+00 : f32
          %reduce_or3A_619 = vector.broadcast %reduce_or3A_617 : f32 to vector<16xf32>
          %reduce_or3A_620 = vector.broadcast %reduce_or3A_618 : f32 to vector<16xf32>
          %reduce_or3A_621 = arith.select %ge3A_616, %reduce_or3A_619, %reduce_or3A_620 : vector<16xi1>, vector<16xf32>
          %reduce_or3A_622 = arith.constant true
          %reduce_or3A_623 = vector.broadcast %reduce_or3A_622 : i1 to vector<16xi1>
          %reduce_or3A_624 = tpu.scan <max>, %reduce_or3A_621 masked %reduce_or3A_623 : vector<16xf32>, vector<16xi1> -> vector<16xf32>
          %reduce_or3A_625 = vector.extract %reduce_or3A_624[15] : f32 from vector<16xf32>
          %reduce_or3A_626 = arith.constant 0.000000e+00 : f32
          %reduce_or3A_627 = arith.cmpf ogt, %reduce_or3A_625, %reduce_or3A_626 : f32
          %convert_element_type3A_628 = arith.extui %reduce_or3A_627 : i1 to i32
          %cond3A_629 = arith.constant 0 : i32
          %cond3A_630 = arith.cmpi ne, %convert_element_type3A_628, %cond3A_629 : i32
          scf.if %cond3A_630 {
            %jit3A_632 = arith.constant 1 : i32
            %jit3A_633 = arith.constant 0 : i32
            %broadcast_in_dim3A_634 = vector.broadcast %jit3A_632 : i32 to vector<16xi32>
            %broadcast_in_dim3A_635 = vector.broadcast %jit3A_633 : i32 to vector<16xi32>
            %select_n3A_636 = arith.select %ge3A_616, %broadcast_in_dim3A_634, %broadcast_in_dim3A_635 : vector<16xi1>, vector<16xi32>
            %get3A_637 = arith.constant 0 : i32
            %get3A_638 = arith.index_cast %get3A_637 : i32 to index
            %get3A_639 = memref.load %arg23[%get3A_638] : memref<2xi32, #tpu.memory_space<smem>>
            %lt3A_640 = arith.constant 2032 : i32
            %lt3A_641 = arith.cmpi slt, %get3A_639, %lt3A_640 : i32
            %convert_element_type3A_642 = arith.extui %lt3A_641 : i1 to i32
            %cond3A_643 = arith.constant 0 : i32
            %cond3A_644 = arith.cmpi ne, %convert_element_type3A_642, %cond3A_643 : i32
            scf.if %cond3A_644 {
              %broadcast_in_dim3A_652 = arith.constant true
              %broadcast_in_dim3A_653 = vector.broadcast %broadcast_in_dim3A_652 : i1 to vector<16xi1>
              %masked_cumsum3A = tpu.scan <sum>, %select_n3A_636 masked %broadcast_in_dim3A_653 : vector<16xi32>, vector<16xi1> -> vector<16xi32>
              %sub3A_654 = arith.constant 1 : i32
              %sub3A_655 = arith.subi %get3A_639, %sub3A_654 : i32
              %add3A_656 = vector.broadcast %sub3A_655 : i32 to vector<16xi32>
              %add3A_657 = arith.addi %masked_cumsum3A, %add3A_656 : vector<16xi32>
              tpu.vector_store_idx %arg16[%add3A_657], %get3A_609 masked %ge3A_616 : memref<2048xf32, #tpu.memory_space<vmem>>[vector<16xi32>], vector<16xf32>, vector<16xi1>
              %add3A_658 = vector.broadcast %add3A_614 : i32 to vector<16xi32>
              %add3A_659 = arith.addi %add3A_658, %iota3A : vector<16xi32>
              tpu.vector_store_idx %arg17[%add3A_657], %add3A_659 masked %ge3A_616 : memref<2048xi32, #tpu.memory_space<vmem>>[vector<16xi32>], vector<16xi32>, vector<16xi1>
            } else {
            }
            %reduce_sum3A = arith.constant true
            %reduce_sum3A_645 = vector.broadcast %reduce_sum3A : i1 to vector<16xi1>
            %reduce_sum3A_646 = tpu.scan <sum>, %select_n3A_636 masked %reduce_sum3A_645 : vector<16xi32>, vector<16xi1> -> vector<16xi32>
            %reduce_sum3A_647 = vector.extract %reduce_sum3A_646[15] : i32 from vector<16xi32>
            %add3A_648 = arith.addi %get3A_639, %reduce_sum3A_647 : i32
            %swap3A_649 = arith.constant 0 : i32
            %swap3A_650 = arith.index_cast %swap3A_649 : i32 to index
            %swap3A_651 = memref.load %arg23[%swap3A_650] : memref<2xi32, #tpu.memory_space<smem>>
            memref.store %add3A_648, %arg23[%swap3A_650] : memref<2xi32, #tpu.memory_space<smem>>
          } else {
          }
          %scan3A_631 = arith.constant 0 : i32
          scf.yield %scan3A_631 : i32
        }
        %scan3A_595 = arith.constant 128 : i32
        %add3A_596 = arith.constant 2 : i32
        %add3A_597 = arith.addi %add3A_564, %add3A_596 : i32
        %lt3A_598 = arith.cmpi slt, %add3A_597, %get3A_244 : i32
        %convert_element_type3A_599 = arith.extui %lt3A_598 : i1 to i32
        %cond3A_600 = arith.constant 0 : i32
        %cond3A_601 = arith.cmpi ne, %convert_element_type3A_599, %cond3A_600 : i32
        scf.if %cond3A_601 {
          %add3A_602 = arith.constant 2 : i32
          %add3A_603 = arith.addi %add3A_564, %add3A_602 : i32
          %mul3A_604 = arith.constant 2 : i32
          %mul3A_605 = arith.muli %mul3A_604, %add3A : i32
          %broadcast_in_dim3A_606 = vector.broadcast %add3A_603 : i32 to vector<16xi32>
          %gather3A_607 = tpu.vector_load_idx %arg15[%broadcast_in_dim3A_606] : memref<512xi32, #tpu.memory_space<vmem>>[vector<16xi32>], vector<16xi32>,
          %slice3A_608 = vector.extract_strided_slice %gather3A_607 {offsets = [0], sizes = [1], strides = [1]} : vector<16xi32> to vector<1xi32>
          %squeeze3A_609 = vector.extract %slice3A_608[0] : i32 from vector<1xi32>
          %mul3A_610 = arith.constant 2048 : i32
          %mul3A_611 = arith.muli %squeeze3A_609, %mul3A_610 : i32
          %dma_start3A_612 = tpu.memref_slice %arg2[%mul3A_605, %mul3A_611] : memref<64x1000000xf32, #tpu.memory_space<hbm>> -> memref<2x2048xf32, #tpu.memory_space<hbm>>
          %dma_start3A_613 = tpu.memref_slice %arg2[%mul3A_605, %mul3A_611] : memref<64x1000000xf32, #tpu.memory_space<hbm>> -> memref<2x2048xf32, #tpu.memory_space<hbm>>
          tpu.enqueue_dma source(%dma_start3A_613 : memref<2x2048xf32, #tpu.memory_space<hbm>>) target(%arg9 : memref<2x2048xf32, #tpu.memory_space<vmem>>) target_semaphore(%arg24 : memref<!tpu.dma_semaphore, #tpu.memory_space<semaphore_mem>>)
        } else {
        }
      } else {
      }
      %mul3A_568 = arith.constant 2 : i32
      %mul3A_569 = arith.muli %mul3A_568, %while3A_559 : i32
      %add3A_570 = arith.constant 1 : i32
      %add3A_571 = arith.addi %mul3A_569, %add3A_570 : i32
      %lt3A_572 = arith.cmpi slt, %add3A_571, %get3A_244 : i32
      %convert_element_type3A_573 = arith.extui %lt3A_572 : i1 to i32
      %cond3A_574 = arith.constant 0 : i32
      %cond3A_575 = arith.cmpi ne, %convert_element_type3A_573, %cond3A_574 : i32
      scf.if %cond3A_575 {
        %mul3A_577 = arith.constant 2 : i32
        %mul3A_578 = arith.muli %mul3A_577, %add3A : i32
        %broadcast_in_dim3A_579 = vector.broadcast %add3A_571 : i32 to vector<16xi32>
        %gather3A_580 = tpu.vector_load_idx %arg15[%broadcast_in_dim3A_579] : memref<512xi32, #tpu.memory_space<vmem>>[vector<16xi32>], vector<16xi32>,
        %slice3A = vector.extract_strided_slice %gather3A_580 {offsets = [0], sizes = [1], strides = [1]} : vector<16xi32> to vector<1xi32>
        %squeeze3A = vector.extract %slice3A[0] : i32 from vector<1xi32>
        %mul3A_581 = arith.constant 2048 : i32
        %mul3A_582 = arith.muli %squeeze3A, %mul3A_581 : i32
        %dma_wait3A_583 = tpu.memref_slice %arg2[%mul3A_578, %mul3A_582] : memref<64x1000000xf32, #tpu.memory_space<hbm>> -> memref<2x2048xf32, #tpu.memory_space<hbm>>
        %dma_wait3A_584 = tpu.memref_slice %arg2[%mul3A_578, %mul3A_582] : memref<64x1000000xf32, #tpu.memory_space<hbm>> -> memref<2x2048xf32, #tpu.memory_space<hbm>>
        tpu.wait_dma2 semaphore(%arg25 : memref<!tpu.dma_semaphore, #tpu.memory_space<semaphore_mem>>) src(%dma_wait3A_584 : memref<2x2048xf32, #tpu.memory_space<hbm>>) dst(%arg10 : memref<2x2048xf32, #tpu.memory_space<vmem>>)
        %broadcast_in_dim3A_585 = vector.broadcast %add3A_571 : i32 to vector<16xi32>
        %gather3A_586 = tpu.vector_load_idx %arg15[%broadcast_in_dim3A_585] : memref<512xi32, #tpu.memory_space<vmem>>[vector<16xi32>], vector<16xi32>,
        %slice3A_587 = vector.extract_strided_slice %gather3A_586 {offsets = [0], sizes = [1], strides = [1]} : vector<16xi32> to vector<1xi32>
        %squeeze3A_588 = vector.extract %slice3A_587[0] : i32 from vector<1xi32>
        %scan3A_589 = arith.constant 0 : i32
        %scan3A_590 = arith.constant 0 : i32
        %scan3A_591 = arith.constant 128 : i32
        %scan3A_592 = arith.addi %scan3A_590, %scan3A_591 : i32
        %scan3A_593 = arith.constant 1 : i32
        %scan3A_594 = scf.for %scan3A_602 = %scan3A_590 to %scan3A_592 step %scan3A_593 iter_args(%scan3A_603 = %scan3A_589) -> (i32)  : i32 {
          %mul3A_604 = arith.constant 16 : i32
          %mul3A_605 = arith.muli %scan3A_602, %mul3A_604 : i32
          %get3A_606 = arith.constant 0 : i32
          %get3A_607 = arith.index_cast %get3A_606 : i32 to index
          %get3A_608 = arith.index_cast %mul3A_605 : i32 to index
          %get3A_609 = tpu.vector_load %arg10[%get3A_607, %get3A_608] {strides = array<i32>} : memref<2x2048xf32, #tpu.memory_space<vmem>>, vector<16xf32>,
          %mul3A_610 = arith.constant 2048 : i32
          %mul3A_611 = arith.muli %squeeze3A_588, %mul3A_610 : i32
          %mul3A_612 = arith.constant 16 : i32
          %mul3A_613 = arith.muli %scan3A_602, %mul3A_612 : i32
          %add3A_614 = arith.addi %mul3A_611, %mul3A_613 : i32
          %ge3A_615 = vector.broadcast %bitcast_convert_type3A : f32 to vector<16xf32>
          %ge3A_616 = arith.cmpf oge, %get3A_609, %ge3A_615 : vector<16xf32>
          %reduce_or3A_617 = arith.constant 1.000000e+00 : f32
          %reduce_or3A_618 = arith.constant 0.000000e+00 : f32
          %reduce_or3A_619 = vector.broadcast %reduce_or3A_617 : f32 to vector<16xf32>
          %reduce_or3A_620 = vector.broadcast %reduce_or3A_618 : f32 to vector<16xf32>
          %reduce_or3A_621 = arith.select %ge3A_616, %reduce_or3A_619, %reduce_or3A_620 : vector<16xi1>, vector<16xf32>
          %reduce_or3A_622 = arith.constant true
          %reduce_or3A_623 = vector.broadcast %reduce_or3A_622 : i1 to vector<16xi1>
          %reduce_or3A_624 = tpu.scan <max>, %reduce_or3A_621 masked %reduce_or3A_623 : vector<16xf32>, vector<16xi1> -> vector<16xf32>
          %reduce_or3A_625 = vector.extract %reduce_or3A_624[15] : f32 from vector<16xf32>
          %reduce_or3A_626 = arith.constant 0.000000e+00 : f32
          %reduce_or3A_627 = arith.cmpf ogt, %reduce_or3A_625, %reduce_or3A_626 : f32
          %convert_element_type3A_628 = arith.extui %reduce_or3A_627 : i1 to i32
          %cond3A_629 = arith.constant 0 : i32
          %cond3A_630 = arith.cmpi ne, %convert_element_type3A_628, %cond3A_629 : i32
          scf.if %cond3A_630 {
            %jit3A_632 = arith.constant 1 : i32
            %jit3A_633 = arith.constant 0 : i32
            %broadcast_in_dim3A_634 = vector.broadcast %jit3A_632 : i32 to vector<16xi32>
            %broadcast_in_dim3A_635 = vector.broadcast %jit3A_633 : i32 to vector<16xi32>
            %select_n3A_636 = arith.select %ge3A_616, %broadcast_in_dim3A_634, %broadcast_in_dim3A_635 : vector<16xi1>, vector<16xi32>
            %get3A_637 = arith.constant 0 : i32
            %get3A_638 = arith.index_cast %get3A_637 : i32 to index
            %get3A_639 = memref.load %arg23[%get3A_638] : memref<2xi32, #tpu.memory_space<smem>>
            %lt3A_640 = arith.constant 2032 : i32
            %lt3A_641 = arith.cmpi slt, %get3A_639, %lt3A_640 : i32
            %convert_element_type3A_642 = arith.extui %lt3A_641 : i1 to i32
            %cond3A_643 = arith.constant 0 : i32
            %cond3A_644 = arith.cmpi ne, %convert_element_type3A_642, %cond3A_643 : i32
            scf.if %cond3A_644 {
              %broadcast_in_dim3A_652 = arith.constant true
              %broadcast_in_dim3A_653 = vector.broadcast %broadcast_in_dim3A_652 : i1 to vector<16xi1>
              %masked_cumsum3A = tpu.scan <sum>, %select_n3A_636 masked %broadcast_in_dim3A_653 : vector<16xi32>, vector<16xi1> -> vector<16xi32>
              %sub3A_654 = arith.constant 1 : i32
              %sub3A_655 = arith.subi %get3A_639, %sub3A_654 : i32
              %add3A_656 = vector.broadcast %sub3A_655 : i32 to vector<16xi32>
              %add3A_657 = arith.addi %masked_cumsum3A, %add3A_656 : vector<16xi32>
              tpu.vector_store_idx %arg16[%add3A_657], %get3A_609 masked %ge3A_616 : memref<2048xf32, #tpu.memory_space<vmem>>[vector<16xi32>], vector<16xf32>, vector<16xi1>
              %add3A_658 = vector.broadcast %add3A_614 : i32 to vector<16xi32>
              %add3A_659 = arith.addi %add3A_658, %iota3A : vector<16xi32>
              tpu.vector_store_idx %arg17[%add3A_657], %add3A_659 masked %ge3A_616 : memref<2048xi32, #tpu.memory_space<vmem>>[vector<16xi32>], vector<16xi32>, vector<16xi1>
            } else {
            }
            %reduce_sum3A = arith.constant true
            %reduce_sum3A_645 = vector.broadcast %reduce_sum3A : i1 to vector<16xi1>
            %reduce_sum3A_646 = tpu.scan <sum>, %select_n3A_636 masked %reduce_sum3A_645 : vector<16xi32>, vector<16xi1> -> vector<16xi32>
            %reduce_sum3A_647 = vector.extract %reduce_sum3A_646[15] : i32 from vector<16xi32>
            %add3A_648 = arith.addi %get3A_639, %reduce_sum3A_647 : i32
            %swap3A_649 = arith.constant 0 : i32
            %swap3A_650 = arith.index_cast %swap3A_649 : i32 to index
            %swap3A_651 = memref.load %arg23[%swap3A_650] : memref<2xi32, #tpu.memory_space<smem>>
            memref.store %add3A_648, %arg23[%swap3A_650] : memref<2xi32, #tpu.memory_space<smem>>
          } else {
          }
          %scan3A_631 = arith.constant 0 : i32
          scf.yield %scan3A_631 : i32
        }
        %scan3A_595 = arith.constant 128 : i32
        %add3A_596 = arith.constant 2 : i32
        %add3A_597 = arith.addi %add3A_571, %add3A_596 : i32
        %lt3A_598 = arith.cmpi slt, %add3A_597, %get3A_244 : i32
        %convert_element_type3A_599 = arith.extui %lt3A_598 : i1 to i32
        %cond3A_600 = arith.constant 0 : i32
        %cond3A_601 = arith.cmpi ne, %convert_element_type3A_599, %cond3A_600 : i32
        scf.if %cond3A_601 {
          %add3A_602 = arith.constant 2 : i32
          %add3A_603 = arith.addi %add3A_571, %add3A_602 : i32
          %mul3A_604 = arith.constant 2 : i32
          %mul3A_605 = arith.muli %mul3A_604, %add3A : i32
          %broadcast_in_dim3A_606 = vector.broadcast %add3A_603 : i32 to vector<16xi32>
          %gather3A_607 = tpu.vector_load_idx %arg15[%broadcast_in_dim3A_606] : memref<512xi32, #tpu.memory_space<vmem>>[vector<16xi32>], vector<16xi32>,
          %slice3A_608 = vector.extract_strided_slice %gather3A_607 {offsets = [0], sizes = [1], strides = [1]} : vector<16xi32> to vector<1xi32>
          %squeeze3A_609 = vector.extract %slice3A_608[0] : i32 from vector<1xi32>
          %mul3A_610 = arith.constant 2048 : i32
          %mul3A_611 = arith.muli %squeeze3A_609, %mul3A_610 : i32
          %dma_start3A_612 = tpu.memref_slice %arg2[%mul3A_605, %mul3A_611] : memref<64x1000000xf32, #tpu.memory_space<hbm>> -> memref<2x2048xf32, #tpu.memory_space<hbm>>
          %dma_start3A_613 = tpu.memref_slice %arg2[%mul3A_605, %mul3A_611] : memref<64x1000000xf32, #tpu.memory_space<hbm>> -> memref<2x2048xf32, #tpu.memory_space<hbm>>
          tpu.enqueue_dma source(%dma_start3A_613 : memref<2x2048xf32, #tpu.memory_space<hbm>>) target(%arg10 : memref<2x2048xf32, #tpu.memory_space<vmem>>) target_semaphore(%arg25 : memref<!tpu.dma_semaphore, #tpu.memory_space<semaphore_mem>>)
        } else {
        }
      } else {
      }
      %while3A_576 = arith.constant 0 : i32
      scf.yield %while3A_576 : i32
    }
    %while3A_280 = arith.constant 1 : i32
    %while3A_281 = scf.for %while3A_559 = %while3A_277 to %while3A_273 step %while3A_280 iter_args(%while3A_560 = %while3A_279) -> (i32)  : i32 {
      %mul3A_561 = arith.constant 2 : i32
      %mul3A_562 = arith.muli %mul3A_561, %while3A_559 : i32
      %add3A_563 = arith.constant 0 : i32
      %add3A_564 = arith.addi %mul3A_562, %add3A_563 : i32
      %lt3A = arith.cmpi slt, %add3A_564, %get3A_244 : i32
      %convert_element_type3A_565 = arith.extui %lt3A : i1 to i32
      %cond3A_566 = arith.constant 0 : i32
      %cond3A_567 = arith.cmpi ne, %convert_element_type3A_565, %cond3A_566 : i32
      scf.if %cond3A_567 {
        %mul3A_577 = arith.constant 2 : i32
        %mul3A_578 = arith.muli %mul3A_577, %add3A : i32
        %broadcast_in_dim3A_579 = vector.broadcast %add3A_564 : i32 to vector<16xi32>
        %gather3A_580 = tpu.vector_load_idx %arg15[%broadcast_in_dim3A_579] : memref<512xi32, #tpu.memory_space<vmem>>[vector<16xi32>], vector<16xi32>,
        %slice3A = vector.extract_strided_slice %gather3A_580 {offsets = [0], sizes = [1], strides = [1]} : vector<16xi32> to vector<1xi32>
        %squeeze3A = vector.extract %slice3A[0] : i32 from vector<1xi32>
        %mul3A_581 = arith.constant 2048 : i32
        %mul3A_582 = arith.muli %squeeze3A, %mul3A_581 : i32
        %dma_wait3A_583 = tpu.memref_slice %arg2[%mul3A_578, %mul3A_582] : memref<64x1000000xf32, #tpu.memory_space<hbm>> -> memref<2x2048xf32, #tpu.memory_space<hbm>>
        %dma_wait3A_584 = tpu.memref_slice %arg2[%mul3A_578, %mul3A_582] : memref<64x1000000xf32, #tpu.memory_space<hbm>> -> memref<2x2048xf32, #tpu.memory_space<hbm>>
        tpu.wait_dma2 semaphore(%arg24 : memref<!tpu.dma_semaphore, #tpu.memory_space<semaphore_mem>>) src(%dma_wait3A_584 : memref<2x2048xf32, #tpu.memory_space<hbm>>) dst(%arg9 : memref<2x2048xf32, #tpu.memory_space<vmem>>)
        %broadcast_in_dim3A_585 = vector.broadcast %add3A_564 : i32 to vector<16xi32>
        %gather3A_586 = tpu.vector_load_idx %arg15[%broadcast_in_dim3A_585] : memref<512xi32, #tpu.memory_space<vmem>>[vector<16xi32>], vector<16xi32>,
        %slice3A_587 = vector.extract_strided_slice %gather3A_586 {offsets = [0], sizes = [1], strides = [1]} : vector<16xi32> to vector<1xi32>
        %squeeze3A_588 = vector.extract %slice3A_587[0] : i32 from vector<1xi32>
        %scan3A_589 = arith.constant 0 : i32
        %scan3A_590 = arith.constant 0 : i32
        %scan3A_591 = arith.constant 128 : i32
        %scan3A_592 = arith.addi %scan3A_590, %scan3A_591 : i32
        %scan3A_593 = arith.constant 1 : i32
        %scan3A_594 = scf.for %scan3A_602 = %scan3A_590 to %scan3A_592 step %scan3A_593 iter_args(%scan3A_603 = %scan3A_589) -> (i32)  : i32 {
          %mul3A_604 = arith.constant 16 : i32
          %mul3A_605 = arith.muli %scan3A_602, %mul3A_604 : i32
          %get3A_606 = arith.constant 0 : i32
          %get3A_607 = arith.index_cast %get3A_606 : i32 to index
          %get3A_608 = arith.index_cast %mul3A_605 : i32 to index
          %get3A_609 = tpu.vector_load %arg9[%get3A_607, %get3A_608] {strides = array<i32>} : memref<2x2048xf32, #tpu.memory_space<vmem>>, vector<16xf32>,
          %mul3A_610 = arith.constant 2048 : i32
          %mul3A_611 = arith.muli %squeeze3A_588, %mul3A_610 : i32
          %mul3A_612 = arith.constant 16 : i32
          %mul3A_613 = arith.muli %scan3A_602, %mul3A_612 : i32
          %add3A_614 = arith.addi %mul3A_611, %mul3A_613 : i32
          %ge3A_615 = vector.broadcast %bitcast_convert_type3A : f32 to vector<16xf32>
          %ge3A_616 = arith.cmpf oge, %get3A_609, %ge3A_615 : vector<16xf32>
          %reduce_or3A_617 = arith.constant 1.000000e+00 : f32
          %reduce_or3A_618 = arith.constant 0.000000e+00 : f32
          %reduce_or3A_619 = vector.broadcast %reduce_or3A_617 : f32 to vector<16xf32>
          %reduce_or3A_620 = vector.broadcast %reduce_or3A_618 : f32 to vector<16xf32>
          %reduce_or3A_621 = arith.select %ge3A_616, %reduce_or3A_619, %reduce_or3A_620 : vector<16xi1>, vector<16xf32>
          %reduce_or3A_622 = arith.constant true
          %reduce_or3A_623 = vector.broadcast %reduce_or3A_622 : i1 to vector<16xi1>
          %reduce_or3A_624 = tpu.scan <max>, %reduce_or3A_621 masked %reduce_or3A_623 : vector<16xf32>, vector<16xi1> -> vector<16xf32>
          %reduce_or3A_625 = vector.extract %reduce_or3A_624[15] : f32 from vector<16xf32>
          %reduce_or3A_626 = arith.constant 0.000000e+00 : f32
          %reduce_or3A_627 = arith.cmpf ogt, %reduce_or3A_625, %reduce_or3A_626 : f32
          %convert_element_type3A_628 = arith.extui %reduce_or3A_627 : i1 to i32
          %cond3A_629 = arith.constant 0 : i32
          %cond3A_630 = arith.cmpi ne, %convert_element_type3A_628, %cond3A_629 : i32
          scf.if %cond3A_630 {
            %jit3A_632 = arith.constant 1 : i32
            %jit3A_633 = arith.constant 0 : i32
            %broadcast_in_dim3A_634 = vector.broadcast %jit3A_632 : i32 to vector<16xi32>
            %broadcast_in_dim3A_635 = vector.broadcast %jit3A_633 : i32 to vector<16xi32>
            %select_n3A_636 = arith.select %ge3A_616, %broadcast_in_dim3A_634, %broadcast_in_dim3A_635 : vector<16xi1>, vector<16xi32>
            %get3A_637 = arith.constant 0 : i32
            %get3A_638 = arith.index_cast %get3A_637 : i32 to index
            %get3A_639 = memref.load %arg23[%get3A_638] : memref<2xi32, #tpu.memory_space<smem>>
            %lt3A_640 = arith.constant 2032 : i32
            %lt3A_641 = arith.cmpi slt, %get3A_639, %lt3A_640 : i32
            %convert_element_type3A_642 = arith.extui %lt3A_641 : i1 to i32
            %cond3A_643 = arith.constant 0 : i32
            %cond3A_644 = arith.cmpi ne, %convert_element_type3A_642, %cond3A_643 : i32
            scf.if %cond3A_644 {
              %broadcast_in_dim3A_652 = arith.constant true
              %broadcast_in_dim3A_653 = vector.broadcast %broadcast_in_dim3A_652 : i1 to vector<16xi1>
              %masked_cumsum3A = tpu.scan <sum>, %select_n3A_636 masked %broadcast_in_dim3A_653 : vector<16xi32>, vector<16xi1> -> vector<16xi32>
              %sub3A_654 = arith.constant 1 : i32
              %sub3A_655 = arith.subi %get3A_639, %sub3A_654 : i32
              %add3A_656 = vector.broadcast %sub3A_655 : i32 to vector<16xi32>
              %add3A_657 = arith.addi %masked_cumsum3A, %add3A_656 : vector<16xi32>
              tpu.vector_store_idx %arg16[%add3A_657], %get3A_609 masked %ge3A_616 : memref<2048xf32, #tpu.memory_space<vmem>>[vector<16xi32>], vector<16xf32>, vector<16xi1>
              %add3A_658 = vector.broadcast %add3A_614 : i32 to vector<16xi32>
              %add3A_659 = arith.addi %add3A_658, %iota3A : vector<16xi32>
              tpu.vector_store_idx %arg17[%add3A_657], %add3A_659 masked %ge3A_616 : memref<2048xi32, #tpu.memory_space<vmem>>[vector<16xi32>], vector<16xi32>, vector<16xi1>
            } else {
            }
            %reduce_sum3A = arith.constant true
            %reduce_sum3A_645 = vector.broadcast %reduce_sum3A : i1 to vector<16xi1>
            %reduce_sum3A_646 = tpu.scan <sum>, %select_n3A_636 masked %reduce_sum3A_645 : vector<16xi32>, vector<16xi1> -> vector<16xi32>
            %reduce_sum3A_647 = vector.extract %reduce_sum3A_646[15] : i32 from vector<16xi32>
            %add3A_648 = arith.addi %get3A_639, %reduce_sum3A_647 : i32
            %swap3A_649 = arith.constant 0 : i32
            %swap3A_650 = arith.index_cast %swap3A_649 : i32 to index
            %swap3A_651 = memref.load %arg23[%swap3A_650] : memref<2xi32, #tpu.memory_space<smem>>
            memref.store %add3A_648, %arg23[%swap3A_650] : memref<2xi32, #tpu.memory_space<smem>>
          } else {
          }
          %scan3A_631 = arith.constant 0 : i32
          scf.yield %scan3A_631 : i32
        }
        %scan3A_595 = arith.constant 128 : i32
        %add3A_596 = arith.constant 2 : i32
        %add3A_597 = arith.addi %add3A_564, %add3A_596 : i32
        %lt3A_598 = arith.cmpi slt, %add3A_597, %get3A_244 : i32
        %convert_element_type3A_599 = arith.extui %lt3A_598 : i1 to i32
        %cond3A_600 = arith.constant 0 : i32
        %cond3A_601 = arith.cmpi ne, %convert_element_type3A_599, %cond3A_600 : i32
        scf.if %cond3A_601 {
          %add3A_602 = arith.constant 2 : i32
          %add3A_603 = arith.addi %add3A_564, %add3A_602 : i32
          %mul3A_604 = arith.constant 2 : i32
          %mul3A_605 = arith.muli %mul3A_604, %add3A : i32
          %broadcast_in_dim3A_606 = vector.broadcast %add3A_603 : i32 to vector<16xi32>
          %gather3A_607 = tpu.vector_load_idx %arg15[%broadcast_in_dim3A_606] : memref<512xi32, #tpu.memory_space<vmem>>[vector<16xi32>], vector<16xi32>,
          %slice3A_608 = vector.extract_strided_slice %gather3A_607 {offsets = [0], sizes = [1], strides = [1]} : vector<16xi32> to vector<1xi32>
          %squeeze3A_609 = vector.extract %slice3A_608[0] : i32 from vector<1xi32>
          %mul3A_610 = arith.constant 2048 : i32
          %mul3A_611 = arith.muli %squeeze3A_609, %mul3A_610 : i32
          %dma_start3A_612 = tpu.memref_slice %arg2[%mul3A_605, %mul3A_611] : memref<64x1000000xf32, #tpu.memory_space<hbm>> -> memref<2x2048xf32, #tpu.memory_space<hbm>>
          %dma_start3A_613 = tpu.memref_slice %arg2[%mul3A_605, %mul3A_611] : memref<64x1000000xf32, #tpu.memory_space<hbm>> -> memref<2x2048xf32, #tpu.memory_space<hbm>>
          tpu.enqueue_dma source(%dma_start3A_613 : memref<2x2048xf32, #tpu.memory_space<hbm>>) target(%arg9 : memref<2x2048xf32, #tpu.memory_space<vmem>>) target_semaphore(%arg24 : memref<!tpu.dma_semaphore, #tpu.memory_space<semaphore_mem>>)
        } else {
        }
      } else {
      }
      %mul3A_568 = arith.constant 2 : i32
      %mul3A_569 = arith.muli %mul3A_568, %while3A_559 : i32
      %add3A_570 = arith.constant 1 : i32
      %add3A_571 = arith.addi %mul3A_569, %add3A_570 : i32
      %lt3A_572 = arith.cmpi slt, %add3A_571, %get3A_244 : i32
      %convert_element_type3A_573 = arith.extui %lt3A_572 : i1 to i32
      %cond3A_574 = arith.constant 0 : i32
      %cond3A_575 = arith.cmpi ne, %convert_element_type3A_573, %cond3A_574 : i32
      scf.if %cond3A_575 {
        %mul3A_577 = arith.constant 2 : i32
        %mul3A_578 = arith.muli %mul3A_577, %add3A : i32
        %broadcast_in_dim3A_579 = vector.broadcast %add3A_571 : i32 to vector<16xi32>
        %gather3A_580 = tpu.vector_load_idx %arg15[%broadcast_in_dim3A_579] : memref<512xi32, #tpu.memory_space<vmem>>[vector<16xi32>], vector<16xi32>,
        %slice3A = vector.extract_strided_slice %gather3A_580 {offsets = [0], sizes = [1], strides = [1]} : vector<16xi32> to vector<1xi32>
        %squeeze3A = vector.extract %slice3A[0] : i32 from vector<1xi32>
        %mul3A_581 = arith.constant 2048 : i32
        %mul3A_582 = arith.muli %squeeze3A, %mul3A_581 : i32
        %dma_wait3A_583 = tpu.memref_slice %arg2[%mul3A_578, %mul3A_582] : memref<64x1000000xf32, #tpu.memory_space<hbm>> -> memref<2x2048xf32, #tpu.memory_space<hbm>>
        %dma_wait3A_584 = tpu.memref_slice %arg2[%mul3A_578, %mul3A_582] : memref<64x1000000xf32, #tpu.memory_space<hbm>> -> memref<2x2048xf32, #tpu.memory_space<hbm>>
        tpu.wait_dma2 semaphore(%arg25 : memref<!tpu.dma_semaphore, #tpu.memory_space<semaphore_mem>>) src(%dma_wait3A_584 : memref<2x2048xf32, #tpu.memory_space<hbm>>) dst(%arg10 : memref<2x2048xf32, #tpu.memory_space<vmem>>)
        %broadcast_in_dim3A_585 = vector.broadcast %add3A_571 : i32 to vector<16xi32>
        %gather3A_586 = tpu.vector_load_idx %arg15[%broadcast_in_dim3A_585] : memref<512xi32, #tpu.memory_space<vmem>>[vector<16xi32>], vector<16xi32>,
        %slice3A_587 = vector.extract_strided_slice %gather3A_586 {offsets = [0], sizes = [1], strides = [1]} : vector<16xi32> to vector<1xi32>
        %squeeze3A_588 = vector.extract %slice3A_587[0] : i32 from vector<1xi32>
        %scan3A_589 = arith.constant 0 : i32
        %scan3A_590 = arith.constant 0 : i32
        %scan3A_591 = arith.constant 128 : i32
        %scan3A_592 = arith.addi %scan3A_590, %scan3A_591 : i32
        %scan3A_593 = arith.constant 1 : i32
        %scan3A_594 = scf.for %scan3A_602 = %scan3A_590 to %scan3A_592 step %scan3A_593 iter_args(%scan3A_603 = %scan3A_589) -> (i32)  : i32 {
          %mul3A_604 = arith.constant 16 : i32
          %mul3A_605 = arith.muli %scan3A_602, %mul3A_604 : i32
          %get3A_606 = arith.constant 0 : i32
          %get3A_607 = arith.index_cast %get3A_606 : i32 to index
          %get3A_608 = arith.index_cast %mul3A_605 : i32 to index
          %get3A_609 = tpu.vector_load %arg10[%get3A_607, %get3A_608] {strides = array<i32>} : memref<2x2048xf32, #tpu.memory_space<vmem>>, vector<16xf32>,
          %mul3A_610 = arith.constant 2048 : i32
          %mul3A_611 = arith.muli %squeeze3A_588, %mul3A_610 : i32
          %mul3A_612 = arith.constant 16 : i32
          %mul3A_613 = arith.muli %scan3A_602, %mul3A_612 : i32
          %add3A_614 = arith.addi %mul3A_611, %mul3A_613 : i32
          %ge3A_615 = vector.broadcast %bitcast_convert_type3A : f32 to vector<16xf32>
          %ge3A_616 = arith.cmpf oge, %get3A_609, %ge3A_615 : vector<16xf32>
          %reduce_or3A_617 = arith.constant 1.000000e+00 : f32
          %reduce_or3A_618 = arith.constant 0.000000e+00 : f32
          %reduce_or3A_619 = vector.broadcast %reduce_or3A_617 : f32 to vector<16xf32>
          %reduce_or3A_620 = vector.broadcast %reduce_or3A_618 : f32 to vector<16xf32>
          %reduce_or3A_621 = arith.select %ge3A_616, %reduce_or3A_619, %reduce_or3A_620 : vector<16xi1>, vector<16xf32>
          %reduce_or3A_622 = arith.constant true
          %reduce_or3A_623 = vector.broadcast %reduce_or3A_622 : i1 to vector<16xi1>
          %reduce_or3A_624 = tpu.scan <max>, %reduce_or3A_621 masked %reduce_or3A_623 : vector<16xf32>, vector<16xi1> -> vector<16xf32>
          %reduce_or3A_625 = vector.extract %reduce_or3A_624[15] : f32 from vector<16xf32>
          %reduce_or3A_626 = arith.constant 0.000000e+00 : f32
          %reduce_or3A_627 = arith.cmpf ogt, %reduce_or3A_625, %reduce_or3A_626 : f32
          %convert_element_type3A_628 = arith.extui %reduce_or3A_627 : i1 to i32
          %cond3A_629 = arith.constant 0 : i32
          %cond3A_630 = arith.cmpi ne, %convert_element_type3A_628, %cond3A_629 : i32
          scf.if %cond3A_630 {
            %jit3A_632 = arith.constant 1 : i32
            %jit3A_633 = arith.constant 0 : i32
            %broadcast_in_dim3A_634 = vector.broadcast %jit3A_632 : i32 to vector<16xi32>
            %broadcast_in_dim3A_635 = vector.broadcast %jit3A_633 : i32 to vector<16xi32>
            %select_n3A_636 = arith.select %ge3A_616, %broadcast_in_dim3A_634, %broadcast_in_dim3A_635 : vector<16xi1>, vector<16xi32>
            %get3A_637 = arith.constant 0 : i32
            %get3A_638 = arith.index_cast %get3A_637 : i32 to index
            %get3A_639 = memref.load %arg23[%get3A_638] : memref<2xi32, #tpu.memory_space<smem>>
            %lt3A_640 = arith.constant 2032 : i32
            %lt3A_641 = arith.cmpi slt, %get3A_639, %lt3A_640 : i32
            %convert_element_type3A_642 = arith.extui %lt3A_641 : i1 to i32
            %cond3A_643 = arith.constant 0 : i32
            %cond3A_644 = arith.cmpi ne, %convert_element_type3A_642, %cond3A_643 : i32
            scf.if %cond3A_644 {
              %broadcast_in_dim3A_652 = arith.constant true
              %broadcast_in_dim3A_653 = vector.broadcast %broadcast_in_dim3A_652 : i1 to vector<16xi1>
              %masked_cumsum3A = tpu.scan <sum>, %select_n3A_636 masked %broadcast_in_dim3A_653 : vector<16xi32>, vector<16xi1> -> vector<16xi32>
              %sub3A_654 = arith.constant 1 : i32
              %sub3A_655 = arith.subi %get3A_639, %sub3A_654 : i32
              %add3A_656 = vector.broadcast %sub3A_655 : i32 to vector<16xi32>
              %add3A_657 = arith.addi %masked_cumsum3A, %add3A_656 : vector<16xi32>
              tpu.vector_store_idx %arg16[%add3A_657], %get3A_609 masked %ge3A_616 : memref<2048xf32, #tpu.memory_space<vmem>>[vector<16xi32>], vector<16xf32>, vector<16xi1>
              %add3A_658 = vector.broadcast %add3A_614 : i32 to vector<16xi32>
              %add3A_659 = arith.addi %add3A_658, %iota3A : vector<16xi32>
              tpu.vector_store_idx %arg17[%add3A_657], %add3A_659 masked %ge3A_616 : memref<2048xi32, #tpu.memory_space<vmem>>[vector<16xi32>], vector<16xi32>, vector<16xi1>
            } else {
            }
            %reduce_sum3A = arith.constant true
            %reduce_sum3A_645 = vector.broadcast %reduce_sum3A : i1 to vector<16xi1>
            %reduce_sum3A_646 = tpu.scan <sum>, %select_n3A_636 masked %reduce_sum3A_645 : vector<16xi32>, vector<16xi1> -> vector<16xi32>
            %reduce_sum3A_647 = vector.extract %reduce_sum3A_646[15] : i32 from vector<16xi32>
            %add3A_648 = arith.addi %get3A_639, %reduce_sum3A_647 : i32
            %swap3A_649 = arith.constant 0 : i32
            %swap3A_650 = arith.index_cast %swap3A_649 : i32 to index
            %swap3A_651 = memref.load %arg23[%swap3A_650] : memref<2xi32, #tpu.memory_space<smem>>
            memref.store %add3A_648, %arg23[%swap3A_650] : memref<2xi32, #tpu.memory_space<smem>>
          } else {
          }
          %scan3A_631 = arith.constant 0 : i32
          scf.yield %scan3A_631 : i32
        }
        %scan3A_595 = arith.constant 128 : i32
        %add3A_596 = arith.constant 2 : i32
        %add3A_597 = arith.addi %add3A_571, %add3A_596 : i32
        %lt3A_598 = arith.cmpi slt, %add3A_597, %get3A_244 : i32
        %convert_element_type3A_599 = arith.extui %lt3A_598 : i1 to i32
        %cond3A_600 = arith.constant 0 : i32
        %cond3A_601 = arith.cmpi ne, %convert_element_type3A_599, %cond3A_600 : i32
        scf.if %cond3A_601 {
          %add3A_602 = arith.constant 2 : i32
          %add3A_603 = arith.addi %add3A_571, %add3A_602 : i32
          %mul3A_604 = arith.constant 2 : i32
          %mul3A_605 = arith.muli %mul3A_604, %add3A : i32
          %broadcast_in_dim3A_606 = vector.broadcast %add3A_603 : i32 to vector<16xi32>
          %gather3A_607 = tpu.vector_load_idx %arg15[%broadcast_in_dim3A_606] : memref<512xi32, #tpu.memory_space<vmem>>[vector<16xi32>], vector<16xi32>,
          %slice3A_608 = vector.extract_strided_slice %gather3A_607 {offsets = [0], sizes = [1], strides = [1]} : vector<16xi32> to vector<1xi32>
          %squeeze3A_609 = vector.extract %slice3A_608[0] : i32 from vector<1xi32>
          %mul3A_610 = arith.constant 2048 : i32
          %mul3A_611 = arith.muli %squeeze3A_609, %mul3A_610 : i32
          %dma_start3A_612 = tpu.memref_slice %arg2[%mul3A_605, %mul3A_611] : memref<64x1000000xf32, #tpu.memory_space<hbm>> -> memref<2x2048xf32, #tpu.memory_space<hbm>>
          %dma_start3A_613 = tpu.memref_slice %arg2[%mul3A_605, %mul3A_611] : memref<64x1000000xf32, #tpu.memory_space<hbm>> -> memref<2x2048xf32, #tpu.memory_space<hbm>>
          tpu.enqueue_dma source(%dma_start3A_613 : memref<2x2048xf32, #tpu.memory_space<hbm>>) target(%arg10 : memref<2x2048xf32, #tpu.memory_space<vmem>>) target_semaphore(%arg25 : memref<!tpu.dma_semaphore, #tpu.memory_space<semaphore_mem>>)
        } else {
        }
      } else {
      }
      %while3A_576 = arith.constant 0 : i32
      scf.yield %while3A_576 : i32
    }
    %get3A_282 = arith.constant 7808 : index
    %get3A_283 = tpu.vector_load %arg12[%get3A_282] {strides = array<i32>} : memref<8192xf32, #tpu.memory_space<vmem>>, vector<16xf32>,
    %ge3A = vector.broadcast %bitcast_convert_type3A : f32 to vector<16xf32>
    %ge3A_284 = arith.cmpf oge, %get3A_283, %ge3A : vector<16xf32>
    %reduce_or3A = arith.constant 1.000000e+00 : f32
    %reduce_or3A_285 = arith.constant 0.000000e+00 : f32
    %reduce_or3A_286 = vector.broadcast %reduce_or3A : f32 to vector<16xf32>
    %reduce_or3A_287 = vector.broadcast %reduce_or3A_285 : f32 to vector<16xf32>
    %reduce_or3A_288 = arith.select %ge3A_284, %reduce_or3A_286, %reduce_or3A_287 : vector<16xi1>, vector<16xf32>
    %reduce_or3A_289 = arith.constant true
    %reduce_or3A_290 = vector.broadcast %reduce_or3A_289 : i1 to vector<16xi1>
    %reduce_or3A_291 = tpu.scan <max>, %reduce_or3A_288 masked %reduce_or3A_290 : vector<16xf32>, vector<16xi1> -> vector<16xf32>
    %reduce_or3A_292 = vector.extract %reduce_or3A_291[15] : f32 from vector<16xf32>
    %reduce_or3A_293 = arith.constant 0.000000e+00 : f32
    %reduce_or3A_294 = arith.cmpf ogt, %reduce_or3A_292, %reduce_or3A_293 : f32
    %convert_element_type3A_295 = arith.extui %reduce_or3A_294 : i1 to i32
    %cond3A_296 = arith.constant 0 : i32
    %cond3A_297 = arith.cmpi ne, %convert_element_type3A_295, %cond3A_296 : i32
    scf.if %cond3A_297 {
      %mul3A_559 = arith.constant 640 : i32
      %mul3A_560 = arith.muli %add3A, %mul3A_559 : i32
      "tpu.region"() ({
        %run_scoped3A = tpu.sem_alloc : memref<!tpu.dma_semaphore, #tpu.memory_space<semaphore_mem>>
        %dma_start3A_568 = tpu.memref_slice %arg3[%mul3A_560] : memref<20480xf32, #tpu.memory_space<hbm>> -> memref<640xf32, #tpu.memory_space<hbm>>
        %dma_start3A_569 = tpu.memref_slice %arg3[%mul3A_560] : memref<20480xf32, #tpu.memory_space<hbm>> -> memref<640xf32, #tpu.memory_space<hbm>>
        tpu.enqueue_dma source(%dma_start3A_569 : memref<640xf32, #tpu.memory_space<hbm>>) target(%arg11 : memref<640xf32, #tpu.memory_space<vmem>>) target_semaphore(%run_scoped3A : memref<!tpu.dma_semaphore, #tpu.memory_space<semaphore_mem>>)
        %dma_wait3A_570 = tpu.memref_slice %arg3[%mul3A_560] : memref<20480xf32, #tpu.memory_space<hbm>> -> memref<640xf32, #tpu.memory_space<hbm>>
        %dma_wait3A_571 = tpu.memref_slice %arg3[%mul3A_560] : memref<20480xf32, #tpu.memory_space<hbm>> -> memref<640xf32, #tpu.memory_space<hbm>>
        tpu.wait_dma2 semaphore(%run_scoped3A : memref<!tpu.dma_semaphore, #tpu.memory_space<semaphore_mem>>) src(%dma_wait3A_571 : memref<640xf32, #tpu.memory_space<hbm>>) dst(%arg11 : memref<640xf32, #tpu.memory_space<vmem>>)
        tpu.yield
      }) : () -> ()
      %scan3A_561 = arith.constant 0 : i32
      %scan3A_562 = arith.constant 0 : i32
      %scan3A_563 = arith.constant 36 : i32
      %scan3A_564 = arith.addi %scan3A_562, %scan3A_563 : i32
      %scan3A_565 = arith.constant 1 : i32
      %scan3A_566 = scf.for %scan3A_568 = %scan3A_562 to %scan3A_564 step %scan3A_565 iter_args(%scan3A_569 = %scan3A_561) -> (i32)  : i32 {
        %mul3A_570 = arith.constant 16 : i32
        %mul3A_571 = arith.muli %scan3A_568, %mul3A_570 : i32
        %get3A_572 = arith.index_cast %mul3A_571 : i32 to index
        %get3A_573 = tpu.vector_load %arg11[%get3A_572] {strides = array<i32>} : memref<640xf32, #tpu.memory_space<vmem>>, vector<16xf32>,
        %mul3A_574 = arith.constant 16 : i32
        %mul3A_575 = arith.muli %scan3A_568, %mul3A_574 : i32
        %add3A_576 = arith.constant 999424 : i32
        %add3A_577 = arith.addi %add3A_576, %mul3A_575 : i32
        %ge3A_578 = vector.broadcast %bitcast_convert_type3A : f32 to vector<16xf32>
        %ge3A_579 = arith.cmpf oge, %get3A_573, %ge3A_578 : vector<16xf32>
        %reduce_or3A_580 = arith.constant 1.000000e+00 : f32
        %reduce_or3A_581 = arith.constant 0.000000e+00 : f32
        %reduce_or3A_582 = vector.broadcast %reduce_or3A_580 : f32 to vector<16xf32>
        %reduce_or3A_583 = vector.broadcast %reduce_or3A_581 : f32 to vector<16xf32>
        %reduce_or3A_584 = arith.select %ge3A_579, %reduce_or3A_582, %reduce_or3A_583 : vector<16xi1>, vector<16xf32>
        %reduce_or3A_585 = arith.constant true
        %reduce_or3A_586 = vector.broadcast %reduce_or3A_585 : i1 to vector<16xi1>
        %reduce_or3A_587 = tpu.scan <max>, %reduce_or3A_584 masked %reduce_or3A_586 : vector<16xf32>, vector<16xi1> -> vector<16xf32>
        %reduce_or3A_588 = vector.extract %reduce_or3A_587[15] : f32 from vector<16xf32>
        %reduce_or3A_589 = arith.constant 0.000000e+00 : f32
        %reduce_or3A_590 = arith.cmpf ogt, %reduce_or3A_588, %reduce_or3A_589 : f32
        %convert_element_type3A_591 = arith.extui %reduce_or3A_590 : i1 to i32
        %cond3A_592 = arith.constant 0 : i32
        %cond3A_593 = arith.cmpi ne, %convert_element_type3A_591, %cond3A_592 : i32
        scf.if %cond3A_593 {
          %jit3A_595 = arith.constant 1 : i32
          %jit3A_596 = arith.constant 0 : i32
          %broadcast_in_dim3A_597 = vector.broadcast %jit3A_595 : i32 to vector<16xi32>
          %broadcast_in_dim3A_598 = vector.broadcast %jit3A_596 : i32 to vector<16xi32>
          %select_n3A_599 = arith.select %ge3A_579, %broadcast_in_dim3A_597, %broadcast_in_dim3A_598 : vector<16xi1>, vector<16xi32>
          %get3A_600 = arith.constant 0 : i32
          %get3A_601 = arith.index_cast %get3A_600 : i32 to index
          %get3A_602 = memref.load %arg23[%get3A_601] : memref<2xi32, #tpu.memory_space<smem>>
          %lt3A = arith.constant 2032 : i32
          %lt3A_603 = arith.cmpi slt, %get3A_602, %lt3A : i32
          %convert_element_type3A_604 = arith.extui %lt3A_603 : i1 to i32
          %cond3A_605 = arith.constant 0 : i32
          %cond3A_606 = arith.cmpi ne, %convert_element_type3A_604, %cond3A_605 : i32
          scf.if %cond3A_606 {
            %broadcast_in_dim3A_614 = arith.constant true
            %broadcast_in_dim3A_615 = vector.broadcast %broadcast_in_dim3A_614 : i1 to vector<16xi1>
            %masked_cumsum3A = tpu.scan <sum>, %select_n3A_599 masked %broadcast_in_dim3A_615 : vector<16xi32>, vector<16xi1> -> vector<16xi32>
            %sub3A_616 = arith.constant 1 : i32
            %sub3A_617 = arith.subi %get3A_602, %sub3A_616 : i32
            %add3A_618 = vector.broadcast %sub3A_617 : i32 to vector<16xi32>
            %add3A_619 = arith.addi %masked_cumsum3A, %add3A_618 : vector<16xi32>
            tpu.vector_store_idx %arg16[%add3A_619], %get3A_573 masked %ge3A_579 : memref<2048xf32, #tpu.memory_space<vmem>>[vector<16xi32>], vector<16xf32>, vector<16xi1>
            %add3A_620 = vector.broadcast %add3A_577 : i32 to vector<16xi32>
            %add3A_621 = arith.addi %add3A_620, %iota3A : vector<16xi32>
            tpu.vector_store_idx %arg17[%add3A_619], %add3A_621 masked %ge3A_579 : memref<2048xi32, #tpu.memory_space<vmem>>[vector<16xi32>], vector<16xi32>, vector<16xi1>
          } else {
          }
          %reduce_sum3A = arith.constant true
          %reduce_sum3A_607 = vector.broadcast %reduce_sum3A : i1 to vector<16xi1>
          %reduce_sum3A_608 = tpu.scan <sum>, %select_n3A_599 masked %reduce_sum3A_607 : vector<16xi32>, vector<16xi1> -> vector<16xi32>
          %reduce_sum3A_609 = vector.extract %reduce_sum3A_608[15] : i32 from vector<16xi32>
          %add3A_610 = arith.addi %get3A_602, %reduce_sum3A_609 : i32
          %swap3A_611 = arith.constant 0 : i32
          %swap3A_612 = arith.index_cast %swap3A_611 : i32 to index
          %swap3A_613 = memref.load %arg23[%swap3A_612] : memref<2xi32, #tpu.memory_space<smem>>
          memref.store %add3A_610, %arg23[%swap3A_612] : memref<2xi32, #tpu.memory_space<smem>>
        } else {
        }
        %scan3A_594 = arith.constant 0 : i32
        scf.yield %scan3A_594 : i32
      }
      %scan3A_567 = arith.constant 36 : i32
    } else {
    }
    %get3A_298 = arith.constant 0 : i32
    %get3A_299 = arith.index_cast %get3A_298 : i32 to index
    %get3A_300 = memref.load %arg23[%get3A_299] : memref<2xi32, #tpu.memory_space<smem>>
    %min3A = arith.constant 2048 : i32
    %min3A_301 = arith.minsi %get3A_300, %min3A : i32
    %add3A_302 = arith.constant 15 : i32
    %add3A_303 = arith.addi %min3A_301, %add3A_302 : i32
    %jit3A_304 = arith.constant 16 : i32
    %div3A_305 = arith.divsi %add3A_303, %jit3A_304 : i32
    %sign3A_306 = arith.constant 0 : i32
    %sign3A_307 = arith.cmpi sgt, %add3A_303, %sign3A_306 : i32
    %sign3A_308 = arith.extui %sign3A_307 : i1 to i32
    %sign3A_309 = arith.constant 0 : i32
    %sign3A_310 = arith.cmpi slt, %add3A_303, %sign3A_309 : i32
    %sign3A_311 = arith.extui %sign3A_310 : i1 to i32
    %sign3A_312 = arith.subi %sign3A_308, %sign3A_311 : i32
    %sign3A_313 = arith.constant 0 : i32
    %sign3A_314 = arith.cmpi sgt, %jit3A_304, %sign3A_313 : i32
    %sign3A_315 = arith.extui %sign3A_314 : i1 to i32
    %sign3A_316 = arith.constant 0 : i32
    %sign3A_317 = arith.cmpi slt, %jit3A_304, %sign3A_316 : i32
    %sign3A_318 = arith.extui %sign3A_317 : i1 to i32
    %sign3A_319 = arith.subi %sign3A_315, %sign3A_318 : i32
    %ne3A_320 = arith.cmpi ne, %sign3A_312, %sign3A_319 : i32
    %rem3A_321 = arith.remsi %add3A_303, %jit3A_304 : i32
    %ne3A_322 = arith.constant 0 : i32
    %ne3A_323 = arith.cmpi ne, %rem3A_321, %ne3A_322 : i32
    %and3A_324 = arith.andi %ne3A_320, %ne3A_323 : i1
    %sub3A_325 = arith.constant 1 : i32
    %sub3A_326 = arith.subi %div3A_305, %sub3A_325 : i32
    %select_n3A_327 = arith.select %and3A_324, %sub3A_326, %div3A_305 : i32
    %scan3A_328 = arith.constant 0 : i32
    %scan3A_329 = arith.constant 0 : i32
    %scan3A_330 = arith.constant 64 : i32
    %scan3A_331 = arith.addi %scan3A_329, %scan3A_330 : i32
    %scan3A_332 = arith.constant 1 : i32
    %scan3A_333 = scf.for %scan3A_559 = %scan3A_329 to %scan3A_331 step %scan3A_332 iter_args(%scan3A_560 = %scan3A_328) -> (i32)  : i32 {
      %while3A_561 = arith.constant 0 : i32
      %while3A_562 = arith.subi %select_n3A_327, %while3A_561 : i32
      %while3A_563 = arith.addi %while3A_561, %while3A_562 : i32
      %while3A_564 = arith.constant 1 : i32
      %while3A_565 = arith.divsi %while3A_562, %while3A_564 : i32
      %while3A_566 = arith.muli %while3A_565, %while3A_564 : i32
      %while3A_567 = arith.addi %while3A_561, %while3A_566 : i32
      %while3A_568 = arith.constant 1 : i32
      %while3A_569 = scf.for %while3A_613 = %while3A_561 to %while3A_567 step %while3A_568 iter_args(%while3A_614 = %broadcast_in_dim3A_1) -> (vector<16xf32>)  : i32 {
        %mul3A_615 = arith.constant 16 : i32
        %mul3A_616 = arith.muli %while3A_613, %mul3A_615 : i32
        %get3A_617 = arith.index_cast %mul3A_616 : i32 to index
        %get3A_618 = tpu.vector_load %arg16[%get3A_617] {strides = array<i32>} : memref<2048xf32, #tpu.memory_space<vmem>>, vector<16xf32>,
        %max3A_619 = arith.maximumf %while3A_614, %get3A_618 : vector<16xf32>
        scf.yield %max3A_619 : vector<16xf32>
      }
      %while3A_570 = arith.constant 1 : i32
      %while3A_571 = scf.for %while3A_613 = %while3A_567 to %while3A_563 step %while3A_570 iter_args(%while3A_614 = %while3A_569) -> (vector<16xf32>)  : i32 {
        %mul3A_615 = arith.constant 16 : i32
        %mul3A_616 = arith.muli %while3A_613, %mul3A_615 : i32
        %get3A_617 = arith.index_cast %mul3A_616 : i32 to index
        %get3A_618 = tpu.vector_load %arg16[%get3A_617] {strides = array<i32>} : memref<2048xf32, #tpu.memory_space<vmem>>, vector<16xf32>,
        %max3A_619 = arith.maximumf %while3A_614, %get3A_618 : vector<16xf32>
        scf.yield %max3A_619 : vector<16xf32>
      }
      %reduce_max3A_572 = arith.constant true
      %reduce_max3A_573 = vector.broadcast %reduce_max3A_572 : i1 to vector<16xi1>
      %reduce_max3A_574 = tpu.scan <max>, %while3A_571 masked %reduce_max3A_573 : vector<16xf32>, vector<16xi1> -> vector<16xf32>
      %reduce_max3A_575 = vector.extract %reduce_max3A_574[15] : f32 from vector<16xf32>
      %broadcast_in_dim3A_576 = arith.constant 2147483647 : i32
      %broadcast_in_dim3A_577 = vector.broadcast %broadcast_in_dim3A_576 : i32 to vector<16xi32>
      %while3A_578 = arith.constant 0 : i32
      %while3A_579 = arith.subi %select_n3A_327, %while3A_578 : i32
      %while3A_580 = arith.addi %while3A_578, %while3A_579 : i32
      %while3A_581 = arith.constant 1 : i32
      %while3A_582 = arith.divsi %while3A_579, %while3A_581 : i32
      %while3A_583 = arith.muli %while3A_582, %while3A_581 : i32
      %while3A_584 = arith.addi %while3A_578, %while3A_583 : i32
      %while3A_585 = arith.constant 1 : i32
      %while3A_586 = scf.for %while3A_613 = %while3A_578 to %while3A_584 step %while3A_585 iter_args(%while3A_614 = %broadcast_in_dim3A_577) -> (vector<16xi32>)  : i32 {
        %mul3A_615 = arith.constant 16 : i32
        %mul3A_616 = arith.muli %while3A_613, %mul3A_615 : i32
        %get3A_617 = arith.index_cast %mul3A_616 : i32 to index
        %get3A_618 = tpu.vector_load %arg16[%get3A_617] {strides = array<i32>} : memref<2048xf32, #tpu.memory_space<vmem>>, vector<16xf32>,
        %eq3A_619 = vector.broadcast %reduce_max3A_575 : f32 to vector<16xf32>
        %eq3A_620 = arith.cmpf oeq, %get3A_618, %eq3A_619 : vector<16xf32>
        %mul3A_621 = arith.constant 16 : i32
        %mul3A_622 = arith.muli %while3A_613, %mul3A_621 : i32
        %get3A_623 = arith.index_cast %mul3A_622 : i32 to index
        %get3A_624 = tpu.vector_load %arg17[%get3A_623] {strides = array<i32>} : memref<2048xi32, #tpu.memory_space<vmem>>, vector<16xi32>,
        %jit3A_625 = arith.constant 2147483647 : i32
        %broadcast_in_dim3A_626 = vector.broadcast %jit3A_625 : i32 to vector<16xi32>
        %select_n3A_627 = arith.select %eq3A_620, %get3A_624, %broadcast_in_dim3A_626 : vector<16xi1>, vector<16xi32>
        %min3A_628 = arith.minsi %while3A_614, %select_n3A_627 : vector<16xi32>
        scf.yield %min3A_628 : vector<16xi32>
      }
      %while3A_587 = arith.constant 1 : i32
      %while3A_588 = scf.for %while3A_613 = %while3A_584 to %while3A_580 step %while3A_587 iter_args(%while3A_614 = %while3A_586) -> (vector<16xi32>)  : i32 {
        %mul3A_615 = arith.constant 16 : i32
        %mul3A_616 = arith.muli %while3A_613, %mul3A_615 : i32
        %get3A_617 = arith.index_cast %mul3A_616 : i32 to index
        %get3A_618 = tpu.vector_load %arg16[%get3A_617] {strides = array<i32>} : memref<2048xf32, #tpu.memory_space<vmem>>, vector<16xf32>,
        %eq3A_619 = vector.broadcast %reduce_max3A_575 : f32 to vector<16xf32>
        %eq3A_620 = arith.cmpf oeq, %get3A_618, %eq3A_619 : vector<16xf32>
        %mul3A_621 = arith.constant 16 : i32
        %mul3A_622 = arith.muli %while3A_613, %mul3A_621 : i32
        %get3A_623 = arith.index_cast %mul3A_622 : i32 to index
        %get3A_624 = tpu.vector_load %arg17[%get3A_623] {strides = array<i32>} : memref<2048xi32, #tpu.memory_space<vmem>>, vector<16xi32>,
        %jit3A_625 = arith.constant 2147483647 : i32
        %broadcast_in_dim3A_626 = vector.broadcast %jit3A_625 : i32 to vector<16xi32>
        %select_n3A_627 = arith.select %eq3A_620, %get3A_624, %broadcast_in_dim3A_626 : vector<16xi1>, vector<16xi32>
        %min3A_628 = arith.minsi %while3A_614, %select_n3A_627 : vector<16xi32>
        scf.yield %min3A_628 : vector<16xi32>
      }
      %reduce_min3A_589 = arith.constant true
      %reduce_min3A_590 = vector.broadcast %reduce_min3A_589 : i1 to vector<16xi1>
      %reduce_min3A_591 = arith.constant -2147483648 : i32
      %reduce_min3A_592 = vector.broadcast %reduce_min3A_591 : i32 to vector<16xi32>
      %reduce_min3A_593 = arith.xori %while3A_588, %reduce_min3A_592 : vector<16xi32>
      %reduce_min3A_594 = tpu.scan <min>, %reduce_min3A_593 masked %reduce_min3A_590 : vector<16xi32>, vector<16xi1> -> vector<16xi32>
      %reduce_min3A_595 = arith.xori %reduce_min3A_594, %reduce_min3A_592 : vector<16xi32>
      %reduce_min3A_596 = vector.extract %reduce_min3A_595[15] : i32 from vector<16xi32>
      %while3A_597 = arith.constant 0 : i32
      %while3A_598 = arith.constant 0 : i32
      %while3A_599 = arith.subi %select_n3A_327, %while3A_597 : i32
      %while3A_600 = arith.addi %while3A_597, %while3A_599 : i32
      %while3A_601 = arith.constant 1 : i32
      %while3A_602 = arith.divsi %while3A_599, %while3A_601 : i32
      %while3A_603 = arith.muli %while3A_602, %while3A_601 : i32
      %while3A_604 = arith.addi %while3A_597, %while3A_603 : i32
      %while3A_605 = arith.constant 1 : i32
      %while3A_606 = scf.for %while3A_613 = %while3A_597 to %while3A_604 step %while3A_605 iter_args(%while3A_614 = %while3A_598) -> (i32)  : i32 {
        %mul3A_615 = arith.constant 16 : i32
        %mul3A_616 = arith.muli %while3A_613, %mul3A_615 : i32
        %get3A_617 = arith.index_cast %mul3A_616 : i32 to index
        %get3A_618 = tpu.vector_load %arg16[%get3A_617] {strides = array<i32>} : memref<2048xf32, #tpu.memory_space<vmem>>, vector<16xf32>,
        %eq3A_619 = vector.broadcast %reduce_max3A_575 : f32 to vector<16xf32>
        %eq3A_620 = arith.cmpf oeq, %get3A_618, %eq3A_619 : vector<16xf32>
        %mul3A_621 = arith.constant 16 : i32
        %mul3A_622 = arith.muli %while3A_613, %mul3A_621 : i32
        %get3A_623 = arith.index_cast %mul3A_622 : i32 to index
        %get3A_624 = tpu.vector_load %arg17[%get3A_623] {strides = array<i32>} : memref<2048xi32, #tpu.memory_space<vmem>>, vector<16xi32>,
        %eq3A_625 = vector.broadcast %reduce_min3A_596 : i32 to vector<16xi32>
        %eq3A_626 = arith.cmpi eq, %get3A_624, %eq3A_625 : vector<16xi32>
        %and3A_627 = arith.andi %eq3A_620, %eq3A_626 : vector<16xi1>
        %mul3A_628 = arith.constant 16 : i32
        %mul3A_629 = arith.muli %while3A_613, %mul3A_628 : i32
        %get3A_630 = arith.index_cast %mul3A_629 : i32 to index
        %get3A_631 = tpu.vector_load %arg16[%get3A_630] {strides = array<i32>} : memref<2048xf32, #tpu.memory_space<vmem>>, vector<16xf32>,
        %jit3A_632 = arith.constant 0xFF800000 : f32
        %broadcast_in_dim3A_633 = vector.broadcast %jit3A_632 : f32 to vector<16xf32>
        %select_n3A_634 = arith.select %and3A_627, %broadcast_in_dim3A_633, %get3A_631 : vector<16xi1>, vector<16xf32>
        %mul3A_635 = arith.constant 16 : i32
        %mul3A_636 = arith.muli %while3A_613, %mul3A_635 : i32
        %swap3A_637 = arith.index_cast %mul3A_636 : i32 to index
        %swap3A_638 = tpu.vector_load %arg16[%swap3A_637] {strides = array<i32>} : memref<2048xf32, #tpu.memory_space<vmem>>, vector<16xf32>,
        tpu.vector_store %arg16[%swap3A_637], %select_n3A_634 {strides = array<i32>} : memref<2048xf32, #tpu.memory_space<vmem>>, vector<16xf32>,
        %while3A_639 = arith.constant 0 : i32
        scf.yield %while3A_639 : i32
      }
      %while3A_607 = arith.constant 1 : i32
      %while3A_608 = scf.for %while3A_613 = %while3A_604 to %while3A_600 step %while3A_607 iter_args(%while3A_614 = %while3A_606) -> (i32)  : i32 {
        %mul3A_615 = arith.constant 16 : i32
        %mul3A_616 = arith.muli %while3A_613, %mul3A_615 : i32
        %get3A_617 = arith.index_cast %mul3A_616 : i32 to index
        %get3A_618 = tpu.vector_load %arg16[%get3A_617] {strides = array<i32>} : memref<2048xf32, #tpu.memory_space<vmem>>, vector<16xf32>,
        %eq3A_619 = vector.broadcast %reduce_max3A_575 : f32 to vector<16xf32>
        %eq3A_620 = arith.cmpf oeq, %get3A_618, %eq3A_619 : vector<16xf32>
        %mul3A_621 = arith.constant 16 : i32
        %mul3A_622 = arith.muli %while3A_613, %mul3A_621 : i32
        %get3A_623 = arith.index_cast %mul3A_622 : i32 to index
        %get3A_624 = tpu.vector_load %arg17[%get3A_623] {strides = array<i32>} : memref<2048xi32, #tpu.memory_space<vmem>>, vector<16xi32>,
        %eq3A_625 = vector.broadcast %reduce_min3A_596 : i32 to vector<16xi32>
        %eq3A_626 = arith.cmpi eq, %get3A_624, %eq3A_625 : vector<16xi32>
        %and3A_627 = arith.andi %eq3A_620, %eq3A_626 : vector<16xi1>
        %mul3A_628 = arith.constant 16 : i32
        %mul3A_629 = arith.muli %while3A_613, %mul3A_628 : i32
        %get3A_630 = arith.index_cast %mul3A_629 : i32 to index
        %get3A_631 = tpu.vector_load %arg16[%get3A_630] {strides = array<i32>} : memref<2048xf32, #tpu.memory_space<vmem>>, vector<16xf32>,
        %jit3A_632 = arith.constant 0xFF800000 : f32
        %broadcast_in_dim3A_633 = vector.broadcast %jit3A_632 : f32 to vector<16xf32>
        %select_n3A_634 = arith.select %and3A_627, %broadcast_in_dim3A_633, %get3A_631 : vector<16xi1>, vector<16xf32>
        %mul3A_635 = arith.constant 16 : i32
        %mul3A_636 = arith.muli %while3A_613, %mul3A_635 : i32
        %swap3A_637 = arith.index_cast %mul3A_636 : i32 to index
        %swap3A_638 = tpu.vector_load %arg16[%swap3A_637] {strides = array<i32>} : memref<2048xf32, #tpu.memory_space<vmem>>, vector<16xf32>,
        tpu.vector_store %arg16[%swap3A_637], %select_n3A_634 {strides = array<i32>} : memref<2048xf32, #tpu.memory_space<vmem>>, vector<16xf32>,
        %while3A_639 = arith.constant 0 : i32
        scf.yield %while3A_639 : i32
      }
      %broadcast_in_dim3A_609 = vector.broadcast %scan3A_559 : i32 to vector<16xi32>
      %broadcast_in_dim3A_610 = vector.broadcast %reduce_max3A_575 : f32 to vector<16xf32>
      tpu.vector_store_idx %arg18[%broadcast_in_dim3A_609], %broadcast_in_dim3A_610 masked %eq3A_3 : memref<64xf32, #tpu.memory_space<vmem>>[vector<16xi32>], vector<16xf32>, vector<16xi1>
      %broadcast_in_dim3A_611 = vector.broadcast %reduce_min3A_596 : i32 to vector<16xi32>
      tpu.vector_store_idx %arg19[%broadcast_in_dim3A_609], %broadcast_in_dim3A_611 masked %eq3A_3 : memref<64xi32, #tpu.memory_space<vmem>>[vector<16xi32>], vector<16xi32>, vector<16xi1>
      %scan3A_612 = arith.constant 0 : i32
      scf.yield %scan3A_612 : i32
    }
    %scan3A_334 = arith.constant 64 : i32
    %mul3A_335 = arith.constant 128 : i32
    %mul3A_336 = arith.muli %add3A, %mul3A_335 : i32
    "tpu.region"() ({
      %run_scoped3A = tpu.sem_alloc : memref<!tpu.dma_semaphore, #tpu.memory_space<semaphore_mem>>
      %dma_start3A_559 = tpu.memref_slice %arg4[%mul3A_336] : memref<4096xf32, #tpu.memory_space<hbm>> -> memref<128xf32, #tpu.memory_space<hbm>>
      %dma_start3A_560 = tpu.memref_slice %arg4[%mul3A_336] : memref<4096xf32, #tpu.memory_space<hbm>> -> memref<128xf32, #tpu.memory_space<hbm>>
      tpu.enqueue_dma source(%dma_start3A_560 : memref<128xf32, #tpu.memory_space<hbm>>) target(%arg20 : memref<128xf32, #tpu.memory_space<vmem>>) target_semaphore(%run_scoped3A : memref<!tpu.dma_semaphore, #tpu.memory_space<semaphore_mem>>)
      %dma_wait3A_561 = tpu.memref_slice %arg4[%mul3A_336] : memref<4096xf32, #tpu.memory_space<hbm>> -> memref<128xf32, #tpu.memory_space<hbm>>
      %dma_wait3A_562 = tpu.memref_slice %arg4[%mul3A_336] : memref<4096xf32, #tpu.memory_space<hbm>> -> memref<128xf32, #tpu.memory_space<hbm>>
      tpu.wait_dma2 semaphore(%run_scoped3A : memref<!tpu.dma_semaphore, #tpu.memory_space<semaphore_mem>>) src(%dma_wait3A_562 : memref<128xf32, #tpu.memory_space<hbm>>) dst(%arg20 : memref<128xf32, #tpu.memory_space<vmem>>)
      tpu.yield
    }) : () -> ()
    %broadcast_in_dim3A_337 = arith.constant 0.000000e+00 : f32
    %broadcast_in_dim3A_338 = vector.broadcast %broadcast_in_dim3A_337 : f32 to vector<16xf32>
    %swap3A_339 = arith.constant 0 : index
    %swap3A_340 = tpu.vector_load %arg21[%swap3A_339] {strides = array<i32>} : memref<128xf32, #tpu.memory_space<vmem>>, vector<16xf32>,
    tpu.vector_store %arg21[%swap3A_339], %broadcast_in_dim3A_338 {strides = array<i32>} : memref<128xf32, #tpu.memory_space<vmem>>, vector<16xf32>,
    %broadcast_in_dim3A_341 = arith.constant 0 : i32
    %broadcast_in_dim3A_342 = vector.broadcast %broadcast_in_dim3A_341 : i32 to vector<16xi32>
    %swap3A_343 = arith.constant 0 : index
    %swap3A_344 = tpu.vector_load %arg22[%swap3A_343] {strides = array<i32>} : memref<128xi32, #tpu.memory_space<vmem>>, vector<16xi32>,
    tpu.vector_store %arg22[%swap3A_343], %broadcast_in_dim3A_342 {strides = array<i32>} : memref<128xi32, #tpu.memory_space<vmem>>, vector<16xi32>,
    %broadcast_in_dim3A_345 = arith.constant 0.000000e+00 : f32
    %broadcast_in_dim3A_346 = vector.broadcast %broadcast_in_dim3A_345 : f32 to vector<16xf32>
    %swap3A_347 = arith.constant 16 : index
    %swap3A_348 = tpu.vector_load %arg21[%swap3A_347] {strides = array<i32>} : memref<128xf32, #tpu.memory_space<vmem>>, vector<16xf32>,
    tpu.vector_store %arg21[%swap3A_347], %broadcast_in_dim3A_346 {strides = array<i32>} : memref<128xf32, #tpu.memory_space<vmem>>, vector<16xf32>,
    %broadcast_in_dim3A_349 = arith.constant 0 : i32
    %broadcast_in_dim3A_350 = vector.broadcast %broadcast_in_dim3A_349 : i32 to vector<16xi32>
    %swap3A_351 = arith.constant 16 : index
    %swap3A_352 = tpu.vector_load %arg22[%swap3A_351] {strides = array<i32>} : memref<128xi32, #tpu.memory_space<vmem>>, vector<16xi32>,
    tpu.vector_store %arg22[%swap3A_351], %broadcast_in_dim3A_350 {strides = array<i32>} : memref<128xi32, #tpu.memory_space<vmem>>, vector<16xi32>,
    %broadcast_in_dim3A_353 = arith.constant 0.000000e+00 : f32
    %broadcast_in_dim3A_354 = vector.broadcast %broadcast_in_dim3A_353 : f32 to vector<16xf32>
    %swap3A_355 = arith.constant 32 : index
    %swap3A_356 = tpu.vector_load %arg21[%swap3A_355] {strides = array<i32>} : memref<128xf32, #tpu.memory_space<vmem>>, vector<16xf32>,
    tpu.vector_store %arg21[%swap3A_355], %broadcast_in_dim3A_354 {strides = array<i32>} : memref<128xf32, #tpu.memory_space<vmem>>, vector<16xf32>,
    %broadcast_in_dim3A_357 = arith.constant 0 : i32
    %broadcast_in_dim3A_358 = vector.broadcast %broadcast_in_dim3A_357 : i32 to vector<16xi32>
    %swap3A_359 = arith.constant 32 : index
    %swap3A_360 = tpu.vector_load %arg22[%swap3A_359] {strides = array<i32>} : memref<128xi32, #tpu.memory_space<vmem>>, vector<16xi32>,
    tpu.vector_store %arg22[%swap3A_359], %broadcast_in_dim3A_358 {strides = array<i32>} : memref<128xi32, #tpu.memory_space<vmem>>, vector<16xi32>,
    %broadcast_in_dim3A_361 = arith.constant 0.000000e+00 : f32
    %broadcast_in_dim3A_362 = vector.broadcast %broadcast_in_dim3A_361 : f32 to vector<16xf32>
    %swap3A_363 = arith.constant 48 : index
    %swap3A_364 = tpu.vector_load %arg21[%swap3A_363] {strides = array<i32>} : memref<128xf32, #tpu.memory_space<vmem>>, vector<16xf32>,
    tpu.vector_store %arg21[%swap3A_363], %broadcast_in_dim3A_362 {strides = array<i32>} : memref<128xf32, #tpu.memory_space<vmem>>, vector<16xf32>,
    %broadcast_in_dim3A_365 = arith.constant 0 : i32
    %broadcast_in_dim3A_366 = vector.broadcast %broadcast_in_dim3A_365 : i32 to vector<16xi32>
    %swap3A_367 = arith.constant 48 : index
    %swap3A_368 = tpu.vector_load %arg22[%swap3A_367] {strides = array<i32>} : memref<128xi32, #tpu.memory_space<vmem>>, vector<16xi32>,
    tpu.vector_store %arg22[%swap3A_367], %broadcast_in_dim3A_366 {strides = array<i32>} : memref<128xi32, #tpu.memory_space<vmem>>, vector<16xi32>,
    %broadcast_in_dim3A_369 = arith.constant 0.000000e+00 : f32
    %broadcast_in_dim3A_370 = vector.broadcast %broadcast_in_dim3A_369 : f32 to vector<16xf32>
    %swap3A_371 = arith.constant 64 : index
    %swap3A_372 = tpu.vector_load %arg21[%swap3A_371] {strides = array<i32>} : memref<128xf32, #tpu.memory_space<vmem>>, vector<16xf32>,
    tpu.vector_store %arg21[%swap3A_371], %broadcast_in_dim3A_370 {strides = array<i32>} : memref<128xf32, #tpu.memory_space<vmem>>, vector<16xf32>,
    %broadcast_in_dim3A_373 = arith.constant 0 : i32
    %broadcast_in_dim3A_374 = vector.broadcast %broadcast_in_dim3A_373 : i32 to vector<16xi32>
    %swap3A_375 = arith.constant 64 : index
    %swap3A_376 = tpu.vector_load %arg22[%swap3A_375] {strides = array<i32>} : memref<128xi32, #tpu.memory_space<vmem>>, vector<16xi32>,
    tpu.vector_store %arg22[%swap3A_375], %broadcast_in_dim3A_374 {strides = array<i32>} : memref<128xi32, #tpu.memory_space<vmem>>, vector<16xi32>,
    %broadcast_in_dim3A_377 = arith.constant 0.000000e+00 : f32
    %broadcast_in_dim3A_378 = vector.broadcast %broadcast_in_dim3A_377 : f32 to vector<16xf32>
    %swap3A_379 = arith.constant 80 : index
    %swap3A_380 = tpu.vector_load %arg21[%swap3A_379] {strides = array<i32>} : memref<128xf32, #tpu.memory_space<vmem>>, vector<16xf32>,
    tpu.vector_store %arg21[%swap3A_379], %broadcast_in_dim3A_378 {strides = array<i32>} : memref<128xf32, #tpu.memory_space<vmem>>, vector<16xf32>,
    %broadcast_in_dim3A_381 = arith.constant 0 : i32
    %broadcast_in_dim3A_382 = vector.broadcast %broadcast_in_dim3A_381 : i32 to vector<16xi32>
    %swap3A_383 = arith.constant 80 : index
    %swap3A_384 = tpu.vector_load %arg22[%swap3A_383] {strides = array<i32>} : memref<128xi32, #tpu.memory_space<vmem>>, vector<16xi32>,
    tpu.vector_store %arg22[%swap3A_383], %broadcast_in_dim3A_382 {strides = array<i32>} : memref<128xi32, #tpu.memory_space<vmem>>, vector<16xi32>,
    %broadcast_in_dim3A_385 = arith.constant 0.000000e+00 : f32
    %broadcast_in_dim3A_386 = vector.broadcast %broadcast_in_dim3A_385 : f32 to vector<16xf32>
    %swap3A_387 = arith.constant 96 : index
    %swap3A_388 = tpu.vector_load %arg21[%swap3A_387] {strides = array<i32>} : memref<128xf32, #tpu.memory_space<vmem>>, vector<16xf32>,
    tpu.vector_store %arg21[%swap3A_387], %broadcast_in_dim3A_386 {strides = array<i32>} : memref<128xf32, #tpu.memory_space<vmem>>, vector<16xf32>,
    %broadcast_in_dim3A_389 = arith.constant 0 : i32
    %broadcast_in_dim3A_390 = vector.broadcast %broadcast_in_dim3A_389 : i32 to vector<16xi32>
    %swap3A_391 = arith.constant 96 : index
    %swap3A_392 = tpu.vector_load %arg22[%swap3A_391] {strides = array<i32>} : memref<128xi32, #tpu.memory_space<vmem>>, vector<16xi32>,
    tpu.vector_store %arg22[%swap3A_391], %broadcast_in_dim3A_390 {strides = array<i32>} : memref<128xi32, #tpu.memory_space<vmem>>, vector<16xi32>,
    %broadcast_in_dim3A_393 = arith.constant 0.000000e+00 : f32
    %broadcast_in_dim3A_394 = vector.broadcast %broadcast_in_dim3A_393 : f32 to vector<16xf32>
    %swap3A_395 = arith.constant 112 : index
    %swap3A_396 = tpu.vector_load %arg21[%swap3A_395] {strides = array<i32>} : memref<128xf32, #tpu.memory_space<vmem>>, vector<16xf32>,
    tpu.vector_store %arg21[%swap3A_395], %broadcast_in_dim3A_394 {strides = array<i32>} : memref<128xf32, #tpu.memory_space<vmem>>, vector<16xf32>,
    %broadcast_in_dim3A_397 = arith.constant 0 : i32
    %broadcast_in_dim3A_398 = vector.broadcast %broadcast_in_dim3A_397 : i32 to vector<16xi32>
    %swap3A_399 = arith.constant 112 : index
    %swap3A_400 = tpu.vector_load %arg22[%swap3A_399] {strides = array<i32>} : memref<128xi32, #tpu.memory_space<vmem>>, vector<16xi32>,
    tpu.vector_store %arg22[%swap3A_399], %broadcast_in_dim3A_398 {strides = array<i32>} : memref<128xi32, #tpu.memory_space<vmem>>, vector<16xi32>,
    %get3A_401 = arith.constant 0 : index
    %get3A_402 = tpu.vector_load %arg18[%get3A_401] {strides = array<i32>} : memref<64xf32, #tpu.memory_space<vmem>>, vector<16xf32>,
    %get3A_403 = arith.constant 0 : index
    %get3A_404 = tpu.vector_load %arg20[%get3A_403] {strides = array<i32>} : memref<128xf32, #tpu.memory_space<vmem>>, vector<16xf32>,
    %add3A_405 = arith.addf %get3A_402, %get3A_404 : vector<16xf32>
    %get3A_406 = arith.constant 16 : index
    %get3A_407 = tpu.vector_load %arg18[%get3A_406] {strides = array<i32>} : memref<64xf32, #tpu.memory_space<vmem>>, vector<16xf32>,
    %get3A_408 = arith.constant 16 : index
    %get3A_409 = tpu.vector_load %arg20[%get3A_408] {strides = array<i32>} : memref<128xf32, #tpu.memory_space<vmem>>, vector<16xf32>,
    %add3A_410 = arith.addf %get3A_407, %get3A_409 : vector<16xf32>
    %get3A_411 = arith.constant 32 : index
    %get3A_412 = tpu.vector_load %arg18[%get3A_411] {strides = array<i32>} : memref<64xf32, #tpu.memory_space<vmem>>, vector<16xf32>,
    %get3A_413 = arith.constant 32 : index
    %get3A_414 = tpu.vector_load %arg20[%get3A_413] {strides = array<i32>} : memref<128xf32, #tpu.memory_space<vmem>>, vector<16xf32>,
    %add3A_415 = arith.addf %get3A_412, %get3A_414 : vector<16xf32>
    %get3A_416 = arith.constant 48 : index
    %get3A_417 = tpu.vector_load %arg18[%get3A_416] {strides = array<i32>} : memref<64xf32, #tpu.memory_space<vmem>>, vector<16xf32>,
    %get3A_418 = arith.constant 48 : index
    %get3A_419 = tpu.vector_load %arg20[%get3A_418] {strides = array<i32>} : memref<128xf32, #tpu.memory_space<vmem>>, vector<16xf32>,
    %add3A_420 = arith.addf %get3A_417, %get3A_419 : vector<16xf32>
    %max3A_421 = arith.maximumf %add3A_405, %add3A_410 : vector<16xf32>
    %max3A_422 = arith.maximumf %add3A_415, %add3A_420 : vector<16xf32>
    %max3A_423 = arith.maximumf %max3A_421, %max3A_422 : vector<16xf32>
    %reduce_max3A_424 = arith.constant true
    %reduce_max3A_425 = vector.broadcast %reduce_max3A_424 : i1 to vector<16xi1>
    %reduce_max3A_426 = tpu.scan <max>, %max3A_423 masked %reduce_max3A_425 : vector<16xf32>, vector<16xi1> -> vector<16xf32>
    %reduce_max3A_427 = vector.extract %reduce_max3A_426[15] : f32 from vector<16xf32>
    %broadcast_in_dim3A_428 = arith.constant 2147483647 : i32
    %broadcast_in_dim3A_429 = vector.broadcast %broadcast_in_dim3A_428 : i32 to vector<16xi32>
    %eq3A_430 = vector.broadcast %reduce_max3A_427 : f32 to vector<16xf32>
    %eq3A_431 = arith.cmpf oeq, %add3A_405, %eq3A_430 : vector<16xf32>
    %add3A_432 = arith.constant 0 : i32
    %add3A_433 = vector.broadcast %add3A_432 : i32 to vector<16xi32>
    %add3A_434 = arith.addi %iota3A, %add3A_433 : vector<16xi32>
    %jit3A_435 = arith.constant 2147483647 : i32
    %broadcast_in_dim3A_436 = vector.broadcast %jit3A_435 : i32 to vector<16xi32>
    %select_n3A_437 = arith.select %eq3A_431, %add3A_434, %broadcast_in_dim3A_436 : vector<16xi1>, vector<16xi32>
    %min3A_438 = arith.minsi %broadcast_in_dim3A_429, %select_n3A_437 : vector<16xi32>
    %eq3A_439 = vector.broadcast %reduce_max3A_427 : f32 to vector<16xf32>
    %eq3A_440 = arith.cmpf oeq, %add3A_410, %eq3A_439 : vector<16xf32>
    %add3A_441 = arith.constant 16 : i32
    %add3A_442 = vector.broadcast %add3A_441 : i32 to vector<16xi32>
    %add3A_443 = arith.addi %iota3A, %add3A_442 : vector<16xi32>
    %jit3A_444 = arith.constant 2147483647 : i32
    %broadcast_in_dim3A_445 = vector.broadcast %jit3A_444 : i32 to vector<16xi32>
    %select_n3A_446 = arith.select %eq3A_440, %add3A_443, %broadcast_in_dim3A_445 : vector<16xi1>, vector<16xi32>
    %min3A_447 = arith.minsi %min3A_438, %select_n3A_446 : vector<16xi32>
    %eq3A_448 = vector.broadcast %reduce_max3A_427 : f32 to vector<16xf32>
    %eq3A_449 = arith.cmpf oeq, %add3A_415, %eq3A_448 : vector<16xf32>
    %add3A_450 = arith.constant 32 : i32
    %add3A_451 = vector.broadcast %add3A_450 : i32 to vector<16xi32>
    %add3A_452 = arith.addi %iota3A, %add3A_451 : vector<16xi32>
    %jit3A_453 = arith.constant 2147483647 : i32
    %broadcast_in_dim3A_454 = vector.broadcast %jit3A_453 : i32 to vector<16xi32>
    %select_n3A_455 = arith.select %eq3A_449, %add3A_452, %broadcast_in_dim3A_454 : vector<16xi1>, vector<16xi32>
    %min3A_456 = arith.minsi %min3A_447, %select_n3A_455 : vector<16xi32>
    %eq3A_457 = vector.broadcast %reduce_max3A_427 : f32 to vector<16xf32>
    %eq3A_458 = arith.cmpf oeq, %add3A_420, %eq3A_457 : vector<16xf32>
    %add3A_459 = arith.constant 48 : i32
    %add3A_460 = vector.broadcast %add3A_459 : i32 to vector<16xi32>
    %add3A_461 = arith.addi %iota3A, %add3A_460 : vector<16xi32>
    %jit3A_462 = arith.constant 2147483647 : i32
    %broadcast_in_dim3A_463 = vector.broadcast %jit3A_462 : i32 to vector<16xi32>
    %select_n3A_464 = arith.select %eq3A_458, %add3A_461, %broadcast_in_dim3A_463 : vector<16xi1>, vector<16xi32>
    %min3A_465 = arith.minsi %min3A_456, %select_n3A_464 : vector<16xi32>
    %reduce_min3A = arith.constant true
    %reduce_min3A_466 = vector.broadcast %reduce_min3A : i1 to vector<16xi1>
    %reduce_min3A_467 = arith.constant -2147483648 : i32
    %reduce_min3A_468 = vector.broadcast %reduce_min3A_467 : i32 to vector<16xi32>
    %reduce_min3A_469 = arith.xori %min3A_465, %reduce_min3A_468 : vector<16xi32>
    %reduce_min3A_470 = tpu.scan <min>, %reduce_min3A_469 masked %reduce_min3A_466 : vector<16xi32>, vector<16xi1> -> vector<16xi32>
    %reduce_min3A_471 = arith.xori %reduce_min3A_470, %reduce_min3A_468 : vector<16xi32>
    %reduce_min3A_472 = vector.extract %reduce_min3A_471[15] : i32 from vector<16xi32>
    %broadcast_in_dim3A_473 = vector.broadcast %reduce_min3A_472 : i32 to vector<16xi32>
    %broadcast_in_dim3A_474 = arith.constant 0 : i32
    %broadcast_in_dim3A_475 = vector.broadcast %broadcast_in_dim3A_474 : i32 to vector<16xi32>
    %gather3A = tpu.vector_load_idx %arg18[%broadcast_in_dim3A_473] : memref<64xf32, #tpu.memory_space<vmem>>[vector<16xi32>], vector<16xf32>,
    tpu.vector_store_idx %arg21[%broadcast_in_dim3A_475], %gather3A masked %eq3A_3 : memref<128xf32, #tpu.memory_space<vmem>>[vector<16xi32>], vector<16xf32>, vector<16xi1>
    %gather3A_476 = tpu.vector_load_idx %arg19[%broadcast_in_dim3A_473] : memref<64xi32, #tpu.memory_space<vmem>>[vector<16xi32>], vector<16xi32>,
    tpu.vector_store_idx %arg22[%broadcast_in_dim3A_475], %gather3A_476 masked %eq3A_3 : memref<128xi32, #tpu.memory_space<vmem>>[vector<16xi32>], vector<16xi32>, vector<16xi1>
    %get3A_477 = arith.constant 0 : index
    %get3A_478 = tpu.vector_load %arg18[%get3A_477] {strides = array<i32>} : memref<64xf32, #tpu.memory_space<vmem>>, vector<16xf32>,
    %get3A_479 = arith.constant 64 : index
    %get3A_480 = tpu.vector_load %arg20[%get3A_479] {strides = array<i32>} : memref<128xf32, #tpu.memory_space<vmem>>, vector<16xf32>,
    %add3A_481 = arith.addf %get3A_478, %get3A_480 : vector<16xf32>
    %get3A_482 = arith.constant 16 : index
    %get3A_483 = tpu.vector_load %arg18[%get3A_482] {strides = array<i32>} : memref<64xf32, #tpu.memory_space<vmem>>, vector<16xf32>,
    %get3A_484 = arith.constant 80 : index
    %get3A_485 = tpu.vector_load %arg20[%get3A_484] {strides = array<i32>} : memref<128xf32, #tpu.memory_space<vmem>>, vector<16xf32>,
    %add3A_486 = arith.addf %get3A_483, %get3A_485 : vector<16xf32>
    %get3A_487 = arith.constant 32 : index
    %get3A_488 = tpu.vector_load %arg18[%get3A_487] {strides = array<i32>} : memref<64xf32, #tpu.memory_space<vmem>>, vector<16xf32>,
    %get3A_489 = arith.constant 96 : index
    %get3A_490 = tpu.vector_load %arg20[%get3A_489] {strides = array<i32>} : memref<128xf32, #tpu.memory_space<vmem>>, vector<16xf32>,
    %add3A_491 = arith.addf %get3A_488, %get3A_490 : vector<16xf32>
    %get3A_492 = arith.constant 48 : index
    %get3A_493 = tpu.vector_load %arg18[%get3A_492] {strides = array<i32>} : memref<64xf32, #tpu.memory_space<vmem>>, vector<16xf32>,
    %get3A_494 = arith.constant 112 : index
    %get3A_495 = tpu.vector_load %arg20[%get3A_494] {strides = array<i32>} : memref<128xf32, #tpu.memory_space<vmem>>, vector<16xf32>,
    %add3A_496 = arith.addf %get3A_493, %get3A_495 : vector<16xf32>
    %max3A_497 = arith.maximumf %add3A_481, %add3A_486 : vector<16xf32>
    %max3A_498 = arith.maximumf %add3A_491, %add3A_496 : vector<16xf32>
    %max3A_499 = arith.maximumf %max3A_497, %max3A_498 : vector<16xf32>
    %reduce_max3A_500 = arith.constant true
    %reduce_max3A_501 = vector.broadcast %reduce_max3A_500 : i1 to vector<16xi1>
    %reduce_max3A_502 = tpu.scan <max>, %max3A_499 masked %reduce_max3A_501 : vector<16xf32>, vector<16xi1> -> vector<16xf32>
    %reduce_max3A_503 = vector.extract %reduce_max3A_502[15] : f32 from vector<16xf32>
    %broadcast_in_dim3A_504 = arith.constant 2147483647 : i32
    %broadcast_in_dim3A_505 = vector.broadcast %broadcast_in_dim3A_504 : i32 to vector<16xi32>
    %eq3A_506 = vector.broadcast %reduce_max3A_503 : f32 to vector<16xf32>
    %eq3A_507 = arith.cmpf oeq, %add3A_481, %eq3A_506 : vector<16xf32>
    %add3A_508 = arith.constant 0 : i32
    %add3A_509 = vector.broadcast %add3A_508 : i32 to vector<16xi32>
    %add3A_510 = arith.addi %iota3A, %add3A_509 : vector<16xi32>
    %jit3A_511 = arith.constant 2147483647 : i32
    %broadcast_in_dim3A_512 = vector.broadcast %jit3A_511 : i32 to vector<16xi32>
    %select_n3A_513 = arith.select %eq3A_507, %add3A_510, %broadcast_in_dim3A_512 : vector<16xi1>, vector<16xi32>
    %min3A_514 = arith.minsi %broadcast_in_dim3A_505, %select_n3A_513 : vector<16xi32>
    %eq3A_515 = vector.broadcast %reduce_max3A_503 : f32 to vector<16xf32>
    %eq3A_516 = arith.cmpf oeq, %add3A_486, %eq3A_515 : vector<16xf32>
    %add3A_517 = arith.constant 16 : i32
    %add3A_518 = vector.broadcast %add3A_517 : i32 to vector<16xi32>
    %add3A_519 = arith.addi %iota3A, %add3A_518 : vector<16xi32>
    %jit3A_520 = arith.constant 2147483647 : i32
    %broadcast_in_dim3A_521 = vector.broadcast %jit3A_520 : i32 to vector<16xi32>
    %select_n3A_522 = arith.select %eq3A_516, %add3A_519, %broadcast_in_dim3A_521 : vector<16xi1>, vector<16xi32>
    %min3A_523 = arith.minsi %min3A_514, %select_n3A_522 : vector<16xi32>
    %eq3A_524 = vector.broadcast %reduce_max3A_503 : f32 to vector<16xf32>
    %eq3A_525 = arith.cmpf oeq, %add3A_491, %eq3A_524 : vector<16xf32>
    %add3A_526 = arith.constant 32 : i32
    %add3A_527 = vector.broadcast %add3A_526 : i32 to vector<16xi32>
    %add3A_528 = arith.addi %iota3A, %add3A_527 : vector<16xi32>
    %jit3A_529 = arith.constant 2147483647 : i32
    %broadcast_in_dim3A_530 = vector.broadcast %jit3A_529 : i32 to vector<16xi32>
    %select_n3A_531 = arith.select %eq3A_525, %add3A_528, %broadcast_in_dim3A_530 : vector<16xi1>, vector<16xi32>
    %min3A_532 = arith.minsi %min3A_523, %select_n3A_531 : vector<16xi32>
    %eq3A_533 = vector.broadcast %reduce_max3A_503 : f32 to vector<16xf32>
    %eq3A_534 = arith.cmpf oeq, %add3A_496, %eq3A_533 : vector<16xf32>
    %add3A_535 = arith.constant 48 : i32
    %add3A_536 = vector.broadcast %add3A_535 : i32 to vector<16xi32>
    %add3A_537 = arith.addi %iota3A, %add3A_536 : vector<16xi32>
    %jit3A_538 = arith.constant 2147483647 : i32
    %broadcast_in_dim3A_539 = vector.broadcast %jit3A_538 : i32 to vector<16xi32>
    %select_n3A_540 = arith.select %eq3A_534, %add3A_537, %broadcast_in_dim3A_539 : vector<16xi1>, vector<16xi32>
    %min3A_541 = arith.minsi %min3A_532, %select_n3A_540 : vector<16xi32>
    %reduce_min3A_542 = arith.constant true
    %reduce_min3A_543 = vector.broadcast %reduce_min3A_542 : i1 to vector<16xi1>
    %reduce_min3A_544 = arith.constant -2147483648 : i32
    %reduce_min3A_545 = vector.broadcast %reduce_min3A_544 : i32 to vector<16xi32>
    %reduce_min3A_546 = arith.xori %min3A_541, %reduce_min3A_545 : vector<16xi32>
    %reduce_min3A_547 = tpu.scan <min>, %reduce_min3A_546 masked %reduce_min3A_543 : vector<16xi32>, vector<16xi1> -> vector<16xi32>
    %reduce_min3A_548 = arith.xori %reduce_min3A_547, %reduce_min3A_545 : vector<16xi32>
    %reduce_min3A_549 = vector.extract %reduce_min3A_548[15] : i32 from vector<16xi32>
    %broadcast_in_dim3A_550 = vector.broadcast %reduce_min3A_549 : i32 to vector<16xi32>
    %broadcast_in_dim3A_551 = arith.constant 1 : i32
    %broadcast_in_dim3A_552 = vector.broadcast %broadcast_in_dim3A_551 : i32 to vector<16xi32>
    %gather3A_553 = tpu.vector_load_idx %arg18[%broadcast_in_dim3A_550] : memref<64xf32, #tpu.memory_space<vmem>>[vector<16xi32>], vector<16xf32>,
    tpu.vector_store_idx %arg21[%broadcast_in_dim3A_552], %gather3A_553 masked %eq3A_3 : memref<128xf32, #tpu.memory_space<vmem>>[vector<16xi32>], vector<16xf32>, vector<16xi1>
    %gather3A_554 = tpu.vector_load_idx %arg19[%broadcast_in_dim3A_550] : memref<64xi32, #tpu.memory_space<vmem>>[vector<16xi32>], vector<16xi32>,
    tpu.vector_store_idx %arg22[%broadcast_in_dim3A_552], %gather3A_554 masked %eq3A_3 : memref<128xi32, #tpu.memory_space<vmem>>[vector<16xi32>], vector<16xi32>, vector<16xi1>
    %mul3A_555 = arith.constant 128 : i32
    %mul3A_556 = arith.muli %add3A, %mul3A_555 : i32
    "tpu.region"() ({
      %run_scoped3A = tpu.sem_alloc : memref<!tpu.dma_semaphore, #tpu.memory_space<semaphore_mem>>
      %dma_start3A_559 = tpu.memref_slice %arg5[%mul3A_556] : memref<4096xf32, #tpu.memory_space<hbm>> -> memref<128xf32, #tpu.memory_space<hbm>>
      %dma_start3A_560 = tpu.memref_slice %arg5[%mul3A_556] : memref<4096xf32, #tpu.memory_space<hbm>> -> memref<128xf32, #tpu.memory_space<hbm>>
      tpu.enqueue_dma source(%arg21 : memref<128xf32, #tpu.memory_space<vmem>>) target(%dma_start3A_560 : memref<128xf32, #tpu.memory_space<hbm>>) target_semaphore(%run_scoped3A : memref<!tpu.dma_semaphore, #tpu.memory_space<semaphore_mem>>)
      %dma_wait3A_561 = tpu.memref_slice %arg5[%mul3A_556] : memref<4096xf32, #tpu.memory_space<hbm>> -> memref<128xf32, #tpu.memory_space<hbm>>
      %dma_wait3A_562 = tpu.memref_slice %arg5[%mul3A_556] : memref<4096xf32, #tpu.memory_space<hbm>> -> memref<128xf32, #tpu.memory_space<hbm>>
      tpu.wait_dma2 semaphore(%run_scoped3A : memref<!tpu.dma_semaphore, #tpu.memory_space<semaphore_mem>>) src(%arg21 : memref<128xf32, #tpu.memory_space<vmem>>) dst(%dma_wait3A_562 : memref<128xf32, #tpu.memory_space<hbm>>)
      tpu.yield
    }) : () -> ()
    %mul3A_557 = arith.constant 128 : i32
    %mul3A_558 = arith.muli %add3A, %mul3A_557 : i32
    "tpu.region"() ({
      %run_scoped3A = tpu.sem_alloc : memref<!tpu.dma_semaphore, #tpu.memory_space<semaphore_mem>>
      %dma_start3A_559 = tpu.memref_slice %arg6[%mul3A_558] : memref<4096xi32, #tpu.memory_space<hbm>> -> memref<128xi32, #tpu.memory_space<hbm>>
      %dma_start3A_560 = tpu.memref_slice %arg6[%mul3A_558] : memref<4096xi32, #tpu.memory_space<hbm>> -> memref<128xi32, #tpu.memory_space<hbm>>
      tpu.enqueue_dma source(%arg22 : memref<128xi32, #tpu.memory_space<vmem>>) target(%dma_start3A_560 : memref<128xi32, #tpu.memory_space<hbm>>) target_semaphore(%run_scoped3A : memref<!tpu.dma_semaphore, #tpu.memory_space<semaphore_mem>>)
      %dma_wait3A_561 = tpu.memref_slice %arg6[%mul3A_558] : memref<4096xi32, #tpu.memory_space<hbm>> -> memref<128xi32, #tpu.memory_space<hbm>>
      %dma_wait3A_562 = tpu.memref_slice %arg6[%mul3A_558] : memref<4096xi32, #tpu.memory_space<hbm>> -> memref<128xi32, #tpu.memory_space<hbm>>
      tpu.wait_dma2 semaphore(%run_scoped3A : memref<!tpu.dma_semaphore, #tpu.memory_space<semaphore_mem>>) src(%arg22 : memref<128xi32, #tpu.memory_space<vmem>>) dst(%dma_wait3A_562 : memref<128xi32, #tpu.memory_space<hbm>>)
      tpu.yield
    }) : () -> ()
    return
  }
}

</mosaic_0001>

<sc_bundles>
// kernel: _sc_topk_sample.3.cloned.1.call-start
scs
__scs_entry_jumppad:
0x0: {  	(pc) =	sbr.rel $0x88, $3  }
0x1: {  	(tag) =	ssettag $0x0;
	lr =	simm.s32 $0x1  }
0x2: {  	[smem:$0x3F9E] =	sst lr;
	_ =	strace $0xD0000000  }
0x3: {  	_ = 	snop  }
0x4: {  	_ = 	snop  }
0x5: {  	_ = 	snop  }
0x6: {  	_ = 	snop  }
0x7: {  	_ = 	snop  }
__scs_overlays_trampoline_lowered:
0x8: {  	[smem:$0x3FAD] =	sst s0  }
0x9: {  	[smem:$0x3FAE] =	sst s1  }
0xa: {  	[smem:$0x3FAF] =	sst s2  }
0xb: {  	[smem:$0x3FB0] =	sst s3  }
0xc: {  	[smem:$0x3FB1] =	sst s4  }
0xd: {  	[smem:$0x3FB2] =	sst s5  }
0xe: {  	[smem:$0x3FB3] =	sst s6  }
0xf: {  	[smem:$0x3FB4] =	sst s7  }
0x10: {  	[smem:$0x3FB5] =	sst s8  }
0x11: {  	[smem:$0x3FB6] =	sst s9;
	s0 =	simm.s32 @!p0 $0x0  }
0x12: {  	s1 =	sld [smem:$0x3F9C];
	s0 =	simm.s32 @p0 $0x1  }
0x13: {  	[smem:$0x3FB7] =	sst s0;
	s0 =	simm.s32 @!p1 $0x0  }
0x14: {  	s2 =	sld [smem:$0x3F9B];
	s0 =	simm.s32 @p1 $0x1  }
0x15: {  	[smem:$0x3FB8] =	sst s0;
	s0 =	simm.s32 @!p2 $0x0  }
0x16: {  	s3 =	sld [smem:$0x3FDB];
	s0 =	simm.s32 @p2 $0x1  }
0x17: {  	s4 =	simm.s32 $0x1BF5;
	[smem:$0x3FBA] =	sst s0  }
0x18: {  	s0 =	sld [smem:$0x3F9D];
	_ =	swait.ge [sflag:s4], $0x0  }
0x19: {  	s7 =	sld [smem:$0x3F9E]  }
0x1a: {  	s8 =	sadd.s32 $0xFFFFE003, lr  }
0x1b: {  	s9 =	sadd.s32 $0xFFFFFEF7, lr;
	s5 =	simm.s32 $0xFFFFFFFF;
	p2 =	slt.u32 s8, $0xFFFFF086  }
0x1c: {  	p1 =	slt.u32 s9, $0xF7A;
	s5 =	simm.s32 @!p2 $0x0  }
0x1d: {  	s5 =	simm.s32 @p1 $0x1;
	p0 =	seq.s32 s7, s2  }
0x1e: {  	s7 =	smul.u32 @!p0 $0xF7A, s2;
	p2 =	seq.s32 @!p0 s5, $0x0  }
0x1f: {  	s9 =	smul.u32 $0xF7A, s1;
	s8 =	simm.s32 @!p0 $0x1BF5;
	p2 =	por !p2, p0  }
0x20: {  	[sflag:s8] =	ssyncset.s32 @!p0 $0xFFFFF086;
	s6 =	sadd.s32 @!p0 s3, s7;
	s7 =	simm.s32 @!p0 $0x108  }
0x21: {  	s3 =	sadd.s32 s3, s9;
	s6 =	sadd.s32 @!p0 $0x88, s6;
	s7 =	simm.s32 @p2 $0x1082  }
0x22: {  	[simem:s7], [sflag:s8] =	dma.local @!p0 [hbm:s6], $0xF7A  }
0x23: {  	s9 =	sor.u32 $0xD0000000, s2;
	s6 =	simm.s32 $0x108;
	_ =	swait.ge @!p0 [sflag:s8], $0x0  }
0x24: {  	s3 =	sadd.s32 $0x88, s3;
	s6 =	simm.s32 @!p1 $0x1082;
	[sflag:s4] =	ssyncset.s32 $0xFFFFF086  }
0x25: {  	[simem:s6], [sflag:s4] =	dma.local [hbm:s3], $0xF7A  }
0x26: {  	[smem:$0x3F9E] =	sst s1;
	(tag) =	ssettag s2;
	_ =	strace s9  }
0x27: {  	s1 =	sld [smem:$0x3FAE]  }
0x28: {  	s2 =	sld [smem:$0x3FAF]  }
0x29: {  	s4 =	sld [smem:$0x3FB1]  }
0x2a: {  	p0 =	seq.s32 s5, $0x0;
	s5 =	sld [smem:$0x3FB2]  }
0x2b: {  	s6 =	sld [smem:$0x3FB3]  }
0x2c: {  	s7 =	sld [smem:$0x3FB4]  }
0x2d: {  	s3 =	simm.s32 $0x108;
	s8 =	sld [smem:$0x3FB5]  }
0x2e: {  	s3 =	simm.s32 @!p0 $0x1082;
	s9 =	sld [smem:$0x3FB6]  }
0x2f: {  	lr =	sadd.s32 s0, s3;
	s0 =	sld [smem:$0x3FAD]  }
0x30: {  	s3 =	sld [smem:$0x3FB0]  }
0x31: {  	[smem:$0x3FB9] =	sst s10  }
0x32: {  	s10 =	sld [smem:$0x3FB7];
	_ =	sdelay $0x3  }
0x33: {  	p0 =	seq.s32 s10, $0x1;
	s10 =	sld [smem:$0x3FB9];
	_ =	sdelay $0x3  }
0x34: {  	[smem:$0x3FB9] =	sst s10  }
0x35: {  	s10 =	sld [smem:$0x3FB8];
	_ =	sdelay $0x3  }
0x36: {  	p1 =	seq.s32 s10, $0x1;
	s10 =	sld [smem:$0x3FB9];
	_ =	sdelay $0x3  }
0x37: {  	[smem:$0x3FB9] =	sst s10  }
0x38: {  	s10 =	sld [smem:$0x3FBA]  }
0x39: {  	_ = 	snop;
	(pc) =	sbr.ind lr, $3  }
0x3a: {  	_ = 	snop  }
0x3b: {  	_ = 	snop  }
0x3c: {  	p2 =	seq.s32 s10, $0x1;
	s10 =	sld [smem:$0x3FB9]  }
0x3d: {  	_ =	shalt  }
0x3e: {  	_ =	shalt  }
0x3f: {  	_ =	shalt  }
0x40: {  	_ =	shalt  }
0x41: {  	_ =	shalt  }
0x42: {  	_ =	shalt  }
0x43: {  	_ =	shalt  }
0x44: {  	_ =	shalt  }
0x45: {  	_ =	shalt  }
0x46: {  	_ =	shalt  }
0x47: {  	_ =	shalt  }
0x48: {  	_ =	shalt  }
0x49: {  	_ =	shalt  }
0x4a: {  	_ =	shalt  }
0x4b: {  	_ =	shalt  }
0x4c: {  	_ =	shalt  }
0x4d: {  	_ =	shalt  }
0x4e: {  	_ =	shalt  }
0x4f: {  	_ =	shalt  }
0x50: {  	_ =	shalt  }
0x51: {  	_ =	shalt  }
0x52: {  	_ =	shalt  }
0x53: {  	_ =	shalt  }
0x54: {  	_ =	shalt  }
0x55: {  	_ =	shalt  }
0x56: {  	_ =	shalt  }
0x57: {  	_ =	shalt  }
0x58: {  	_ =	shalt  }
0x59: {  	_ =	shalt  }
0x5a: {  	_ =	shalt  }
0x5b: {  	_ =	shalt  }
0x5c: {  	_ =	shalt  }
0x5d: {  	_ =	shalt  }
0x5e: {  	_ =	shalt  }
0x5f: {  	_ =	shalt  }
0x60: {  	_ =	shalt  }
0x61: {  	_ =	shalt  }
0x62: {  	_ =	shalt  }
0x63: {  	_ =	shalt  }
0x64: {  	_ =	shalt  }
0x65: {  	_ =	shalt  }
0x66: {  	_ =	shalt  }
0x67: {  	_ =	shalt  }
0x68: {  	_ =	shalt  }
0x69: {  	_ =	shalt  }
0x6a: {  	_ =	shalt  }
0x6b: {  	_ =	shalt  }
0x6c: {  	_ =	shalt  }
0x6d: {  	_ =	shalt  }
0x6e: {  	_ =	shalt  }
0x6f: {  	_ =	shalt  }
0x70: {  	_ =	shalt  }
0x71: {  	_ =	shalt  }
0x72: {  	_ =	shalt  }
0x73: {  	_ =	shalt  }
0x74: {  	_ =	shalt  }
0x75: {  	_ =	shalt  }
0x76: {  	_ =	shalt  }
0x77: {  	_ =	shalt  }
0x78: {  	_ =	shalt  }
0x79: {  	_ =	shalt  }
0x7a: {  	_ =	shalt  }
0x7b: {  	_ =	shalt  }
0x7c: {  	_ =	shalt  }
0x7d: {  	_ =	shalt  }
0x7e: {  	_ =	shalt  }
0x7f: {  	_ =	shalt  }
0x80: {  	_ =	shalt  }
0x81: {  	_ =	shalt  }
0x82: {  	_ =	shalt  }
0x83: {  	_ =	shalt  }
0x84: {  	_ =	shalt  }
0x85: {  	_ =	shalt  }
0x86: {  	_ =	shalt  }
0x87: {  	_ =	shalt  }
.Lfunc_end0:
.L_simem_size_0:
called_computation_lowered:
.L_overlay_start_0:
0x88: {  	s2 =	sld [smem:$0x3FD9]  }
0x89: {  	s3 =	sld [smem:$0x3FFE];
	_ =	sdelay $0x1  }
0x8a: {  	s1 =	srdreg.scid  }
0x8b: {  	s0 =	sand.u32 $0x1, s1  }
0x8c: {  	s15 =	sshll.u32 s0, $0xA;
	s2 =	sadd.s32 s3, s2  }
0x8d: {  	s2 =	sadd.s32 s2, s15  }
0x8e: {  	[smem:$0x3FC5] =	sst s2  }
0x8f: {  	_ = 	snop  }
0x90: {  	s2 =	sld [smem:$0x3FD0]  }
0x91: {  	s16 =	sld [smem:$0x3FC9]  }
0x92: {  	s4 =	sld [smem:$0x3FC8]  }
0x93: {  	s6 =	simm.s32 $0xA;
	s7 =	simm.s32 $0x10;
	s5 =	sld [smem:$0x3FC7]  }
0x94: {  	[smem:s7], [sflag:s6] =	dma.local [hbm:s2], $0x1  }
0x95: {  	_ =	swait.eq [sflag:s6], $0x1  }
0x96: {  	[sflag:s6] =	ssyncset.done $0x0  }
0x97: {  	s17 =	sld [smem:$0x10];
	[sflag:s6] =	ssyncadd.s32 $0xFFFFFFFF  }
0x98: {  	s18 =	sld [smem:$0x11];
	(tm) =	ssettm $0x1  }
0x99: {  	s19 =	sld [smem:$0x3FFB];
	_ =	sdelay $0x3  }
0x9a: {  	_ =	strace s19  }
0x9b: {  	s7 =	sld [smem:$0x3FFC];
	_ =	sdelay $0x3  }
0x9c: {  	_ =	strace s7  }
0x9d: {  	s7 =	sld [smem:$0x3FFD];
	_ =	sdelay $0x3  }
0x9e: {  	_ =	strace s7  }
0x9f: {  	_ =	strace $0x8FFFFFFF  }
0xa0: {  	s20 =	sld [smem:$0x3FDB];
	_ =	sdelay $0x1  }
0xa1: {  	s8 =	simm.s32 $_scs_section_size  }
0xa2: {  	s9 =	simm.s32 $_size__tile_overlayer_lowered;
	s10 =	simm.s32 $_tile_overlayer_lowered  }
0xa3: {  	s23 =	simm.s32 $0x1BFF;
	s22 =	sshll.u32 s10, $0x1;
	s7 =	sadd.s32 s8, s20  }
0xa4: {  	s11 =	simm.s32 $0x0;
	s21 =	sshll.u32 s9, $0x1;
	s9 =	sadd.s32 s22, s7  }
0xa5: {  	[timem:s11], [sflag:s23] =	dma.local [hbm:s9], s21  }
0xa6: {  	_ =	swait.ge [sflag:s23], s21  }
0xa7: {  	s8 =	ssub.s32 $0x0, s21;
	[sflag:s23] =	ssyncset.done $0x0  }
0xa8: {  	[sflag:s23] =	ssyncadd.s32 s8;
	_ =	sdelay $0x1  }
0xa9: {  	s24 =	simm.s32 $0x1B8B  }
0xaa: {  	_ =	swait.ge [sflag:s24], $0x1  }
0xab: {  	[sflag:s24] =	ssyncset.done $0x0  }
0xac: {  	s25 =	simm.s32 $0x1B8E;
	[sflag:s24] =	ssyncadd.s32 $0xFFFFFFFF  }
0xad: {  	s26 =	simm.s32 $execute0_lowered;
	[smem:$0x3FD2] =	sst s25  }
0xae: {  	s8 =	sshll.u32 s26, $0x1;
	_ =	strace $0x80000046;
	[dreg:$0x1] =	wrdreg $0xFFFFFFFF  }
0xaf: {  	s28 =	simm.s32 $_size_execute0_lowered;
	s7 =	sadd.s32 s7, s8;
	[dreg:$0x0] =	wrdreg $0x0  }
0xb0: {  	s8 =	sshll.u32 s28, $0x1;
	[dreg:$0x2] =	wrdreg s7  }
0xb1: {  	[dreg:$0x3] =	wrdreg s8  }
0xb2: {  	[dreg:$0x4] =	wrdreg $0xC0  }
0xb3: {  	_ =	task [dreg:s11], $0x5FFFF  }
0xb4: {  	[dreg:$0x1] =	wrdreg $0xFFFFFFFF  }
0xb5: {  	[dreg:$0x0] =	wrdreg $0x60  }
0xb6: {  	[dreg:$0x2] =	wrdreg s16  }
0xb7: {  	[dreg:$0x3] =	wrdreg s4  }
0xb8: {  	[dreg:$0x4] =	wrdreg s5  }
0xb9: {  	[dreg:$0x5] =	wrdreg s17  }
0xba: {  	[dreg:$0x6] =	wrdreg s18  }
0xbb: {  	[dreg:$0x7] =	wrdreg $0x9  }
0xbc: {  	_ =	task.clear_ibuf [dreg:s11], $0x8FFFF;
	_ =	strace $0x90000046  }
0xbd: {  	s29 =	simm.s32 $0x9;
	_ =	strace $0x80000048  }
0xbe: {  	_ =	swait.ge [sflag:s29], $0x1  }
0xbf: {  	[sflag:s29] =	ssyncadd.s32 $0xFFFFFFFF  }
0xc0: {  	_ =	strace $0x90000048  }
0xc1: {  	_ =	sfence  }
0xc2: {  	s30 =	sld [smem:$0x0];
	_ =	sdelay $0x2  }
0xc3: {  	s31 =	sshll.u32 s1, $0xD;
	s1 =	sshrl.u32 s1, $0x2  }
0xc4: {  	s3 =	sand.u32 $0x4000, s31;
	s1 =	sadd.s32 s1, s30  }
0xc5: {  	s0 =	sor.u32 s3, s0;
	s1 =	sshll.u32 s1, $0x11  }
0xc6: {  	s0 =	sor.u32 s1, s0  }
0xc7: {  	s0 =	sadd.s32 $0x8F2B, s0  }
0xc8: {  	[sflag:s0] =	ssyncadd.remote.s32 $0x1  }
0xc9: {  	_ =	sfence.sel $0xFFFF  }
0xca: {  	[dreg:$0x0] =	wrdreg $0xFFFFFFFF;
	(pc) =	sbr.abs _section_cstart, $3  }
0xcb: {  	[dreg:$0x1] =	wrdreg $0xFFFFFFFF  }
0xcc: {  	_ =	task.clear_ibuf [dreg:s11], $0x2FFFF;
	_ =	strace $0x9FFFFFFF  }
0xcd: {  	(tm) =	ssettm $0x7FFFFFFF  }
tec
execute0_lowered:
.L_overlay_start_1:
0x0: {  	(tag) =	ssettag $0x1  }
0x1: {  	s1 =	rddreg [dreg:$0x0]  }
0x2: {  	s0 =	rddreg [dreg:$0x1]  }
0x3: {  	s3 =	rddreg [dreg:$0x2]  }
0x4: {  	s5 =	rddreg [dreg:$0x3];
	s2 =	simm.s32 $0x0  }
0x5: {  	[smem:$0x7FF] =	sst s2  }
0x6: {  	s6 =	rddreg [dreg:$0x4];
	v2 =	vimm.f32 $-Inf;
	_ =	strace $0x80000047  }
0x7: {  	v0 =	vimm.s32 $0xFFFFFFFF;
	(xrf0) =	vmax.scan.msk.f32 $0xffff, v2  }
0x8: {  	(xrf0) =	vmin.scan.msk.u32 $0xffff, v0;
	_ =	sdelay $0x4  }
0x9: {  	v0, _, _ =	vpop (xrf0)  }
0xa: {  	v1, _, _ =	vpop (xrf0)  }
0xb: {  	(v2sf) =	vpush v1, $0xF;
	_ =	sdelay $0x1  }
0xc: {  	s4 =	srdreg.scid  }
0xd: {  	s9 =	stileid.u32;
	s14 =	simm.s32 $0x100;
	s15 =	simm.s32 $0x400  }
0xe: {  	s16 =	simm.s32 $0x8000;
	s17 =	simm.s32 $0x1;
	s4 =	sand.u32 $0x1, s4  }
0xf: {  	s18 =	simm.s32 $0x14280;
	s29 =	simm.s32 $0x15A80;
	s7 =	sshll.u32 s4, $0x4  }
0x10: {  	s30 =	simm.s32 $0x0;
	s10 =	ssub.s32 $0x2, s4;
	s8 =	sor.u32 s9, s7  }
0x11: {  	s9 =	sshll.u32 s9, $0x8;
	s20 =	sshrl.u32 s10, $0x1;
	s11 =	sshll.u32 s8, $0x4  }
0x12: {  	s7 =	sshrl.u32 s8, $0x2;
	s19 =	sand.u32 $0x300, s9;
	s24 =	sadd.s32 s3, s11  }
0x13: {  	s10 =	ssub.s32 s10, s20;
	s25 =	sadd.s32 s5, s11;
	[dreg:$0x8] =	wrdreg s24  }
0x14: {  	s23 =	smul.u32 $0x50, s8;
	s26 =	sadd.s32 s6, s11;
	[dreg:$0x9] =	wrdreg s25  }
0x15: {  	s7 =	smul.u32 $0x7A1400, s7;
	s31 =	smax.u32 s10, $0x1;
	[dreg:$0xa] =	wrdreg s26;
	v8 =	vbroadcast v0, $0xF  }
0x16: {  	s9 =	sadd.s32 s0, s23;
	[dreg:$0xb] =	wrdreg s31;
	s23 =	simm.s32 $0x15880;
	v1 =	vlaneseq.u32  }
0x17: {  	s24 =	simm.s32 $0x3;
	s25 =	simm.s32 $0x15900;
	s4 =	sor.u32 s19, s7;
	v3 =	vor.u32 $0x80000030, v1;
	[tilespmem:$0x1FFE0] =	vst v8  }
.Ltmp0:
0x18: {  	s19 =	simm.s32 $0x2;
	s7 =	sshrl.u32 s4, $0x3;
	[tilespmem:$0x1FFA0] =	vst v3;
	v3 =	vor.u32 $0x80000020, v1;
	(pc) =	sbr.rel .LBB2_1-.Ltmp0, $4  }
0x19: {  	s21 =	sadd.s32 $0x20000, s4;
	s8 =	sadd.s32 $0x60000, s4;
	[tilespmem:$0x1FFB0] =	vst v3;
	v3 =	vor.u32 $0x80000010, v1;
	s28 =	spop (v2sf)  }
0x1a: {  	s7 =	sadd.s32 s1, s7;
	s22 =	sshrl.u32 s21, $0x3;
	v1 =	vor.u32 $0x80000000, v1;
	[tilespmem:$0x1FFC0] =	vst v3;
	s0 =	sxor.u32 $0x80000000, s28  }
0x1b: {  	s21 =	simm.s32 $0x80000000;
	[dreg:$0x6] =	wrdreg s7;
	s7 =	sadd.s32 s1, s22;
	[tilespmem:$0x1FFD0] =	vst v1;
	v9 =	vmov s0  }
0x1c: {  	v0 =	vimm.s32 $0x7FFFFFFF;
	s22 =	simm.s32 $0x14680;
	[dreg:$0x7] =	wrdreg s7;
	s7 =	sadd.s32 $0x40000, s4;
	[tilespmem:$0x1FFF0] =	vst v9  }
.LBB2_44:
0x1d: {  	s0 =	rddreg [dreg:$0x8];
	s3 =	simm.s32 $0x15980  }
0x1e: {  	[tilespmem:s3], [sflag:$0x3] =	stream.linear.gather [hbm4b:s0+s2], $0x80, $0x38;
	[tilespmem:$0x15B00] =	vst v63  }
0x1f: {  	_ =	swait.ge [sflag:s24], $0x80  }
0x20: {  	[sflag:s24] =	ssyncset.done $0x0  }
0x21: {  	[sflag:s24] =	ssyncadd.s32 $0xFFFFFF80  }
0x22: {  	v0 =	vld [tilespmem:$0x15880]  }
0x23: {  	v1 =	vld [tilespmem:$0x15980]  }
0x24: {  	v2 =	vld [tilespmem:$0x15890]  }
0x25: {  	v3 =	vld [tilespmem:$0x15990]  }
0x26: {  	v4 =	vld [tilespmem:$0x158A0]  }
0x27: {  	v5 =	vld [tilespmem:$0x159A0]  }
0x28: {  	v6 =	vld [tilespmem:$0x158B0]  }
0x29: {  	v7 =	vld [tilespmem:$0x159B0];
	_ =	sdelay $0x3  }
0x2a: {  	v0 =	vadd.f32 v1, v0;
	v1 =	vadd.f32 v3, v2  }
0x2b: {  	v2 =	vadd.f32 v5, v4;
	v3 =	vadd.f32 v7, v6;
	_ =	sdelay $0x1  }
0x2c: {  	v58 =	vmax.f32 v0, v1;
	v5 =	vmax.f32 v2, v3  }
0x2d: {  	v4 =	vmax.f32 v58, v5  }
0x2e: {  	(xrf0) =	vmax.scan.msk.f32 $0xffff, v4;
	_ =	sdelay $0x4  }
0x2f: {  	v12 =	vld [tilespmem:$0x1FFA0]  }
0x30: {  	v13 =	vld [tilespmem:$0x1FFB0];
	v4, _, _ =	vpop (xrf0)  }
0x31: {  	v14 =	vld [tilespmem:$0x1FFC0];
	v4 =	vbroadcast v4, $0xF  }
0x32: {  	v15 =	vld [tilespmem:$0x1FFD0]  }
0x33: {  	vm0 =	veq.f32 v3, v4  }
0x34: {  	vm1 =	veq.f32 v2, v4;
	v2 =	vnsel vm0, $0xFFFFFFFF, v12  }
0x35: {  	vm10 =	veq.f32 v1, v4;
	v1 =	vsel vm1, v13, v2  }
0x36: {  	vm11 =	veq.f32 v0, v4;
	v0 =	vsel vm10, v14, v1  }
0x37: {  	v0 =	vsel vm11, v15, v0  }
0x38: {  	(xrf0) =	vmin.scan.msk.u32 $0xffff, v0;
	_ =	sdelay $0x5  }
0x39: {  	v0, _, _ =	vpop (xrf0)  }
0x3a: {  	(v2sf) =	vpush v0, $0xF;
	_ =	sdelay $0x5  }
0x3b: {  	[tilespmem:$0x15A00] =	vst v11  }
0x3c: {  	[tilespmem:$0x15A80] =	vst v10  }
0x3d: {  	[tilespmem:$0x15A10] =	vst v11  }
0x3e: {  	[tilespmem:$0x15A90] =	vst v10  }
0x3f: {  	[tilespmem:$0x15A20] =	vst v11  }
0x40: {  	[tilespmem:$0x15AA0] =	vst v10  }
0x41: {  	[tilespmem:$0x15A30] =	vst v11  }
0x42: {  	[tilespmem:$0x15AB0] =	vst v10  }
0x43: {  	[tilespmem:$0x15A40] =	vst v11  }
0x44: {  	[tilespmem:$0x15AC0] =	vst v10;
	s12 =	spop (v2sf)  }
0x45: {  	[tilespmem:$0x15A50] =	vst v11;
	s0 =	sxor.u32 $0x80000000, s12  }
0x46: {  	[tilespmem:$0x15AD0] =	vst v10;
	v0 =	vmov s0  }
0x47: {  	[tilespmem:$0x15A60] =	vst v11  }
0x48: {  	[tilespmem:$0x15AE0] =	vst v10  }
0x49: {  	[tilespmem:$0x15A70] =	vst v11  }
0x4a: {  	[tilespmem:$0x15AF0] =	vst v10  }
0x4b: {  	v1 =	vld.idx.msk [tilespmem:v0+s23+$0x0], $0xffff;
	_ =	sdelay $0x3  }
0x4c: {  	s13 =	simm.s32 $0x15A00  }
0x4d: {  	[tilespmem:v10+s13+$0x0] =	vst.idx.msk $0x1, v1  }
0x4e: {  	v0 =	vld.idx.msk [tilespmem:v0+s25+$0x0], $0xffff;
	_ =	sdelay $0x4  }
0x4f: {  	[tilespmem:v10+s29+$0x0] =	vst.idx.msk $0x1, v0  }
0x50: {  	v0 =	vld [tilespmem:$0x15880]  }
0x51: {  	v1 =	vld [tilespmem:$0x159C0]  }
0x52: {  	v2 =	vld [tilespmem:$0x15890]  }
0x53: {  	v3 =	vld [tilespmem:$0x159D0]  }
0x54: {  	v59 =	vld [tilespmem:$0x158A0]  }
0x55: {  	v60 =	vld [tilespmem:$0x159E0]  }
0x56: {  	v61 =	vld [tilespmem:$0x158B0]  }
0x57: {  	v62 =	vld [tilespmem:$0x159F0];
	_ =	sdelay $0x3  }
0x58: {  	v0 =	vadd.f32 v1, v0;
	v1 =	vadd.f32 v3, v2  }
0x59: {  	v2 =	vadd.f32 v60, v59;
	v3 =	vadd.f32 v62, v61;
	_ =	sdelay $0x1  }
0x5a: {  	v63 =	vmax.f32 v0, v1;
	v5 =	vmax.f32 v2, v3  }
0x5b: {  	v4 =	vmax.f32 v63, v5  }
0x5c: {  	(xrf0) =	vmax.scan.msk.f32 $0xffff, v4;
	_ =	sdelay $0x5  }
0x5d: {  	v4, _, _ =	vpop (xrf0)  }
0x5e: {  	v4 =	vbroadcast v4, $0xF;
	_ =	sdelay $0x1  }
0x5f: {  	vm12 =	veq.f32 v3, v4  }
0x60: {  	vm13 =	veq.f32 v2, v4;
	v2 =	vnsel vm12, $0xFFFFFFFF, v12  }
0x61: {  	vm14 =	veq.f32 v1, v4;
	v1 =	vsel vm13, v13, v2  }
0x62: {  	vm15 =	veq.f32 v0, v4;
	v0 =	vsel vm14, v14, v1  }
0x63: {  	v0 =	vsel vm15, v15, v0  }
0x64: {  	(xrf0) =	vmin.scan.msk.u32 $0xffff, v0;
	_ =	sdelay $0x5  }
0x65: {  	v0, _, _ =	vpop (xrf0)  }
0x66: {  	(v2sf) =	vpush v0, $0xF;
	_ =	sdelay $0xe  }
0x67: {  	s20 =	spop (v2sf)  }
0x68: {  	s0 =	sxor.u32 $0x80000000, s20  }
0x69: {  	v0 =	vmov s0;
	_ =	sdelay $0x4  }
0x6a: {  	v2 =	vimm.s32 $0x1;
	v1 =	vld.idx.msk [tilespmem:v0+s23+$0x0], $0xffff;
	_ =	sdelay $0x4  }
0x6b: {  	[tilespmem:v2+s13+$0x0] =	vst.idx.msk $0x1, v1  }
0x6c: {  	v0 =	vld.idx.msk [tilespmem:v0+s25+$0x0], $0xffff;
	_ =	sdelay $0x4  }
0x6d: {  	s26 =	rddreg [dreg:$0x9];
	[tilespmem:v2+s29+$0x0] =	vst.idx.msk $0x1, v0  }
0x6e: {  	[hbm4b:s26+s2] =	stream.linear.scatter [tilespmem:s13], [sflag:$0x3], $0x80, $0x38;
	[tilespmem:$0x15B00] =	vst v63  }
0x6f: {  	_ =	swait.ge [sflag:s24], $0x80  }
0x70: {  	[sflag:s24] =	ssyncset.done $0x0  }
0x71: {  	s28 =	rddreg [dreg:$0xa];
	[sflag:s24] =	ssyncadd.s32 $0xFFFFFF80  }
0x72: {  	[hbm4b:s28+s2] =	stream.linear.scatter [tilespmem:s29], [sflag:$0x3], $0x80, $0x38;
	[tilespmem:$0x15B00] =	vst v63  }
0x73: {  	_ =	swait.ge [sflag:s24], $0x80  }
0x74: {  	s30 =	sadd.s32 $0x1, s30;
	s31 =	rddreg [dreg:$0xb]  }
0x75: {  	p0 =	sne.s32 s30, s31  }
.Ltmp1:
0x76: {  	_ = 	snop;
	(pc) =	sbr.rel @!p0 .LBB2_45-.Ltmp1, $3  }
0x77: {  	_ =	sdelay $0x1  }
0x78: {  	[sflag:s24] =	ssyncset.done $0x0  }
0x79: {  	v2 =	vimm.f32 $-Inf;
	v0 =	vimm.s32 $0x7FFFFFFF;
	[sflag:s24] =	ssyncadd.s32 $0xFFFFFF80  }
.LBB2_1:
0x7a: {  	s0 =	rddreg [dreg:$0x6]  }
0x7b: {  	[tilespmem:s2], [sflag:$0x1] =	stream.strided.gather [hbm4b:s0+s14], $0x8000, s15, s14, $0x38;
	[tilespmem:$0x15B00] =	vst v63  }
0x7c: {  	s31 =	rddreg [dreg:$0x7];
	s3 =	simm.s32 $0x0;
	s0 =	simm.s32 $0x40  }
0x7d: {  	[tilespmem:s16], [sflag:$0x2] =	stream.strided.gather [hbm4b:s31+s14], $0x8000, s15, s14, $0x38;
	[tilespmem:$0x15B00] =	vst v63  }
.LBB2_2:
0x7e: {  	p0 =	sne.s32 s0, $0x1FC0;
	[tilespmem:s3+$0x14880] =	vst v2;
	s5 =	smov.u32 s0;
	s0 =	sadd.s32 $0x40, s0  }
.Ltmp2:
0x7f: {  	[tilespmem:s3+$0x15080] =	vst v0;
	(pc) =	sbr.rel @p0 .LBB2_2-.Ltmp2, $2  }
0x80: {  	_ =	sdelay $0x2  }
0x81: {  	s3 =	sshra.s32 s5, $0x2  }
0x82: {  	[tilespmem:s3+$0x14880] =	vst v2  }
0x83: {  	[tilespmem:s3+$0x15080] =	vst v0  }
0x84: {  	[tilespmem:$0x14110] =	vst v2  }
0x85: {  	[tilespmem:$0x14120] =	vst v2  }
0x86: {  	[tilespmem:$0x14130] =	vst v2  }
0x87: {  	[tilespmem:$0x14140] =	vst v2  }
0x88: {  	[tilespmem:$0x14150] =	vst v2  }
0x89: {  	[tilespmem:$0x14160] =	vst v2  }
0x8a: {  	[tilespmem:$0x14170] =	vst v2  }
0x8b: {  	[tilespmem:$0x14180] =	vst v2  }
0x8c: {  	[tilespmem:$0x14190] =	vst v2  }
0x8d: {  	[tilespmem:$0x141A0] =	vst v2  }
0x8e: {  	[tilespmem:$0x141B0] =	vst v2  }
0x8f: {  	[tilespmem:$0x141C0] =	vst v2  }
0x90: {  	[tilespmem:$0x141D0] =	vst v2  }
0x91: {  	[tilespmem:$0x141E0] =	vst v2  }
0x92: {  	[tilespmem:$0x141F0] =	vst v2  }
0x93: {  	[tilespmem:$0x14200] =	vst v2  }
0x94: {  	[tilespmem:$0x14210] =	vst v2  }
0x95: {  	[tilespmem:$0x14220] =	vst v2  }
0x96: {  	[tilespmem:$0x14230] =	vst v2  }
0x97: {  	[tilespmem:$0x14240] =	vst v2  }
0x98: {  	[tilespmem:$0x14250] =	vst v2  }
0x99: {  	[tilespmem:$0x14260] =	vst v2  }
0x9a: {  	[tilespmem:$0x14270] =	vst v2  }
0x9b: {  	s31 =	simm.s32 $0x0;
	s0 =	simm.s32 $0x12280;
	[tilespmem:$0x14460] =	vst v2  }
0x9c: {  	s11 =	simm.s32 $0x8;
	s20 =	simm.s32 $0x12300;
	s26 =	simm.s32 $0x0;
	[tilespmem:$0x14470] =	vst v2  }
.LBB2_4:
0x9d: {  	_ =	swait.ge [sflag:s17], $0x8000  }
0x9e: {  	[sflag:s17] =	ssyncset.done $0x0  }
0x9f: {  	s3 =	simm.s32 $0x800;
	[sflag:s17] =	ssyncadd.s32 $0xFFFF8000  }
0xa0: {  	v36 =	vld [tilespmem:s3+$0x740]  }
0xa1: {  	v0 =	vld [tilespmem:s3+$0x750]  }
0xa2: {  	v37 =	vld [tilespmem:s3+$0x700]  }
0xa3: {  	v38 =	vld [tilespmem:s3+$0x640]  }
0xa4: {  	v39 =	vld [tilespmem:s3+$0x600]  }
0xa5: {  	v40 =	vld [tilespmem:s3+$0x540]  }
0xa6: {  	v21 =	vld [tilespmem:s3+$0x550]  }
0xa7: {  	v41 =	vld [tilespmem:s3+$0x500]  }
0xa8: {  	v23 =	vld [tilespmem:s3+$0x510]  }
0xa9: {  	v42 =	vld [tilespmem:s3+$0x440]  }
0xaa: {  	v25 =	vld [tilespmem:s3+$0x450]  }
0xab: {  	v26 =	vld [tilespmem:s3+$0x460]  }
0xac: {  	v43 =	vld [tilespmem:s3+$0x400]  }
0xad: {  	v27 =	vld [tilespmem:s3+$0x410]  }
0xae: {  	v28 =	vld [tilespmem:s3+$0x420]  }
0xaf: {  	v44 =	vld [tilespmem:s3+$0x340]  }
0xb0: {  	v19 =	vld [tilespmem:s3+$0x350]  }
0xb1: {  	v45 =	vld [tilespmem:s3+$0x300]  }
0xb2: {  	v18 =	vld [tilespmem:s3+$0x310]  }
0xb3: {  	v46 =	vld [tilespmem:s3+$0x240]  }
0xb4: {  	v16 =	vld [tilespmem:s3+$0x250]  }
0xb5: {  	v47 =	vld [tilespmem:s3+$0x200]  }
0xb6: {  	v15 =	vld [tilespmem:s3+$0x210]  }
0xb7: {  	v31 =	vld [tilespmem:s3+$0x220]  }
0xb8: {  	v48 =	vld [tilespmem:s3+$0x140]  }
0xb9: {  	v14 =	vld [tilespmem:s3+$0x150]  }
0xba: {  	v13 =	vld [tilespmem:s3+$0x160]  }
0xbb: {  	[tilespmem:$0x1FEE0] =	vst v0;
	v0 =	vld [tilespmem:s3+$0x760]  }
0xbc: {  	v49 =	vld [tilespmem:s3+$0x100]  }
0xbd: {  	v12 =	vld [tilespmem:s3+$0x110]  }
0xbe: {  	v50 =	vld [tilespmem:s3+$0x40]  }
0xbf: {  	v32 =	vld [tilespmem:s3+$0x50]  }
0xc0: {  	[tilespmem:$0x1FEF0] =	vst v0;
	v0 =	vld [tilespmem:s3+$0x710]  }
0xc1: {  	v51 =	vld [tilespmem:s3+$0x0]  }
0xc2: {  	v10 =	vld [tilespmem:s3+$0x10]  }
0xc3: {  	v52 =	vld [tilespmem:s3+$0xFFFFFF40]  }
0xc4: {  	v8 =	vld [tilespmem:s3+$0xFFFFFF50]  }
0xc5: {  	[tilespmem:$0x1FEC0] =	vst v0;
	v0 =	vld [tilespmem:s3+$0x720]  }
0xc6: {  	v7 =	vld [tilespmem:s3+$0xFFFFFF60]  }
0xc7: {  	v53 =	vld [tilespmem:s3+$0xFFFFFF00]  }
0xc8: {  	v34 =	vld [tilespmem:s3+$0xFFFFFF10]  }
0xc9: {  	v35 =	vld [tilespmem:s3+$0xFFFFFF20]  }
0xca: {  	[tilespmem:$0x1FED0] =	vst v0;
	v0 =	vld [tilespmem:s3+$0x650]  }
0xcb: {  	v54 =	vld [tilespmem:s3+$0xFFFFFE40]  }
0xcc: {  	v55 =	vld [tilespmem:s3+$0xFFFFFE50]  }
0xcd: {  	v56 =	vld [tilespmem:s3+$0xFFFFFE60]  }
0xce: {  	v57 =	vld [tilespmem:s3+$0xFFFFFE00]  }
0xcf: {  	[tilespmem:$0x1FEA0] =	vst v0;
	v0 =	vld [tilespmem:s3+$0x660]  }
0xd0: {  	v58 =	vld [tilespmem:s3+$0xFFFFFE10]  }
0xd1: {  	v59 =	vld [tilespmem:s3+$0xFFFFFE20]  }
0xd2: {  	v60 =	vld [tilespmem:s3+$0xFFFFFD40]  }
0xd3: {  	v61 =	vld [tilespmem:s3+$0xFFFFFD50]  }
0xd4: {  	[tilespmem:$0x1FEB0] =	vst v0;
	v0 =	vld [tilespmem:s3+$0x610]  }
0xd5: {  	v62 =	vld [tilespmem:s3+$0xFFFFFD60]  }
0xd6: {  	v63 =	vld [tilespmem:s3+$0xFFFFFD00]  }
0xd7: {  	v6 =	vld [tilespmem:s3+$0xFFFFFD10]  }
0xd8: {  	v1 =	vld [tilespmem:s3+$0xFFFFF840]  }
0xd9: {  	[tilespmem:$0x1FE90] =	vst v0;
	v0 =	vld [tilespmem:s3+$0xFFFFF800]  }
0xda: {  	v2 =	vld [tilespmem:s3+$0xFFFFF900]  }
0xdb: {  	v3 =	vld [tilespmem:s3+$0xFFFFF940]  }
0xdc: {  	v4 =	vld [tilespmem:s3+$0xFFFFFA00]  }
0xdd: {  	v5 =	vld [tilespmem:s3+$0xFFFFFA40]  }
0xde: {  	v0 =	vmax.f32 v0, v1;
	v1 =	vld [tilespmem:s3+$0xFFFFFB00]  }
0xdf: {  	v0 =	vmax.f32 v0, v2;
	v2 =	vld [tilespmem:s3+$0xFFFFFB40]  }
0xe0: {  	v0 =	vmax.f32 v0, v3;
	v3 =	vld [tilespmem:s3+$0xFFFFFC00]  }
0xe1: {  	v0 =	vmax.f32 v0, v4;
	v4 =	vld [tilespmem:s3+$0xFFFFFC40]  }
0xe2: {  	v0 =	vmax.f32 v0, v5;
	v5 =	vld [tilespmem:s3+$0xFFFFFD20]  }
0xe3: {  	v0 =	vmax.f32 v0, v1;
	v1 =	vld [tilespmem:s3+$0xFFFFFC50]  }
0xe4: {  	v0 =	vmax.f32 v0, v2;
	v2 =	vld [tilespmem:s3+$0xFFFFFC60]  }
0xe5: {  	v0 =	vmax.f32 v0, v3;
	v3 =	vld [tilespmem:s3+$0xFFFFFC10]  }
0xe6: {  	v0 =	vmax.f32 v0, v4;
	v4 =	vld [tilespmem:s3+$0xFFFFFC20]  }
0xe7: {  	v0 =	vmax.f32 v0, v63;
	v63 =	vld [tilespmem:s3+$0xFFFFFB50]  }
0xe8: {  	v0 =	vmax.f32 v0, v60;
	v60 =	vld [tilespmem:s3+$0xFFFFFB60]  }
0xe9: {  	v0 =	vmax.f32 v0, v57;
	v57 =	vld [tilespmem:s3+$0xFFFFFB10]  }
0xea: {  	v0 =	vmax.f32 v0, v54;
	v54 =	vld [tilespmem:s3+$0xFFFFFB20]  }
0xeb: {  	v0 =	vmax.f32 v0, v53;
	v53 =	vld [tilespmem:s3+$0xFFFFFA50]  }
0xec: {  	v0 =	vmax.f32 v0, v52;
	v52 =	vld [tilespmem:s3+$0xFFFFFA60]  }
0xed: {  	v0 =	vmax.f32 v0, v51;
	v51 =	vld [tilespmem:s3+$0xFFFFFA10]  }
0xee: {  	v0 =	vmax.f32 v0, v50;
	v50 =	vld [tilespmem:s3+$0xFFFFFA20]  }
0xef: {  	v0 =	vmax.f32 v0, v49;
	v49 =	vld [tilespmem:s3+$0xFFFFF950]  }
0xf0: {  	v0 =	vmax.f32 v0, v48;
	v48 =	vld [tilespmem:s3+$0xFFFFF960]  }
0xf1: {  	v0 =	vmax.f32 v0, v47;
	v47 =	vld [tilespmem:s3+$0xFFFFF910]  }
0xf2: {  	v0 =	vmax.f32 v0, v46;
	v46 =	vld [tilespmem:s3+$0xFFFFF920]  }
0xf3: {  	v0 =	vmax.f32 v0, v45;
	v45 =	vld [tilespmem:s3+$0xFFFFF810]  }
0xf4: {  	v0 =	vmax.f32 v0, v44;
	v44 =	vld [tilespmem:s3+$0xFFFFF850]  }
0xf5: {  	v0 =	vmax.f32 v0, v43;
	v43 =	vld [tilespmem:s3+$0xFFFFF820]  }
0xf6: {  	v0 =	vmax.f32 v0, v42;
	v42 =	vld [tilespmem:s3+$0xFFFFF860]  }
0xf7: {  	v0 =	vmax.f32 v0, v41;
	v41 =	vld [tilespmem:s3+$0xFFFFF830]  }
0xf8: {  	v0 =	vmax.f32 v0, v40;
	v40 =	vld [tilespmem:s3+$0xFFFFF870]  }
0xf9: {  	v0 =	vmax.f32 v0, v39;
	v39 =	vld [tilespmem:s3+$0xFFFFF930]  }
0xfa: {  	v0 =	vmax.f32 v0, v38;
	v38 =	vld [tilespmem:s3+$0xFFFFF970]  }
0xfb: {  	v0 =	vmax.f32 v0, v37;
	v37 =	vld [tilespmem:s3+$0xFFFFFA30]  }
0xfc: {  	v0 =	vmax.f32 v0, v36;
	v36 =	vld [tilespmem:s3+$0xFFFFFA70]  }
0xfd: {  	v44 =	vmax.f32 v45, v44;
	v42 =	vmax.f32 v43, v42;
	v40 =	vmax.f32 v41, v40;
	v41 =	vld [tilespmem:s3+$0xFFFFFB30]  }
0xfe: {  	v45 =	vmax.f32 v44, v47;
	v47 =	vld [tilespmem:s3+$0xFFFFFB70];
	v42 =	vmax.f32 v42, v46;
	v39 =	vmax.f32 v40, v39  }
0xff: {  	v43 =	vmax.f32 v45, v49;
	v49 =	vld [tilespmem:s3+$0xFFFFFC30];
	v42 =	vmax.f32 v42, v48;
	v38 =	vmax.f32 v39, v38  }
0x100: {  	v43 =	vmax.f32 v43, v51;
	v51 =	vld [tilespmem:s3+$0xFFFFFC70];
	v42 =	vmax.f32 v42, v50;
	v37 =	vmax.f32 v38, v37  }
0x101: {  	v43 =	vmax.f32 v43, v53;
	v53 =	vld [tilespmem:s3+$0xFFFFFD30];
	v42 =	vmax.f32 v42, v52;
	v36 =	vmax.f32 v37, v36  }
0x102: {  	v43 =	vmax.f32 v43, v57;
	v42 =	vmax.f32 v42, v54;
	v54 =	vld [tilespmem:s3+$0xFFFFFD70];
	v36 =	vmax.f32 v36, v41  }
0x103: {  	v57 =	vld [tilespmem:s3+$0xFFFFFE30];
	v43 =	vmax.f32 v43, v63;
	v42 =	vmax.f32 v42, v60;
	v36 =	vmax.f32 v36, v47  }
0x104: {  	v3 =	vmax.f32 v43, v3;
	v60 =	vld [tilespmem:s3+$0xFFFFFE70];
	v4 =	vmax.f32 v42, v4;
	v36 =	vmax.f32 v36, v49  }
0x105: {  	v1 =	vmax.f32 v3, v1;
	v2 =	vmax.f32 v4, v2;
	v4 =	vld [tilespmem:s3+$0xFFFFFF30];
	v3 =	vmax.f32 v36, v51  }
0x106: {  	v2 =	vmax.f32 v2, v5;
	v5 =	vld [tilespmem:s3+$0xFFFFFF70];
	v3 =	vmax.f32 v3, v53  }
0x107: {  	v1 =	vmax.f32 v1, v6;
	v6 =	vld [tilespmem:s3+$0x30];
	v3 =	vmax.f32 v3, v54  }
0x108: {  	v2 =	vmax.f32 v2, v62;
	v62 =	vld [tilespmem:s3+$0x70];
	v3 =	vmax.f32 v3, v57  }
0x109: {  	v63 =	vld [tilespmem:s3+$0x130];
	v3 =	vmax.f32 v3, v60  }
0x10a: {  	v1 =	vmax.f32 v1, v61;
	v2 =	vmax.f32 v2, v59;
	v3 =	vmax.f32 v3, v4;
	v4 =	vld [tilespmem:s3+$0x170]  }
0x10b: {  	v1 =	vmax.f32 v1, v58;
	v2 =	vmax.f32 v2, v56;
	v3 =	vmax.f32 v3, v5;
	v5 =	vld [tilespmem:s3+$0x230]  }
0x10c: {  	v1 =	vmax.f32 v1, v55;
	v2 =	vmax.f32 v2, v35;
	v3 =	vmax.f32 v3, v6;
	v6 =	vld [tilespmem:s3+$0x270]  }
0x10d: {  	v1 =	vmax.f32 v1, v34;
	v2 =	vmax.f32 v2, v7;
	v7 =	vld [tilespmem:s3+$0x330];
	v3 =	vmax.f32 v3, v62  }
0x10e: {  	v1 =	vmax.f32 v1, v8;
	v8 =	vld [tilespmem:s3+$0x370];
	v3 =	vmax.f32 v3, v63  }
0x10f: {  	v3 =	vmax.f32 v3, v4;
	v4 =	vld [tilespmem:s3+$0x430]  }
0x110: {  	v1 =	vmax.f32 v1, v10;
	v3 =	vmax.f32 v3, v5;
	v5 =	vld [tilespmem:s3+$0x470]  }
0x111: {  	v1 =	vmax.f32 v1, v32;
	v3 =	vmax.f32 v3, v6;
	v6 =	vld [tilespmem:s3+$0x530]  }
0x112: {  	v1 =	vmax.f32 v1, v12;
	v3 =	vmax.f32 v3, v7;
	v7 =	vld [tilespmem:s3+$0x570]  }
0x113: {  	v11 =	vld [tilespmem:s3+$0x120];
	v1 =	vmax.f32 v1, v14;
	v3 =	vmax.f32 v3, v8  }
0x114: {  	v9 =	vld [tilespmem:s3+$0x20];
	v1 =	vmax.f32 v1, v15;
	v3 =	vmax.f32 v3, v4  }
0x115: {  	v33 =	vld [tilespmem:s3+$0x60];
	v1 =	vmax.f32 v1, v16;
	v3 =	vmax.f32 v3, v5  }
0x116: {  	v1 =	vmax.f32 v1, v18;
	v8 =	vld [tilespmem:s3+$0x630];
	v3 =	vmax.f32 v3, v6  }
0x117: {  	v1 =	vmax.f32 v1, v19;
	v3 =	vmax.f32 v3, v7;
	v7 =	vld [tilespmem:$0x1FE90]  }
0x118: {  	v1 =	vmax.f32 v1, v27;
	v4 =	vld [tilespmem:s3+$0x670]  }
0x119: {  	v17 =	vld [tilespmem:s3+$0x260];
	v2 =	vmax.f32 v2, v9;
	v1 =	vmax.f32 v1, v25  }
0x11a: {  	v30 =	vld [tilespmem:s3+$0x320];
	v2 =	vmax.f32 v2, v33;
	v1 =	vmax.f32 v1, v23  }
0x11b: {  	v29 =	vld [tilespmem:s3+$0x360];
	v2 =	vmax.f32 v2, v11;
	v1 =	vmax.f32 v1, v21  }
0x11c: {  	v2 =	vmax.f32 v2, v13;
	v3 =	vmax.f32 v3, v8;
	v1 =	vmax.f32 v1, v7;
	v7 =	vld [tilespmem:$0x1FEA0]  }
0x11d: {  	v2 =	vmax.f32 v2, v31;
	v3 =	vmax.f32 v3, v4;
	v4 =	vld [tilespmem:$0x1FEC0]  }
0x11e: {  	v24 =	vld [tilespmem:s3+$0x520];
	v2 =	vmax.f32 v2, v17  }
0x11f: {  	v22 =	vld [tilespmem:s3+$0x560];
	v2 =	vmax.f32 v2, v30  }
0x120: {  	v20 =	vld [tilespmem:s3+$0x620];
	v2 =	vmax.f32 v2, v29  }
0x121: {  	v2 =	vmax.f32 v2, v28;
	v1 =	vmax.f32 v1, v7;
	v7 =	vld [tilespmem:$0x1FEB0]  }
0x122: {  	v2 =	vmax.f32 v2, v26;
	v1 =	vmax.f32 v1, v4;
	v4 =	vld [tilespmem:$0x1FED0]  }
0x123: {  	v2 =	vmax.f32 v2, v24  }
0x124: {  	v2 =	vmax.f32 v2, v22  }
0x125: {  	v2 =	vmax.f32 v2, v20  }
0x126: {  	v2 =	vmax.f32 v2, v7  }
0x127: {  	v2 =	vmax.f32 v2, v4;
	v4 =	vld [tilespmem:$0x1FEE0];
	_ =	sdelay $0x2  }
0x128: {  	v5 =	vld [tilespmem:s3+$0x730]  }
0x129: {  	v6 =	vld [tilespmem:s3+$0x770]  }
0x12a: {  	v1 =	vmax.f32 v1, v4;
	v4 =	vld [tilespmem:$0x1FEF0];
	_ =	sdelay $0x3  }
0x12b: {  	v3 =	vmax.f32 v3, v5  }
0x12c: {  	v3 =	vmax.f32 v3, v6;
	v2 =	vmax.f32 v2, v4  }
0x12d: {  	v0 =	vmax.f32 v0, v1;
	v1 =	vmax.f32 v2, v3  }
0x12e: {  	v0 =	vmax.f32 v0, v1  }
0x12f: {  	(xrf0) =	vmax.scan.msk.f32 $0xffff, v0;
	_ =	sdelay $0x2  }
0x130: {  	v3 =	vmov s0  }
0x131: {  	v1 =	vmov s31;
	_ =	sdelay $0x1  }
0x132: {  	v2, _, _ =	vpop (xrf0)  }
0x133: {  	s28 =	simm.s32 $0x0;
	v2 =	vbroadcast v2, $0xF  }
0x134: {  	[tilespmem:v3+s28+$0x0 ss:$0x1] =	vst.idx.msk $0xffff, v0  }
0x135: {  	s5 =	simm.s32 $0x1800;
	[tilespmem:v1+s18+$0x0] =	vst.idx.msk $0x1, v2  }
0x136: {  	v45 =	vld [tilespmem:s5+$0x740]  }
0x137: {  	v0 =	vld [tilespmem:s5+$0x750]  }
0x138: {  	v47 =	vld [tilespmem:s5+$0x700]  }
0x139: {  	v50 =	vld [tilespmem:s5+$0x640]  }
0x13a: {  	v53 =	vld [tilespmem:s5+$0x600]  }
0x13b: {  	v22 =	vld [tilespmem:s5+$0x540]  }
0x13c: {  	v23 =	vld [tilespmem:s5+$0x560]  }
0x13d: {  	v4 =	vld [tilespmem:s5+$0x500]  }
0x13e: {  	v24 =	vld [tilespmem:s5+$0x510]  }
0x13f: {  	v25 =	vld [tilespmem:s5+$0x520]  }
0x140: {  	v1 =	vld [tilespmem:s5+$0x440]  }
0x141: {  	v26 =	vld [tilespmem:s5+$0x450]  }
0x142: {  	v27 =	vld [tilespmem:s5+$0x460]  }
0x143: {  	[tilespmem:$0x1FF00] =	vst v3;
	v3 =	vld [tilespmem:s5+$0x400]  }
0x144: {  	v28 =	vld [tilespmem:s5+$0x410]  }
0x145: {  	v29 =	vld [tilespmem:s5+$0x420]  }
0x146: {  	v8 =	vld [tilespmem:s5+$0x340]  }
0x147: {  	v30 =	vld [tilespmem:s5+$0x350]  }
0x148: {  	v31 =	vld [tilespmem:s5+$0x360]  }
0x149: {  	v5 =	vld [tilespmem:s5+$0x300]  }
0x14a: {  	v32 =	vld [tilespmem:s5+$0x310]  }
0x14b: {  	v33 =	vld [tilespmem:s5+$0x320]  }
0x14c: {  	v10 =	vld [tilespmem:s5+$0x240]  }
0x14d: {  	v34 =	vld [tilespmem:s5+$0x250]  }
0x14e: {  	v35 =	vld [tilespmem:s5+$0x260]  }
0x14f: {  	v13 =	vld [tilespmem:s5+$0x200]  }
0x150: {  	v36 =	vld [tilespmem:s5+$0x210]  }
0x151: {  	v37 =	vld [tilespmem:s5+$0x220]  }
0x152: {  	v19 =	vld [tilespmem:s5+$0x140]  }
0x153: {  	v38 =	vld [tilespmem:s5+$0x150]  }
0x154: {  	v39 =	vld [tilespmem:s5+$0x160]  }
0x155: {  	v18 =	vld [tilespmem:s5+$0x100]  }
0x156: {  	v40 =	vld [tilespmem:s5+$0x110]  }
0x157: {  	v41 =	vld [tilespmem:s5+$0x120]  }
0x158: {  	[tilespmem:$0x1FF10] =	vst v0;
	v0 =	vld [tilespmem:s5+$0x760]  }
0x159: {  	v17 =	vld [tilespmem:s5+$0x40]  }
0x15a: {  	v42 =	vld [tilespmem:s5+$0x50]  }
0x15b: {  	v43 =	vld [tilespmem:s5+$0x60]  }
0x15c: {  	v16 =	vld [tilespmem:s5+$0x0]  }
0x15d: {  	[tilespmem:$0x1FF20] =	vst v0;
	v0 =	vld [tilespmem:s5+$0x710]  }
0x15e: {  	v44 =	vld [tilespmem:s5+$0x10]  }
0x15f: {  	v46 =	vld [tilespmem:s5+$0x20]  }
0x160: {  	v15 =	vld [tilespmem:s5+$0xFFFFFF40]  }
0x161: {  	v48 =	vld [tilespmem:s5+$0xFFFFFF50]  }
0x162: {  	[tilespmem:$0x1FF30] =	vst v0;
	v0 =	vld [tilespmem:s5+$0x720]  }
0x163: {  	v49 =	vld [tilespmem:s5+$0xFFFFFF60]  }
0x164: {  	v14 =	vld [tilespmem:s5+$0xFFFFFF00]  }
0x165: {  	v51 =	vld [tilespmem:s5+$0xFFFFFF10]  }
0x166: {  	v52 =	vld [tilespmem:s5+$0xFFFFFF20]  }
0x167: {  	[tilespmem:$0x1FF40] =	vst v0;
	v0 =	vld [tilespmem:s5+$0x650]  }
0x168: {  	v7 =	vld [tilespmem:s5+$0xFFFFFE40]  }
0x169: {  	v54 =	vld [tilespmem:s5+$0xFFFFFE50]  }
0x16a: {  	v55 =	vld [tilespmem:s5+$0xFFFFFE60]  }
0x16b: {  	v6 =	vld [tilespmem:s5+$0xFFFFFE00]  }
0x16c: {  	[tilespmem:$0x1FF50] =	vst v0;
	v0 =	vld [tilespmem:s5+$0x660]  }
0x16d: {  	v56 =	vld [tilespmem:s5+$0xFFFFFE10]  }
0x16e: {  	v57 =	vld [tilespmem:s5+$0xFFFFFE20]  }
0x16f: {  	v2 =	vld [tilespmem:s5+$0xFFFFFD40]  }
0x170: {  	v58 =	vld [tilespmem:s5+$0xFFFFFD50]  }
0x171: {  	[tilespmem:$0x1FF60] =	vst v0;
	v0 =	vld [tilespmem:s5+$0x610]  }
0x172: {  	v59 =	vld [tilespmem:s5+$0xFFFFFD60]  }
0x173: {  	v11 =	vld [tilespmem:s5+$0xFFFFFD00]  }
0x174: {  	v60 =	vld [tilespmem:s5+$0xFFFFFD10]  }
0x175: {  	v9 =	vld [tilespmem:s5+$0xFFFFF840]  }
0x176: {  	[tilespmem:$0x1FF70] =	vst v0;
	v0 =	vld [tilespmem:s5+$0x620]  }
0x177: {  	v12 =	vld [tilespmem:s5+$0xFFFFF800]  }
0x178: {  	v20 =	vld [tilespmem:s5+$0xFFFFF900]  }
0x179: {  	v21 =	vld [tilespmem:s5+$0xFFFFF940]  }
0x17a: {  	v61 =	vld [tilespmem:s5+$0xFFFFFA00]  }
0x17b: {  	[tilespmem:$0x1FF80] =	vst v0;
	v0 =	vld [tilespmem:s5+$0x550]  }
0x17c: {  	v62 =	vld [tilespmem:s5+$0xFFFFFA40]  }
0x17d: {  	v9 =	vmax.f32 v12, v9;
	v12 =	vld [tilespmem:s5+$0xFFFFFB00]  }
0x17e: {  	v9 =	vmax.f32 v9, v20;
	v20 =	vld [tilespmem:s5+$0xFFFFFB40]  }
0x17f: {  	v9 =	vmax.f32 v9, v21;
	v21 =	vld [tilespmem:s5+$0xFFFFFC00]  }
0x180: {  	v9 =	vmax.f32 v9, v61;
	[tilespmem:$0x1FF90] =	vst v0;
	v0 =	vld [tilespmem:s5+$0xFFFFFC40]  }
0x181: {  	v63 =	vld [tilespmem:s5+$0xFFFFFC60];
	v9 =	vmax.f32 v9, v62  }
0x182: {  	v61 =	vld [tilespmem:s5+$0xFFFFFD20];
	v9 =	vmax.f32 v9, v12  }
0x183: {  	v62 =	vld [tilespmem:s5+$0xFFFFFC50];
	v9 =	vmax.f32 v9, v20  }
0x184: {  	v12 =	vld [tilespmem:s5+$0xFFFFFC10];
	v9 =	vmax.f32 v9, v21  }
0x185: {  	v20 =	vld [tilespmem:s5+$0xFFFFF910];
	v0 =	vmax.f32 v9, v0  }
0x186: {  	v21 =	vld [tilespmem:s5+$0xFFFFF850];
	v0 =	vmax.f32 v0, v11  }
0x187: {  	v9 =	vld [tilespmem:s5+$0xFFFFFC20];
	v0 =	vmax.f32 v0, v2  }
0x188: {  	v11 =	vld [tilespmem:s5+$0xFFFFFB50];
	v0 =	vmax.f32 v0, v6  }
0x189: {  	v2 =	vld [tilespmem:s5+$0xFFFFFB60];
	v0 =	vmax.f32 v0, v7  }
0x18a: {  	v6 =	vld [tilespmem:s5+$0xFFFFFB10];
	v0 =	vmax.f32 v0, v14  }
0x18b: {  	v7 =	vld [tilespmem:s5+$0xFFFFFB20];
	v0 =	vmax.f32 v0, v15  }
0x18c: {  	v14 =	vld [tilespmem:s5+$0xFFFFFA50];
	v0 =	vmax.f32 v0, v16  }
0x18d: {  	v15 =	vld [tilespmem:s5+$0xFFFFFA60];
	v0 =	vmax.f32 v0, v17  }
0x18e: {  	v16 =	vld [tilespmem:s5+$0xFFFFFA10];
	v0 =	vmax.f32 v0, v18  }
0x18f: {  	v17 =	vld [tilespmem:s5+$0xFFFFFA20];
	v0 =	vmax.f32 v0, v19  }
0x190: {  	v18 =	vld [tilespmem:s5+$0xFFFFF950];
	v0 =	vmax.f32 v0, v13  }
0x191: {  	v19 =	vld [tilespmem:s5+$0xFFFFF960];
	v0 =	vmax.f32 v0, v10  }
0x192: {  	v13 =	vld [tilespmem:s5+$0xFFFFF920];
	v0 =	vmax.f32 v0, v5  }
0x193: {  	v10 =	vld [tilespmem:s5+$0xFFFFF830];
	v0 =	vmax.f32 v0, v8  }
0x194: {  	v5 =	vld [tilespmem:s5+$0xFFFFF810];
	v0 =	vmax.f32 v0, v3  }
0x195: {  	v8 =	vld [tilespmem:s5+$0xFFFFF870];
	v0 =	vmax.f32 v0, v1  }
0x196: {  	v3 =	vld [tilespmem:s5+$0xFFFFF820];
	v0 =	vmax.f32 v0, v4  }
0x197: {  	s6 =	simm.s32 $0x40;
	s10 =	smov.u32 s31;
	s3 =	simm.s32 $0x80;
	v1 =	vld [tilespmem:s5+$0xFFFFF860];
	v0 =	vmax.f32 v0, v22  }
.LBB2_5:
0x198: {  	v4 =	vld [tilespmem:s5+$0xFFFFF930]  }
0x199: {  	v0 =	vmax.f32 v0, v53;
	v53 =	vld [tilespmem:s5+$0xFFFFF970]  }
0x19a: {  	v0 =	vmax.f32 v0, v50;
	v50 =	vld [tilespmem:s5+$0xFFFFFA30]  }
0x19b: {  	v0 =	vmax.f32 v0, v47;
	v47 =	vld [tilespmem:s5+$0xFFFFFA70]  }
0x19c: {  	v5 =	vmax.f32 v5, v21;
	v1 =	vmax.f32 v3, v1;
	v3 =	vmax.f32 v10, v8;
	v8 =	vld [tilespmem:s5+$0xFFFFFB30]  }
0x19d: {  	v5 =	vmax.f32 v5, v20;
	v1 =	vmax.f32 v1, v13;
	v3 =	vmax.f32 v3, v4;
	v4 =	vld [tilespmem:s5+$0xFFFFFB70]  }
0x19e: {  	v10 =	vld [tilespmem:s5+$0xFFFFFC30];
	v5 =	vmax.f32 v5, v18;
	v1 =	vmax.f32 v1, v19;
	v3 =	vmax.f32 v3, v53  }
0x19f: {  	v13 =	vld [tilespmem:s5+$0xFFFFFC70];
	v5 =	vmax.f32 v5, v16;
	v1 =	vmax.f32 v1, v17;
	v3 =	vmax.f32 v3, v50  }
0x1a0: {  	v5 =	vmax.f32 v5, v14;
	v1 =	vmax.f32 v1, v15;
	v14 =	vld [tilespmem:s5+$0xFFFFFD30];
	v3 =	vmax.f32 v3, v47  }
0x1a1: {  	v5 =	vmax.f32 v5, v6;
	v1 =	vmax.f32 v1, v7;
	v6 =	vld [tilespmem:s5+$0xFFFFFD70];
	v3 =	vmax.f32 v3, v8  }
0x1a2: {  	v5 =	vmax.f32 v5, v11;
	v1 =	vmax.f32 v1, v2;
	v2 =	vmax.f32 v3, v4;
	v3 =	vld [tilespmem:s5+$0xFFFFFE30]  }
0x1a3: {  	v4 =	vmax.f32 v5, v12;
	v5 =	vld [tilespmem:s5+$0xFFFFFE70];
	v2 =	vmax.f32 v2, v10  }
0x1a4: {  	v7 =	vld [tilespmem:s5+$0xFFFFFF30];
	v2 =	vmax.f32 v2, v13  }
0x1a5: {  	v8 =	vld [tilespmem:s5+$0xFFFFFF70];
	v2 =	vmax.f32 v2, v14  }
0x1a6: {  	v2 =	vmax.f32 v2, v6;
	v6 =	vld [tilespmem:s5+$0x30]  }
0x1a7: {  	v2 =	vmax.f32 v2, v3;
	v3 =	vld [tilespmem:s5+$0x70]  }
0x1a8: {  	v4 =	vmax.f32 v4, v62;
	v2 =	vmax.f32 v2, v5;
	v5 =	vld [tilespmem:s5+$0x130]  }
0x1a9: {  	v4 =	vmax.f32 v4, v60;
	v2 =	vmax.f32 v2, v7;
	v7 =	vld [tilespmem:s5+$0x170]  }
0x1aa: {  	v4 =	vmax.f32 v4, v58;
	v2 =	vmax.f32 v2, v8;
	v8 =	vld [tilespmem:s5+$0x230]  }
0x1ab: {  	v4 =	vmax.f32 v4, v56;
	v2 =	vmax.f32 v2, v6;
	v6 =	vld [tilespmem:s5+$0x270]  }
0x1ac: {  	v1 =	vmax.f32 v1, v9;
	v4 =	vmax.f32 v4, v54;
	v2 =	vmax.f32 v2, v3;
	v3 =	vld [tilespmem:s5+$0x330]  }
0x1ad: {  	v1 =	vmax.f32 v1, v63;
	v4 =	vmax.f32 v4, v51;
	v2 =	vmax.f32 v2, v5;
	v5 =	vld [tilespmem:s5+$0x370]  }
0x1ae: {  	v1 =	vmax.f32 v1, v61;
	v4 =	vmax.f32 v4, v48;
	v2 =	vmax.f32 v2, v7;
	v7 =	vld [tilespmem:s5+$0x430]  }
0x1af: {  	v1 =	vmax.f32 v1, v59;
	v4 =	vmax.f32 v4, v44;
	v2 =	vmax.f32 v2, v8;
	v8 =	vld [tilespmem:s5+$0x470]  }
0x1b0: {  	v1 =	vmax.f32 v1, v57;
	v4 =	vmax.f32 v4, v42;
	v2 =	vmax.f32 v2, v6;
	v6 =	vld [tilespmem:s5+$0x530]  }
0x1b1: {  	v1 =	vmax.f32 v1, v55;
	v4 =	vmax.f32 v4, v40;
	v2 =	vmax.f32 v2, v3;
	v3 =	vld [tilespmem:s5+$0x570]  }
0x1b2: {  	v1 =	vmax.f32 v1, v52;
	v4 =	vmax.f32 v4, v38;
	v2 =	vmax.f32 v2, v5  }
0x1b3: {  	v1 =	vmax.f32 v1, v49;
	v4 =	vmax.f32 v4, v36;
	v2 =	vmax.f32 v2, v7  }
0x1b4: {  	v1 =	vmax.f32 v1, v46;
	v4 =	vmax.f32 v4, v34;
	v2 =	vmax.f32 v2, v8  }
0x1b5: {  	v9 =	vld [tilespmem:$0x1FF90];
	v1 =	vmax.f32 v1, v43;
	v4 =	vmax.f32 v4, v32;
	v2 =	vmax.f32 v2, v6  }
0x1b6: {  	v1 =	vmax.f32 v1, v41;
	v4 =	vmax.f32 v4, v30;
	v2 =	vmax.f32 v2, v3;
	v3 =	vld [tilespmem:$0x1FF70]  }
0x1b7: {  	v1 =	vmax.f32 v1, v39;
	v4 =	vmax.f32 v4, v28  }
0x1b8: {  	v1 =	vmax.f32 v1, v37;
	v4 =	vmax.f32 v4, v26  }
0x1b9: {  	v1 =	vmax.f32 v1, v35;
	v4 =	vmax.f32 v4, v24  }
0x1ba: {  	v1 =	vmax.f32 v1, v33;
	v4 =	vmax.f32 v4, v9  }
0x1bb: {  	v1 =	vmax.f32 v1, v31;
	v3 =	vmax.f32 v4, v3;
	v4 =	vld [tilespmem:$0x1FF80]  }
0x1bc: {  	v1 =	vmax.f32 v1, v29  }
0x1bd: {  	v1 =	vmax.f32 v1, v27  }
0x1be: {  	v1 =	vmax.f32 v1, v25  }
0x1bf: {  	v1 =	vmax.f32 v1, v23  }
0x1c0: {  	v1 =	vmax.f32 v1, v4;
	v4 =	vld [tilespmem:$0x1FF50];
	_ =	sdelay $0x4  }
0x1c1: {  	v3 =	vmax.f32 v3, v4;
	v4 =	vld [tilespmem:$0x1FF60];
	_ =	sdelay $0x4  }
0x1c2: {  	v1 =	vmax.f32 v1, v4;
	v4 =	vld [tilespmem:$0x1FF30];
	_ =	sdelay $0x4  }
0x1c3: {  	v3 =	vmax.f32 v3, v4;
	v4 =	vld [tilespmem:$0x1FF40];
	_ =	sdelay $0x4  }
0x1c4: {  	v1 =	vmax.f32 v1, v4;
	v4 =	vld [tilespmem:$0x1FF10]  }
0x1c5: {  	v5 =	vld [tilespmem:s5+$0x630]  }
0x1c6: {  	v7 =	vld [tilespmem:s5+$0x670]  }
0x1c7: {  	v8 =	vld [tilespmem:s5+$0x730]  }
0x1c8: {  	v6 =	vld [tilespmem:s5+$0x770]  }
0x1c9: {  	v3 =	vmax.f32 v3, v4;
	v4 =	vld [tilespmem:$0x1FF20];
	_ =	sdelay $0x1  }
0x1ca: {  	v2 =	vmax.f32 v2, v5  }
0x1cb: {  	v2 =	vmax.f32 v2, v7  }
0x1cc: {  	v2 =	vmax.f32 v2, v8  }
0x1cd: {  	v0 =	vmax.f32 v0, v45;
	v2 =	vmax.f32 v2, v6;
	v1 =	vmax.f32 v1, v4  }
0x1ce: {  	v0 =	vmax.f32 v0, v3;
	v1 =	vmax.f32 v1, v2  }
0x1cf: {  	v0 =	vmax.f32 v0, v1;
	v1 =	vld [tilespmem:$0x1FF00];
	_ =	sdelay $0x3  }
0x1d0: {  	(xrf0) =	vmax.scan.msk.f32 $0xffff, v0;
	_ =	sdelay $0x2  }
0x1d1: {  	s12 =	sshra.s32 s6, $0x2;
	s10 =	sadd.s32 $0x1, s10  }
0x1d2: {  	[tilespmem:v1+s12+$0x0 ss:$0x1] =	vst.idx.msk $0xffff, v0;
	v0 =	vmov s10;
	_ =	sdelay $0x1  }
0x1d3: {  	v1, _, _ =	vpop (xrf0)  }
0x1d4: {  	v1 =	vbroadcast v1, $0xF;
	_ =	sdelay $0x1  }
0x1d5: {  	s5 =	sadd.s32 $0x1000, s5;
	[tilespmem:v0+s18+$0x0] =	vst.idx.msk $0x1, v1  }
0x1d6: {  	v45 =	vld [tilespmem:s5+$0x740]  }
0x1d7: {  	v0 =	vld [tilespmem:s5+$0x750]  }
0x1d8: {  	v47 =	vld [tilespmem:s5+$0x700]  }
0x1d9: {  	v50 =	vld [tilespmem:s5+$0x640]  }
0x1da: {  	v53 =	vld [tilespmem:s5+$0x600]  }
0x1db: {  	v4 =	vld [tilespmem:s5+$0x540]  }
0x1dc: {  	v23 =	vld [tilespmem:s5+$0x560]  }
0x1dd: {  	v8 =	vld [tilespmem:s5+$0x500]  }
0x1de: {  	v24 =	vld [tilespmem:s5+$0x510]  }
0x1df: {  	v25 =	vld [tilespmem:s5+$0x520]  }
0x1e0: {  	v10 =	vld [tilespmem:s5+$0x440]  }
0x1e1: {  	v26 =	vld [tilespmem:s5+$0x450]  }
0x1e2: {  	v27 =	vld [tilespmem:s5+$0x460]  }
0x1e3: {  	v1 =	vld [tilespmem:s5+$0x400]  }
0x1e4: {  	v28 =	vld [tilespmem:s5+$0x410]  }
0x1e5: {  	v29 =	vld [tilespmem:s5+$0x420]  }
0x1e6: {  	v3 =	vld [tilespmem:s5+$0x340]  }
0x1e7: {  	v30 =	vld [tilespmem:s5+$0x350]  }
0x1e8: {  	v31 =	vld [tilespmem:s5+$0x360]  }
0x1e9: {  	v32 =	vld [tilespmem:s5+$0x310]  }
0x1ea: {  	v33 =	vld [tilespmem:s5+$0x320]  }
0x1eb: {  	v5 =	vld [tilespmem:s5+$0x240]  }
0x1ec: {  	v34 =	vld [tilespmem:s5+$0x250]  }
0x1ed: {  	v35 =	vld [tilespmem:s5+$0x260]  }
0x1ee: {  	v13 =	vld [tilespmem:s5+$0x200]  }
0x1ef: {  	v36 =	vld [tilespmem:s5+$0x210]  }
0x1f0: {  	v37 =	vld [tilespmem:s5+$0x220]  }
0x1f1: {  	v20 =	vld [tilespmem:s5+$0x140]  }
0x1f2: {  	v38 =	vld [tilespmem:s5+$0x150]  }
0x1f3: {  	v39 =	vld [tilespmem:s5+$0x160]  }
0x1f4: {  	v19 =	vld [tilespmem:s5+$0x100]  }
0x1f5: {  	v40 =	vld [tilespmem:s5+$0x110]  }
0x1f6: {  	v41 =	vld [tilespmem:s5+$0x120]  }
0x1f7: {  	v18 =	vld [tilespmem:s5+$0x40]  }
0x1f8: {  	v42 =	vld [tilespmem:s5+$0x50]  }
0x1f9: {  	v43 =	vld [tilespmem:s5+$0x60]  }
0x1fa: {  	v17 =	vld [tilespmem:s5+$0x0]  }
0x1fb: {  	v44 =	vld [tilespmem:s5+$0x10]  }
0x1fc: {  	v46 =	vld [tilespmem:s5+$0x20]  }
0x1fd: {  	v16 =	vld [tilespmem:s5+$0xFFFFFF40]  }
0x1fe: {  	v48 =	vld [tilespmem:s5+$0xFFFFFF50]  }
0x1ff: {  	v49 =	vld [tilespmem:s5+$0xFFFFFF60]  }
0x200: {  	v15 =	vld [tilespmem:s5+$0xFFFFFF00]  }
0x201: {  	v51 =	vld [tilespmem:s5+$0xFFFFFF10]  }
0x202: {  	v52 =	vld [tilespmem:s5+$0xFFFFFF20]  }
0x203: {  	v14 =	vld [tilespmem:s5+$0xFFFFFE40]  }
0x204: {  	v54 =	vld [tilespmem:s5+$0xFFFFFE50]  }
0x205: {  	[tilespmem:$0x1FF10] =	vst v0;
	v0 =	vld [tilespmem:s5+$0x760]  }
0x206: {  	v55 =	vld [tilespmem:s5+$0xFFFFFE60]  }
0x207: {  	v7 =	vld [tilespmem:s5+$0xFFFFFE00]  }
0x208: {  	v56 =	vld [tilespmem:s5+$0xFFFFFE10]  }
0x209: {  	v57 =	vld [tilespmem:s5+$0xFFFFFE20]  }
0x20a: {  	[tilespmem:$0x1FF20] =	vst v0;
	v0 =	vld [tilespmem:s5+$0x710]  }
0x20b: {  	v6 =	vld [tilespmem:s5+$0xFFFFFD40]  }
0x20c: {  	v58 =	vld [tilespmem:s5+$0xFFFFFD50]  }
0x20d: {  	v59 =	vld [tilespmem:s5+$0xFFFFFD60]  }
0x20e: {  	v2 =	vld [tilespmem:s5+$0xFFFFFD00]  }
0x20f: {  	[tilespmem:$0x1FF30] =	vst v0;
	v0 =	vld [tilespmem:s5+$0x720]  }
0x210: {  	v60 =	vld [tilespmem:s5+$0xFFFFFD10]  }
0x211: {  	v9 =	vld [tilespmem:s5+$0xFFFFF840]  }
0x212: {  	v11 =	vld [tilespmem:s5+$0xFFFFF800]  }
0x213: {  	v12 =	vld [tilespmem:s5+$0xFFFFF900]  }
0x214: {  	[tilespmem:$0x1FF40] =	vst v0;
	v0 =	vld [tilespmem:s5+$0x650]  }
0x215: {  	v21 =	vld [tilespmem:s5+$0xFFFFF940]  }
0x216: {  	v61 =	vld [tilespmem:s5+$0xFFFFFA00]  }
0x217: {  	v62 =	vld [tilespmem:s5+$0xFFFFFA40]  }
0x218: {  	v22 =	vld [tilespmem:s5+$0xFFFFFC40]  }
0x219: {  	[tilespmem:$0x1FF50] =	vst v0;
	v0 =	vld [tilespmem:s5+$0x660]  }
0x21a: {  	v63 =	vld [tilespmem:s5+$0xFFFFFC60]  }
0x21b: {  	v9 =	vmax.f32 v11, v9;
	v11 =	vld [tilespmem:s5+$0xFFFFFB00]  }
0x21c: {  	v9 =	vmax.f32 v9, v12;
	v12 =	vld [tilespmem:s5+$0xFFFFFB40]  }
0x21d: {  	v9 =	vmax.f32 v9, v21;
	v21 =	vld [tilespmem:s5+$0xFFFFFC00]  }
0x21e: {  	v9 =	vmax.f32 v9, v61;
	[tilespmem:$0x1FF60] =	vst v0;
	v0 =	vld [tilespmem:s5+$0x610]  }
0x21f: {  	v61 =	vld [tilespmem:s5+$0xFFFFFD20];
	v9 =	vmax.f32 v9, v62  }
0x220: {  	v62 =	vld [tilespmem:s5+$0xFFFFFC50];
	v9 =	vmax.f32 v9, v11  }
0x221: {  	v9 =	vmax.f32 v9, v12;
	v12 =	vld [tilespmem:s5+$0xFFFFFC10]  }
0x222: {  	v11 =	vmax.f32 v9, v21;
	v9 =	vld [tilespmem:s5+$0xFFFFFC20]  }
0x223: {  	[tilespmem:$0x1FF70] =	vst v0;
	v0 =	vld [tilespmem:s5+$0x620]  }
0x224: {  	v21 =	vmax.f32 v11, v22;
	v11 =	vld [tilespmem:s5+$0xFFFFFB50]  }
0x225: {  	v21 =	vmax.f32 v21, v2;
	v2 =	vld [tilespmem:s5+$0xFFFFFB60]  }
0x226: {  	v21 =	vmax.f32 v21, v6;
	v6 =	vld [tilespmem:s5+$0xFFFFFB10]  }
0x227: {  	v21 =	vmax.f32 v21, v7;
	v7 =	vld [tilespmem:s5+$0xFFFFFB20]  }
0x228: {  	[tilespmem:$0x1FF80] =	vst v0;
	v0 =	vld [tilespmem:s5+$0x550]  }
0x229: {  	v21 =	vmax.f32 v21, v14;
	v14 =	vld [tilespmem:s5+$0xFFFFFA50]  }
0x22a: {  	v21 =	vmax.f32 v21, v15;
	v15 =	vld [tilespmem:s5+$0xFFFFFA60]  }
0x22b: {  	v21 =	vmax.f32 v21, v16;
	v16 =	vld [tilespmem:s5+$0xFFFFFA10]  }
0x22c: {  	v21 =	vmax.f32 v21, v17;
	v17 =	vld [tilespmem:s5+$0xFFFFFA20]  }
0x22d: {  	v21 =	vmax.f32 v21, v18;
	[tilespmem:$0x1FF90] =	vst v0;
	v0 =	vld [tilespmem:s5+$0x300]  }
0x22e: {  	v18 =	vld [tilespmem:s5+$0xFFFFF950];
	v21 =	vmax.f32 v21, v19  }
0x22f: {  	v19 =	vld [tilespmem:s5+$0xFFFFF960];
	v21 =	vmax.f32 v21, v20  }
0x230: {  	v20 =	vld [tilespmem:s5+$0xFFFFF910];
	v21 =	vmax.f32 v21, v13  }
0x231: {  	v13 =	vld [tilespmem:s5+$0xFFFFF920];
	v21 =	vmax.f32 v21, v5  }
0x232: {  	p0 =	sne.s32 s3, $0x1C0;
	v5 =	vld [tilespmem:s5+$0xFFFFF810];
	v0 =	vmax.f32 v21, v0  }
.Ltmp3:
0x233: {  	v21 =	vld [tilespmem:s5+$0xFFFFF850];
	v0 =	vmax.f32 v0, v3;
	(pc) =	sbr.rel @p0 .LBB2_5-.Ltmp3, $4  }
0x234: {  	v3 =	vld [tilespmem:s5+$0xFFFFF820];
	v0 =	vmax.f32 v0, v1  }
0x235: {  	v1 =	vld [tilespmem:s5+$0xFFFFF860];
	v0 =	vmax.f32 v0, v10  }
0x236: {  	v10 =	vld [tilespmem:s5+$0xFFFFF830];
	v0 =	vmax.f32 v0, v8  }
0x237: {  	s6 =	smov.u32 s3;
	s3 =	sadd.s32 $0x40, s3;
	v8 =	vld [tilespmem:s5+$0xFFFFF870];
	v0 =	vmax.f32 v0, v4  }
0x238: {  	v4 =	vld [tilespmem:s5+$0xFFFFF930]  }
0x239: {  	v0 =	vmax.f32 v0, v53;
	v22 =	vld [tilespmem:s5+$0xFFFFF970]  }
0x23a: {  	v0 =	vmax.f32 v0, v50;
	v50 =	vld [tilespmem:s5+$0xFFFFFA30]  }
0x23b: {  	v53 =	vld [tilespmem:s5+$0xFFFFFA70]  }
0x23c: {  	v5 =	vmax.f32 v5, v21;
	v1 =	vmax.f32 v3, v1;
	v3 =	vmax.f32 v10, v8;
	v8 =	vld [tilespmem:s5+$0xFFFFFB30]  }
0x23d: {  	v5 =	vmax.f32 v5, v20;
	v1 =	vmax.f32 v1, v13;
	v3 =	vmax.f32 v3, v4;
	v4 =	vld [tilespmem:s5+$0xFFFFFB70]  }
0x23e: {  	v5 =	vmax.f32 v5, v18;
	v1 =	vmax.f32 v1, v19;
	v10 =	vld [tilespmem:s5+$0xFFFFFC30];
	v3 =	vmax.f32 v3, v22  }
0x23f: {  	v5 =	vmax.f32 v5, v16;
	v13 =	vld [tilespmem:s5+$0xFFFFFC70];
	v1 =	vmax.f32 v1, v17;
	v3 =	vmax.f32 v3, v50  }
0x240: {  	v5 =	vmax.f32 v5, v14;
	v14 =	vld [tilespmem:s5+$0xFFFFFD30];
	v1 =	vmax.f32 v1, v15;
	v3 =	vmax.f32 v3, v53  }
0x241: {  	v5 =	vmax.f32 v5, v6;
	v6 =	vld [tilespmem:s5+$0xFFFFFD70];
	v1 =	vmax.f32 v1, v7;
	v3 =	vmax.f32 v3, v8  }
0x242: {  	v5 =	vmax.f32 v5, v11;
	v1 =	vmax.f32 v1, v2;
	v2 =	vmax.f32 v3, v4;
	v3 =	vld [tilespmem:s5+$0xFFFFFE30]  }
0x243: {  	v4 =	vmax.f32 v5, v12;
	v5 =	vld [tilespmem:s5+$0xFFFFFE70];
	v2 =	vmax.f32 v2, v10  }
0x244: {  	v7 =	vld [tilespmem:s5+$0xFFFFFF30];
	v2 =	vmax.f32 v2, v13  }
0x245: {  	v8 =	vld [tilespmem:s5+$0xFFFFFF70];
	v2 =	vmax.f32 v2, v14  }
0x246: {  	v2 =	vmax.f32 v2, v6;
	v6 =	vld [tilespmem:s5+$0x30]  }
0x247: {  	v2 =	vmax.f32 v2, v3;
	v3 =	vld [tilespmem:s5+$0x70]  }
0x248: {  	v4 =	vmax.f32 v4, v62;
	v2 =	vmax.f32 v2, v5;
	v5 =	vld [tilespmem:s5+$0x130]  }
0x249: {  	v4 =	vmax.f32 v4, v60;
	v2 =	vmax.f32 v2, v7;
	v7 =	vld [tilespmem:s5+$0x170]  }
0x24a: {  	v4 =	vmax.f32 v4, v58;
	v2 =	vmax.f32 v2, v8;
	v8 =	vld [tilespmem:s5+$0x230]  }
0x24b: {  	v4 =	vmax.f32 v4, v56;
	v2 =	vmax.f32 v2, v6;
	v6 =	vld [tilespmem:s5+$0x270]  }
0x24c: {  	v1 =	vmax.f32 v1, v9;
	v4 =	vmax.f32 v4, v54;
	v2 =	vmax.f32 v2, v3;
	v3 =	vld [tilespmem:s5+$0x330]  }
0x24d: {  	v1 =	vmax.f32 v1, v63;
	v4 =	vmax.f32 v4, v51;
	v2 =	vmax.f32 v2, v5;
	v5 =	vld [tilespmem:s5+$0x370]  }
0x24e: {  	v1 =	vmax.f32 v1, v61;
	v4 =	vmax.f32 v4, v48;
	v2 =	vmax.f32 v2, v7;
	v7 =	vld [tilespmem:s5+$0x430]  }
0x24f: {  	v1 =	vmax.f32 v1, v59;
	v4 =	vmax.f32 v4, v44;
	v2 =	vmax.f32 v2, v8;
	v8 =	vld [tilespmem:s5+$0x470]  }
0x250: {  	v1 =	vmax.f32 v1, v57;
	v4 =	vmax.f32 v4, v42;
	v2 =	vmax.f32 v2, v6;
	v6 =	vld [tilespmem:s5+$0x530]  }
0x251: {  	v1 =	vmax.f32 v1, v55;
	v4 =	vmax.f32 v4, v40;
	v2 =	vmax.f32 v2, v3;
	v3 =	vld [tilespmem:s5+$0x570]  }
0x252: {  	v1 =	vmax.f32 v1, v52;
	v4 =	vmax.f32 v4, v38;
	v2 =	vmax.f32 v2, v5  }
0x253: {  	v1 =	vmax.f32 v1, v49;
	v4 =	vmax.f32 v4, v36;
	v2 =	vmax.f32 v2, v7  }
0x254: {  	v1 =	vmax.f32 v1, v46;
	v4 =	vmax.f32 v4, v34;
	v2 =	vmax.f32 v2, v8  }
0x255: {  	v9 =	vld [tilespmem:$0x1FF90];
	v1 =	vmax.f32 v1, v43;
	v4 =	vmax.f32 v4, v32;
	v2 =	vmax.f32 v2, v6  }
0x256: {  	v1 =	vmax.f32 v1, v41;
	v4 =	vmax.f32 v4, v30;
	v2 =	vmax.f32 v2, v3;
	v3 =	vld [tilespmem:$0x1FF70]  }
0x257: {  	v1 =	vmax.f32 v1, v39;
	v4 =	vmax.f32 v4, v28  }
0x258: {  	v1 =	vmax.f32 v1, v37;
	v4 =	vmax.f32 v4, v26  }
0x259: {  	v1 =	vmax.f32 v1, v35;
	v4 =	vmax.f32 v4, v24  }
0x25a: {  	v1 =	vmax.f32 v1, v33;
	v4 =	vmax.f32 v4, v9  }
0x25b: {  	v1 =	vmax.f32 v1, v31;
	v3 =	vmax.f32 v4, v3;
	v4 =	vld [tilespmem:$0x1FF80]  }
0x25c: {  	v1 =	vmax.f32 v1, v29  }
0x25d: {  	v1 =	vmax.f32 v1, v27  }
0x25e: {  	v1 =	vmax.f32 v1, v25  }
0x25f: {  	v1 =	vmax.f32 v1, v23  }
0x260: {  	v1 =	vmax.f32 v1, v4;
	v4 =	vld [tilespmem:$0x1FF50];
	_ =	sdelay $0x4  }
0x261: {  	v3 =	vmax.f32 v3, v4;
	v4 =	vld [tilespmem:$0x1FF60];
	_ =	sdelay $0x4  }
0x262: {  	v1 =	vmax.f32 v1, v4;
	v4 =	vld [tilespmem:$0x1FF30];
	_ =	sdelay $0x4  }
0x263: {  	v3 =	vmax.f32 v3, v4;
	v4 =	vld [tilespmem:$0x1FF40];
	_ =	sdelay $0x4  }
0x264: {  	v1 =	vmax.f32 v1, v4;
	v4 =	vld [tilespmem:$0x1FF10]  }
0x265: {  	v5 =	vld [tilespmem:s5+$0x630]  }
0x266: {  	v7 =	vld [tilespmem:s5+$0x670]  }
0x267: {  	v8 =	vld [tilespmem:s5+$0x730]  }
0x268: {  	v6 =	vld [tilespmem:s5+$0x770]  }
0x269: {  	v3 =	vmax.f32 v3, v4;
	v4 =	vld [tilespmem:$0x1FF20];
	_ =	sdelay $0x1  }
0x26a: {  	v2 =	vmax.f32 v2, v5  }
0x26b: {  	v2 =	vmax.f32 v2, v7  }
0x26c: {  	v0 =	vmax.f32 v0, v47;
	v2 =	vmax.f32 v2, v8  }
0x26d: {  	v0 =	vmax.f32 v0, v45;
	v2 =	vmax.f32 v2, v6;
	v1 =	vmax.f32 v1, v4  }
0x26e: {  	v0 =	vmax.f32 v0, v3;
	v1 =	vmax.f32 v1, v2  }
0x26f: {  	v0 =	vmax.f32 v0, v1  }
0x270: {  	v3 =	vld [tilespmem:$0x1FF00];
	(xrf0) =	vmax.scan.msk.f32 $0xffff, v0;
	_ =	sdelay $0x2  }
0x271: {  	s3 =	sadd.s32 $0x1, s10  }
0x272: {  	v1 =	vmov s3;
	_ =	sdelay $0x1  }
0x273: {  	s5 =	sshll.u32 s26, $0x12;
	v2, _, _ =	vpop (xrf0)  }
0x274: {  	s13 =	sshra.s32 s6, $0x2;
	s28 =	sadd.s32 s5, s7;
	v2 =	vbroadcast v2, $0xF  }
0x275: {  	s10 =	sshrl.u32 s28, $0x3;
	[tilespmem:v3+s13+$0x0 ss:$0x1] =	vst.idx.msk $0xffff, v0  }
0x276: {  	s12 =	simm.s32 $0x0;
	s3 =	sadd.s32 s1, s10;
	[tilespmem:v1+s18+$0x0] =	vst.idx.msk $0x1, v2  }
0x277: {  	[tilespmem:s12], [sflag:$0x1] =	stream.strided.gather [hbm4b:s3+s14], $0x8000, s15, s14, $0x38;
	[tilespmem:$0x15B00] =	vst v63  }
0x278: {  	_ =	swait.ge [sflag:s19], $0x8000  }
0x279: {  	[sflag:s19] =	ssyncset.done $0x0  }
0x27a: {  	s13 =	simm.s32 $0x8800;
	[sflag:s19] =	ssyncadd.s32 $0xFFFF8000  }
0x27b: {  	v36 =	vld [tilespmem:s13+$0x740]  }
0x27c: {  	v0 =	vld [tilespmem:s13+$0x750]  }
0x27d: {  	v37 =	vld [tilespmem:s13+$0x700]  }
0x27e: {  	v38 =	vld [tilespmem:s13+$0x640]  }
0x27f: {  	v39 =	vld [tilespmem:s13+$0x600]  }
0x280: {  	v40 =	vld [tilespmem:s13+$0x540]  }
0x281: {  	v21 =	vld [tilespmem:s13+$0x550]  }
0x282: {  	v41 =	vld [tilespmem:s13+$0x500]  }
0x283: {  	v23 =	vld [tilespmem:s13+$0x510]  }
0x284: {  	v42 =	vld [tilespmem:s13+$0x440]  }
0x285: {  	v25 =	vld [tilespmem:s13+$0x450]  }
0x286: {  	v26 =	vld [tilespmem:s13+$0x460]  }
0x287: {  	v43 =	vld [tilespmem:s13+$0x400]  }
0x288: {  	v27 =	vld [tilespmem:s13+$0x410]  }
0x289: {  	v28 =	vld [tilespmem:s13+$0x420]  }
0x28a: {  	v44 =	vld [tilespmem:s13+$0x340]  }
0x28b: {  	v19 =	vld [tilespmem:s13+$0x350]  }
0x28c: {  	v45 =	vld [tilespmem:s13+$0x300]  }
0x28d: {  	v18 =	vld [tilespmem:s13+$0x310]  }
0x28e: {  	v46 =	vld [tilespmem:s13+$0x240]  }
0x28f: {  	v16 =	vld [tilespmem:s13+$0x250]  }
0x290: {  	v47 =	vld [tilespmem:s13+$0x200]  }
0x291: {  	v15 =	vld [tilespmem:s13+$0x210]  }
0x292: {  	v31 =	vld [tilespmem:s13+$0x220]  }
0x293: {  	v48 =	vld [tilespmem:s13+$0x140]  }
0x294: {  	v14 =	vld [tilespmem:s13+$0x150]  }
0x295: {  	v13 =	vld [tilespmem:s13+$0x160]  }
0x296: {  	[tilespmem:$0x1FDD0] =	vst v0;
	v0 =	vld [tilespmem:s13+$0x760]  }
0x297: {  	v49 =	vld [tilespmem:s13+$0x100]  }
0x298: {  	v12 =	vld [tilespmem:s13+$0x110]  }
0x299: {  	v50 =	vld [tilespmem:s13+$0x40]  }
0x29a: {  	v32 =	vld [tilespmem:s13+$0x50]  }
0x29b: {  	[tilespmem:$0x1FDE0] =	vst v0;
	v0 =	vld [tilespmem:s13+$0x710]  }
0x29c: {  	v51 =	vld [tilespmem:s13+$0x0]  }
0x29d: {  	v10 =	vld [tilespmem:s13+$0x10]  }
0x29e: {  	v52 =	vld [tilespmem:s13+$0xFFFFFF40]  }
0x29f: {  	v8 =	vld [tilespmem:s13+$0xFFFFFF50]  }
0x2a0: {  	[tilespmem:$0x1FDB0] =	vst v0;
	v0 =	vld [tilespmem:s13+$0x720]  }
0x2a1: {  	v7 =	vld [tilespmem:s13+$0xFFFFFF60]  }
0x2a2: {  	v53 =	vld [tilespmem:s13+$0xFFFFFF00]  }
0x2a3: {  	v34 =	vld [tilespmem:s13+$0xFFFFFF10]  }
0x2a4: {  	v35 =	vld [tilespmem:s13+$0xFFFFFF20]  }
0x2a5: {  	[tilespmem:$0x1FDC0] =	vst v0;
	v0 =	vld [tilespmem:s13+$0x650]  }
0x2a6: {  	v54 =	vld [tilespmem:s13+$0xFFFFFE40]  }
0x2a7: {  	v55 =	vld [tilespmem:s13+$0xFFFFFE50]  }
0x2a8: {  	v56 =	vld [tilespmem:s13+$0xFFFFFE60]  }
0x2a9: {  	v57 =	vld [tilespmem:s13+$0xFFFFFE00]  }
0x2aa: {  	[tilespmem:$0x1FD90] =	vst v0;
	v0 =	vld [tilespmem:s13+$0x660]  }
0x2ab: {  	v58 =	vld [tilespmem:s13+$0xFFFFFE10]  }
0x2ac: {  	v59 =	vld [tilespmem:s13+$0xFFFFFE20]  }
0x2ad: {  	v60 =	vld [tilespmem:s13+$0xFFFFFD40]  }
0x2ae: {  	v61 =	vld [tilespmem:s13+$0xFFFFFD50]  }
0x2af: {  	[tilespmem:$0x1FDA0] =	vst v0;
	v0 =	vld [tilespmem:s13+$0x610]  }
0x2b0: {  	v62 =	vld [tilespmem:s13+$0xFFFFFD60]  }
0x2b1: {  	v63 =	vld [tilespmem:s13+$0xFFFFFD00]  }
0x2b2: {  	v6 =	vld [tilespmem:s13+$0xFFFFFD10]  }
0x2b3: {  	v1 =	vld [tilespmem:s13+$0xFFFFF840]  }
0x2b4: {  	[tilespmem:$0x1FD80] =	vst v0;
	v0 =	vld [tilespmem:s13+$0xFFFFF800]  }
0x2b5: {  	v2 =	vld [tilespmem:s13+$0xFFFFF900]  }
0x2b6: {  	v3 =	vld [tilespmem:s13+$0xFFFFF940]  }
0x2b7: {  	v4 =	vld [tilespmem:s13+$0xFFFFFA00]  }
0x2b8: {  	v5 =	vld [tilespmem:s13+$0xFFFFFA40]  }
0x2b9: {  	v0 =	vmax.f32 v0, v1;
	v1 =	vld [tilespmem:s13+$0xFFFFFB00]  }
0x2ba: {  	v0 =	vmax.f32 v0, v2;
	v2 =	vld [tilespmem:s13+$0xFFFFFB40]  }
0x2bb: {  	v0 =	vmax.f32 v0, v3;
	v3 =	vld [tilespmem:s13+$0xFFFFFC00]  }
0x2bc: {  	v0 =	vmax.f32 v0, v4;
	v4 =	vld [tilespmem:s13+$0xFFFFFC40]  }
0x2bd: {  	v0 =	vmax.f32 v0, v5;
	v5 =	vld [tilespmem:s13+$0xFFFFFD20]  }
0x2be: {  	v0 =	vmax.f32 v0, v1;
	v1 =	vld [tilespmem:s13+$0xFFFFFC50]  }
0x2bf: {  	v0 =	vmax.f32 v0, v2;
	v2 =	vld [tilespmem:s13+$0xFFFFFC60]  }
0x2c0: {  	v0 =	vmax.f32 v0, v3;
	v3 =	vld [tilespmem:s13+$0xFFFFFC10]  }
0x2c1: {  	v0 =	vmax.f32 v0, v4;
	v4 =	vld [tilespmem:s13+$0xFFFFFC20]  }
0x2c2: {  	v0 =	vmax.f32 v0, v63;
	v63 =	vld [tilespmem:s13+$0xFFFFFB50]  }
0x2c3: {  	v0 =	vmax.f32 v0, v60;
	v60 =	vld [tilespmem:s13+$0xFFFFFB60]  }
0x2c4: {  	v0 =	vmax.f32 v0, v57;
	v57 =	vld [tilespmem:s13+$0xFFFFFB10]  }
0x2c5: {  	v0 =	vmax.f32 v0, v54;
	v54 =	vld [tilespmem:s13+$0xFFFFFB20]  }
0x2c6: {  	v0 =	vmax.f32 v0, v53;
	v53 =	vld [tilespmem:s13+$0xFFFFFA50]  }
0x2c7: {  	v0 =	vmax.f32 v0, v52;
	v52 =	vld [tilespmem:s13+$0xFFFFFA60]  }
0x2c8: {  	v0 =	vmax.f32 v0, v51;
	v51 =	vld [tilespmem:s13+$0xFFFFFA10]  }
0x2c9: {  	v0 =	vmax.f32 v0, v50;
	v50 =	vld [tilespmem:s13+$0xFFFFFA20]  }
0x2ca: {  	v0 =	vmax.f32 v0, v49;
	v49 =	vld [tilespmem:s13+$0xFFFFF950]  }
0x2cb: {  	v0 =	vmax.f32 v0, v48;
	v48 =	vld [tilespmem:s13+$0xFFFFF960]  }
0x2cc: {  	v0 =	vmax.f32 v0, v47;
	v47 =	vld [tilespmem:s13+$0xFFFFF910]  }
0x2cd: {  	v0 =	vmax.f32 v0, v46;
	v46 =	vld [tilespmem:s13+$0xFFFFF920]  }
0x2ce: {  	v0 =	vmax.f32 v0, v45;
	v45 =	vld [tilespmem:s13+$0xFFFFF810]  }
0x2cf: {  	v0 =	vmax.f32 v0, v44;
	v44 =	vld [tilespmem:s13+$0xFFFFF850]  }
0x2d0: {  	v0 =	vmax.f32 v0, v43;
	v43 =	vld [tilespmem:s13+$0xFFFFF820]  }
0x2d1: {  	v0 =	vmax.f32 v0, v42;
	v42 =	vld [tilespmem:s13+$0xFFFFF860]  }
0x2d2: {  	v0 =	vmax.f32 v0, v41;
	v41 =	vld [tilespmem:s13+$0xFFFFF830]  }
0x2d3: {  	v0 =	vmax.f32 v0, v40;
	v40 =	vld [tilespmem:s13+$0xFFFFF870]  }
0x2d4: {  	v0 =	vmax.f32 v0, v39;
	v39 =	vld [tilespmem:s13+$0xFFFFF930]  }
0x2d5: {  	v0 =	vmax.f32 v0, v38;
	v38 =	vld [tilespmem:s13+$0xFFFFF970]  }
0x2d6: {  	v0 =	vmax.f32 v0, v37;
	v37 =	vld [tilespmem:s13+$0xFFFFFA30]  }
0x2d7: {  	v0 =	vmax.f32 v0, v36;
	v36 =	vld [tilespmem:s13+$0xFFFFFA70]  }
0x2d8: {  	v44 =	vmax.f32 v45, v44;
	v42 =	vmax.f32 v43, v42;
	v40 =	vmax.f32 v41, v40;
	v41 =	vld [tilespmem:s13+$0xFFFFFB30]  }
0x2d9: {  	v45 =	vmax.f32 v44, v47;
	v47 =	vld [tilespmem:s13+$0xFFFFFB70];
	v42 =	vmax.f32 v42, v46;
	v39 =	vmax.f32 v40, v39  }
0x2da: {  	v43 =	vmax.f32 v45, v49;
	v49 =	vld [tilespmem:s13+$0xFFFFFC30];
	v42 =	vmax.f32 v42, v48;
	v38 =	vmax.f32 v39, v38  }
0x2db: {  	v43 =	vmax.f32 v43, v51;
	v51 =	vld [tilespmem:s13+$0xFFFFFC70];
	v42 =	vmax.f32 v42, v50;
	v37 =	vmax.f32 v38, v37  }
0x2dc: {  	v43 =	vmax.f32 v43, v53;
	v53 =	vld [tilespmem:s13+$0xFFFFFD30];
	v42 =	vmax.f32 v42, v52;
	v36 =	vmax.f32 v37, v36  }
0x2dd: {  	v43 =	vmax.f32 v43, v57;
	v42 =	vmax.f32 v42, v54;
	v54 =	vld [tilespmem:s13+$0xFFFFFD70];
	v36 =	vmax.f32 v36, v41  }
0x2de: {  	v57 =	vld [tilespmem:s13+$0xFFFFFE30];
	v43 =	vmax.f32 v43, v63;
	v42 =	vmax.f32 v42, v60;
	v36 =	vmax.f32 v36, v47  }
0x2df: {  	v3 =	vmax.f32 v43, v3;
	v60 =	vld [tilespmem:s13+$0xFFFFFE70];
	v4 =	vmax.f32 v42, v4;
	v36 =	vmax.f32 v36, v49  }
0x2e0: {  	v1 =	vmax.f32 v3, v1;
	v2 =	vmax.f32 v4, v2;
	v4 =	vld [tilespmem:s13+$0xFFFFFF30];
	v3 =	vmax.f32 v36, v51  }
0x2e1: {  	v2 =	vmax.f32 v2, v5;
	v5 =	vld [tilespmem:s13+$0xFFFFFF70];
	v3 =	vmax.f32 v3, v53  }
0x2e2: {  	v1 =	vmax.f32 v1, v6;
	v6 =	vld [tilespmem:s13+$0x30];
	v3 =	vmax.f32 v3, v54  }
0x2e3: {  	v2 =	vmax.f32 v2, v62;
	v62 =	vld [tilespmem:s13+$0x70];
	v3 =	vmax.f32 v3, v57  }
0x2e4: {  	v63 =	vld [tilespmem:s13+$0x130];
	v3 =	vmax.f32 v3, v60  }
0x2e5: {  	v1 =	vmax.f32 v1, v61;
	v2 =	vmax.f32 v2, v59;
	v3 =	vmax.f32 v3, v4;
	v4 =	vld [tilespmem:s13+$0x170]  }
0x2e6: {  	v1 =	vmax.f32 v1, v58;
	v2 =	vmax.f32 v2, v56;
	v3 =	vmax.f32 v3, v5;
	v5 =	vld [tilespmem:s13+$0x230]  }
0x2e7: {  	v1 =	vmax.f32 v1, v55;
	v2 =	vmax.f32 v2, v35;
	v3 =	vmax.f32 v3, v6;
	v6 =	vld [tilespmem:s13+$0x270]  }
0x2e8: {  	v1 =	vmax.f32 v1, v34;
	v2 =	vmax.f32 v2, v7;
	v7 =	vld [tilespmem:s13+$0x330];
	v3 =	vmax.f32 v3, v62  }
0x2e9: {  	v1 =	vmax.f32 v1, v8;
	v8 =	vld [tilespmem:s13+$0x370];
	v3 =	vmax.f32 v3, v63  }
0x2ea: {  	v3 =	vmax.f32 v3, v4;
	v4 =	vld [tilespmem:s13+$0x430]  }
0x2eb: {  	v1 =	vmax.f32 v1, v10;
	v3 =	vmax.f32 v3, v5;
	v5 =	vld [tilespmem:s13+$0x470]  }
0x2ec: {  	v1 =	vmax.f32 v1, v32;
	v3 =	vmax.f32 v3, v6;
	v6 =	vld [tilespmem:s13+$0x530]  }
0x2ed: {  	v1 =	vmax.f32 v1, v12;
	v3 =	vmax.f32 v3, v7;
	v7 =	vld [tilespmem:s13+$0x570]  }
0x2ee: {  	v11 =	vld [tilespmem:s13+$0x120];
	v1 =	vmax.f32 v1, v14;
	v3 =	vmax.f32 v3, v8  }
0x2ef: {  	v9 =	vld [tilespmem:s13+$0x20];
	v1 =	vmax.f32 v1, v15;
	v3 =	vmax.f32 v3, v4  }
0x2f0: {  	v33 =	vld [tilespmem:s13+$0x60];
	v1 =	vmax.f32 v1, v16;
	v3 =	vmax.f32 v3, v5  }
0x2f1: {  	v1 =	vmax.f32 v1, v18;
	v8 =	vld [tilespmem:s13+$0x630];
	v3 =	vmax.f32 v3, v6  }
0x2f2: {  	v1 =	vmax.f32 v1, v19;
	v3 =	vmax.f32 v3, v7;
	v7 =	vld [tilespmem:$0x1FD80]  }
0x2f3: {  	v1 =	vmax.f32 v1, v27;
	v4 =	vld [tilespmem:s13+$0x670]  }
0x2f4: {  	v17 =	vld [tilespmem:s13+$0x260];
	v2 =	vmax.f32 v2, v9;
	v1 =	vmax.f32 v1, v25  }
0x2f5: {  	v30 =	vld [tilespmem:s13+$0x320];
	v2 =	vmax.f32 v2, v33;
	v1 =	vmax.f32 v1, v23  }
0x2f6: {  	v29 =	vld [tilespmem:s13+$0x360];
	v2 =	vmax.f32 v2, v11;
	v1 =	vmax.f32 v1, v21  }
0x2f7: {  	v2 =	vmax.f32 v2, v13;
	v3 =	vmax.f32 v3, v8;
	v1 =	vmax.f32 v1, v7;
	v7 =	vld [tilespmem:$0x1FD90]  }
0x2f8: {  	v2 =	vmax.f32 v2, v31;
	v3 =	vmax.f32 v3, v4;
	v4 =	vld [tilespmem:$0x1FDB0]  }
0x2f9: {  	v24 =	vld [tilespmem:s13+$0x520];
	v2 =	vmax.f32 v2, v17  }
0x2fa: {  	v22 =	vld [tilespmem:s13+$0x560];
	v2 =	vmax.f32 v2, v30  }
0x2fb: {  	v20 =	vld [tilespmem:s13+$0x620];
	v2 =	vmax.f32 v2, v29  }
0x2fc: {  	v2 =	vmax.f32 v2, v28;
	v1 =	vmax.f32 v1, v7;
	v7 =	vld [tilespmem:$0x1FDA0]  }
0x2fd: {  	v2 =	vmax.f32 v2, v26;
	v1 =	vmax.f32 v1, v4;
	v4 =	vld [tilespmem:$0x1FDC0]  }
0x2fe: {  	v2 =	vmax.f32 v2, v24  }
0x2ff: {  	v2 =	vmax.f32 v2, v22  }
0x300: {  	v2 =	vmax.f32 v2, v20  }
0x301: {  	v2 =	vmax.f32 v2, v7  }
0x302: {  	v2 =	vmax.f32 v2, v4;
	v4 =	vld [tilespmem:$0x1FDD0];
	_ =	sdelay $0x2  }
0x303: {  	v5 =	vld [tilespmem:s13+$0x730]  }
0x304: {  	v6 =	vld [tilespmem:s13+$0x770]  }
0x305: {  	v1 =	vmax.f32 v1, v4;
	v4 =	vld [tilespmem:$0x1FDE0];
	_ =	sdelay $0x3  }
0x306: {  	v3 =	vmax.f32 v3, v5  }
0x307: {  	v3 =	vmax.f32 v3, v6;
	v2 =	vmax.f32 v2, v4  }
0x308: {  	v0 =	vmax.f32 v0, v1;
	v1 =	vmax.f32 v2, v3  }
0x309: {  	v0 =	vmax.f32 v0, v1  }
0x30a: {  	(xrf0) =	vmax.scan.msk.f32 $0xffff, v0;
	_ =	sdelay $0x2  }
0x30b: {  	v3 =	vmov s20  }
0x30c: {  	v1 =	vmov s11;
	_ =	sdelay $0x1  }
0x30d: {  	v2, _, _ =	vpop (xrf0)  }
0x30e: {  	s28 =	simm.s32 $0x0;
	v2 =	vbroadcast v2, $0xF  }
0x30f: {  	[tilespmem:v3+s28+$0x0 ss:$0x1] =	vst.idx.msk $0xffff, v0  }
0x310: {  	s6 =	simm.s32 $0x9800;
	[tilespmem:v1+s18+$0x0] =	vst.idx.msk $0x1, v2  }
0x311: {  	v45 =	vld [tilespmem:s6+$0x740]  }
0x312: {  	v0 =	vld [tilespmem:s6+$0x750]  }
0x313: {  	v47 =	vld [tilespmem:s6+$0x700]  }
0x314: {  	v50 =	vld [tilespmem:s6+$0x640]  }
0x315: {  	v53 =	vld [tilespmem:s6+$0x600]  }
0x316: {  	v22 =	vld [tilespmem:s6+$0x540]  }
0x317: {  	v23 =	vld [tilespmem:s6+$0x560]  }
0x318: {  	v4 =	vld [tilespmem:s6+$0x500]  }
0x319: {  	v24 =	vld [tilespmem:s6+$0x510]  }
0x31a: {  	v25 =	vld [tilespmem:s6+$0x520]  }
0x31b: {  	v1 =	vld [tilespmem:s6+$0x440]  }
0x31c: {  	v26 =	vld [tilespmem:s6+$0x450]  }
0x31d: {  	v27 =	vld [tilespmem:s6+$0x460]  }
0x31e: {  	[tilespmem:$0x1FDF0] =	vst v3;
	v3 =	vld [tilespmem:s6+$0x400]  }
0x31f: {  	v28 =	vld [tilespmem:s6+$0x410]  }
0x320: {  	v29 =	vld [tilespmem:s6+$0x420]  }
0x321: {  	v8 =	vld [tilespmem:s6+$0x340]  }
0x322: {  	v30 =	vld [tilespmem:s6+$0x350]  }
0x323: {  	v31 =	vld [tilespmem:s6+$0x360]  }
0x324: {  	v5 =	vld [tilespmem:s6+$0x300]  }
0x325: {  	v32 =	vld [tilespmem:s6+$0x310]  }
0x326: {  	v33 =	vld [tilespmem:s6+$0x320]  }
0x327: {  	v10 =	vld [tilespmem:s6+$0x240]  }
0x328: {  	v34 =	vld [tilespmem:s6+$0x250]  }
0x329: {  	v35 =	vld [tilespmem:s6+$0x260]  }
0x32a: {  	v13 =	vld [tilespmem:s6+$0x200]  }
0x32b: {  	v36 =	vld [tilespmem:s6+$0x210]  }
0x32c: {  	v37 =	vld [tilespmem:s6+$0x220]  }
0x32d: {  	v19 =	vld [tilespmem:s6+$0x140]  }
0x32e: {  	v38 =	vld [tilespmem:s6+$0x150]  }
0x32f: {  	v39 =	vld [tilespmem:s6+$0x160]  }
0x330: {  	v18 =	vld [tilespmem:s6+$0x100]  }
0x331: {  	v40 =	vld [tilespmem:s6+$0x110]  }
0x332: {  	v41 =	vld [tilespmem:s6+$0x120]  }
0x333: {  	[tilespmem:$0x1FE00] =	vst v0;
	v0 =	vld [tilespmem:s6+$0x760]  }
0x334: {  	v17 =	vld [tilespmem:s6+$0x40]  }
0x335: {  	v42 =	vld [tilespmem:s6+$0x50]  }
0x336: {  	v43 =	vld [tilespmem:s6+$0x60]  }
0x337: {  	v16 =	vld [tilespmem:s6+$0x0]  }
0x338: {  	[tilespmem:$0x1FE10] =	vst v0;
	v0 =	vld [tilespmem:s6+$0x710]  }
0x339: {  	v44 =	vld [tilespmem:s6+$0x10]  }
0x33a: {  	v46 =	vld [tilespmem:s6+$0x20]  }
0x33b: {  	v15 =	vld [tilespmem:s6+$0xFFFFFF40]  }
0x33c: {  	v48 =	vld [tilespmem:s6+$0xFFFFFF50]  }
0x33d: {  	[tilespmem:$0x1FE20] =	vst v0;
	v0 =	vld [tilespmem:s6+$0x720]  }
0x33e: {  	v49 =	vld [tilespmem:s6+$0xFFFFFF60]  }
0x33f: {  	v14 =	vld [tilespmem:s6+$0xFFFFFF00]  }
0x340: {  	v51 =	vld [tilespmem:s6+$0xFFFFFF10]  }
0x341: {  	v52 =	vld [tilespmem:s6+$0xFFFFFF20]  }
0x342: {  	[tilespmem:$0x1FE30] =	vst v0;
	v0 =	vld [tilespmem:s6+$0x650]  }
0x343: {  	v7 =	vld [tilespmem:s6+$0xFFFFFE40]  }
0x344: {  	v54 =	vld [tilespmem:s6+$0xFFFFFE50]  }
0x345: {  	v55 =	vld [tilespmem:s6+$0xFFFFFE60]  }
0x346: {  	v6 =	vld [tilespmem:s6+$0xFFFFFE00]  }
0x347: {  	[tilespmem:$0x1FE40] =	vst v0;
	v0 =	vld [tilespmem:s6+$0x660]  }
0x348: {  	v56 =	vld [tilespmem:s6+$0xFFFFFE10]  }
0x349: {  	v57 =	vld [tilespmem:s6+$0xFFFFFE20]  }
0x34a: {  	v2 =	vld [tilespmem:s6+$0xFFFFFD40]  }
0x34b: {  	v58 =	vld [tilespmem:s6+$0xFFFFFD50]  }
0x34c: {  	[tilespmem:$0x1FE50] =	vst v0;
	v0 =	vld [tilespmem:s6+$0x610]  }
0x34d: {  	v59 =	vld [tilespmem:s6+$0xFFFFFD60]  }
0x34e: {  	v11 =	vld [tilespmem:s6+$0xFFFFFD00]  }
0x34f: {  	v60 =	vld [tilespmem:s6+$0xFFFFFD10]  }
0x350: {  	v9 =	vld [tilespmem:s6+$0xFFFFF840]  }
0x351: {  	[tilespmem:$0x1FE60] =	vst v0;
	v0 =	vld [tilespmem:s6+$0x620]  }
0x352: {  	v12 =	vld [tilespmem:s6+$0xFFFFF800]  }
0x353: {  	v20 =	vld [tilespmem:s6+$0xFFFFF900]  }
0x354: {  	v21 =	vld [tilespmem:s6+$0xFFFFF940]  }
0x355: {  	v61 =	vld [tilespmem:s6+$0xFFFFFA00]  }
0x356: {  	[tilespmem:$0x1FE70] =	vst v0;
	v0 =	vld [tilespmem:s6+$0x550]  }
0x357: {  	v62 =	vld [tilespmem:s6+$0xFFFFFA40]  }
0x358: {  	v9 =	vmax.f32 v12, v9;
	v12 =	vld [tilespmem:s6+$0xFFFFFB00]  }
0x359: {  	v9 =	vmax.f32 v9, v20;
	v20 =	vld [tilespmem:s6+$0xFFFFFB40]  }
0x35a: {  	v9 =	vmax.f32 v9, v21;
	v21 =	vld [tilespmem:s6+$0xFFFFFC00]  }
0x35b: {  	v9 =	vmax.f32 v9, v61;
	[tilespmem:$0x1FE80] =	vst v0;
	v0 =	vld [tilespmem:s6+$0xFFFFFC40]  }
0x35c: {  	v63 =	vld [tilespmem:s6+$0xFFFFFC60];
	v9 =	vmax.f32 v9, v62  }
0x35d: {  	v61 =	vld [tilespmem:s6+$0xFFFFFD20];
	v9 =	vmax.f32 v9, v12  }
0x35e: {  	v62 =	vld [tilespmem:s6+$0xFFFFFC50];
	v9 =	vmax.f32 v9, v20  }
0x35f: {  	v12 =	vld [tilespmem:s6+$0xFFFFFC10];
	v9 =	vmax.f32 v9, v21  }
0x360: {  	v20 =	vld [tilespmem:s6+$0xFFFFF910];
	v0 =	vmax.f32 v9, v0  }
0x361: {  	v21 =	vld [tilespmem:s6+$0xFFFFF850];
	v0 =	vmax.f32 v0, v11  }
0x362: {  	v9 =	vld [tilespmem:s6+$0xFFFFFC20];
	v0 =	vmax.f32 v0, v2  }
0x363: {  	v11 =	vld [tilespmem:s6+$0xFFFFFB50];
	v0 =	vmax.f32 v0, v6  }
0x364: {  	v2 =	vld [tilespmem:s6+$0xFFFFFB60];
	v0 =	vmax.f32 v0, v7  }
0x365: {  	v6 =	vld [tilespmem:s6+$0xFFFFFB10];
	v0 =	vmax.f32 v0, v14  }
0x366: {  	v7 =	vld [tilespmem:s6+$0xFFFFFB20];
	v0 =	vmax.f32 v0, v15  }
0x367: {  	v14 =	vld [tilespmem:s6+$0xFFFFFA50];
	v0 =	vmax.f32 v0, v16  }
0x368: {  	v15 =	vld [tilespmem:s6+$0xFFFFFA60];
	v0 =	vmax.f32 v0, v17  }
0x369: {  	v16 =	vld [tilespmem:s6+$0xFFFFFA10];
	v0 =	vmax.f32 v0, v18  }
0x36a: {  	v17 =	vld [tilespmem:s6+$0xFFFFFA20];
	v0 =	vmax.f32 v0, v19  }
0x36b: {  	v18 =	vld [tilespmem:s6+$0xFFFFF950];
	v0 =	vmax.f32 v0, v13  }
0x36c: {  	v19 =	vld [tilespmem:s6+$0xFFFFF960];
	v0 =	vmax.f32 v0, v10  }
0x36d: {  	v13 =	vld [tilespmem:s6+$0xFFFFF920];
	v0 =	vmax.f32 v0, v5  }
0x36e: {  	v10 =	vld [tilespmem:s6+$0xFFFFF830];
	v0 =	vmax.f32 v0, v8  }
0x36f: {  	v5 =	vld [tilespmem:s6+$0xFFFFF810];
	v0 =	vmax.f32 v0, v3  }
0x370: {  	v8 =	vld [tilespmem:s6+$0xFFFFF870];
	v0 =	vmax.f32 v0, v1  }
0x371: {  	v3 =	vld [tilespmem:s6+$0xFFFFF820];
	v0 =	vmax.f32 v0, v4  }
0x372: {  	s10 =	simm.s32 $0x40;
	s12 =	simm.s32 $0x80;
	s3 =	smov.u32 s11;
	v1 =	vld [tilespmem:s6+$0xFFFFF860];
	v0 =	vmax.f32 v0, v22  }
.LBB2_7:
0x373: {  	v4 =	vld [tilespmem:s6+$0xFFFFF930]  }
0x374: {  	v0 =	vmax.f32 v0, v53;
	v53 =	vld [tilespmem:s6+$0xFFFFF970]  }
0x375: {  	v0 =	vmax.f32 v0, v50;
	v50 =	vld [tilespmem:s6+$0xFFFFFA30]  }
0x376: {  	v0 =	vmax.f32 v0, v47;
	v47 =	vld [tilespmem:s6+$0xFFFFFA70]  }
0x377: {  	v5 =	vmax.f32 v5, v21;
	v1 =	vmax.f32 v3, v1;
	v3 =	vmax.f32 v10, v8;
	v8 =	vld [tilespmem:s6+$0xFFFFFB30]  }
0x378: {  	v5 =	vmax.f32 v5, v20;
	v1 =	vmax.f32 v1, v13;
	v3 =	vmax.f32 v3, v4;
	v4 =	vld [tilespmem:s6+$0xFFFFFB70]  }
0x379: {  	v10 =	vld [tilespmem:s6+$0xFFFFFC30];
	v5 =	vmax.f32 v5, v18;
	v1 =	vmax.f32 v1, v19;
	v3 =	vmax.f32 v3, v53  }
0x37a: {  	v13 =	vld [tilespmem:s6+$0xFFFFFC70];
	v5 =	vmax.f32 v5, v16;
	v1 =	vmax.f32 v1, v17;
	v3 =	vmax.f32 v3, v50  }
0x37b: {  	v5 =	vmax.f32 v5, v14;
	v1 =	vmax.f32 v1, v15;
	v14 =	vld [tilespmem:s6+$0xFFFFFD30];
	v3 =	vmax.f32 v3, v47  }
0x37c: {  	v5 =	vmax.f32 v5, v6;
	v1 =	vmax.f32 v1, v7;
	v6 =	vld [tilespmem:s6+$0xFFFFFD70];
	v3 =	vmax.f32 v3, v8  }
0x37d: {  	v5 =	vmax.f32 v5, v11;
	v1 =	vmax.f32 v1, v2;
	v2 =	vmax.f32 v3, v4;
	v3 =	vld [tilespmem:s6+$0xFFFFFE30]  }
0x37e: {  	v4 =	vmax.f32 v5, v12;
	v5 =	vld [tilespmem:s6+$0xFFFFFE70];
	v2 =	vmax.f32 v2, v10  }
0x37f: {  	v7 =	vld [tilespmem:s6+$0xFFFFFF30];
	v2 =	vmax.f32 v2, v13  }
0x380: {  	v8 =	vld [tilespmem:s6+$0xFFFFFF70];
	v2 =	vmax.f32 v2, v14  }
0x381: {  	v2 =	vmax.f32 v2, v6;
	v6 =	vld [tilespmem:s6+$0x30]  }
0x382: {  	v2 =	vmax.f32 v2, v3;
	v3 =	vld [tilespmem:s6+$0x70]  }
0x383: {  	v4 =	vmax.f32 v4, v62;
	v2 =	vmax.f32 v2, v5;
	v5 =	vld [tilespmem:s6+$0x130]  }
0x384: {  	v4 =	vmax.f32 v4, v60;
	v2 =	vmax.f32 v2, v7;
	v7 =	vld [tilespmem:s6+$0x170]  }
0x385: {  	v4 =	vmax.f32 v4, v58;
	v2 =	vmax.f32 v2, v8;
	v8 =	vld [tilespmem:s6+$0x230]  }
0x386: {  	v4 =	vmax.f32 v4, v56;
	v2 =	vmax.f32 v2, v6;
	v6 =	vld [tilespmem:s6+$0x270]  }
0x387: {  	v1 =	vmax.f32 v1, v9;
	v4 =	vmax.f32 v4, v54;
	v2 =	vmax.f32 v2, v3;
	v3 =	vld [tilespmem:s6+$0x330]  }
0x388: {  	v1 =	vmax.f32 v1, v63;
	v4 =	vmax.f32 v4, v51;
	v2 =	vmax.f32 v2, v5;
	v5 =	vld [tilespmem:s6+$0x370]  }
0x389: {  	v1 =	vmax.f32 v1, v61;
	v4 =	vmax.f32 v4, v48;
	v2 =	vmax.f32 v2, v7;
	v7 =	vld [tilespmem:s6+$0x430]  }
0x38a: {  	v1 =	vmax.f32 v1, v59;
	v4 =	vmax.f32 v4, v44;
	v2 =	vmax.f32 v2, v8;
	v8 =	vld [tilespmem:s6+$0x470]  }
0x38b: {  	v1 =	vmax.f32 v1, v57;
	v4 =	vmax.f32 v4, v42;
	v2 =	vmax.f32 v2, v6;
	v6 =	vld [tilespmem:s6+$0x530]  }
0x38c: {  	v1 =	vmax.f32 v1, v55;
	v4 =	vmax.f32 v4, v40;
	v2 =	vmax.f32 v2, v3;
	v3 =	vld [tilespmem:s6+$0x570]  }
0x38d: {  	v1 =	vmax.f32 v1, v52;
	v4 =	vmax.f32 v4, v38;
	v2 =	vmax.f32 v2, v5  }
0x38e: {  	v1 =	vmax.f32 v1, v49;
	v4 =	vmax.f32 v4, v36;
	v2 =	vmax.f32 v2, v7  }
0x38f: {  	v1 =	vmax.f32 v1, v46;
	v4 =	vmax.f32 v4, v34;
	v2 =	vmax.f32 v2, v8  }
0x390: {  	v9 =	vld [tilespmem:$0x1FE80];
	v1 =	vmax.f32 v1, v43;
	v4 =	vmax.f32 v4, v32;
	v2 =	vmax.f32 v2, v6  }
0x391: {  	v1 =	vmax.f32 v1, v41;
	v4 =	vmax.f32 v4, v30;
	v2 =	vmax.f32 v2, v3;
	v3 =	vld [tilespmem:$0x1FE60]  }
0x392: {  	v1 =	vmax.f32 v1, v39;
	v4 =	vmax.f32 v4, v28  }
0x393: {  	v1 =	vmax.f32 v1, v37;
	v4 =	vmax.f32 v4, v26  }
0x394: {  	v1 =	vmax.f32 v1, v35;
	v4 =	vmax.f32 v4, v24  }
0x395: {  	v1 =	vmax.f32 v1, v33;
	v4 =	vmax.f32 v4, v9  }
0x396: {  	v1 =	vmax.f32 v1, v31;
	v3 =	vmax.f32 v4, v3;
	v4 =	vld [tilespmem:$0x1FE70]  }
0x397: {  	v1 =	vmax.f32 v1, v29  }
0x398: {  	v1 =	vmax.f32 v1, v27  }
0x399: {  	v1 =	vmax.f32 v1, v25  }
0x39a: {  	v1 =	vmax.f32 v1, v23  }
0x39b: {  	v1 =	vmax.f32 v1, v4;
	v4 =	vld [tilespmem:$0x1FE40];
	_ =	sdelay $0x4  }
0x39c: {  	v3 =	vmax.f32 v3, v4;
	v4 =	vld [tilespmem:$0x1FE50];
	_ =	sdelay $0x4  }
0x39d: {  	v1 =	vmax.f32 v1, v4;
	v4 =	vld [tilespmem:$0x1FE20];
	_ =	sdelay $0x4  }
0x39e: {  	v3 =	vmax.f32 v3, v4;
	v4 =	vld [tilespmem:$0x1FE30];
	_ =	sdelay $0x4  }
0x39f: {  	v1 =	vmax.f32 v1, v4;
	v4 =	vld [tilespmem:$0x1FE00]  }
0x3a0: {  	v5 =	vld [tilespmem:s6+$0x630]  }
0x3a1: {  	v7 =	vld [tilespmem:s6+$0x670]  }
0x3a2: {  	v8 =	vld [tilespmem:s6+$0x730]  }
0x3a3: {  	v6 =	vld [tilespmem:s6+$0x770]  }
0x3a4: {  	v3 =	vmax.f32 v3, v4;
	v4 =	vld [tilespmem:$0x1FE10];
	_ =	sdelay $0x1  }
0x3a5: {  	v2 =	vmax.f32 v2, v5  }
0x3a6: {  	v2 =	vmax.f32 v2, v7  }
0x3a7: {  	v2 =	vmax.f32 v2, v8  }
0x3a8: {  	v0 =	vmax.f32 v0, v45;
	v2 =	vmax.f32 v2, v6;
	v1 =	vmax.f32 v1, v4  }
0x3a9: {  	v0 =	vmax.f32 v0, v3;
	v1 =	vmax.f32 v1, v2  }
0x3aa: {  	v0 =	vmax.f32 v0, v1;
	v1 =	vld [tilespmem:$0x1FDF0];
	_ =	sdelay $0x3  }
0x3ab: {  	(xrf0) =	vmax.scan.msk.f32 $0xffff, v0;
	_ =	sdelay $0x2  }
0x3ac: {  	s13 =	sshra.s32 s10, $0x2;
	s3 =	sadd.s32 $0x1, s3  }
0x3ad: {  	[tilespmem:v1+s13+$0x0 ss:$0x1] =	vst.idx.msk $0xffff, v0;
	v0 =	vmov s3;
	_ =	sdelay $0x1  }
0x3ae: {  	v1, _, _ =	vpop (xrf0)  }
0x3af: {  	v1 =	vbroadcast v1, $0xF;
	_ =	sdelay $0x1  }
0x3b0: {  	s6 =	sadd.s32 $0x1000, s6;
	[tilespmem:v0+s18+$0x0] =	vst.idx.msk $0x1, v1  }
0x3b1: {  	v45 =	vld [tilespmem:s6+$0x740]  }
0x3b2: {  	v0 =	vld [tilespmem:s6+$0x750]  }
0x3b3: {  	v47 =	vld [tilespmem:s6+$0x700]  }
0x3b4: {  	v50 =	vld [tilespmem:s6+$0x640]  }
0x3b5: {  	v53 =	vld [tilespmem:s6+$0x600]  }
0x3b6: {  	v4 =	vld [tilespmem:s6+$0x540]  }
0x3b7: {  	v23 =	vld [tilespmem:s6+$0x560]  }
0x3b8: {  	v8 =	vld [tilespmem:s6+$0x500]  }
0x3b9: {  	v24 =	vld [tilespmem:s6+$0x510]  }
0x3ba: {  	v25 =	vld [tilespmem:s6+$0x520]  }
0x3bb: {  	v10 =	vld [tilespmem:s6+$0x440]  }
0x3bc: {  	v26 =	vld [tilespmem:s6+$0x450]  }
0x3bd: {  	v27 =	vld [tilespmem:s6+$0x460]  }
0x3be: {  	v1 =	vld [tilespmem:s6+$0x400]  }
0x3bf: {  	v28 =	vld [tilespmem:s6+$0x410]  }
0x3c0: {  	v29 =	vld [tilespmem:s6+$0x420]  }
0x3c1: {  	v3 =	vld [tilespmem:s6+$0x340]  }
0x3c2: {  	v30 =	vld [tilespmem:s6+$0x350]  }
0x3c3: {  	v31 =	vld [tilespmem:s6+$0x360]  }
0x3c4: {  	v32 =	vld [tilespmem:s6+$0x310]  }
0x3c5: {  	v33 =	vld [tilespmem:s6+$0x320]  }
0x3c6: {  	v5 =	vld [tilespmem:s6+$0x240]  }
0x3c7: {  	v34 =	vld [tilespmem:s6+$0x250]  }
0x3c8: {  	v35 =	vld [tilespmem:s6+$0x260]  }
0x3c9: {  	v13 =	vld [tilespmem:s6+$0x200]  }
0x3ca: {  	v36 =	vld [tilespmem:s6+$0x210]  }
0x3cb: {  	v37 =	vld [tilespmem:s6+$0x220]  }
0x3cc: {  	v20 =	vld [tilespmem:s6+$0x140]  }
0x3cd: {  	v38 =	vld [tilespmem:s6+$0x150]  }
0x3ce: {  	v39 =	vld [tilespmem:s6+$0x160]  }
0x3cf: {  	v19 =	vld [tilespmem:s6+$0x100]  }
0x3d0: {  	v40 =	vld [tilespmem:s6+$0x110]  }
0x3d1: {  	v41 =	vld [tilespmem:s6+$0x120]  }
0x3d2: {  	v18 =	vld [tilespmem:s6+$0x40]  }
0x3d3: {  	v42 =	vld [tilespmem:s6+$0x50]  }
0x3d4: {  	v43 =	vld [tilespmem:s6+$0x60]  }
0x3d5: {  	v17 =	vld [tilespmem:s6+$0x0]  }
0x3d6: {  	v44 =	vld [tilespmem:s6+$0x10]  }
0x3d7: {  	v46 =	vld [tilespmem:s6+$0x20]  }
0x3d8: {  	v16 =	vld [tilespmem:s6+$0xFFFFFF40]  }
0x3d9: {  	v48 =	vld [tilespmem:s6+$0xFFFFFF50]  }
0x3da: {  	v49 =	vld [tilespmem:s6+$0xFFFFFF60]  }
0x3db: {  	v15 =	vld [tilespmem:s6+$0xFFFFFF00]  }
0x3dc: {  	v51 =	vld [tilespmem:s6+$0xFFFFFF10]  }
0x3dd: {  	v52 =	vld [tilespmem:s6+$0xFFFFFF20]  }
0x3de: {  	v14 =	vld [tilespmem:s6+$0xFFFFFE40]  }
0x3df: {  	v54 =	vld [tilespmem:s6+$0xFFFFFE50]  }
0x3e0: {  	[tilespmem:$0x1FE00] =	vst v0;
	v0 =	vld [tilespmem:s6+$0x760]  }
0x3e1: {  	v55 =	vld [tilespmem:s6+$0xFFFFFE60]  }
0x3e2: {  	v7 =	vld [tilespmem:s6+$0xFFFFFE00]  }
0x3e3: {  	v56 =	vld [tilespmem:s6+$0xFFFFFE10]  }
0x3e4: {  	v57 =	vld [tilespmem:s6+$0xFFFFFE20]  }
0x3e5: {  	[tilespmem:$0x1FE10] =	vst v0;
	v0 =	vld [tilespmem:s6+$0x710]  }
0x3e6: {  	v6 =	vld [tilespmem:s6+$0xFFFFFD40]  }
0x3e7: {  	v58 =	vld [tilespmem:s6+$0xFFFFFD50]  }
0x3e8: {  	v59 =	vld [tilespmem:s6+$0xFFFFFD60]  }
0x3e9: {  	v2 =	vld [tilespmem:s6+$0xFFFFFD00]  }
0x3ea: {  	[tilespmem:$0x1FE20] =	vst v0;
	v0 =	vld [tilespmem:s6+$0x720]  }
0x3eb: {  	v60 =	vld [tilespmem:s6+$0xFFFFFD10]  }
0x3ec: {  	v9 =	vld [tilespmem:s6+$0xFFFFF840]  }
0x3ed: {  	v11 =	vld [tilespmem:s6+$0xFFFFF800]  }
0x3ee: {  	v12 =	vld [tilespmem:s6+$0xFFFFF900]  }
0x3ef: {  	[tilespmem:$0x1FE30] =	vst v0;
	v0 =	vld [tilespmem:s6+$0x650]  }
0x3f0: {  	v21 =	vld [tilespmem:s6+$0xFFFFF940]  }
0x3f1: {  	v61 =	vld [tilespmem:s6+$0xFFFFFA00]  }
0x3f2: {  	v62 =	vld [tilespmem:s6+$0xFFFFFA40]  }
0x3f3: {  	v22 =	vld [tilespmem:s6+$0xFFFFFC40]  }
0x3f4: {  	[tilespmem:$0x1FE40] =	vst v0;
	v0 =	vld [tilespmem:s6+$0x660]  }
0x3f5: {  	v63 =	vld [tilespmem:s6+$0xFFFFFC60]  }
0x3f6: {  	v9 =	vmax.f32 v11, v9;
	v11 =	vld [tilespmem:s6+$0xFFFFFB00]  }
0x3f7: {  	v9 =	vmax.f32 v9, v12;
	v12 =	vld [tilespmem:s6+$0xFFFFFB40]  }
0x3f8: {  	v9 =	vmax.f32 v9, v21;
	v21 =	vld [tilespmem:s6+$0xFFFFFC00]  }
0x3f9: {  	v9 =	vmax.f32 v9, v61;
	[tilespmem:$0x1FE50] =	vst v0;
	v0 =	vld [tilespmem:s6+$0x610]  }
0x3fa: {  	v61 =	vld [tilespmem:s6+$0xFFFFFD20];
	v9 =	vmax.f32 v9, v62  }
0x3fb: {  	v62 =	vld [tilespmem:s6+$0xFFFFFC50];
	v9 =	vmax.f32 v9, v11  }
0x3fc: {  	v9 =	vmax.f32 v9, v12;
	v12 =	vld [tilespmem:s6+$0xFFFFFC10]  }
0x3fd: {  	v11 =	vmax.f32 v9, v21;
	v9 =	vld [tilespmem:s6+$0xFFFFFC20]  }
0x3fe: {  	[tilespmem:$0x1FE60] =	vst v0;
	v0 =	vld [tilespmem:s6+$0x620]  }
0x3ff: {  	v21 =	vmax.f32 v11, v22;
	v11 =	vld [tilespmem:s6+$0xFFFFFB50]  }
0x400: {  	v21 =	vmax.f32 v21, v2;
	v2 =	vld [tilespmem:s6+$0xFFFFFB60]  }
0x401: {  	v21 =	vmax.f32 v21, v6;
	v6 =	vld [tilespmem:s6+$0xFFFFFB10]  }
0x402: {  	v21 =	vmax.f32 v21, v7;
	v7 =	vld [tilespmem:s6+$0xFFFFFB20]  }
0x403: {  	[tilespmem:$0x1FE70] =	vst v0;
	v0 =	vld [tilespmem:s6+$0x550]  }
0x404: {  	v21 =	vmax.f32 v21, v14;
	v14 =	vld [tilespmem:s6+$0xFFFFFA50]  }
0x405: {  	v21 =	vmax.f32 v21, v15;
	v15 =	vld [tilespmem:s6+$0xFFFFFA60]  }
0x406: {  	v21 =	vmax.f32 v21, v16;
	v16 =	vld [tilespmem:s6+$0xFFFFFA10]  }
0x407: {  	v21 =	vmax.f32 v21, v17;
	v17 =	vld [tilespmem:s6+$0xFFFFFA20]  }
0x408: {  	v21 =	vmax.f32 v21, v18;
	[tilespmem:$0x1FE80] =	vst v0;
	v0 =	vld [tilespmem:s6+$0x300]  }
0x409: {  	v18 =	vld [tilespmem:s6+$0xFFFFF950];
	v21 =	vmax.f32 v21, v19  }
0x40a: {  	v19 =	vld [tilespmem:s6+$0xFFFFF960];
	v21 =	vmax.f32 v21, v20  }
0x40b: {  	v20 =	vld [tilespmem:s6+$0xFFFFF910];
	v21 =	vmax.f32 v21, v13  }
0x40c: {  	v13 =	vld [tilespmem:s6+$0xFFFFF920];
	v21 =	vmax.f32 v21, v5  }
0x40d: {  	p0 =	sne.s32 s12, $0x1C0;
	v5 =	vld [tilespmem:s6+$0xFFFFF810];
	v0 =	vmax.f32 v21, v0  }
.Ltmp4:
0x40e: {  	v21 =	vld [tilespmem:s6+$0xFFFFF850];
	v0 =	vmax.f32 v0, v3;
	(pc) =	sbr.rel @p0 .LBB2_7-.Ltmp4, $4  }
0x40f: {  	v3 =	vld [tilespmem:s6+$0xFFFFF820];
	v0 =	vmax.f32 v0, v1  }
0x410: {  	v1 =	vld [tilespmem:s6+$0xFFFFF860];
	v0 =	vmax.f32 v0, v10  }
0x411: {  	v10 =	vld [tilespmem:s6+$0xFFFFF830];
	v0 =	vmax.f32 v0, v8  }
0x412: {  	s10 =	smov.u32 s12;
	s12 =	sadd.s32 $0x40, s12;
	v8 =	vld [tilespmem:s6+$0xFFFFF870];
	v0 =	vmax.f32 v0, v4  }
0x413: {  	v4 =	vld [tilespmem:s6+$0xFFFFF930]  }
0x414: {  	v22 =	vld [tilespmem:s6+$0xFFFFF970]  }
0x415: {  	v0 =	vmax.f32 v0, v53;
	v53 =	vld [tilespmem:s6+$0xFFFFFB30]  }
0x416: {  	v5 =	vmax.f32 v5, v21;
	v21 =	vld [tilespmem:s6+$0xFFFFFC30]  }
0x417: {  	v0 =	vmax.f32 v0, v50;
	v5 =	vmax.f32 v5, v20;
	v20 =	vld [tilespmem:s6+$0xFFFFFB70]  }
0x418: {  	v0 =	vmax.f32 v0, v47;
	v47 =	vld [tilespmem:s6+$0xFFFFFA30]  }
0x419: {  	v5 =	vmax.f32 v5, v18;
	v18 =	vld [tilespmem:s6+$0x70]  }
0x41a: {  	v1 =	vmax.f32 v3, v1;
	v0 =	vmax.f32 v0, v45;
	v45 =	vld [tilespmem:s6+$0xFFFFFA70]  }
0x41b: {  	v1 =	vmax.f32 v1, v13;
	v5 =	vmax.f32 v5, v16;
	v16 =	vld [tilespmem:s6+$0xFFFFFF70]  }
0x41c: {  	v50 =	vmax.f32 v10, v8;
	v1 =	vmax.f32 v1, v19;
	v19 =	vld [tilespmem:s6+$0x130]  }
0x41d: {  	v3 =	vmax.f32 v50, v4;
	v1 =	vmax.f32 v1, v17;
	v17 =	vld [tilespmem:s6+$0x30]  }
0x41e: {  	v5 =	vmax.f32 v5, v14;
	v3 =	vmax.f32 v3, v22;
	v22 =	vld [tilespmem:s6+$0xFFFFFC70]  }
0x41f: {  	v5 =	vmax.f32 v5, v6;
	v1 =	vmax.f32 v1, v15;
	v15 =	vld [tilespmem:s6+$0xFFFFFF30]  }
0x420: {  	v5 =	vmax.f32 v5, v11;
	v3 =	vmax.f32 v3, v47;
	v47 =	vld [tilespmem:s6+$0xFFFFFD70]  }
0x421: {  	v11 =	vmax.f32 v5, v12;
	v12 =	vld [tilespmem:s6+$0xFFFFFE70]  }
0x422: {  	v3 =	vmax.f32 v3, v45;
	v45 =	vld [tilespmem:s6+$0xFFFFFD30]  }
0x423: {  	v4 =	vmax.f32 v11, v62;
	v3 =	vmax.f32 v3, v53;
	v53 =	vld [tilespmem:s6+$0xFFFFFE30]  }
0x424: {  	v4 =	vmax.f32 v4, v60;
	v60 =	vld [tilespmem:$0x1FE10]  }
0x425: {  	v1 =	vmax.f32 v1, v7;
	v50 =	vmax.f32 v3, v20;
	v20 =	vld [tilespmem:s6+$0x170]  }
0x426: {  	v1 =	vmax.f32 v1, v2;
	v4 =	vmax.f32 v4, v58;
	v58 =	vld [tilespmem:$0x1FE30]  }
0x427: {  	v1 =	vmax.f32 v1, v9;
	v2 =	vmax.f32 v50, v21;
	v21 =	vld [tilespmem:s6+$0x230]  }
0x428: {  	v1 =	vmax.f32 v1, v63;
	v50 =	vld [tilespmem:s6+$0x730];
	v2 =	vmax.f32 v2, v22  }
0x429: {  	v1 =	vmax.f32 v1, v61;
	v4 =	vmax.f32 v4, v56;
	v56 =	vld [tilespmem:$0x1FE50];
	v2 =	vmax.f32 v2, v45  }
0x42a: {  	v1 =	vmax.f32 v1, v59;
	v22 =	vld [tilespmem:s6+$0x270];
	v2 =	vmax.f32 v2, v47  }
0x42b: {  	v4 =	vmax.f32 v4, v54;
	v54 =	vld [tilespmem:$0x1FE70];
	v1 =	vmax.f32 v1, v57;
	v2 =	vmax.f32 v2, v53  }
0x42c: {  	v59 =	vld [tilespmem:$0x1FE00];
	v1 =	vmax.f32 v1, v55;
	v2 =	vmax.f32 v2, v12  }
0x42d: {  	v4 =	vmax.f32 v4, v51;
	v45 =	vld [tilespmem:s6+$0x470];
	v1 =	vmax.f32 v1, v52;
	v2 =	vmax.f32 v2, v15  }
0x42e: {  	v4 =	vmax.f32 v4, v48;
	v47 =	vld [tilespmem:s6+$0x570];
	v1 =	vmax.f32 v1, v49;
	v2 =	vmax.f32 v2, v16  }
0x42f: {  	v48 =	vld [tilespmem:s6+$0x630];
	v4 =	vmax.f32 v4, v44;
	v1 =	vmax.f32 v1, v46;
	v2 =	vmax.f32 v2, v17  }
0x430: {  	v4 =	vmax.f32 v4, v42;
	v42 =	vld [tilespmem:s6+$0x330];
	v1 =	vmax.f32 v1, v43;
	v2 =	vmax.f32 v2, v18  }
0x431: {  	v4 =	vmax.f32 v4, v40;
	v43 =	vld [tilespmem:s6+$0x370];
	v1 =	vmax.f32 v1, v41;
	v2 =	vmax.f32 v2, v19  }
0x432: {  	v44 =	vld [tilespmem:s6+$0x430];
	v4 =	vmax.f32 v4, v38;
	v1 =	vmax.f32 v1, v39;
	v2 =	vmax.f32 v2, v20  }
0x433: {  	v55 =	vld [tilespmem:$0x1FE40];
	v4 =	vmax.f32 v4, v36;
	v1 =	vmax.f32 v1, v37;
	v2 =	vmax.f32 v2, v21  }
0x434: {  	v46 =	vld [tilespmem:s6+$0x530];
	v4 =	vmax.f32 v4, v34;
	v1 =	vmax.f32 v1, v35;
	v2 =	vmax.f32 v2, v22  }
0x435: {  	v52 =	vld [tilespmem:$0x1FE80];
	v4 =	vmax.f32 v4, v32;
	v1 =	vmax.f32 v1, v33;
	v2 =	vmax.f32 v2, v42  }
0x436: {  	v53 =	vld [tilespmem:$0x1FE60];
	v4 =	vmax.f32 v4, v30;
	v1 =	vmax.f32 v1, v31;
	v2 =	vmax.f32 v2, v43  }
0x437: {  	v49 =	vld [tilespmem:s6+$0x670];
	v4 =	vmax.f32 v4, v28;
	v1 =	vmax.f32 v1, v29;
	v2 =	vmax.f32 v2, v44  }
0x438: {  	v57 =	vld [tilespmem:$0x1FE20];
	v4 =	vmax.f32 v4, v26;
	v1 =	vmax.f32 v1, v27;
	v2 =	vmax.f32 v2, v45  }
0x439: {  	v51 =	vld [tilespmem:s6+$0x770];
	v4 =	vmax.f32 v4, v24;
	v1 =	vmax.f32 v1, v25;
	v2 =	vmax.f32 v2, v46  }
0x43a: {  	v4 =	vmax.f32 v4, v52;
	v1 =	vmax.f32 v1, v23;
	v2 =	vmax.f32 v2, v47  }
0x43b: {  	v3 =	vmax.f32 v4, v53;
	v1 =	vmax.f32 v1, v54;
	v2 =	vmax.f32 v2, v48  }
0x43c: {  	v3 =	vmax.f32 v3, v55;
	v1 =	vmax.f32 v1, v56;
	v2 =	vmax.f32 v2, v49  }
0x43d: {  	v3 =	vmax.f32 v3, v57;
	v1 =	vmax.f32 v1, v58;
	v2 =	vmax.f32 v2, v50  }
0x43e: {  	v3 =	vmax.f32 v3, v59;
	v1 =	vmax.f32 v1, v60;
	v2 =	vmax.f32 v2, v51  }
0x43f: {  	v0 =	vmax.f32 v0, v3;
	v1 =	vmax.f32 v1, v2  }
0x440: {  	v0 =	vmax.f32 v0, v1  }
0x441: {  	v63 =	vld [tilespmem:$0x1FDF0];
	(xrf0) =	vmax.scan.msk.f32 $0xffff, v0;
	_ =	sdelay $0x2  }
0x442: {  	s3 =	sadd.s32 $0x1, s3  }
0x443: {  	p0 =	seq.s32 s26, $0x1D;
	v61 =	vmov s3  }
.Ltmp5:
0x444: {  	_ = 	snop;
	(pc) =	sbr.rel @p0 .LBB2_10-.Ltmp5, $4  }
0x445: {  	v62, _, _ =	vpop (xrf0)  }
0x446: {  	s28 =	sshra.s32 s10, $0x2;
	v2 =	vbroadcast v62, $0xF  }
0x447: {  	[tilespmem:v63+s28+$0x0 ss:$0x1] =	vst.idx.msk $0xffff, v0  }
0x448: {  	[tilespmem:v61+s18+$0x0] =	vst.idx.msk $0x1, v2  }
.Ltmp6:
0x449: {  	(pc) =	sbr.rel .LBB2_4-.Ltmp6, $4  }
0x44a: {  	s3 =	sadd.s32 s5, s8;
	s26 =	sadd.s32 $0x1, s26  }
0x44b: {  	s31 =	sadd.s32 $0x10, s31;
	s0 =	sadd.s32 $0x100, s0;
	s3 =	sshrl.u32 s3, $0x3  }
0x44c: {  	s11 =	sadd.s32 $0x10, s11;
	s20 =	sadd.s32 $0x100, s20;
	s3 =	sadd.s32 s1, s3  }
0x44d: {  	[tilespmem:s16], [sflag:$0x2] =	stream.strided.gather [hbm4b:s3+s14], $0x8000, s15, s14, $0x38;
	[tilespmem:$0x15B00] =	vst v63  }
.LBB2_10:
0x44e: {  	_ =	swait.ge [sflag:s17], $0x8000  }
0x44f: {  	[sflag:s17] =	ssyncset.done $0x0  }
0x450: {  	s0 =	simm.s32 $0x12000;
	s28 =	simm.s32 $0x800;
	[sflag:s17] =	ssyncadd.s32 $0xFFFF8000  }
0x451: {  	[tilespmem:s0], [sflag:$0x2] =	stream.linear.gather [hbm4b:s9+s2], $0x280, $0x38;
	[tilespmem:$0x15B00] =	vst v63  }
0x452: {  	v36 =	vld [tilespmem:s28+$0x740]  }
0x453: {  	v0 =	vld [tilespmem:s28+$0x750]  }
0x454: {  	v37 =	vld [tilespmem:s28+$0x700]  }
0x455: {  	v38 =	vld [tilespmem:s28+$0x640]  }
0x456: {  	v39 =	vld [tilespmem:s28+$0x600]  }
0x457: {  	v40 =	vld [tilespmem:s28+$0x540]  }
0x458: {  	v21 =	vld [tilespmem:s28+$0x550]  }
0x459: {  	v41 =	vld [tilespmem:s28+$0x500]  }
0x45a: {  	v23 =	vld [tilespmem:s28+$0x510]  }
0x45b: {  	v42 =	vld [tilespmem:s28+$0x440]  }
0x45c: {  	v25 =	vld [tilespmem:s28+$0x450]  }
0x45d: {  	v26 =	vld [tilespmem:s28+$0x460]  }
0x45e: {  	v43 =	vld [tilespmem:s28+$0x400]  }
0x45f: {  	v27 =	vld [tilespmem:s28+$0x410]  }
0x460: {  	v28 =	vld [tilespmem:s28+$0x420]  }
0x461: {  	v44 =	vld [tilespmem:s28+$0x340]  }
0x462: {  	v19 =	vld [tilespmem:s28+$0x350]  }
0x463: {  	v45 =	vld [tilespmem:s28+$0x300]  }
0x464: {  	v18 =	vld [tilespmem:s28+$0x310]  }
0x465: {  	v46 =	vld [tilespmem:s28+$0x240]  }
0x466: {  	v16 =	vld [tilespmem:s28+$0x250]  }
0x467: {  	v47 =	vld [tilespmem:s28+$0x200]  }
0x468: {  	v15 =	vld [tilespmem:s28+$0x210]  }
0x469: {  	v31 =	vld [tilespmem:s28+$0x220]  }
0x46a: {  	v48 =	vld [tilespmem:s28+$0x140]  }
0x46b: {  	v14 =	vld [tilespmem:s28+$0x150]  }
0x46c: {  	v13 =	vld [tilespmem:s28+$0x160]  }
0x46d: {  	[tilespmem:$0x1FCD0] =	vst v0;
	v0 =	vld [tilespmem:s28+$0x760]  }
0x46e: {  	v49 =	vld [tilespmem:s28+$0x100]  }
0x46f: {  	v12 =	vld [tilespmem:s28+$0x110]  }
0x470: {  	v50 =	vld [tilespmem:s28+$0x40]  }
0x471: {  	v32 =	vld [tilespmem:s28+$0x50]  }
0x472: {  	[tilespmem:$0x1FCE0] =	vst v0;
	v0 =	vld [tilespmem:s28+$0x710]  }
0x473: {  	v51 =	vld [tilespmem:s28+$0x0]  }
0x474: {  	v10 =	vld [tilespmem:s28+$0x10]  }
0x475: {  	v52 =	vld [tilespmem:s28+$0xFFFFFF40]  }
0x476: {  	v8 =	vld [tilespmem:s28+$0xFFFFFF50]  }
0x477: {  	[tilespmem:$0x1FCB0] =	vst v0;
	v0 =	vld [tilespmem:s28+$0x720]  }
0x478: {  	v7 =	vld [tilespmem:s28+$0xFFFFFF60]  }
0x479: {  	v53 =	vld [tilespmem:s28+$0xFFFFFF00]  }
0x47a: {  	v34 =	vld [tilespmem:s28+$0xFFFFFF10]  }
0x47b: {  	v35 =	vld [tilespmem:s28+$0xFFFFFF20]  }
0x47c: {  	[tilespmem:$0x1FCC0] =	vst v0;
	v0 =	vld [tilespmem:s28+$0x650]  }
0x47d: {  	v54 =	vld [tilespmem:s28+$0xFFFFFE40]  }
0x47e: {  	v55 =	vld [tilespmem:s28+$0xFFFFFE50]  }
0x47f: {  	v56 =	vld [tilespmem:s28+$0xFFFFFE60]  }
0x480: {  	v57 =	vld [tilespmem:s28+$0xFFFFFE00]  }
0x481: {  	[tilespmem:$0x1FC90] =	vst v0;
	v0 =	vld [tilespmem:s28+$0x660]  }
0x482: {  	v58 =	vld [tilespmem:s28+$0xFFFFFE10]  }
0x483: {  	v59 =	vld [tilespmem:s28+$0xFFFFFE20]  }
0x484: {  	v60 =	vld [tilespmem:s28+$0xFFFFFD40]  }
0x485: {  	v61 =	vld [tilespmem:s28+$0xFFFFFD50]  }
0x486: {  	[tilespmem:$0x1FCA0] =	vst v0;
	v0 =	vld [tilespmem:s28+$0x610]  }
0x487: {  	v62 =	vld [tilespmem:s28+$0xFFFFFD60]  }
0x488: {  	v63 =	vld [tilespmem:s28+$0xFFFFFD00]  }
0x489: {  	v6 =	vld [tilespmem:s28+$0xFFFFFD10]  }
0x48a: {  	v1 =	vld [tilespmem:s28+$0xFFFFF840]  }
0x48b: {  	[tilespmem:$0x1FC80] =	vst v0;
	v0 =	vld [tilespmem:s28+$0xFFFFF800]  }
0x48c: {  	v2 =	vld [tilespmem:s28+$0xFFFFF900]  }
0x48d: {  	v3 =	vld [tilespmem:s28+$0xFFFFF940]  }
0x48e: {  	v4 =	vld [tilespmem:s28+$0xFFFFFA00]  }
0x48f: {  	v5 =	vld [tilespmem:s28+$0xFFFFFA40]  }
0x490: {  	v0 =	vmax.f32 v0, v1;
	v1 =	vld [tilespmem:s28+$0xFFFFFB00]  }
0x491: {  	v0 =	vmax.f32 v0, v2;
	v2 =	vld [tilespmem:s28+$0xFFFFFB40]  }
0x492: {  	v0 =	vmax.f32 v0, v3;
	v3 =	vld [tilespmem:s28+$0xFFFFFC00]  }
0x493: {  	v0 =	vmax.f32 v0, v4;
	v4 =	vld [tilespmem:s28+$0xFFFFFC40]  }
0x494: {  	v0 =	vmax.f32 v0, v5;
	v5 =	vld [tilespmem:s28+$0xFFFFFD20]  }
0x495: {  	v0 =	vmax.f32 v0, v1;
	v1 =	vld [tilespmem:s28+$0xFFFFFC50]  }
0x496: {  	v0 =	vmax.f32 v0, v2;
	v2 =	vld [tilespmem:s28+$0xFFFFFC60]  }
0x497: {  	v0 =	vmax.f32 v0, v3;
	v3 =	vld [tilespmem:s28+$0xFFFFFC10]  }
0x498: {  	v0 =	vmax.f32 v0, v4;
	v4 =	vld [tilespmem:s28+$0xFFFFFC20]  }
0x499: {  	v0 =	vmax.f32 v0, v63;
	v63 =	vld [tilespmem:s28+$0xFFFFFB50]  }
0x49a: {  	v0 =	vmax.f32 v0, v60;
	v60 =	vld [tilespmem:s28+$0xFFFFFB60]  }
0x49b: {  	v0 =	vmax.f32 v0, v57;
	v57 =	vld [tilespmem:s28+$0xFFFFFB10]  }
0x49c: {  	v0 =	vmax.f32 v0, v54;
	v54 =	vld [tilespmem:s28+$0xFFFFFB20]  }
0x49d: {  	v0 =	vmax.f32 v0, v53;
	v53 =	vld [tilespmem:s28+$0xFFFFFA50]  }
0x49e: {  	v0 =	vmax.f32 v0, v52;
	v52 =	vld [tilespmem:s28+$0xFFFFFA60]  }
0x49f: {  	v0 =	vmax.f32 v0, v51;
	v51 =	vld [tilespmem:s28+$0xFFFFFA10]  }
0x4a0: {  	v0 =	vmax.f32 v0, v50;
	v50 =	vld [tilespmem:s28+$0xFFFFFA20]  }
0x4a1: {  	v0 =	vmax.f32 v0, v49;
	v49 =	vld [tilespmem:s28+$0xFFFFF950]  }
0x4a2: {  	v0 =	vmax.f32 v0, v48;
	v48 =	vld [tilespmem:s28+$0xFFFFF960]  }
0x4a3: {  	v0 =	vmax.f32 v0, v47;
	v47 =	vld [tilespmem:s28+$0xFFFFF910]  }
0x4a4: {  	v0 =	vmax.f32 v0, v46;
	v46 =	vld [tilespmem:s28+$0xFFFFF920]  }
0x4a5: {  	v0 =	vmax.f32 v0, v45;
	v45 =	vld [tilespmem:s28+$0xFFFFF810]  }
0x4a6: {  	v0 =	vmax.f32 v0, v44;
	v44 =	vld [tilespmem:s28+$0xFFFFF850]  }
0x4a7: {  	v0 =	vmax.f32 v0, v43;
	v43 =	vld [tilespmem:s28+$0xFFFFF820]  }
0x4a8: {  	v0 =	vmax.f32 v0, v42;
	v42 =	vld [tilespmem:s28+$0xFFFFF860]  }
0x4a9: {  	v0 =	vmax.f32 v0, v41;
	v41 =	vld [tilespmem:s28+$0xFFFFF830]  }
0x4aa: {  	v0 =	vmax.f32 v0, v40;
	v40 =	vld [tilespmem:s28+$0xFFFFF870]  }
0x4ab: {  	v0 =	vmax.f32 v0, v39;
	v39 =	vld [tilespmem:s28+$0xFFFFF930]  }
0x4ac: {  	v0 =	vmax.f32 v0, v38;
	v38 =	vld [tilespmem:s28+$0xFFFFF970]  }
0x4ad: {  	v0 =	vmax.f32 v0, v37;
	v37 =	vld [tilespmem:s28+$0xFFFFFA30]  }
0x4ae: {  	v0 =	vmax.f32 v0, v36;
	v36 =	vld [tilespmem:s28+$0xFFFFFA70]  }
0x4af: {  	v44 =	vmax.f32 v45, v44;
	v42 =	vmax.f32 v43, v42;
	v40 =	vmax.f32 v41, v40;
	v41 =	vld [tilespmem:s28+$0xFFFFFB30]  }
0x4b0: {  	v45 =	vmax.f32 v44, v47;
	v47 =	vld [tilespmem:s28+$0xFFFFFB70];
	v42 =	vmax.f32 v42, v46;
	v39 =	vmax.f32 v40, v39  }
0x4b1: {  	v43 =	vmax.f32 v45, v49;
	v49 =	vld [tilespmem:s28+$0xFFFFFC30];
	v42 =	vmax.f32 v42, v48;
	v38 =	vmax.f32 v39, v38  }
0x4b2: {  	v43 =	vmax.f32 v43, v51;
	v51 =	vld [tilespmem:s28+$0xFFFFFC70];
	v42 =	vmax.f32 v42, v50;
	v37 =	vmax.f32 v38, v37  }
0x4b3: {  	v43 =	vmax.f32 v43, v53;
	v53 =	vld [tilespmem:s28+$0xFFFFFD30];
	v42 =	vmax.f32 v42, v52;
	v36 =	vmax.f32 v37, v36  }
0x4b4: {  	v43 =	vmax.f32 v43, v57;
	v42 =	vmax.f32 v42, v54;
	v54 =	vld [tilespmem:s28+$0xFFFFFD70];
	v36 =	vmax.f32 v36, v41  }
0x4b5: {  	v57 =	vld [tilespmem:s28+$0xFFFFFE30];
	v43 =	vmax.f32 v43, v63;
	v42 =	vmax.f32 v42, v60;
	v36 =	vmax.f32 v36, v47  }
0x4b6: {  	v3 =	vmax.f32 v43, v3;
	v60 =	vld [tilespmem:s28+$0xFFFFFE70];
	v4 =	vmax.f32 v42, v4;
	v36 =	vmax.f32 v36, v49  }
0x4b7: {  	v1 =	vmax.f32 v3, v1;
	v2 =	vmax.f32 v4, v2;
	v4 =	vld [tilespmem:s28+$0xFFFFFF30];
	v3 =	vmax.f32 v36, v51  }
0x4b8: {  	v2 =	vmax.f32 v2, v5;
	v5 =	vld [tilespmem:s28+$0xFFFFFF70];
	v3 =	vmax.f32 v3, v53  }
0x4b9: {  	v1 =	vmax.f32 v1, v6;
	v6 =	vld [tilespmem:s28+$0x30];
	v3 =	vmax.f32 v3, v54  }
0x4ba: {  	v2 =	vmax.f32 v2, v62;
	v62 =	vld [tilespmem:s28+$0x70];
	v3 =	vmax.f32 v3, v57  }
0x4bb: {  	v63 =	vld [tilespmem:s28+$0x130];
	v3 =	vmax.f32 v3, v60  }
0x4bc: {  	v1 =	vmax.f32 v1, v61;
	v2 =	vmax.f32 v2, v59;
	v3 =	vmax.f32 v3, v4;
	v4 =	vld [tilespmem:s28+$0x170]  }
0x4bd: {  	v1 =	vmax.f32 v1, v58;
	v2 =	vmax.f32 v2, v56;
	v3 =	vmax.f32 v3, v5;
	v5 =	vld [tilespmem:s28+$0x230]  }
0x4be: {  	v1 =	vmax.f32 v1, v55;
	v2 =	vmax.f32 v2, v35;
	v3 =	vmax.f32 v3, v6;
	v6 =	vld [tilespmem:s28+$0x270]  }
0x4bf: {  	v1 =	vmax.f32 v1, v34;
	v2 =	vmax.f32 v2, v7;
	v7 =	vld [tilespmem:s28+$0x330];
	v3 =	vmax.f32 v3, v62  }
0x4c0: {  	v1 =	vmax.f32 v1, v8;
	v8 =	vld [tilespmem:s28+$0x370];
	v3 =	vmax.f32 v3, v63  }
0x4c1: {  	v3 =	vmax.f32 v3, v4;
	v4 =	vld [tilespmem:s28+$0x430]  }
0x4c2: {  	v1 =	vmax.f32 v1, v10;
	v3 =	vmax.f32 v3, v5;
	v5 =	vld [tilespmem:s28+$0x470]  }
0x4c3: {  	v1 =	vmax.f32 v1, v32;
	v3 =	vmax.f32 v3, v6;
	v6 =	vld [tilespmem:s28+$0x530]  }
0x4c4: {  	v1 =	vmax.f32 v1, v12;
	v3 =	vmax.f32 v3, v7;
	v7 =	vld [tilespmem:s28+$0x570]  }
0x4c5: {  	v11 =	vld [tilespmem:s28+$0x120];
	v1 =	vmax.f32 v1, v14;
	v3 =	vmax.f32 v3, v8  }
0x4c6: {  	v9 =	vld [tilespmem:s28+$0x20];
	v1 =	vmax.f32 v1, v15;
	v3 =	vmax.f32 v3, v4  }
0x4c7: {  	v33 =	vld [tilespmem:s28+$0x60];
	v1 =	vmax.f32 v1, v16;
	v3 =	vmax.f32 v3, v5  }
0x4c8: {  	v1 =	vmax.f32 v1, v18;
	v8 =	vld [tilespmem:s28+$0x630];
	v3 =	vmax.f32 v3, v6  }
0x4c9: {  	v1 =	vmax.f32 v1, v19;
	v3 =	vmax.f32 v3, v7;
	v7 =	vld [tilespmem:$0x1FC80]  }
0x4ca: {  	v1 =	vmax.f32 v1, v27;
	v4 =	vld [tilespmem:s28+$0x670]  }
0x4cb: {  	v17 =	vld [tilespmem:s28+$0x260];
	v2 =	vmax.f32 v2, v9;
	v1 =	vmax.f32 v1, v25  }
0x4cc: {  	v30 =	vld [tilespmem:s28+$0x320];
	v2 =	vmax.f32 v2, v33;
	v1 =	vmax.f32 v1, v23  }
0x4cd: {  	v29 =	vld [tilespmem:s28+$0x360];
	v2 =	vmax.f32 v2, v11;
	v1 =	vmax.f32 v1, v21  }
0x4ce: {  	v2 =	vmax.f32 v2, v13;
	v3 =	vmax.f32 v3, v8;
	v1 =	vmax.f32 v1, v7;
	v7 =	vld [tilespmem:$0x1FC90]  }
0x4cf: {  	v2 =	vmax.f32 v2, v31;
	v3 =	vmax.f32 v3, v4;
	v4 =	vld [tilespmem:$0x1FCB0]  }
0x4d0: {  	v24 =	vld [tilespmem:s28+$0x520];
	v2 =	vmax.f32 v2, v17  }
0x4d1: {  	v22 =	vld [tilespmem:s28+$0x560];
	v2 =	vmax.f32 v2, v30  }
0x4d2: {  	v20 =	vld [tilespmem:s28+$0x620];
	v2 =	vmax.f32 v2, v29  }
0x4d3: {  	v2 =	vmax.f32 v2, v28;
	v1 =	vmax.f32 v1, v7;
	v7 =	vld [tilespmem:$0x1FCA0]  }
0x4d4: {  	v2 =	vmax.f32 v2, v26;
	v1 =	vmax.f32 v1, v4;
	v4 =	vld [tilespmem:$0x1FCC0]  }
0x4d5: {  	v2 =	vmax.f32 v2, v24  }
0x4d6: {  	v2 =	vmax.f32 v2, v22  }
0x4d7: {  	v2 =	vmax.f32 v2, v20  }
0x4d8: {  	v2 =	vmax.f32 v2, v7  }
0x4d9: {  	v2 =	vmax.f32 v2, v4;
	v4 =	vld [tilespmem:$0x1FCD0];
	_ =	sdelay $0x2  }
0x4da: {  	v5 =	vld [tilespmem:s28+$0x730]  }
0x4db: {  	v6 =	vld [tilespmem:s28+$0x770]  }
0x4dc: {  	v1 =	vmax.f32 v1, v4;
	v4 =	vld [tilespmem:$0x1FCE0];
	_ =	sdelay $0x3  }
0x4dd: {  	v3 =	vmax.f32 v3, v5  }
0x4de: {  	v3 =	vmax.f32 v3, v6;
	v2 =	vmax.f32 v2, v4  }
0x4df: {  	v0 =	vmax.f32 v0, v1;
	v1 =	vmax.f32 v2, v3  }
0x4e0: {  	v0 =	vmax.f32 v0, v1  }
0x4e1: {  	(xrf0) =	vmax.scan.msk.f32 $0xffff, v0;
	_ =	sdelay $0x2  }
0x4e2: {  	s31 =	simm.s32 $0x1E0  }
0x4e3: {  	v1 =	vmov s31;
	_ =	sdelay $0x1  }
0x4e4: {  	v2, _, _ =	vpop (xrf0)  }
0x4e5: {  	s0 =	simm.s32 $0x14080;
	v2 =	vbroadcast v2, $0xF  }
0x4e6: {  	[tilespmem:s0+$0x0] =	vst v0  }
0x4e7: {  	s3 =	simm.s32 $0x1800;
	[tilespmem:v1+s18+$0x0] =	vst.idx.msk $0x1, v2  }
0x4e8: {  	v44 =	vld [tilespmem:s3+$0x740]  }
0x4e9: {  	v0 =	vld [tilespmem:s3+$0x750]  }
0x4ea: {  	v46 =	vld [tilespmem:s3+$0x700]  }
0x4eb: {  	v49 =	vld [tilespmem:s3+$0x640]  }
0x4ec: {  	v52 =	vld [tilespmem:s3+$0x600]  }
0x4ed: {  	v21 =	vld [tilespmem:s3+$0x540]  }
0x4ee: {  	v22 =	vld [tilespmem:s3+$0x560]  }
0x4ef: {  	v4 =	vld [tilespmem:s3+$0x500]  }
0x4f0: {  	v23 =	vld [tilespmem:s3+$0x510]  }
0x4f1: {  	v24 =	vld [tilespmem:s3+$0x520]  }
0x4f2: {  	v1 =	vld [tilespmem:s3+$0x440]  }
0x4f3: {  	v25 =	vld [tilespmem:s3+$0x450]  }
0x4f4: {  	v26 =	vld [tilespmem:s3+$0x460]  }
0x4f5: {  	v3 =	vld [tilespmem:s3+$0x400]  }
0x4f6: {  	v27 =	vld [tilespmem:s3+$0x410]  }
0x4f7: {  	v28 =	vld [tilespmem:s3+$0x420]  }
0x4f8: {  	v8 =	vld [tilespmem:s3+$0x340]  }
0x4f9: {  	v29 =	vld [tilespmem:s3+$0x350]  }
0x4fa: {  	v30 =	vld [tilespmem:s3+$0x360]  }
0x4fb: {  	v5 =	vld [tilespmem:s3+$0x300]  }
0x4fc: {  	v31 =	vld [tilespmem:s3+$0x310]  }
0x4fd: {  	v32 =	vld [tilespmem:s3+$0x320]  }
0x4fe: {  	v10 =	vld [tilespmem:s3+$0x240]  }
0x4ff: {  	v33 =	vld [tilespmem:s3+$0x250]  }
0x500: {  	v34 =	vld [tilespmem:s3+$0x260]  }
0x501: {  	v19 =	vld [tilespmem:s3+$0x200]  }
0x502: {  	v35 =	vld [tilespmem:s3+$0x210]  }
0x503: {  	v36 =	vld [tilespmem:s3+$0x220]  }
0x504: {  	v18 =	vld [tilespmem:s3+$0x140]  }
0x505: {  	v37 =	vld [tilespmem:s3+$0x150]  }
0x506: {  	v38 =	vld [tilespmem:s3+$0x160]  }
0x507: {  	v17 =	vld [tilespmem:s3+$0x100]  }
0x508: {  	v39 =	vld [tilespmem:s3+$0x110]  }
0x509: {  	v40 =	vld [tilespmem:s3+$0x120]  }
0x50a: {  	[tilespmem:$0x1FCF0] =	vst v0;
	v0 =	vld [tilespmem:s3+$0x760]  }
0x50b: {  	v16 =	vld [tilespmem:s3+$0x40]  }
0x50c: {  	v41 =	vld [tilespmem:s3+$0x50]  }
0x50d: {  	v42 =	vld [tilespmem:s3+$0x60]  }
0x50e: {  	v15 =	vld [tilespmem:s3+$0x0]  }
0x50f: {  	[tilespmem:$0x1FD00] =	vst v0;
	v0 =	vld [tilespmem:s3+$0x710]  }
0x510: {  	v43 =	vld [tilespmem:s3+$0x10]  }
0x511: {  	v45 =	vld [tilespmem:s3+$0x20]  }
0x512: {  	v14 =	vld [tilespmem:s3+$0xFFFFFF40]  }
0x513: {  	v47 =	vld [tilespmem:s3+$0xFFFFFF50]  }
0x514: {  	[tilespmem:$0x1FD10] =	vst v0;
	v0 =	vld [tilespmem:s3+$0x720]  }
0x515: {  	v48 =	vld [tilespmem:s3+$0xFFFFFF60]  }
0x516: {  	v13 =	vld [tilespmem:s3+$0xFFFFFF00]  }
0x517: {  	v50 =	vld [tilespmem:s3+$0xFFFFFF10]  }
0x518: {  	v51 =	vld [tilespmem:s3+$0xFFFFFF20]  }
0x519: {  	[tilespmem:$0x1FD20] =	vst v0;
	v0 =	vld [tilespmem:s3+$0x650]  }
0x51a: {  	v7 =	vld [tilespmem:s3+$0xFFFFFE40]  }
0x51b: {  	v53 =	vld [tilespmem:s3+$0xFFFFFE50]  }
0x51c: {  	v54 =	vld [tilespmem:s3+$0xFFFFFE60]  }
0x51d: {  	v6 =	vld [tilespmem:s3+$0xFFFFFE00]  }
0x51e: {  	[tilespmem:$0x1FD30] =	vst v0;
	v0 =	vld [tilespmem:s3+$0x660]  }
0x51f: {  	v55 =	vld [tilespmem:s3+$0xFFFFFE10]  }
0x520: {  	v56 =	vld [tilespmem:s3+$0xFFFFFE20]  }
0x521: {  	v2 =	vld [tilespmem:s3+$0xFFFFFD40]  }
0x522: {  	v57 =	vld [tilespmem:s3+$0xFFFFFD50]  }
0x523: {  	[tilespmem:$0x1FD40] =	vst v0;
	v0 =	vld [tilespmem:s3+$0x610]  }
0x524: {  	v58 =	vld [tilespmem:s3+$0xFFFFFD60]  }
0x525: {  	v11 =	vld [tilespmem:s3+$0xFFFFFD00]  }
0x526: {  	v59 =	vld [tilespmem:s3+$0xFFFFFD10]  }
0x527: {  	v9 =	vld [tilespmem:s3+$0xFFFFF840]  }
0x528: {  	[tilespmem:$0x1FD50] =	vst v0;
	v0 =	vld [tilespmem:s3+$0x620]  }
0x529: {  	v12 =	vld [tilespmem:s3+$0xFFFFF800]  }
0x52a: {  	v20 =	vld [tilespmem:s3+$0xFFFFF900]  }
0x52b: {  	v60 =	vld [tilespmem:s3+$0xFFFFF940]  }
0x52c: {  	v61 =	vld [tilespmem:s3+$0xFFFFFA00]  }
0x52d: {  	[tilespmem:$0x1FD60] =	vst v0;
	v0 =	vld [tilespmem:s3+$0x550]  }
0x52e: {  	v62 =	vld [tilespmem:s3+$0xFFFFFA40]  }
0x52f: {  	v9 =	vmax.f32 v12, v9;
	v12 =	vld [tilespmem:s3+$0xFFFFFB00]  }
0x530: {  	v9 =	vmax.f32 v9, v20;
	v20 =	vld [tilespmem:s3+$0xFFFFFB40]  }
0x531: {  	v63 =	vld [tilespmem:s3+$0xFFFFFC00];
	v9 =	vmax.f32 v9, v60  }
0x532: {  	v9 =	vmax.f32 v9, v61;
	[tilespmem:$0x1FD70] =	vst v0;
	v0 =	vld [tilespmem:s3+$0xFFFFFC40]  }
0x533: {  	v60 =	vld [tilespmem:s3+$0xFFFFFD20];
	v9 =	vmax.f32 v9, v62  }
0x534: {  	v61 =	vld [tilespmem:s3+$0xFFFFFC50];
	v9 =	vmax.f32 v9, v12  }
0x535: {  	v62 =	vld [tilespmem:s3+$0xFFFFFC60];
	v9 =	vmax.f32 v9, v20  }
0x536: {  	v12 =	vld [tilespmem:s3+$0xFFFFFC10];
	v9 =	vmax.f32 v9, v63  }
0x537: {  	v20 =	vld [tilespmem:s3+$0xFFFFF850];
	v0 =	vmax.f32 v9, v0  }
0x538: {  	v63 =	vld [tilespmem:s3+$0xFFFFF920];
	v0 =	vmax.f32 v0, v11  }
0x539: {  	v9 =	vld [tilespmem:s3+$0xFFFFFC20];
	v0 =	vmax.f32 v0, v2  }
0x53a: {  	v11 =	vld [tilespmem:s3+$0xFFFFFB50];
	v0 =	vmax.f32 v0, v6  }
0x53b: {  	v2 =	vld [tilespmem:s3+$0xFFFFFB60];
	v0 =	vmax.f32 v0, v7  }
0x53c: {  	v6 =	vld [tilespmem:s3+$0xFFFFFB10];
	v0 =	vmax.f32 v0, v13  }
0x53d: {  	v7 =	vld [tilespmem:s3+$0xFFFFFB20];
	v0 =	vmax.f32 v0, v14  }
0x53e: {  	v13 =	vld [tilespmem:s3+$0xFFFFFA50];
	v0 =	vmax.f32 v0, v15  }
0x53f: {  	v14 =	vld [tilespmem:s3+$0xFFFFFA60];
	v0 =	vmax.f32 v0, v16  }
0x540: {  	v15 =	vld [tilespmem:s3+$0xFFFFFA10];
	v0 =	vmax.f32 v0, v17  }
0x541: {  	v16 =	vld [tilespmem:s3+$0xFFFFFA20];
	v0 =	vmax.f32 v0, v18  }
0x542: {  	v17 =	vld [tilespmem:s3+$0xFFFFF950];
	v0 =	vmax.f32 v0, v19  }
0x543: {  	v18 =	vld [tilespmem:s3+$0xFFFFF960];
	v0 =	vmax.f32 v0, v10  }
0x544: {  	v19 =	vld [tilespmem:s3+$0xFFFFF910];
	v0 =	vmax.f32 v0, v5  }
0x545: {  	v10 =	vld [tilespmem:s3+$0xFFFFF830];
	v0 =	vmax.f32 v0, v8  }
0x546: {  	v5 =	vld [tilespmem:s3+$0xFFFFF810];
	v0 =	vmax.f32 v0, v3  }
0x547: {  	v8 =	vld [tilespmem:s3+$0xFFFFF870];
	v0 =	vmax.f32 v0, v1  }
0x548: {  	v3 =	vld [tilespmem:s3+$0xFFFFF820];
	v0 =	vmax.f32 v0, v4  }
0x549: {  	s5 =	simm.s32 $0x1E1;
	s6 =	simm.s32 $0x1E2;
	v1 =	vld [tilespmem:s3+$0xFFFFF860];
	v0 =	vmax.f32 v0, v21  }
.LBB2_11:
0x54a: {  	v4 =	vld [tilespmem:s3+$0xFFFFF930]  }
0x54b: {  	v0 =	vmax.f32 v0, v52;
	v52 =	vld [tilespmem:s3+$0xFFFFF970]  }
0x54c: {  	v0 =	vmax.f32 v0, v49;
	v49 =	vld [tilespmem:s3+$0xFFFFFA30]  }
0x54d: {  	v0 =	vmax.f32 v0, v46;
	v46 =	vld [tilespmem:s3+$0xFFFFFA70]  }
0x54e: {  	v5 =	vmax.f32 v5, v20;
	v1 =	vmax.f32 v3, v1;
	v3 =	vmax.f32 v10, v8;
	v8 =	vld [tilespmem:s3+$0xFFFFFB30]  }
0x54f: {  	v5 =	vmax.f32 v5, v19;
	v1 =	vmax.f32 v1, v63;
	v3 =	vmax.f32 v3, v4;
	v4 =	vld [tilespmem:s3+$0xFFFFFB70]  }
0x550: {  	v10 =	vld [tilespmem:s3+$0xFFFFFC30];
	v5 =	vmax.f32 v5, v17;
	v1 =	vmax.f32 v1, v18;
	v3 =	vmax.f32 v3, v52  }
0x551: {  	v5 =	vmax.f32 v5, v15;
	v1 =	vmax.f32 v1, v16;
	v15 =	vld [tilespmem:s3+$0xFFFFFC70];
	v3 =	vmax.f32 v3, v49  }
0x552: {  	v5 =	vmax.f32 v5, v13;
	v1 =	vmax.f32 v1, v14;
	v13 =	vld [tilespmem:s3+$0xFFFFFD30];
	v3 =	vmax.f32 v3, v46  }
0x553: {  	v5 =	vmax.f32 v5, v6;
	v1 =	vmax.f32 v1, v7;
	v6 =	vld [tilespmem:s3+$0xFFFFFD70];
	v3 =	vmax.f32 v3, v8  }
0x554: {  	v5 =	vmax.f32 v5, v11;
	v1 =	vmax.f32 v1, v2;
	v2 =	vmax.f32 v3, v4;
	v3 =	vld [tilespmem:s3+$0xFFFFFE30]  }
0x555: {  	v4 =	vmax.f32 v5, v12;
	v5 =	vld [tilespmem:s3+$0xFFFFFE70];
	v2 =	vmax.f32 v2, v10  }
0x556: {  	v7 =	vld [tilespmem:s3+$0xFFFFFF30];
	v2 =	vmax.f32 v2, v15  }
0x557: {  	v8 =	vld [tilespmem:s3+$0xFFFFFF70];
	v2 =	vmax.f32 v2, v13  }
0x558: {  	v2 =	vmax.f32 v2, v6;
	v6 =	vld [tilespmem:s3+$0x30]  }
0x559: {  	v2 =	vmax.f32 v2, v3;
	v3 =	vld [tilespmem:s3+$0x70]  }
0x55a: {  	v4 =	vmax.f32 v4, v61;
	v2 =	vmax.f32 v2, v5;
	v5 =	vld [tilespmem:s3+$0x130]  }
0x55b: {  	v4 =	vmax.f32 v4, v59;
	v2 =	vmax.f32 v2, v7;
	v7 =	vld [tilespmem:s3+$0x170]  }
0x55c: {  	v4 =	vmax.f32 v4, v57;
	v2 =	vmax.f32 v2, v8;
	v8 =	vld [tilespmem:s3+$0x230]  }
0x55d: {  	v4 =	vmax.f32 v4, v55;
	v2 =	vmax.f32 v2, v6;
	v6 =	vld [tilespmem:s3+$0x270]  }
0x55e: {  	v1 =	vmax.f32 v1, v9;
	v4 =	vmax.f32 v4, v53;
	v2 =	vmax.f32 v2, v3;
	v3 =	vld [tilespmem:s3+$0x330]  }
0x55f: {  	v1 =	vmax.f32 v1, v62;
	v4 =	vmax.f32 v4, v50;
	v2 =	vmax.f32 v2, v5;
	v5 =	vld [tilespmem:s3+$0x370]  }
0x560: {  	v1 =	vmax.f32 v1, v60;
	v4 =	vmax.f32 v4, v47;
	v2 =	vmax.f32 v2, v7;
	v7 =	vld [tilespmem:s3+$0x430]  }
0x561: {  	v1 =	vmax.f32 v1, v58;
	v4 =	vmax.f32 v4, v43;
	v2 =	vmax.f32 v2, v8;
	v8 =	vld [tilespmem:s3+$0x470]  }
0x562: {  	v1 =	vmax.f32 v1, v56;
	v4 =	vmax.f32 v4, v41;
	v2 =	vmax.f32 v2, v6;
	v6 =	vld [tilespmem:s3+$0x530]  }
0x563: {  	v1 =	vmax.f32 v1, v54;
	v4 =	vmax.f32 v4, v39;
	v2 =	vmax.f32 v2, v3;
	v3 =	vld [tilespmem:s3+$0x570]  }
0x564: {  	v1 =	vmax.f32 v1, v51;
	v4 =	vmax.f32 v4, v37;
	v2 =	vmax.f32 v2, v5  }
0x565: {  	v1 =	vmax.f32 v1, v48;
	v4 =	vmax.f32 v4, v35;
	v2 =	vmax.f32 v2, v7  }
0x566: {  	v1 =	vmax.f32 v1, v45;
	v4 =	vmax.f32 v4, v33;
	v2 =	vmax.f32 v2, v8  }
0x567: {  	v9 =	vld [tilespmem:$0x1FD70];
	v1 =	vmax.f32 v1, v42;
	v4 =	vmax.f32 v4, v31;
	v2 =	vmax.f32 v2, v6  }
0x568: {  	v1 =	vmax.f32 v1, v40;
	v4 =	vmax.f32 v4, v29;
	v2 =	vmax.f32 v2, v3;
	v3 =	vld [tilespmem:$0x1FD50]  }
0x569: {  	v1 =	vmax.f32 v1, v38;
	v4 =	vmax.f32 v4, v27  }
0x56a: {  	v1 =	vmax.f32 v1, v36;
	v4 =	vmax.f32 v4, v25  }
0x56b: {  	v1 =	vmax.f32 v1, v34;
	v4 =	vmax.f32 v4, v23  }
0x56c: {  	v1 =	vmax.f32 v1, v32;
	v4 =	vmax.f32 v4, v9  }
0x56d: {  	v1 =	vmax.f32 v1, v30;
	v3 =	vmax.f32 v4, v3;
	v4 =	vld [tilespmem:$0x1FD60]  }
0x56e: {  	v1 =	vmax.f32 v1, v28  }
0x56f: {  	v1 =	vmax.f32 v1, v26  }
0x570: {  	v1 =	vmax.f32 v1, v24  }
0x571: {  	v1 =	vmax.f32 v1, v22  }
0x572: {  	v1 =	vmax.f32 v1, v4;
	v4 =	vld [tilespmem:$0x1FD30];
	_ =	sdelay $0x4  }
0x573: {  	v3 =	vmax.f32 v3, v4;
	v4 =	vld [tilespmem:$0x1FD40];
	_ =	sdelay $0x4  }
0x574: {  	v1 =	vmax.f32 v1, v4;
	v4 =	vld [tilespmem:$0x1FD10];
	_ =	sdelay $0x4  }
0x575: {  	v3 =	vmax.f32 v3, v4;
	v4 =	vld [tilespmem:$0x1FD20];
	_ =	sdelay $0x4  }
0x576: {  	v1 =	vmax.f32 v1, v4;
	v4 =	vld [tilespmem:$0x1FCF0]  }
0x577: {  	v5 =	vld [tilespmem:s3+$0x630]  }
0x578: {  	v7 =	vld [tilespmem:s3+$0x670]  }
0x579: {  	v8 =	vld [tilespmem:s3+$0x730]  }
0x57a: {  	v6 =	vld [tilespmem:s3+$0x770]  }
0x57b: {  	v3 =	vmax.f32 v3, v4;
	v4 =	vld [tilespmem:$0x1FD00];
	_ =	sdelay $0x1  }
0x57c: {  	v2 =	vmax.f32 v2, v5  }
0x57d: {  	v2 =	vmax.f32 v2, v7  }
0x57e: {  	v2 =	vmax.f32 v2, v8  }
0x57f: {  	v0 =	vmax.f32 v0, v44;
	v2 =	vmax.f32 v2, v6;
	v1 =	vmax.f32 v1, v4  }
0x580: {  	v0 =	vmax.f32 v0, v3;
	v1 =	vmax.f32 v1, v2  }
0x581: {  	v0 =	vmax.f32 v0, v1  }
0x582: {  	(xrf0) =	vmax.scan.msk.f32 $0xffff, v0;
	_ =	sdelay $0x2  }
0x583: {  	s0 =	sadd.s32 $0x10, s0  }
0x584: {  	[tilespmem:s0+$0x0] =	vst v0;
	v0 =	vmov s5;
	_ =	sdelay $0x1  }
0x585: {  	v1, _, _ =	vpop (xrf0)  }
0x586: {  	v1 =	vbroadcast v1, $0xF;
	_ =	sdelay $0x1  }
0x587: {  	s3 =	sadd.s32 $0x1000, s3;
	[tilespmem:v0+s18+$0x0] =	vst.idx.msk $0x1, v1  }
0x588: {  	v44 =	vld [tilespmem:s3+$0x740]  }
0x589: {  	v0 =	vld [tilespmem:s3+$0x750]  }
0x58a: {  	v46 =	vld [tilespmem:s3+$0x700]  }
0x58b: {  	v49 =	vld [tilespmem:s3+$0x640]  }
0x58c: {  	v52 =	vld [tilespmem:s3+$0x600]  }
0x58d: {  	v4 =	vld [tilespmem:s3+$0x540]  }
0x58e: {  	v22 =	vld [tilespmem:s3+$0x560]  }
0x58f: {  	v8 =	vld [tilespmem:s3+$0x500]  }
0x590: {  	v23 =	vld [tilespmem:s3+$0x510]  }
0x591: {  	v24 =	vld [tilespmem:s3+$0x520]  }
0x592: {  	v10 =	vld [tilespmem:s3+$0x440]  }
0x593: {  	v25 =	vld [tilespmem:s3+$0x450]  }
0x594: {  	v26 =	vld [tilespmem:s3+$0x460]  }
0x595: {  	v1 =	vld [tilespmem:s3+$0x400]  }
0x596: {  	v27 =	vld [tilespmem:s3+$0x410]  }
0x597: {  	v28 =	vld [tilespmem:s3+$0x420]  }
0x598: {  	v3 =	vld [tilespmem:s3+$0x340]  }
0x599: {  	v29 =	vld [tilespmem:s3+$0x350]  }
0x59a: {  	v30 =	vld [tilespmem:s3+$0x360]  }
0x59b: {  	v31 =	vld [tilespmem:s3+$0x310]  }
0x59c: {  	v32 =	vld [tilespmem:s3+$0x320]  }
0x59d: {  	v5 =	vld [tilespmem:s3+$0x240]  }
0x59e: {  	v33 =	vld [tilespmem:s3+$0x250]  }
0x59f: {  	v34 =	vld [tilespmem:s3+$0x260]  }
0x5a0: {  	v63 =	vld [tilespmem:s3+$0x200]  }
0x5a1: {  	v35 =	vld [tilespmem:s3+$0x210]  }
0x5a2: {  	v36 =	vld [tilespmem:s3+$0x220]  }
0x5a3: {  	v19 =	vld [tilespmem:s3+$0x140]  }
0x5a4: {  	v37 =	vld [tilespmem:s3+$0x150]  }
0x5a5: {  	v38 =	vld [tilespmem:s3+$0x160]  }
0x5a6: {  	v18 =	vld [tilespmem:s3+$0x100]  }
0x5a7: {  	v39 =	vld [tilespmem:s3+$0x110]  }
0x5a8: {  	v40 =	vld [tilespmem:s3+$0x120]  }
0x5a9: {  	v17 =	vld [tilespmem:s3+$0x40]  }
0x5aa: {  	v41 =	vld [tilespmem:s3+$0x50]  }
0x5ab: {  	v42 =	vld [tilespmem:s3+$0x60]  }
0x5ac: {  	v16 =	vld [tilespmem:s3+$0x0]  }
0x5ad: {  	v43 =	vld [tilespmem:s3+$0x10]  }
0x5ae: {  	v45 =	vld [tilespmem:s3+$0x20]  }
0x5af: {  	v15 =	vld [tilespmem:s3+$0xFFFFFF40]  }
0x5b0: {  	v47 =	vld [tilespmem:s3+$0xFFFFFF50]  }
0x5b1: {  	v48 =	vld [tilespmem:s3+$0xFFFFFF60]  }
0x5b2: {  	v14 =	vld [tilespmem:s3+$0xFFFFFF00]  }
0x5b3: {  	v50 =	vld [tilespmem:s3+$0xFFFFFF10]  }
0x5b4: {  	v51 =	vld [tilespmem:s3+$0xFFFFFF20]  }
0x5b5: {  	v13 =	vld [tilespmem:s3+$0xFFFFFE40]  }
0x5b6: {  	v53 =	vld [tilespmem:s3+$0xFFFFFE50]  }
0x5b7: {  	[tilespmem:$0x1FCF0] =	vst v0;
	v0 =	vld [tilespmem:s3+$0x760]  }
0x5b8: {  	v54 =	vld [tilespmem:s3+$0xFFFFFE60]  }
0x5b9: {  	v7 =	vld [tilespmem:s3+$0xFFFFFE00]  }
0x5ba: {  	v55 =	vld [tilespmem:s3+$0xFFFFFE10]  }
0x5bb: {  	v56 =	vld [tilespmem:s3+$0xFFFFFE20]  }
0x5bc: {  	[tilespmem:$0x1FD00] =	vst v0;
	v0 =	vld [tilespmem:s3+$0x710]  }
0x5bd: {  	v6 =	vld [tilespmem:s3+$0xFFFFFD40]  }
0x5be: {  	v57 =	vld [tilespmem:s3+$0xFFFFFD50]  }
0x5bf: {  	v58 =	vld [tilespmem:s3+$0xFFFFFD60]  }
0x5c0: {  	v2 =	vld [tilespmem:s3+$0xFFFFFD00]  }
0x5c1: {  	[tilespmem:$0x1FD10] =	vst v0;
	v0 =	vld [tilespmem:s3+$0x720]  }
0x5c2: {  	v59 =	vld [tilespmem:s3+$0xFFFFFD10]  }
0x5c3: {  	v9 =	vld [tilespmem:s3+$0xFFFFF840]  }
0x5c4: {  	v11 =	vld [tilespmem:s3+$0xFFFFF800]  }
0x5c5: {  	v12 =	vld [tilespmem:s3+$0xFFFFF900]  }
0x5c6: {  	[tilespmem:$0x1FD20] =	vst v0;
	v0 =	vld [tilespmem:s3+$0x650]  }
0x5c7: {  	v20 =	vld [tilespmem:s3+$0xFFFFF940]  }
0x5c8: {  	v60 =	vld [tilespmem:s3+$0xFFFFFA00]  }
0x5c9: {  	v61 =	vld [tilespmem:s3+$0xFFFFFA40]  }
0x5ca: {  	v21 =	vld [tilespmem:s3+$0xFFFFFC40]  }
0x5cb: {  	[tilespmem:$0x1FD30] =	vst v0;
	v0 =	vld [tilespmem:s3+$0x660]  }
0x5cc: {  	v62 =	vld [tilespmem:s3+$0xFFFFFC60]  }
0x5cd: {  	v9 =	vmax.f32 v11, v9;
	v11 =	vld [tilespmem:s3+$0xFFFFFB00]  }
0x5ce: {  	v9 =	vmax.f32 v9, v12;
	v12 =	vld [tilespmem:s3+$0xFFFFFB40]  }
0x5cf: {  	v9 =	vmax.f32 v9, v20;
	v20 =	vld [tilespmem:s3+$0xFFFFFC00]  }
0x5d0: {  	v9 =	vmax.f32 v9, v60;
	[tilespmem:$0x1FD40] =	vst v0;
	v0 =	vld [tilespmem:s3+$0x610]  }
0x5d1: {  	v60 =	vld [tilespmem:s3+$0xFFFFFD20];
	v9 =	vmax.f32 v9, v61  }
0x5d2: {  	v61 =	vld [tilespmem:s3+$0xFFFFFC50];
	v9 =	vmax.f32 v9, v11  }
0x5d3: {  	v9 =	vmax.f32 v9, v12;
	v12 =	vld [tilespmem:s3+$0xFFFFFC10]  }
0x5d4: {  	v11 =	vmax.f32 v9, v20;
	v9 =	vld [tilespmem:s3+$0xFFFFFC20]  }
0x5d5: {  	[tilespmem:$0x1FD50] =	vst v0;
	v0 =	vld [tilespmem:s3+$0x620]  }
0x5d6: {  	v20 =	vmax.f32 v11, v21;
	v11 =	vld [tilespmem:s3+$0xFFFFFB50]  }
0x5d7: {  	v20 =	vmax.f32 v20, v2;
	v2 =	vld [tilespmem:s3+$0xFFFFFB60]  }
0x5d8: {  	v20 =	vmax.f32 v20, v6;
	v6 =	vld [tilespmem:s3+$0xFFFFFB10]  }
0x5d9: {  	v20 =	vmax.f32 v20, v7;
	v7 =	vld [tilespmem:s3+$0xFFFFFB20]  }
0x5da: {  	[tilespmem:$0x1FD60] =	vst v0;
	v0 =	vld [tilespmem:s3+$0x550]  }
0x5db: {  	v20 =	vmax.f32 v20, v13;
	v13 =	vld [tilespmem:s3+$0xFFFFFA50]  }
0x5dc: {  	v20 =	vmax.f32 v20, v14;
	v14 =	vld [tilespmem:s3+$0xFFFFFA60]  }
0x5dd: {  	v20 =	vmax.f32 v20, v15;
	v15 =	vld [tilespmem:s3+$0xFFFFFA10]  }
0x5de: {  	v20 =	vmax.f32 v20, v16;
	v16 =	vld [tilespmem:s3+$0xFFFFFA20]  }
0x5df: {  	v20 =	vmax.f32 v20, v17;
	[tilespmem:$0x1FD70] =	vst v0;
	v0 =	vld [tilespmem:s3+$0x300]  }
0x5e0: {  	v17 =	vld [tilespmem:s3+$0xFFFFF950];
	v20 =	vmax.f32 v20, v18  }
0x5e1: {  	v18 =	vld [tilespmem:s3+$0xFFFFF960];
	v20 =	vmax.f32 v20, v19  }
0x5e2: {  	v19 =	vld [tilespmem:s3+$0xFFFFF910];
	v20 =	vmax.f32 v20, v63  }
0x5e3: {  	v63 =	vld [tilespmem:s3+$0xFFFFF920];
	v20 =	vmax.f32 v20, v5  }
0x5e4: {  	p0 =	sne.s32 s6, $0x1E7;
	v5 =	vld [tilespmem:s3+$0xFFFFF810];
	v0 =	vmax.f32 v20, v0  }
.Ltmp7:
0x5e5: {  	v20 =	vld [tilespmem:s3+$0xFFFFF850];
	v0 =	vmax.f32 v0, v3;
	(pc) =	sbr.rel @p0 .LBB2_11-.Ltmp7, $4  }
0x5e6: {  	v3 =	vld [tilespmem:s3+$0xFFFFF820];
	v0 =	vmax.f32 v0, v1  }
0x5e7: {  	v1 =	vld [tilespmem:s3+$0xFFFFF860];
	v0 =	vmax.f32 v0, v10  }
0x5e8: {  	v10 =	vld [tilespmem:s3+$0xFFFFF830];
	v0 =	vmax.f32 v0, v8  }
0x5e9: {  	s5 =	smov.u32 s6;
	s6 =	sadd.s32 $0x1, s6;
	v8 =	vld [tilespmem:s3+$0xFFFFF870];
	v0 =	vmax.f32 v0, v4  }
0x5ea: {  	v4 =	vld [tilespmem:s3+$0xFFFFF930]  }
0x5eb: {  	v21 =	vld [tilespmem:s3+$0xFFFFF970]  }
0x5ec: {  	v0 =	vmax.f32 v0, v52;
	v52 =	vld [tilespmem:s3+$0xFFFFFB30]  }
0x5ed: {  	v5 =	vmax.f32 v5, v20;
	v20 =	vld [tilespmem:s3+$0xFFFFFC30]  }
0x5ee: {  	v0 =	vmax.f32 v0, v49;
	v49 =	vld [tilespmem:s3+$0xFFFFFA70]  }
0x5ef: {  	v5 =	vmax.f32 v5, v19;
	v19 =	vld [tilespmem:s3+$0xFFFFFB70]  }
0x5f0: {  	v0 =	vmax.f32 v0, v46;
	v46 =	vld [tilespmem:s3+$0xFFFFFA30]  }
0x5f1: {  	v1 =	vmax.f32 v3, v1;
	v5 =	vmax.f32 v5, v17;
	v17 =	vld [tilespmem:s3+$0x170]  }
0x5f2: {  	v1 =	vmax.f32 v1, v63;
	v63 =	vld [tilespmem:s3+$0xFFFFFE70]  }
0x5f3: {  	v5 =	vmax.f32 v5, v15;
	v15 =	vld [tilespmem:s3+$0x30];
	v3 =	vmax.f32 v10, v8  }
0x5f4: {  	v0 =	vmax.f32 v0, v44;
	v44 =	vld [tilespmem:$0x1FD30];
	v3 =	vmax.f32 v3, v4  }
0x5f5: {  	v1 =	vmax.f32 v1, v18;
	v18 =	vld [tilespmem:s3+$0x230];
	v3 =	vmax.f32 v3, v21  }
0x5f6: {  	v1 =	vmax.f32 v1, v16;
	v21 =	vld [tilespmem:s3+$0xFFFFFC70];
	v3 =	vmax.f32 v3, v46  }
0x5f7: {  	v1 =	vmax.f32 v1, v14;
	v46 =	vld [tilespmem:s3+$0xFFFFFD30];
	v3 =	vmax.f32 v3, v49  }
0x5f8: {  	v5 =	vmax.f32 v5, v13;
	v1 =	vmax.f32 v1, v7;
	v49 =	vld [tilespmem:s3+$0xFFFFFD70];
	v3 =	vmax.f32 v3, v52  }
0x5f9: {  	v5 =	vmax.f32 v5, v6;
	v1 =	vmax.f32 v1, v2;
	v2 =	vmax.f32 v3, v19;
	v3 =	vld [tilespmem:s3+$0xFFFFFE30]  }
0x5fa: {  	v16 =	vld [tilespmem:s3+$0x130];
	v5 =	vmax.f32 v5, v11;
	v1 =	vmax.f32 v1, v9;
	v2 =	vmax.f32 v2, v20  }
0x5fb: {  	v52 =	vmax.f32 v5, v12;
	v12 =	vld [tilespmem:s3+$0xFFFFFF30];
	v1 =	vmax.f32 v1, v62;
	v2 =	vmax.f32 v2, v21  }
0x5fc: {  	v14 =	vld [tilespmem:s3+$0xFFFFFF70];
	v1 =	vmax.f32 v1, v60;
	v2 =	vmax.f32 v2, v46  }
0x5fd: {  	v4 =	vmax.f32 v52, v61;
	v19 =	vld [tilespmem:s3+$0x270];
	v1 =	vmax.f32 v1, v58;
	v2 =	vmax.f32 v2, v49  }
0x5fe: {  	v4 =	vmax.f32 v4, v59;
	v1 =	vmax.f32 v1, v56;
	v2 =	vmax.f32 v2, v3;
	v3 =	vld [tilespmem:s3+$0x70]  }
0x5ff: {  	v20 =	vld [tilespmem:s3+$0x370];
	v4 =	vmax.f32 v4, v57;
	v1 =	vmax.f32 v1, v54;
	v2 =	vmax.f32 v2, v63  }
0x600: {  	v21 =	vld [tilespmem:s3+$0x430];
	v4 =	vmax.f32 v4, v55;
	v1 =	vmax.f32 v1, v51;
	v2 =	vmax.f32 v2, v12  }
0x601: {  	v46 =	vld [tilespmem:$0x1FD10];
	v4 =	vmax.f32 v4, v53;
	v1 =	vmax.f32 v1, v48;
	v2 =	vmax.f32 v2, v14  }
0x602: {  	v49 =	vld [tilespmem:$0x1FD00];
	v4 =	vmax.f32 v4, v50;
	v1 =	vmax.f32 v1, v45;
	v2 =	vmax.f32 v2, v15  }
0x603: {  	v4 =	vmax.f32 v4, v47;
	v1 =	vmax.f32 v1, v42;
	v2 =	vmax.f32 v2, v3;
	v3 =	vld [tilespmem:s3+$0x330]  }
0x604: {  	v47 =	vld [tilespmem:$0x1FD20];
	v4 =	vmax.f32 v4, v43;
	v1 =	vmax.f32 v1, v40;
	v2 =	vmax.f32 v2, v16  }
0x605: {  	v48 =	vld [tilespmem:$0x1FCF0];
	v4 =	vmax.f32 v4, v41;
	v1 =	vmax.f32 v1, v38;
	v2 =	vmax.f32 v2, v17  }
0x606: {  	v4 =	vmax.f32 v4, v39;
	v1 =	vmax.f32 v1, v36;
	v36 =	vld [tilespmem:s3+$0x470];
	v2 =	vmax.f32 v2, v18  }
0x607: {  	v4 =	vmax.f32 v4, v37;
	v37 =	vld [tilespmem:s3+$0x530];
	v2 =	vmax.f32 v2, v19  }
0x608: {  	v2 =	vmax.f32 v2, v3;
	v3 =	vld [tilespmem:s3+$0x570]  }
0x609: {  	v43 =	vld [tilespmem:$0x1FD60];
	v2 =	vmax.f32 v2, v20  }
0x60a: {  	v45 =	vld [tilespmem:$0x1FD40];
	v4 =	vmax.f32 v4, v35;
	v2 =	vmax.f32 v2, v21  }
0x60b: {  	v42 =	vld [tilespmem:$0x1FD70];
	v4 =	vmax.f32 v4, v33;
	v1 =	vmax.f32 v1, v34;
	v2 =	vmax.f32 v2, v36  }
0x60c: {  	v38 =	vld [tilespmem:s3+$0x630];
	v4 =	vmax.f32 v4, v31;
	v1 =	vmax.f32 v1, v32;
	v2 =	vmax.f32 v2, v37  }
0x60d: {  	v4 =	vmax.f32 v4, v29;
	v1 =	vmax.f32 v1, v30;
	v2 =	vmax.f32 v2, v3;
	v3 =	vld [tilespmem:$0x1FD50]  }
0x60e: {  	v39 =	vld [tilespmem:s3+$0x670];
	v4 =	vmax.f32 v4, v27;
	v1 =	vmax.f32 v1, v28  }
0x60f: {  	v40 =	vld [tilespmem:s3+$0x730];
	v4 =	vmax.f32 v4, v25;
	v1 =	vmax.f32 v1, v26  }
0x610: {  	v41 =	vld [tilespmem:s3+$0x770];
	v4 =	vmax.f32 v4, v23;
	v1 =	vmax.f32 v1, v24  }
0x611: {  	v4 =	vmax.f32 v4, v42;
	v1 =	vmax.f32 v1, v22  }
0x612: {  	v1 =	vmax.f32 v1, v43;
	v2 =	vmax.f32 v2, v38;
	v3 =	vmax.f32 v4, v3  }
0x613: {  	v1 =	vmax.f32 v1, v45;
	v2 =	vmax.f32 v2, v39;
	v3 =	vmax.f32 v3, v44  }
0x614: {  	v1 =	vmax.f32 v1, v47;
	v2 =	vmax.f32 v2, v40;
	v3 =	vmax.f32 v3, v46  }
0x615: {  	v1 =	vmax.f32 v1, v49;
	v2 =	vmax.f32 v2, v41;
	v3 =	vmax.f32 v3, v48  }
0x616: {  	v1 =	vmax.f32 v1, v2;
	v0 =	vmax.f32 v0, v3  }
0x617: {  	v0 =	vmax.f32 v0, v1  }
0x618: {  	(xrf0) =	vmax.scan.msk.f32 $0xffff, v0;
	_ =	sdelay $0x3  }
0x619: {  	v1 =	vmov s5;
	_ =	sdelay $0x1  }
0x61a: {  	v2, _, _ =	vpop (xrf0)  }
0x61b: {  	s0 =	sadd.s32 $0x10, s0;
	v2 =	vbroadcast v2, $0xF  }
0x61c: {  	[tilespmem:s0+$0x0] =	vst v0  }
0x61d: {  	[tilespmem:v1+s18+$0x0] =	vst.idx.msk $0x1, v2  }
0x61e: {  	_ =	swait.ge [sflag:s19], $0x280  }
0x61f: {  	[sflag:s19] =	ssyncset.done $0x0  }
0x620: {  	[sflag:s19] =	ssyncadd.s32 $0xFFFFFD80  }
0x621: {  	v0 =	vld [tilespmem:$0x12000]  }
0x622: {  	v1 =	vld [tilespmem:$0x12010]  }
0x623: {  	v2 =	vld [tilespmem:$0x12020]  }
0x624: {  	v3 =	vld [tilespmem:$0x12030]  }
0x625: {  	v50 =	vld [tilespmem:$0x12040]  }
0x626: {  	v51 =	vld [tilespmem:$0x12050]  }
0x627: {  	v0 =	vmax.f32 v0, v1;
	v1 =	vld [tilespmem:$0x12060]  }
0x628: {  	v0 =	vmax.f32 v0, v2;
	v2 =	vld [tilespmem:$0x12070]  }
0x629: {  	v0 =	vmax.f32 v0, v3;
	v3 =	vld [tilespmem:$0x12080]  }
0x62a: {  	v52 =	vld [tilespmem:$0x12090];
	v0 =	vmax.f32 v0, v50  }
0x62b: {  	v53 =	vld [tilespmem:$0x120A0];
	v0 =	vmax.f32 v0, v51  }
0x62c: {  	v0 =	vmax.f32 v0, v1;
	v1 =	vld [tilespmem:$0x120B0]  }
0x62d: {  	v0 =	vmax.f32 v0, v2;
	v2 =	vld [tilespmem:$0x120C0]  }
0x62e: {  	v0 =	vmax.f32 v0, v3;
	v3 =	vld [tilespmem:$0x120D0]  }
0x62f: {  	v54 =	vld [tilespmem:$0x120E0];
	v0 =	vmax.f32 v0, v52  }
0x630: {  	v55 =	vld [tilespmem:$0x120F0];
	v0 =	vmax.f32 v0, v53  }
0x631: {  	v0 =	vmax.f32 v0, v1;
	v1 =	vld [tilespmem:$0x12100]  }
0x632: {  	v0 =	vmax.f32 v0, v2;
	v2 =	vld [tilespmem:$0x12110]  }
0x633: {  	v0 =	vmax.f32 v0, v3;
	v3 =	vld [tilespmem:$0x12120]  }
0x634: {  	v56 =	vld [tilespmem:$0x12130];
	v0 =	vmax.f32 v0, v54  }
0x635: {  	v57 =	vld [tilespmem:$0x12140];
	v0 =	vmax.f32 v0, v55  }
0x636: {  	v0 =	vmax.f32 v0, v1;
	v1 =	vld [tilespmem:$0x12150]  }
0x637: {  	v0 =	vmax.f32 v0, v2;
	v2 =	vld [tilespmem:$0x12160]  }
0x638: {  	v0 =	vmax.f32 v0, v3;
	v3 =	vld [tilespmem:$0x12170]  }
0x639: {  	v58 =	vld [tilespmem:$0x12180];
	v0 =	vmax.f32 v0, v56  }
0x63a: {  	v59 =	vld [tilespmem:$0x12190];
	v0 =	vmax.f32 v0, v57  }
0x63b: {  	v0 =	vmax.f32 v0, v1;
	v1 =	vld [tilespmem:$0x121A0]  }
0x63c: {  	v0 =	vmax.f32 v0, v2;
	v2 =	vld [tilespmem:$0x121B0]  }
0x63d: {  	v0 =	vmax.f32 v0, v3;
	v3 =	vld [tilespmem:$0x121C0]  }
0x63e: {  	v60 =	vld [tilespmem:$0x121D0];
	v0 =	vmax.f32 v0, v58  }
0x63f: {  	v61 =	vld [tilespmem:$0x121E0];
	v0 =	vmax.f32 v0, v59  }
0x640: {  	v0 =	vmax.f32 v0, v1;
	v1 =	vld [tilespmem:$0x121F0]  }
0x641: {  	v0 =	vmax.f32 v0, v2;
	v2 =	vld [tilespmem:$0x12200]  }
0x642: {  	v0 =	vmax.f32 v0, v3;
	v3 =	vld [tilespmem:$0x12210]  }
0x643: {  	v62 =	vld [tilespmem:$0x12220];
	v0 =	vmax.f32 v0, v60  }
0x644: {  	v63 =	vld [tilespmem:$0x12230];
	v0 =	vmax.f32 v0, v61  }
0x645: {  	v0 =	vmax.f32 v0, v1  }
0x646: {  	v0 =	vmax.f32 v0, v2  }
0x647: {  	v0 =	vmax.f32 v0, v3  }
0x648: {  	v0 =	vmax.f32 v0, v62  }
0x649: {  	v0 =	vmax.f32 v0, v63  }
0x64a: {  	(xrf0) =	vmax.scan.msk.f32 $0xffff, v0;
	_ =	sdelay $0x3  }
0x64b: {  	[tilespmem:$0x14100] =	vst v0;
	v0 =	vimm.s32 $0x1E8;
	_ =	sdelay $0x1  }
0x64c: {  	v1, _, _ =	vpop (xrf0)  }
0x64d: {  	v1 =	vbroadcast v1, $0xF;
	_ =	sdelay $0x1  }
0x64e: {  	s3 =	simm.s32 $0x0;
	[tilespmem:v0+s18+$0x0] =	vst.idx.msk $0x1, v1  }
0x64f: {  	s5 =	simm.s32 $0x40;
	s0 =	simm.s32 $0x0;
	v0 =	vld [tilespmem:s3+$0x14280]  }
.LBB2_13:
0x650: {  	_ =	sdelay $0x1  }
0x651: {  	p0 =	sne.s32 s5, $0x7C0  }
.Ltmp8:
0x652: {  	_ = 	snop;
	(pc) =	sbr.rel @p0 .LBB2_13-.Ltmp8, $4  }
0x653: {  	v1 =	vshra.s32 v0, $0x1F  }
0x654: {  	v2 =	vmov v0;
	v1 =	vand.u32 $0x7FFFFFFF, v1  }
0x655: {  	s6 =	sshra.s32 s5, $0x2;
	v1 =	vxor.u32 v2, v1  }
0x656: {  	s5 =	sadd.s32 $0x40, s5;
	v0 =	vld [tilespmem:s6+$0x14280];
	[tilespmem:s3+$0x14480] =	vst v1;
	s3 =	smov.u32 s6  }
0x657: {  	_ =	sdelay $0x3  }
0x658: {  	v1 =	vshra.s32 v0, $0x1F  }
0x659: {  	v1 =	vand.u32 $0x7FFFFFFF, v1  }
0x65a: {  	v8 =	vld [tilespmem:$0x1FFE0];
	v63 =	vxor.u32 v0, v1  }
0x65b: {  	v9 =	vld [tilespmem:$0x1FFF0];
	v10 =	vimm.s32 $0x0;
	v4 =	vlaneseq.u32;
	v11 =	vimm.f32 $0.0e+00;
	[tilespmem:s3+$0x14480] =	vst v63;
	s3 =	simm.s32 $0x0  }
.LBB2_15:
0x65c: {  	s5 =	sshrl.u32 s21, s3  }
0x65d: {  	s10 =	simm.s32 $0x0;
	s5 =	sor.u32 s5, s0  }
0x65e: {  	v2 =	vld [tilespmem:s10+$0x14480];
	s6 =	sxor.u32 $0x80000000, s5  }
0x65f: {  	v0 =	vimm.s32 $0x0;
	v1 =	vmov s6;
	s6 =	simm.s32 $0x40  }
.LBB2_16:
0x660: {  	p0 =	sne.s32 s6, $0x7C0  }
.Ltmp9:
0x661: {  	_ = 	snop;
	(pc) =	sbr.rel @p0 .LBB2_16-.Ltmp9, $4  }
0x662: {  	_ = 	snop  }
0x663: {  	s10 =	sshra.s32 s6, $0x2;
	s6 =	sadd.s32 $0x40, s6;
	vm0 =	vge.s32 v2, v1  }
0x664: {  	v2 =	vld [tilespmem:s10+$0x14480];
	v3 =	vsel vm0, $0x1, v10  }
0x665: {  	v0 =	vadd.s32 v3, v0  }
0x666: {  	_ =	sdelay $0x2  }
0x667: {  	vm0 =	vge.s32 v2, v1  }
0x668: {  	v1 =	vsel vm0, $0x1, v10  }
0x669: {  	v0 =	vadd.s32 v1, v0  }
0x66a: {  	(xrf0) =	vadd.scan.msk.s32 $0xffff, v0;
	_ =	sdelay $0x5  }
0x66b: {  	v0, _, _ =	vpop (xrf0)  }
0x66c: {  	(v2sf) =	vpush v0, $0xF;
	_ =	sdelay $0xa  }
0x66d: {  	s3 =	sadd.s32 $0x1, s3  }
0x66e: {  	p1 =	sne.s32 s3, $0x20  }
.Ltmp10:
0x66f: {  	_ = 	snop;
	(pc) =	sbr.rel @p1 .LBB2_15-.Ltmp10, $4  }
0x670: {  	_ = 	snop  }
0x671: {  	s6 =	spop (v2sf)  }
0x672: {  	p0 =	sgt.s32 s6, $0x3F  }
0x673: {  	s0 =	smov.u32 @p0 s5  }
0x674: {  	p0 =	slt.s32 s0, $0x0;
	s3 =	simm.s32 $0x0  }
0x675: {  	s5 =	simm.s32 $0x14280;
	s3 =	simm.s32 @!p0 $0x7FFFFFFF  }
0x676: {  	v0 =	vld [tilespmem:s5+$0x0];
	s28 =	sxor.u32 s3, s0  }
0x677: {  	s0 =	sxor.u32 $0x80000000, s28  }
0x678: {  	v1 =	vmov s0  }
0x679: {  	s3 =	simm.s32 $0x0;
	v13 =	vbroadcast v1, $0x0  }
0x67a: {  	v1 =	vor.u32 s3, v4  }
0x67b: {  	vm1 =	vlt.u32 v1, $0x1E8;
	vm0 =	vge.f32 v0, v13  }
0x67c: {  	vm0 =	vmand vm1, vm0  }
0x67d: {  	v63 =	vsel vm0, $0x3F800000, v11  }
0x67e: {  	(xrf0) =	vmax.scan.msk.f32 $0xffff, v63;
	_ =	sdelay $0x5  }
0x67f: {  	v0, _, _ =	vpop (xrf0)  }
0x680: {  	(v2sf) =	vpush v0, $0xF;
	_ =	sdelay $0xe  }
0x681: {  	s31 =	spop (v2sf)  }
0x682: {  	p0 =	sgt.f32 s31, $0.0e+00;
	_ =	sdelay $0x1  }
0x683: {  	v0 =	vimm.s32 @p0 $0x0  }
0x684: {  	v0 =	vsel @p0 vm0, $0x1, v0  }
0x685: {  	(xrf0) =	vadd.scan.msk.s32 @p0 $0xffff, v0;
	_ =	sdelay $0x5  }
0x686: {  	s0 =	simm.s32 @p0 $0xFFFFFFFF;
	v0, _, _ =	vpop @p0 (xrf0)  }
0x687: {  	v2 =	vadd.s32 @p0 s0, v0;
	(v2sf) =	vpush @p0 v0, $0xF;
	_ =	sdelay $0x3  }
0x688: {  	[smem:$0x0] =	sst s3;
	s5 =	simm.s32 @p0 $0x14680  }
0x689: {  	[smem:$0x1] =	sst s3;
	s0 =	simm.s32 $0x10;
	[tilespmem:v2+s5+$0x0] =	vst.idx.msk @p0 vm0, v1;
	s5 =	simm.s32 $0x14290  }
.LBB2_19:
0x68a: {  	v0 =	vld [tilespmem:s5+$0x0];
	s6 =	smov.u32 s0;
	s0 =	sadd.s32 $0x10, s0  }
0x68b: {  	p1 =	sne.s32 s0, $0x200;
	_ =	sdelay $0x2  }
0x68c: {  	v1 =	vor.u32 s6, v4  }
0x68d: {  	vm1 =	vlt.u32 v1, $0x1E8;
	vm0 =	vge.f32 v0, v13  }
0x68e: {  	vm0 =	vmand vm1, vm0  }
0x68f: {  	v0 =	vsel vm0, $0x3F800000, v11  }
0x690: {  	(xrf0) =	vmax.scan.msk.f32 $0xffff, v0  }
0x691: {  	s6 =	spop @p0 (v2sf)  }
0x692: {  	s6 =	sadd.s32 @p0 s6, s3  }
0x693: {  	[smem:$0x1] =	sst @p0 s6;
	s3 =	smov.u32 @p0 s6;
	_ =	sdelay $0x2  }
0x694: {  	v0, _, _ =	vpop (xrf0)  }
0x695: {  	(v2sf) =	vpush v0, $0xF;
	_ =	sdelay $0xe  }
0x696: {  	s6 =	spop (v2sf)  }
0x697: {  	p0 =	sgt.f32 s6, $0.0e+00;
	_ =	sdelay $0x1  }
0x698: {  	v0 =	vimm.s32 @p0 $0x0;
	s6 =	sadd.s32 @p0 $0xFFFFFFFF, s3;
	s10 =	simm.s32 @p0 $0x14680  }
0x699: {  	v0 =	vsel @p0 vm0, $0x1, v0  }
0x69a: {  	(xrf0) =	vadd.scan.msk.s32 @p0 $0xffff, v0;
	_ =	sdelay $0x5  }
0x69b: {  	v0, _, _ =	vpop @p0 (xrf0)  }
0x69c: {  	v2 =	vadd.s32 @p0 s6, v0;
	(v2sf) =	vpush @p0 v0, $0xF  }
.Ltmp11:
0x69d: {  	(pc) =	sbr.rel @p1 .LBB2_19-.Ltmp11, $2  }
0x69e: {  	_ =	sdelay $0x2  }
0x69f: {  	s5 =	sadd.s32 $0x10, s5;
	[tilespmem:v2+s10+$0x0] =	vst.idx.msk @p0 vm0, v1  }
0x6a0: {  	_ =	sdelay $0x8  }
0x6a1: {  	s0 =	spop @p0 (v2sf)  }
0x6a2: {  	s0 =	sadd.s32 @p0 s0, s3  }
0x6a3: {  	s3 =	smov.u32 @p0 s0  }
0x6a4: {  	p2 =	slt.s32 s3, $0x1  }
0x6a5: {  	s5 =	simm.s32 @!p2 $0x14680  }
0x6a6: {  	v0 =	vld.msk @!p2 [tilespmem:s5+$0x0], $0xffff;
	_ =	sdelay $0x4  }
0x6a7: {  	(v2sf) =	vpush @!p2 v0, $0x0;
	_ =	sdelay $0xe  }
0x6a8: {  	p1 =	seq.s32 @!p2 s3, $0x1;
	s5 =	spop @!p2 (v2sf)  }
0x6a9: {  	p1 =	por p1, p2;
	s5 =	sshll.u32 @!p2 s5, $0xE  }
0x6aa: {  	v0 =	vimm.s32 @!p1 $0x1;
	s5 =	sadd.s32 @!p2 s4, s5  }
0x6ab: {  	s6 =	simm.s32 @!p2 $0x100;
	s5 =	sshrl.u32 @!p2 s5, $0x3  }
0x6ac: {  	s10 =	simm.s32 @!p2 $0x400;
	s11 =	simm.s32 @!p2 $0x10000;
	s5 =	sadd.s32 @!p2 s1, s5  }
0x6ad: {  	[tilespmem:s11], [sflag:$0x1] =	stream.strided.gather @!p2 [hbm4b:s5+s6], $0x1000, s10, s6, $0x38;
	[tilespmem:$0x15B00] =	vst v63  }
0x6ae: {  	s5 =	simm.s32 @!p1 $0x14680  }
0x6af: {  	v0 =	vld.idx.msk @!p1 [tilespmem:v0+s5+$0x0], $0xffff;
	_ =	sdelay $0x4  }
0x6b0: {  	(v2sf) =	vpush @!p1 v0, $0x0;
	_ =	sdelay $0xe  }
0x6b1: {  	s5 =	spop @!p1 (v2sf)  }
0x6b2: {  	s5 =	sshll.u32 @!p1 s5, $0xE  }
0x6b3: {  	s5 =	sadd.s32 @!p1 s4, s5  }
0x6b4: {  	s6 =	simm.s32 @!p1 $0x100;
	s5 =	sshrl.u32 @!p1 s5, $0x3  }
0x6b5: {  	s10 =	simm.s32 @!p1 $0x400;
	s11 =	simm.s32 @!p1 $0x11000;
	s5 =	sadd.s32 @!p1 s1, s5  }
0x6b6: {  	[tilespmem:s11], [sflag:$0x2] =	stream.strided.gather @!p1 [hbm4b:s5+s6], $0x1000, s10, s6, $0x38;
	[tilespmem:$0x15B00] =	vst v63  }
0x6b7: {  	s20 =	sadd.s32 $0x1, s3;
	p1 =	slt.u32 s3, $0x7FFFFFFF;
	s6 =	simm.s32 $0x1  }
0x6b8: {  	s26 =	sshra.s32 s20, $0x1F;
	s6 =	simm.s32 @!p1 $0x0  }
0x6b9: {  	s28 =	sand.u32 $0x1, s20;
	s6 =	sadd.s32 s6, s26  }
0x6ba: {  	p6 =	seq.s32 s28, $0x1;
	p5 =	sne.s32 s6, $0x1  }
0x6bb: {  	s31 =	sshrl.u32 s20, $0x1F;
	p1 =	por !p5, !p6  }
0x6bc: {  	s5 =	sadd.s32 s31, s20;
	s6 =	simm.s32 $0x1;
	p1 =	por !p1, !p1  }
0x6bd: {  	s5 =	sshra.s32 s5, $0x1;
	s6 =	simm.s32 @!p1 $0x0  }
0x6be: {  	s5 =	ssub.s32 s5, s6  }
0x6bf: {  	p1 =	slt.s32 s5, $0x1  }
.Ltmp12:
0x6c0: {  	_ = 	snop;
	(pc) =	sbr.rel @!p1 .LBB2_21-.Ltmp12, $2  }
0x6c1: {  	_ =	sdelay $0x2  }
0x6c2: {  	[smem:$0x1] =	sst @p0 s0;
	s0 =	simm.s32 $0x0;
	s6 =	simm.s32 $0x0  }
.LBB2_30:
0x6c3: {  	v0 =	vld [tilespmem:$0x14100];
	_ =	sdelay $0x4  }
0x6c4: {  	vm0 =	vge.f32 v0, v13  }
0x6c5: {  	v0 =	vsel vm0, $0x3F800000, v11  }
0x6c6: {  	(xrf0) =	vmax.scan.msk.f32 $0xffff, v0;
	_ =	sdelay $0x5  }
0x6c7: {  	v0, _, _ =	vpop (xrf0)  }
0x6c8: {  	(v2sf) =	vpush v0, $0xF;
	_ =	sdelay $0xe  }
0x6c9: {  	s3 =	spop (v2sf)  }
0x6ca: {  	p0 =	sgt.f32 s3, $0.0e+00  }
.Ltmp13:
0x6cb: {  	_ = 	snop;
	(pc) =	sbr.rel @!p0 .LBB2_34-.Ltmp13, $1  }
0x6cc: {  	_ =	sdelay $0x3  }
0x6cd: {  	s3 =	simm.s32 $0x12000  }
0x6ce: {  	[tilespmem:s3], [sflag:$0x3] =	stream.linear.gather [hbm4b:s9+s2], $0x280, $0x38;
	[tilespmem:$0x15B00] =	vst v63  }
0x6cf: {  	_ =	swait.ge [sflag:s24], $0x280  }
0x6d0: {  	[sflag:s24] =	ssyncset.done $0x0  }
0x6d1: {  	[sflag:s24] =	ssyncadd.s32 $0xFFFFFD80  }
0x6d2: {  	v0 =	vld [tilespmem:s3+$0x0];
	_ =	sdelay $0x4  }
0x6d3: {  	vm0 =	vge.f32 v0, v13  }
0x6d4: {  	v1 =	vsel vm0, $0x3F800000, v11  }
0x6d5: {  	(xrf0) =	vmax.scan.msk.f32 $0xffff, v1;
	_ =	sdelay $0x5  }
0x6d6: {  	v1, _, _ =	vpop (xrf0)  }
0x6d7: {  	(v2sf) =	vpush v1, $0xF;
	_ =	sdelay $0xe  }
0x6d8: {  	s31 =	spop (v2sf)  }
0x6d9: {  	p0 =	sgt.f32 s31, $0.0e+00;
	_ =	sdelay $0x1  }
0x6da: {  	vm0 =	vge.f32 @p0 v0, v13;
	v1 =	vimm.s32 @p0 $0x0  }
0x6db: {  	v1 =	vsel @p0 vm0, $0x1, v1  }
0x6dc: {  	(xrf0) =	vadd.scan.msk.s32 @p0 $0xffff, v1;
	_ =	sdelay $0x4  }
0x6dd: {  	p1 =	sgt.s32 @p0 s0, $0x7EF  }
0x6de: {  	p1 =	por p1, !p0;
	v1, _, _ =	vpop @p0 (xrf0)  }
0x6df: {  	vm0 =	vge.f32 @!p1 v0, v13;
	s3 =	sadd.s32 @!p1 $0xFFFFFFFF, s0;
	(v2sf) =	vpush @p0 v1, $0xF  }
0x6e0: {  	v1 =	vadd.s32 @!p1 s3, v1;
	_ =	sdelay $0x3  }
0x6e1: {  	v2 =	vlaneseq.u32 @!p1;
	s5 =	simm.s32 @!p1 $0x14880;
	s3 =	simm.s32 $0xF4000  }
0x6e2: {  	v2 =	vor.u32 @!p1 s3, v2;
	s3 =	simm.s32 @!p1 $0x15080;
	[tilespmem:v1+s5+$0x0] =	vst.idx.msk @!p1 vm0, v0  }
0x6e3: {  	s5 =	simm.s32 $0x12010;
	[tilespmem:v1+s3+$0x0] =	vst.idx.msk @!p1 vm0, v2  }
0x6e4: {  	v0 =	vld [tilespmem:s5+$0x0];
	_ =	sdelay $0x4  }
0x6e5: {  	vm15 =	vge.f32 v0, v13  }
0x6e6: {  	v1 =	vsel vm15, $0x3F800000, v11  }
0x6e7: {  	(xrf0) =	vmax.scan.msk.f32 $0xffff, v1;
	s10 =	spop @p0 (v2sf)  }
0x6e8: {  	s6 =	simm.s32 $0xF4020;
	s3 =	simm.s32 $0xF4010;
	s10 =	sadd.s32 @p0 s10, s0  }
.LBB2_32:
0x6e9: {  	[smem:$0x0] =	sst @p0 s10  }
0x6ea: {  	s0 =	smov.u32 @p0 s10;
	s10 =	smov.u32 s6;
	s6 =	sadd.s32 $0x10, s6  }
0x6eb: {  	p1 =	sne.s32 s6, $0xF4240;
	_ =	sdelay $0x1  }
0x6ec: {  	v1, _, _ =	vpop (xrf0)  }
0x6ed: {  	(v2sf) =	vpush v1, $0xF;
	_ =	sdelay $0xe  }
0x6ee: {  	s11 =	spop (v2sf)  }
0x6ef: {  	p0 =	sgt.f32 s11, $0.0e+00;
	_ =	sdelay $0x1  }
0x6f0: {  	vm0 =	vge.f32 @p0 v0, v13;
	v1 =	vimm.s32 @p0 $0x0;
	p2 =	sgt.s32 @p0 s0, $0x7EF  }
0x6f1: {  	v1 =	vsel @p0 vm0, $0x1, v1  }
0x6f2: {  	(xrf0) =	vadd.scan.msk.s32 @p0 $0xffff, v1;
	_ =	sdelay $0x4  }
0x6f3: {  	p2 =	por p2, !p0  }
0x6f4: {  	vm0 =	vge.f32 @!p2 v0, v13;
	s11 =	sadd.s32 @!p2 $0xFFFFFFFF, s0;
	v1 =	vlaneseq.u32 @!p2;
	v2, _, _ =	vpop @p0 (xrf0)  }
0x6f5: {  	v1 =	vor.u32 @!p2 s3, v1;
	s3 =	smov.u32 s10;
	v3 =	vadd.s32 @!p2 s11, v2;
	(v2sf) =	vpush @p0 v2, $0xF;
	_ =	sdelay $0x3  }
0x6f6: {  	s10 =	simm.s32 @!p2 $0x14880  }
0x6f7: {  	[tilespmem:v3+s10+$0x0] =	vst.idx.msk @!p2 vm0, v0;
	s10 =	simm.s32 @!p2 $0x15080  }
0x6f8: {  	s5 =	sadd.s32 $0x10, s5;
	[tilespmem:v3+s10+$0x0] =	vst.idx.msk @!p2 vm0, v1  }
0x6f9: {  	v0 =	vld [tilespmem:s5+$0x0];
	_ =	sdelay $0x4  }
.Ltmp14:
0x6fa: {  	vm0 =	vge.f32 v0, v13;
	(pc) =	sbr.rel @p1 .LBB2_32-.Ltmp14, $4  }
0x6fb: {  	v1 =	vsel vm0, $0x3F800000, v11  }
0x6fc: {  	(xrf0) =	vmax.scan.msk.f32 $0xffff, v1  }
0x6fd: {  	s10 =	spop @p0 (v2sf)  }
0x6fe: {  	s10 =	sadd.s32 @p0 s10, s0  }
0x6ff: {  	_ =	sdelay $0x2  }
0x700: {  	v1, _, _ =	vpop (xrf0)  }
0x701: {  	(v2sf) =	vpush v1, $0xF;
	_ =	sdelay $0xe  }
0x702: {  	s5 =	spop (v2sf)  }
0x703: {  	p1 =	sgt.f32 s5, $0.0e+00;
	_ =	sdelay $0x1  }
0x704: {  	vm0 =	vge.f32 @p1 v0, v13;
	v1 =	vimm.s32 @p1 $0x0  }
0x705: {  	v1 =	vsel @p1 vm0, $0x1, v1  }
0x706: {  	(xrf0) =	vadd.scan.msk.s32 @p1 $0xffff, v1;
	_ =	sdelay $0x5  }
0x707: {  	v1, _, _ =	vpop @p1 (xrf0)  }
0x708: {  	(v2sf) =	vpush @p1 v1, $0xF;
	_ =	sdelay $0x6  }
0x709: {  	s0 =	smov.u32 @p0 s10  }
0x70a: {  	p2 =	sgt.s32 @p1 s0, $0x7EF  }
0x70b: {  	p2 =	por p2, !p1  }
0x70c: {  	vm0 =	vge.f32 @!p2 v0, v13;
	s5 =	sadd.s32 @!p2 $0xFFFFFFFF, s0  }
0x70d: {  	v1 =	vadd.s32 @!p2 s5, v1;
	_ =	sdelay $0x3  }
0x70e: {  	v2 =	vlaneseq.u32 @!p2;
	s5 =	simm.s32 @!p2 $0x14880;
	s6 =	spop @p1 (v2sf)  }
0x70f: {  	[smem:$0x0] =	sst @p0 s10;
	v2 =	vor.u32 @!p2 s3, v2;
	s3 =	simm.s32 @!p2 $0x15080;
	[tilespmem:v1+s5+$0x0] =	vst.idx.msk @!p2 vm0, v0;
	s5 =	sadd.s32 @p1 s6, s0  }
0x710: {  	[tilespmem:v1+s3+$0x0] =	vst.idx.msk @!p2 vm0, v2;
	[smem:$0x0] =	sst @p1 s5;
	s0 =	smov.u32 @p1 s5  }
.LBB2_34:
0x711: {  	p0 =	slt.s32 s0, $0x800  }
0x712: {  	p1 =	slt.s32 s0, $0xFFFFFFF2;
	s0 =	simm.s32 @!p0 $0x800  }
0x713: {  	s0 =	sadd.s32 $0xF, s0  }
0x714: {  	s3 =	sand.u32 $0xF, s0  }
0x715: {  	s31 =	sshra.s32 s0, $0x1F;
	p6 =	sne.s32 s3, $0x0  }
.Ltmp15:
0x716: {  	s3 =	sshrl.u32 s31, $0x1C;
	p0 =	por !p1, !p6;
	(pc) =	sbr.rel .LBB2_35-.Ltmp15, $4  }
0x717: {  	s0 =	sadd.s32 s3, s0;
	s3 =	simm.s32 $0x1;
	p0 =	por !p0, !p0  }
0x718: {  	s0 =	sshra.s32 s0, $0x4;
	s3 =	simm.s32 @!p0 $0x0  }
0x719: {  	s0 =	ssub.s32 s0, s3  }
0x71a: {  	s3 =	simm.s32 $0x0;
	p0 =	slt.s32 s0, $0x1  }
.LBB2_29:
0x71b: {  	s6 =	sadd.s32 $0x1, s6  }
0x71c: {  	p0 =	sne.s32 s6, s5  }
.Ltmp16:
0x71d: {  	_ = 	snop;
	(pc) =	sbr.rel @!p0 .LBB2_30-.Ltmp16, $1  }
0x71e: {  	_ =	sdelay $0x3  }
.LBB2_21:
0x71f: {  	s10 =	sshll.u32 s6, $0x1  }
0x720: {  	p0 =	sge.s32 s10, s3  }
.Ltmp17:
0x721: {  	_ = 	snop;
	(pc) =	sbr.rel @p0 .LBB2_25-.Ltmp17, $1  }
0x722: {  	_ =	sdelay $0x3  }
0x723: {  	_ =	swait.ge [sflag:s17], $0x1000;
	s11 =	simm.s32 $0x0  }
0x724: {  	[sflag:s17] =	ssyncset.done $0x0;
	s12 =	sand.u32 $0x70, s11;
	s11 =	sand.u32 $0xF00, s11  }
0x725: {  	[sflag:s17] =	ssyncadd.s32 $0xFFFFF000;
	s11 =	sor.u32 s12, s11  }
0x726: {  	v0 =	vmov s10;
	v1 =	vld [tilespmem:s11+$0x10000]  }
0x727: {  	v0 =	vand.u32 $0xFFFFFFFE, v0  }
0x728: {  	v0 =	vbroadcast v0, $0x0;
	_ =	sdelay $0x2  }
0x729: {  	vm0 =	vge.f32 v1, v13  }
0x72a: {  	v2 =	vsel vm0, $0x3F800000, v11  }
0x72b: {  	(xrf0) =	vmax.scan.msk.f32 $0xffff, v2  }
0x72c: {  	v0 =	vld.idx.msk [tilespmem:v0+s22+$0x0], $0xffff;
	_ =	sdelay $0x4  }
0x72d: {  	(v2sf) =	vpush v0, $0x0;
	v0, _, _ =	vpop (xrf0)  }
0x72e: {  	(v2sf) =	vpush v0, $0xF;
	_ =	sdelay $0xd  }
0x72f: {  	s20 =	spop (v2sf)  }
0x730: {  	s26 =	spop (v2sf)  }
0x731: {  	p0 =	sgt.f32 s26, $0.0e+00;
	_ =	sdelay $0x1  }
0x732: {  	vm0 =	vge.f32 @p0 v1, v13;
	v0 =	vimm.s32 @p0 $0x0  }
0x733: {  	v0 =	vsel @p0 vm0, $0x1, v0  }
0x734: {  	(xrf0) =	vadd.scan.msk.s32 @p0 $0xffff, v0;
	_ =	sdelay $0x4  }
0x735: {  	p1 =	sgt.s32 @p0 s0, $0x7EF  }
0x736: {  	p1 =	por p1, !p0;
	v0, _, _ =	vpop @p0 (xrf0)  }
0x737: {  	vm0 =	vge.f32 @!p1 v1, v13;
	s12 =	sadd.s32 @!p1 $0xFFFFFFFF, s0;
	(v2sf) =	vpush @p0 v0, $0xF  }
0x738: {  	v0 =	vadd.s32 @!p1 s12, v0;
	_ =	sdelay $0x2  }
0x739: {  	s11 =	sshll.u32 s20, $0xB;
	s20 =	simm.s32 $0x20  }
0x73a: {  	s13 =	sadd.s32 $0x0, s11;
	s26 =	simm.s32 @!p1 $0x14880;
	v2 =	vlaneseq.u32 @!p1;
	s12 =	simm.s32 $0x10  }
0x73b: {  	s31 =	sand.u32 $0xF00, s20;
	v2 =	vor.u32 @!p1 s13, v2;
	s28 =	sand.u32 $0x70, s12;
	[tilespmem:v0+s26+$0x0] =	vst.idx.msk @!p1 vm0, v1;
	s26 =	simm.s32 @!p1 $0x15080  }
0x73c: {  	s13 =	sor.u32 s28, s31;
	[tilespmem:v0+s26+$0x0] =	vst.idx.msk @!p1 vm0, v2  }
0x73d: {  	v0 =	vld [tilespmem:s13+$0x10000];
	_ =	sdelay $0x4  }
0x73e: {  	vm15 =	vge.f32 v0, v13  }
0x73f: {  	v1 =	vsel vm15, $0x3F800000, v11  }
0x740: {  	(xrf0) =	vmax.scan.msk.f32 $0xffff, v1;
	s13 =	spop @p0 (v2sf)  }
0x741: {  	s26 =	simm.s32 $0x20;
	s31 =	sadd.s32 @p0 s13, s0  }
.LBB2_23:
0x742: {  	[smem:$0x0] =	sst @p0 s31  }
0x743: {  	s0 =	smov.u32 @p0 s31;
	s13 =	smov.u32 s26;
	s26 =	sadd.s32 $0x10, s26  }
0x744: {  	p1 =	sne.s32 s26, $0x800;
	_ =	sdelay $0x1  }
0x745: {  	v1, _, _ =	vpop (xrf0)  }
0x746: {  	(v2sf) =	vpush v1, $0xF;
	_ =	sdelay $0xe  }
0x747: {  	s31 =	spop (v2sf)  }
0x748: {  	p0 =	sgt.f32 s31, $0.0e+00;
	_ =	sdelay $0x1  }
0x749: {  	vm0 =	vge.f32 @p0 v0, v13;
	v1 =	vimm.s32 @p0 $0x0;
	p2 =	sgt.s32 @p0 s0, $0x7EF  }
0x74a: {  	v1 =	vsel @p0 vm0, $0x1, v1;
	p2 =	por p2, !p0  }
0x74b: {  	s31 =	sadd.s32 s12, s11;
	s12 =	smov.u32 s13;
	s28 =	simm.s32 @!p2 $0x14880;
	v2 =	vlaneseq.u32 @!p2;
	(xrf0) =	vadd.scan.msk.s32 @p0 $0xffff, v1  }
0x74c: {  	v1 =	vor.u32 @!p2 s31, v2;
	_ =	sdelay $0x4  }
0x74d: {  	vm0 =	vge.f32 @!p2 v0, v13;
	s13 =	sadd.s32 @!p2 $0xFFFFFFFF, s0;
	v2, _, _ =	vpop @p0 (xrf0)  }
0x74e: {  	v3 =	vadd.s32 @!p2 s13, v2;
	(v2sf) =	vpush @p0 v2, $0xF;
	_ =	sdelay $0x3  }
0x74f: {  	s20 =	sadd.s32 $0x20, s20  }
0x750: {  	s31 =	sand.u32 $0xF00, s20;
	s13 =	sand.u32 $0x70, s12;
	[tilespmem:v3+s28+$0x0] =	vst.idx.msk @!p2 vm0, v0;
	s28 =	simm.s32 @!p2 $0x15080  }
0x751: {  	s13 =	sor.u32 s13, s31;
	[tilespmem:v3+s28+$0x0] =	vst.idx.msk @!p2 vm0, v1  }
0x752: {  	v0 =	vld [tilespmem:s13+$0x10000];
	_ =	sdelay $0x4  }
.Ltmp18:
0x753: {  	vm0 =	vge.f32 v0, v13;
	(pc) =	sbr.rel @p1 .LBB2_23-.Ltmp18, $4  }
0x754: {  	v1 =	vsel vm0, $0x3F800000, v11  }
0x755: {  	(xrf0) =	vmax.scan.msk.f32 $0xffff, v1  }
0x756: {  	s13 =	spop @p0 (v2sf)  }
0x757: {  	s31 =	sadd.s32 @p0 s13, s0  }
0x758: {  	_ =	sdelay $0x2  }
0x759: {  	v1, _, _ =	vpop (xrf0)  }
0x75a: {  	(v2sf) =	vpush v1, $0xF;
	_ =	sdelay $0xe  }
0x75b: {  	s13 =	spop (v2sf)  }
0x75c: {  	p1 =	sgt.f32 s13, $0.0e+00;
	_ =	sdelay $0x1  }
0x75d: {  	vm0 =	vge.f32 @p1 v0, v13;
	v1 =	vimm.s32 @p1 $0x0  }
0x75e: {  	v1 =	vsel @p1 vm0, $0x1, v1  }
0x75f: {  	(xrf0) =	vadd.scan.msk.s32 @p1 $0xffff, v1;
	_ =	sdelay $0x2  }
0x760: {  	s0 =	smov.u32 @p0 s31  }
0x761: {  	s13 =	sadd.s32 $0x2, s10;
	p2 =	sgt.s32 @p1 s0, $0x7EF  }
0x762: {  	p3 =	por p2, !p1;
	p2 =	sge.s32 s13, s3  }
0x763: {  	vm0 =	vge.f32 @!p3 v0, v13;
	s20 =	sadd.s32 @!p3 $0xFFFFFFFF, s0;
	v2 =	vmov @!p2 s13;
	v1, _, _ =	vpop @p1 (xrf0)  }
0x764: {  	v2 =	vand.u32 @!p2 $0xFFFFFFFE, v2;
	v3 =	vadd.s32 @!p3 s20, v1  }
0x765: {  	v2 =	vbroadcast @!p2 v2, $0x0;
	_ =	sdelay $0x2  }
0x766: {  	s11 =	sadd.s32 s12, s11;
	s12 =	simm.s32 @!p3 $0x14880;
	v4 =	vlaneseq.u32 @!p3  }
0x767: {  	[tilespmem:v3+s12+$0x0] =	vst.idx.msk @!p3 vm0, v0;
	v0 =	vor.u32 @!p3 s11, v4;
	s11 =	simm.s32 @!p3 $0x15080  }
0x768: {  	[tilespmem:v3+s11+$0x0] =	vst.idx.msk @!p3 vm0, v0;
	s11 =	simm.s32 @!p2 $0x14680  }
0x769: {  	v0 =	vld.idx.msk @!p2 [tilespmem:v2+s11+$0x0], $0xffff;
	_ =	sdelay $0x3  }
0x76a: {  	(v2sf) =	vpush @p1 v1, $0xF  }
0x76b: {  	(v2sf) =	vpush @!p2 v0, $0x0;
	_ =	sdelay $0xd  }
0x76c: {  	s11 =	spop @p1 (v2sf)  }
0x76d: {  	s12 =	spop @!p2 (v2sf)  }
0x76e: {  	[smem:$0x0] =	sst @p0 s31;
	s12 =	sshll.u32 @!p2 s12, $0xE  }
0x76f: {  	s13 =	simm.s32 @!p2 $0x100;
	s26 =	simm.s32 @!p2 $0x10000;
	s12 =	sadd.s32 @!p2 s4, s12  }
0x770: {  	s20 =	simm.s32 @!p2 $0x400;
	s11 =	sadd.s32 @p1 s11, s0;
	s12 =	sshrl.u32 @!p2 s12, $0x3  }
0x771: {  	[smem:$0x0] =	sst @p1 s11;
	s0 =	smov.u32 @p1 s11;
	s12 =	sadd.s32 @!p2 s1, s12  }
0x772: {  	[tilespmem:s26], [sflag:$0x1] =	stream.strided.gather @!p2 [hbm4b:s12+s13], $0x1000, s20, s13, $0x38;
	[tilespmem:$0x15B00] =	vst v63  }
.LBB2_25:
0x773: {  	s11 =	sor.u32 $0x1, s10  }
0x774: {  	p0 =	sge.s32 s11, s3  }
.Ltmp19:
0x775: {  	_ = 	snop;
	(pc) =	sbr.rel @p0 .LBB2_29-.Ltmp19, $1  }
0x776: {  	_ =	sdelay $0x3  }
0x777: {  	_ =	swait.ge [sflag:s19], $0x1000;
	s12 =	simm.s32 $0x0  }
0x778: {  	[sflag:s19] =	ssyncset.done $0x0;
	s13 =	sand.u32 $0x70, s12;
	s12 =	sand.u32 $0xF00, s12  }
0x779: {  	[sflag:s19] =	ssyncadd.s32 $0xFFFFF000;
	s12 =	sor.u32 s13, s12  }
0x77a: {  	v0 =	vld [tilespmem:s12+$0x11000];
	_ =	sdelay $0x2  }
0x77b: {  	v1 =	vmov s11;
	_ =	sdelay $0x1  }
0x77c: {  	vm0 =	vge.f32 v0, v13  }
0x77d: {  	v2 =	vsel vm0, $0x3F800000, v11  }
0x77e: {  	(xrf0) =	vmax.scan.msk.f32 $0xffff, v2  }
0x77f: {  	v1 =	vld.idx.msk [tilespmem:v1+s22+$0x0], $0xffff;
	_ =	sdelay $0x4  }
0x780: {  	(v2sf) =	vpush v1, $0x0;
	v1, _, _ =	vpop (xrf0)  }
0x781: {  	(v2sf) =	vpush v1, $0xF;
	_ =	sdelay $0xd  }
0x782: {  	s26 =	spop (v2sf)  }
0x783: {  	s28 =	spop (v2sf)  }
0x784: {  	p0 =	sgt.f32 s28, $0.0e+00;
	_ =	sdelay $0x1  }
0x785: {  	vm0 =	vge.f32 @p0 v0, v13;
	v1 =	vimm.s32 @p0 $0x0  }
0x786: {  	v1 =	vsel @p0 vm0, $0x1, v1  }
0x787: {  	(xrf0) =	vadd.scan.msk.s32 @p0 $0xffff, v1;
	_ =	sdelay $0x4  }
0x788: {  	p1 =	sgt.s32 @p0 s0, $0x7EF  }
0x789: {  	p1 =	por p1, !p0;
	v1, _, _ =	vpop @p0 (xrf0)  }
0x78a: {  	vm0 =	vge.f32 @!p1 v0, v13;
	s12 =	sadd.s32 @!p1 $0xFFFFFFFF, s0;
	(v2sf) =	vpush @p0 v1, $0xF  }
0x78b: {  	v1 =	vadd.s32 @!p1 s12, v1;
	_ =	sdelay $0x2  }
0x78c: {  	s20 =	simm.s32 $0x20;
	s11 =	sshll.u32 s26, $0xB  }
0x78d: {  	s13 =	sadd.s32 $0x0, s11;
	s26 =	simm.s32 @!p1 $0x14880;
	v2 =	vlaneseq.u32 @!p1;
	s12 =	simm.s32 $0x10  }
0x78e: {  	s28 =	sand.u32 $0xF00, s20;
	v2 =	vor.u32 @!p1 s13, v2;
	s13 =	sand.u32 $0x70, s12;
	[tilespmem:v1+s26+$0x0] =	vst.idx.msk @!p1 vm0, v0;
	s26 =	simm.s32 @!p1 $0x15080  }
0x78f: {  	s13 =	sor.u32 s13, s28;
	[tilespmem:v1+s26+$0x0] =	vst.idx.msk @!p1 vm0, v2  }
0x790: {  	v0 =	vld [tilespmem:s13+$0x11000];
	_ =	sdelay $0x4  }
0x791: {  	vm15 =	vge.f32 v0, v13  }
0x792: {  	v1 =	vsel vm15, $0x3F800000, v11  }
0x793: {  	(xrf0) =	vmax.scan.msk.f32 $0xffff, v1;
	s13 =	spop @p0 (v2sf)  }
0x794: {  	s26 =	simm.s32 $0x20;
	s31 =	sadd.s32 @p0 s13, s0  }
.LBB2_27:
0x795: {  	[smem:$0x0] =	sst @p0 s31  }
0x796: {  	s0 =	smov.u32 @p0 s31;
	s13 =	smov.u32 s26;
	s26 =	sadd.s32 $0x10, s26  }
0x797: {  	p1 =	sne.s32 s26, $0x800;
	_ =	sdelay $0x1  }
0x798: {  	v1, _, _ =	vpop (xrf0)  }
0x799: {  	(v2sf) =	vpush v1, $0xF;
	_ =	sdelay $0xe  }
0x79a: {  	s28 =	spop (v2sf)  }
0x79b: {  	p0 =	sgt.f32 s28, $0.0e+00;
	_ =	sdelay $0x1  }
0x79c: {  	vm0 =	vge.f32 @p0 v0, v13;
	v1 =	vimm.s32 @p0 $0x0;
	p2 =	sgt.s32 @p0 s0, $0x7EF  }
0x79d: {  	v1 =	vsel @p0 vm0, $0x1, v1;
	p2 =	por p2, !p0  }
0x79e: {  	s28 =	sadd.s32 s12, s11;
	s12 =	smov.u32 s13;
	s31 =	simm.s32 @!p2 $0x14880;
	v2 =	vlaneseq.u32 @!p2;
	(xrf0) =	vadd.scan.msk.s32 @p0 $0xffff, v1  }
0x79f: {  	v1 =	vor.u32 @!p2 s28, v2;
	_ =	sdelay $0x4  }
0x7a0: {  	vm0 =	vge.f32 @!p2 v0, v13;
	s13 =	sadd.s32 @!p2 $0xFFFFFFFF, s0;
	v2, _, _ =	vpop @p0 (xrf0)  }
0x7a1: {  	v3 =	vadd.s32 @!p2 s13, v2;
	(v2sf) =	vpush @p0 v2, $0xF;
	_ =	sdelay $0x3  }
0x7a2: {  	s20 =	sadd.s32 $0x20, s20  }
0x7a3: {  	s28 =	sand.u32 $0xF00, s20;
	s13 =	sand.u32 $0x70, s12;
	[tilespmem:v3+s31+$0x0] =	vst.idx.msk @!p2 vm0, v0;
	s31 =	simm.s32 @!p2 $0x15080  }
0x7a4: {  	s13 =	sor.u32 s13, s28;
	[tilespmem:v3+s31+$0x0] =	vst.idx.msk @!p2 vm0, v1  }
0x7a5: {  	v0 =	vld [tilespmem:s13+$0x11000];
	_ =	sdelay $0x4  }
.Ltmp20:
0x7a6: {  	vm0 =	vge.f32 v0, v13;
	(pc) =	sbr.rel @p1 .LBB2_27-.Ltmp20, $4  }
0x7a7: {  	v1 =	vsel vm0, $0x3F800000, v11  }
0x7a8: {  	(xrf0) =	vmax.scan.msk.f32 $0xffff, v1  }
0x7a9: {  	s13 =	spop @p0 (v2sf)  }
0x7aa: {  	s31 =	sadd.s32 @p0 s13, s0  }
0x7ab: {  	_ =	sdelay $0x2  }
0x7ac: {  	v1, _, _ =	vpop (xrf0)  }
0x7ad: {  	(v2sf) =	vpush v1, $0xF;
	_ =	sdelay $0xe  }
0x7ae: {  	s13 =	spop (v2sf)  }
0x7af: {  	p1 =	sgt.f32 s13, $0.0e+00;
	_ =	sdelay $0x1  }
0x7b0: {  	vm0 =	vge.f32 @p1 v0, v13;
	v1 =	vimm.s32 @p1 $0x0  }
0x7b1: {  	v1 =	vsel @p1 vm0, $0x1, v1  }
0x7b2: {  	(xrf0) =	vadd.scan.msk.s32 @p1 $0xffff, v1;
	_ =	sdelay $0x2  }
0x7b3: {  	s0 =	smov.u32 @p0 s31  }
0x7b4: {  	p2 =	sgt.s32 @p1 s0, $0x7EF  }
0x7b5: {  	p3 =	por p2, !p1  }
0x7b6: {  	vm0 =	vge.f32 @!p3 v0, v13;
	s13 =	sadd.s32 @!p3 $0xFFFFFFFF, s0;
	v1, _, _ =	vpop @p1 (xrf0)  }
0x7b7: {  	s10 =	sadd.s32 $0x3, s10;
	v2 =	vadd.s32 @!p3 s13, v1  }
0x7b8: {  	p2 =	sge.s32 s10, s3  }
0x7b9: {  	v3 =	vmov @!p2 s10;
	_ =	sdelay $0x1  }
0x7ba: {  	s10 =	sadd.s32 s12, s11;
	s11 =	simm.s32 @!p3 $0x14880;
	v4 =	vlaneseq.u32 @!p3  }
0x7bb: {  	[tilespmem:v2+s11+$0x0] =	vst.idx.msk @!p3 vm0, v0;
	v0 =	vor.u32 @!p3 s10, v4;
	s10 =	simm.s32 @!p3 $0x15080  }
0x7bc: {  	[tilespmem:v2+s10+$0x0] =	vst.idx.msk @!p3 vm0, v0;
	s10 =	simm.s32 @!p2 $0x14680  }
0x7bd: {  	v0 =	vld.idx.msk @!p2 [tilespmem:v3+s10+$0x0], $0xffff;
	_ =	sdelay $0x3  }
0x7be: {  	(v2sf) =	vpush @p1 v1, $0xF  }
0x7bf: {  	(v2sf) =	vpush @!p2 v0, $0x0;
	_ =	sdelay $0xd  }
0x7c0: {  	s10 =	spop @p1 (v2sf)  }
0x7c1: {  	s11 =	spop @!p2 (v2sf)  }
.Ltmp21:
0x7c2: {  	[smem:$0x0] =	sst @p0 s31;
	s11 =	sshll.u32 @!p2 s11, $0xE;
	(pc) =	sbr.rel .LBB2_29-.Ltmp21, $4  }
0x7c3: {  	s12 =	simm.s32 @!p2 $0x100;
	s20 =	simm.s32 @!p2 $0x11000;
	s11 =	sadd.s32 @!p2 s4, s11  }
0x7c4: {  	s13 =	simm.s32 @!p2 $0x400;
	s10 =	sadd.s32 @p1 s10, s0;
	s11 =	sshrl.u32 @!p2 s11, $0x3  }
0x7c5: {  	[smem:$0x0] =	sst @p1 s10;
	s0 =	smov.u32 @p1 s10;
	s11 =	sadd.s32 @!p2 s1, s11  }
0x7c6: {  	[tilespmem:s20], [sflag:$0x2] =	stream.strided.gather @!p2 [hbm4b:s11+s12], $0x1000, s13, s12, $0x38;
	[tilespmem:$0x15B00] =	vst v63  }
.LBB2_42:
0x7c7: {  	vm0 =	veq.f32 v2, v0;
	vm1 =	veq.s32 v3, v1  }
0x7c8: {  	vm0 =	vmand vm0, vm1  }
0x7c9: {  	v2 =	vsel vm0, $0xFF800000, v2  }
0x7ca: {  	[tilespmem:s6+$0x0] =	vst v2  }
.LBB2_43:
0x7cb: {  	v2 =	vmov s3;
	s3 =	sadd.s32 $0x1, s3  }
0x7cc: {  	p1 =	sne.s32 s3, $0x40  }
.Ltmp22:
0x7cd: {  	_ = 	snop;
	(pc) =	sbr.rel @!p1 .LBB2_44-.Ltmp22, $3  }
0x7ce: {  	_ =	sdelay $0x1  }
0x7cf: {  	[tilespmem:v2+s23+$0x0] =	vst.idx.msk $0x1, v0  }
0x7d0: {  	[tilespmem:v2+s25+$0x0] =	vst.idx.msk $0x1, v1  }
.LBB2_35:
.Ltmp23:
0x7d1: {  	(pc) =	sbr.rel @p0 .LBB2_43-.Ltmp23, $2  }
0x7d2: {  	_ =	sdelay $0x2  }
0x7d3: {  	v1 =	vmov v9;
	v0 =	vmov v8  }
0x7d4: {  	p1 =	sne.s32 s0, $0x1  }
.Ltmp24:
0x7d5: {  	_ = 	snop;
	(pc) =	sbr.rel @!p1 .LBB2_38-.Ltmp24, $3  }
0x7d6: {  	_ =	sdelay $0x1  }
0x7d7: {  	s5 =	simm.s32 $0x14880  }
0x7d8: {  	v0 =	vimm.f32 $-Inf;
	s6 =	sadd.s32 $0xFFFFFFFF, s0;
	s10 =	simm.s32 $0x14880;
	v1 =	vld [tilespmem:s5+$0x0]  }
.LBB2_37:
0x7d9: {  	p2 =	sne.s32 s6, $0x1  }
.Ltmp25:
0x7da: {  	_ = 	snop;
	(pc) =	sbr.rel @p2 .LBB2_37-.Ltmp25, $3  }
0x7db: {  	_ =	sdelay $0x1  }
0x7dc: {  	s6 =	sadd.s32 $0xFFFFFFFF, s6;
	s10 =	sadd.s32 $0x10, s10;
	v0 =	vmax.f32 v0, v1  }
0x7dd: {  	v1 =	vld [tilespmem:s10+$0x0]  }
.LBB2_38:
0x7de: {  	_ =	sdelay $0x3  }
0x7df: {  	v0 =	vmax.f32 v0, v1  }
0x7e0: {  	(xrf0) =	vmax.scan.msk.f32 $0xffff, v0;
	_ =	sdelay $0x3  }
0x7e1: {  	v3 =	vld [tilespmem:s5+$0x0];
	s5 =	simm.s32 $0x15080  }
.Ltmp26:
0x7e2: {  	v2 =	vld [tilespmem:s5+$0x0];
	(pc) =	sbr.rel @!p1 .LBB2_40-.Ltmp26, $3  }
0x7e3: {  	v0, _, _ =	vpop (xrf0)  }
0x7e4: {  	v0 =	vbroadcast v0, $0xF;
	_ =	sdelay $0x1  }
0x7e5: {  	s6 =	sadd.s32 $0xFFFFFFFF, s0;
	s10 =	simm.s32 $0x14890;
	s11 =	simm.s32 $0x15080;
	v1 =	vimm.s32 $0x7FFFFFFF;
	vm0 =	veq.f32 v3, v0  }
.LBB2_39:
0x7e6: {  	v3 =	vld [tilespmem:s10+$0x0];
	p2 =	sne.s32 s6, $0x1;
	s6 =	sadd.s32 $0xFFFFFFFF, s6;
	v4 =	vnsel vm0, $0x7FFFFFFF, v2;
	s11 =	sadd.s32 $0x10, s11  }
.Ltmp27:
0x7e7: {  	v2 =	vld [tilespmem:s11+$0x0];
	vm0 =	vlt.s32 v1, v4;
	(pc) =	sbr.rel @p2 .LBB2_39-.Ltmp27, $2  }
0x7e8: {  	v1 =	vsel vm0, v1, v4;
	_ =	sdelay $0x2  }
0x7e9: {  	s10 =	sadd.s32 $0x10, s10;
	vm0 =	veq.f32 v3, v0  }
.LBB2_40:
0x7ea: {  	v2 =	vnsel vm0, $0x7FFFFFFF, v2  }
0x7eb: {  	vm0 =	vlt.s32 v1, v2  }
0x7ec: {  	v1 =	vsel vm0, v1, v2  }
0x7ed: {  	v1 =	vxor.u32 $0x80000000, v1  }
0x7ee: {  	(xrf0) =	vmin.scan.msk.u32 $0xffff, v1;
	_ =	sdelay $0x5  }
0x7ef: {  	v1, _, _ =	vpop (xrf0)  }
0x7f0: {  	(v2sf) =	vpush v1, $0xF;
	_ =	sdelay $0xb  }
0x7f1: {  	s6 =	simm.s32 $0x14880;
	v3 =	vld [tilespmem:s5+$0x0]  }
.Ltmp28:
0x7f2: {  	v2 =	vld [tilespmem:s6+$0x0];
	(pc) =	sbr.rel @!p1 .LBB2_42-.Ltmp28, $4  }
0x7f3: {  	_ = 	snop  }
0x7f4: {  	s10 =	spop (v2sf)  }
0x7f5: {  	s10 =	sxor.u32 $0x80000000, s10  }
0x7f6: {  	v1 =	vmov s10;
	s10 =	sadd.s32 $0xFFFFFFFF, s0  }
.LBB2_41:
0x7f7: {  	p1 =	sne.s32 s10, $0x1;
	_ =	sdelay $0x3  }
0x7f8: {  	vm0 =	veq.f32 v2, v0;
	vm1 =	veq.s32 v3, v1  }
.Ltmp29:
0x7f9: {  	vm0 =	vmand vm0, vm1;
	(pc) =	sbr.rel @p1 .LBB2_41-.Ltmp29, $4  }
0x7fa: {  	v2 =	vsel vm0, $0xFF800000, v2  }
0x7fb: {  	[tilespmem:s6+$0x0] =	vst v2;
	s6 =	sadd.s32 $0x10, s6  }
0x7fc: {  	s5 =	sadd.s32 $0x10, s5;
	v2 =	vld [tilespmem:s6+$0x0]  }
0x7fd: {  	s10 =	sadd.s32 $0xFFFFFFFF, s10;
	v3 =	vld [tilespmem:s5+$0x0]  }
.Ltmp30:
0x7fe: {  	_ = 	snop;
	(pc) =	sbr.rel .LBB2_42-.Ltmp30, $1  }
0x7ff: {  	_ =	sdelay $0x3  }
.LBB2_45:
0x800: {  	_ =	sfence.sel $0x180000  }
0x801: {  	[bflag:$0x0] =	sbarrier.arrive $0xFFFF  }
0x802: {  	_ =	strace $0x90000047  }
0x803: {  	s0 =	stileid.u32;
	[bflag:$0x2] =	sbarrier.arrive $0xFFFF  }
0x804: {  	p0 =	sne.s32 s0, $0x0;
	s0 =	rddreg [dreg:$0x5]  }
0x805: {  	s0 =	sadd.s32 @!p0 $0x100000, s0  }
0x806: {  	[sflag:s0] =	ssyncadd.tile.s32 @!p0 $0x1;
	_ =	shalt  }
.Lfunc_end2:
_tile_overlayer_lowered:
.L_overlay_start_2:
0x807: {  	(tag) =	ssettag $0x2  }
0x808: {  	s0 =	rddreg [dreg:$0x0];
	s2 =	stileid.u32  }
0x809: {  	s1 =	rddreg [dreg:$0x1];
	p0 =	sne.s32 s2, $0x0  }
0x80a: {  	s3 =	rddreg [dreg:$0x2];
	[bflag:$0x3] =	sbarrier.arrive $0xFFFF;
	s2 =	simm.s32 @!p0 $0x1C03  }
0x80b: {  	[timem:s3], [sflag:s2] =	dma.local @!p0 [hbm:s0], s1  }
0x80c: {  	s0 =	simm.s32 @!p0 $0x3  }
0x80d: {  	_ =	swait.ge @!p0 [sflag:s0], s1  }
0x80e: {  	s1 =	ssub.s32 @!p0 $0x0, s1;
	[sflag:s0] =	ssyncset.done @!p0 $0x0  }
0x80f: {  	[sflag:s0] =	ssyncadd.s32 @!p0 s1  }
0x810: {  	[bflag:$0x3] =	sbarrier.arrive $0xFFFF  }
0x811: {  	_ =	shalt  }

</sc_bundles>
